<compile_context>
chip_gen: v7x
topology: tpu7x:2x2x1
jax: 0.10.2.dev20260603
libtpu: 0.0.44.dev20260713+nightly
codegen_flags: <defaults>
</compile_context>

<pallas_src>
import functools

import jax
import jax.numpy as jnp
import numpy as np
from jax import lax
from jax.experimental import pallas as pl
from jax.experimental.pallas import tpu as pltpu
from jax.experimental.pallas import tpu_sc as plsc

N_NODES = 10000
N_EDGES = 320000
D = 128
DE = 16
DT = 2 * D

NC = 2
NS = 16
NW = NC * NS
EPT = N_EDGES // NW
K = 40
NCHUNK = EPT // K
N_PAD = 10240
RPT = N_PAD // NS

_C1 = 2.0
_C3 = 2.0 / 3.0
_C5 = 2.0 / 5.0

def _bf16_bits(v):
    b = lax.bitcast_convert_type(v, jnp.int32)
    odd = lax.bitwise_and(lax.shift_right_logical(b, 16), jnp.int32(1))
    return lax.shift_right_logical(b + jnp.int32(0x7FFF) + odd, 16)


def _pack_fs(r):
    wf = _bf16_bits(r[:, :D])
    ws = _bf16_bits(r[:, D:])
    return lax.bitwise_or(wf, lax.shift_left(ws, 16))


def _tables_body(x_ref, wa_ref, wb_ref, ti_ref, tj_ref):
    xv = x_ref[...]
    ti_ref[...] = _pack_fs(
        jnp.dot(xv, wa_ref[...], preferred_element_type=jnp.float32))
    tj_ref[...] = _pack_fs(
        jnp.dot(xv, wb_ref[...], preferred_element_type=jnp.float32))


def _edge_table_body(ea_ref, we_ref, b_ref, e_ref):
    e_ref[...] = _pack_fs(
        jnp.dot(ea_ref[...], we_ref[...], preferred_element_type=jnp.float32)
        + b_ref[...])


def _final_body(p_ref, x_ref, o_ref):
    o_ref[...] = p_ref[0, :N_NODES] + p_ref[1, :N_NODES] + x_ref[...]


@functools.cache
def _make_sc_edges():
    mesh = plsc.VectorSubcoreMesh(
        core_axis_name="c", subcore_axis_name="s", num_cores=NC, num_subcores=NS
    )
    return pl.kernel(
        _sc_edges_body,
        out_type=jax.ShapeDtypeStruct((NC, N_PAD, D), jnp.float32),
        mesh=mesh,
        compiler_params=pltpu.CompilerParams(needs_layout_passes=False),
        scratch_types=[
            pltpu.VMEM((2, K), jnp.int32),
            pltpu.VMEM((2, K), jnp.int32),
            pltpu.VMEM((K, D), jnp.int32),
            pltpu.VMEM((K, D), jnp.int32),
            pltpu.VMEM((K, D), jnp.int32),
            pltpu.VMEM((K, D), jnp.int32),
            pltpu.VMEM((K, D), jnp.int32),
            pltpu.VMEM((K, D), jnp.int32),
            pltpu.VMEM((K, D), jnp.float32),
            pltpu.VMEM((K, D), jnp.float32),
            pltpu.VMEM((2, K), jnp.int32),
            pltpu.VMEM_SHARED((N_PAD, D), jnp.float32),
            pltpu.SemaphoreType.DMA,
            pltpu.SemaphoreType.DMA,
            pltpu.SemaphoreType.DMA,
            pltpu.SemaphoreType.DMA,
            pltpu.SemaphoreType.DMA,
            pltpu.SemaphoreType.DMA,
        ],
    )


def _unpack(word):
    lo = plsc.bitcast(lax.shift_left(word, 16), jnp.float32)
    hi = plsc.bitcast(word, jnp.float32)
    return lo, hi


def _sigmoid(v):
    return 1.0 / (1.0 + jnp.exp(-v))


def _softplus(v):
    w = jnp.exp(-jnp.abs(v))
    u = w / (w + 2.0)
    p = _C3 * (u * u) + _C1
    return jnp.maximum(v, 0.0) + p * u


def _sc_edges_body(ti_hbm, tj_hbm, e_hbm, dst_hbm, src_hbm, out_hbm,
                   idxd, idxs, gi_a, gj_a, ev_a, gi_b, gj_b, ev_b,
                   msg_a, msg_b, idxsc, acc,
                   sg_a, sg_b, si_a, si_b, ss_a, ss_b):
    c_ax = lax.axis_index("c")
    s_ax = lax.axis_index("s")
    wid = c_ax * NS + s_ax
    ebase = wid * EPT
    bufs = ((gi_a, gj_a, ev_a, sg_a, si_a, msg_a, ss_a),
            (gi_b, gj_b, ev_b, sg_b, si_b, msg_b, ss_b))

    zv = jnp.zeros((16,), jnp.float32)

    def zrow(r, carry):
        for g in range(D // 16):
            msg_a[r, pl.ds(g * 16, 16)] = zv
            msg_b[r, pl.ds(g * 16, 16)] = zv
        return carry

    lax.fori_loop(0, K, zrow, 0)
    row0 = s_ax * RPT
    for i in range(RPT // K):
        pltpu.sync_copy(msg_a, acc.at[pl.ds(row0 + i * K, K)])
    plsc.subcore_barrier()

    def issue_idx(chunk, slot, sem):
        off = ebase + chunk * K
        pltpu.async_copy(dst_hbm.at[pl.ds(off, K)], idxd.at[slot], sem)
        pltpu.async_copy(src_hbm.at[pl.ds(off, K)], idxs.at[slot], sem)

    def wait_idx(slot, sem):
        pltpu.make_async_copy(
            dst_hbm.at[pl.ds(0, K)], idxd.at[slot], sem).wait()
        pltpu.make_async_copy(
            src_hbm.at[pl.ds(0, K)], idxs.at[slot], sem).wait()

    def issue_gathers(chunk, slot):
        gi, gj, ev, sg = bufs[slot][:4]
        pltpu.async_copy(ti_hbm.at[idxd.at[slot]], gi, sg)
        pltpu.async_copy(tj_hbm.at[idxs.at[slot]], gj, sg)
        pltpu.async_copy(e_hbm.at[pl.ds(ebase + chunk * K, K)], ev, sg)

    def wait_gathers(slot):
        gi, gj, ev, sg = bufs[slot][:4]
        dummy = e_hbm.at[pl.ds(0, K)]
        pltpu.make_async_copy(dummy, gi, sg).wait()
        pltpu.make_async_copy(dummy, gj, sg).wait()
        pltpu.make_async_copy(dummy, ev, sg).wait()

    def wait_scatter(slot):
        msg, ss = bufs[slot][5], bufs[slot][6]
        pltpu.make_async_copy(msg, acc.at[pl.ds(row0, K)], ss).wait()

    def compute(slot):
        gi, gj, ev = bufs[slot][:3]
        msg = bufs[slot][5]

        def edge(e2, carry):
            for u in range(2):
                e = 2 * e2 + u
                for p in range(D // 16):
                    sl = pl.ds(16 * p, 16)
                    vs = (plsc.bitcast(gi[e, sl], jnp.bfloat16)
                          + plsc.bitcast(gj[e, sl], jnp.bfloat16)
                          + plsc.bitcast(ev[e, sl], jnp.bfloat16))
                    f, t = _unpack(plsc.bitcast(vs, jnp.int32))
                    msg[e, sl] = _sigmoid(f) * _softplus(t)
            return carry

        lax.fori_loop(0, K // 2, edge, 0)

    pltpu.sync_copy(dst_hbm.at[pl.ds(ebase, K)], idxd.at[0])
    pltpu.sync_copy(src_hbm.at[pl.ds(ebase, K)], idxs.at[0])
    issue_gathers(0, 0)
    issue_idx(1, 1, si_b)
    for slot in (0, 1):
        for off in (0, 16, K - 16):
            idxsc[slot, pl.ds(off, 16)] = idxd[0, pl.ds(off, 16)]
    pltpu.async_copy(msg_a, acc.at[idxsc.at[0]], ss_a, add=True)
    pltpu.async_copy(msg_b, acc.at[idxsc.at[1]], ss_b, add=True)

    def step(c, slot):
        nxt = 1 - slot
        si_nxt = bufs[nxt][4]
        si_cur = bufs[slot][4]
        msg, ss = bufs[slot][5], bufs[slot][6]
        wait_gathers(slot)
        wait_idx(nxt, si_nxt)
        cn1 = jnp.minimum(c + 1, NCHUNK - 1)
        issue_gathers(cn1, nxt)
        wait_scatter(slot)
        for off in (0, 16, K - 16):
            idxsc[slot, pl.ds(off, 16)] = idxd[slot, pl.ds(off, 16)]
        compute(slot)
        pltpu.async_copy(msg, acc.at[idxsc.at[slot]], ss, add=True)
        cn2 = jnp.minimum(c + 2, NCHUNK - 1)
        issue_idx(cn2, slot, si_cur)

    def pair(i, carry):
        step(2 * i, 0)
        step(2 * i + 1, 1)
        return carry

    lax.fori_loop(0, NCHUNK // 2, pair, 0)

    wait_gathers(0)
    wait_idx(1, si_b)
    wait_scatter(0)
    wait_scatter(1)
    plsc.subcore_barrier()
    pltpu.sync_copy(acc.at[pl.ds(row0, RPT)],
                    out_hbm.at[c_ax, pl.ds(row0, RPT)])


def kernel(x, edge_index, edge_attr, batch, distance, W_f, b_f, W_s, b_s):
    del batch, distance
    wa = jnp.concatenate([W_f[:D], W_s[:D]], axis=1)
    wb = jnp.concatenate([W_f[D:2 * D], W_s[D:2 * D]], axis=1)
    we = jnp.concatenate([W_f[2 * D:], W_s[2 * D:]], axis=1)
    bias = jnp.concatenate([b_f, b_s]).reshape(1, DT)

    ti, tj = pl.pallas_call(
        _tables_body,
        out_shape=[
            jax.ShapeDtypeStruct((N_NODES, D), jnp.int32),
            jax.ShapeDtypeStruct((N_NODES, D), jnp.int32),
        ],
    )(x, wa, wb)

    BE = 8000
    e_tab = pl.pallas_call(
        _edge_table_body,
        grid=(N_EDGES // BE,),
        in_specs=[
            pl.BlockSpec((BE, DE), lambda i: (i, 0)),
            pl.BlockSpec((DE, DT), lambda i: (0, 0)),
            pl.BlockSpec((1, DT), lambda i: (0, 0)),
        ],
        out_specs=pl.BlockSpec((BE, D), lambda i: (i, 0)),
        out_shape=jax.ShapeDtypeStruct((N_EDGES, D), jnp.int32),
    )(edge_attr, we, bias)

    src = edge_index[0].astype(jnp.int32)
    dst = edge_index[1].astype(jnp.int32)

    partials = _make_sc_edges()(ti, tj, e_tab, dst, src)

    out = pl.pallas_call(
        _final_body,
        out_shape=jax.ShapeDtypeStruct((N_NODES, D), jnp.float32),
    )(partials, x)
    return out

# --- scband reference (transcript-rebuilt; emitter-appended) ---
"""Pipeline reference for scband-mplayer-81157702025573 (READ-ONLY COPY).

The authoritative reference and input builder live on the scoring server;
editing this copy changes nothing except your own understanding.
"""

import jax, jax.numpy as jnp
import numpy as np

N_NODES = 10000
N_EDGES = 320000
D_FEAT = 128
D_EDGE = 16
Z_DIM = 2 * D_FEAT + D_EDGE  # 272


def setup_inputs(seed: int = 0) -> dict:
    key = jax.random.key(seed)
    k_x, k_ei, k_ea, k_d, k_wf, k_bf, k_ws, k_bs = jax.random.split(key, 8)
    x = jax.random.normal(k_x, (N_NODES, D_FEAT), dtype=jnp.float32)
    edge_index = jax.random.randint(k_ei, (2, N_EDGES), 0, N_NODES, dtype=jnp.int64)
    edge_attr = jax.random.normal(k_ea, (N_EDGES, D_EDGE), dtype=jnp.float32)
    batch = jnp.zeros((N_NODES,), dtype=jnp.int64)
    distance = jax.random.uniform(k_d, (N_EDGES,), dtype=jnp.float32)
    scale = 1.0 / np.sqrt(Z_DIM)
    W_f = jax.random.uniform(k_wf, (Z_DIM, D_FEAT), dtype=jnp.float32, minval=-scale, maxval=scale)
    b_f = jax.random.uniform(k_bf, (D_FEAT,), dtype=jnp.float32, minval=-scale, maxval=scale)
    W_s = jax.random.uniform(k_ws, (Z_DIM, D_FEAT), dtype=jnp.float32, minval=-scale, maxval=scale)
    b_s = jax.random.uniform(k_bs, (D_FEAT,), dtype=jnp.float32, minval=-scale, maxval=scale)
    return {"x": x, "edge_index": edge_index, "edge_attr": edge_attr,
            "batch": batch, "distance": distance,
            "W_f": W_f, "b_f": b_f, "W_s": W_s, "b_s": b_s}


def reference(x, edge_index, edge_attr, batch, distance, W_f, b_f, W_s, b_s):
    # CGConv with aggr='add', flow='source_to_target', normalization=None, if_exp=False
    src = edge_index[0]  # x_j (source/neighbor)
    dst = edge_index[1]  # x_i (target, aggregation index)
    x_i = jnp.take(x, dst, axis=0)
    x_j = jnp.take(x, src, axis=0)
    z = jnp.concatenate([x_i, x_j, edge_attr], axis=-1)
    gate = jax.nn.sigmoid(z @ W_f + b_f)
    msg = gate * jax.nn.softplus(z @ W_s + b_s)
    # if_exp=False -> no distance-based exponential weighting
    out = jax.ops.segment_sum(msg, dst, num_segments=N_NODES)
    out = out + x  # residual: out += x[1]
    return out

if __name__ == "__main__":
    import jax
    _d = setup_inputs()
    print(jax.jit(kernel)(*tuple(_d.values())))

</pallas_src>

<mosaic_0001>
#map = affine_map<(d0, d1) -> (0, 0)>
#map1 = affine_map<(d0, d1) -> (0)>
#map2 = affine_map<(d0, d1) -> (0, 0, 0)>
module attributes {stable_mosaic.version = 14 : i64} {
  func.func @_sc_edges_body(%arg0: i32, %arg1: i32, %arg2: memref<10000x128xi32, #tpu.memory_space<hbm>>, %arg3: memref<10000x128xi32, #tpu.memory_space<hbm>>, %arg4: memref<320000x128xi32, #tpu.memory_space<hbm>>, %arg5: memref<320000xi32, #tpu.memory_space<hbm>>, %arg6: memref<320000xi32, #tpu.memory_space<hbm>>, %arg7: memref<2x10240x128xf32, #tpu.memory_space<hbm>>, %arg8: memref<2x40xi32, #tpu.memory_space<vmem>>, %arg9: memref<2x40xi32, #tpu.memory_space<vmem>>, %arg10: memref<40x128xi32, #tpu.memory_space<vmem>>, %arg11: memref<40x128xi32, #tpu.memory_space<vmem>>, %arg12: memref<40x128xi32, #tpu.memory_space<vmem>>, %arg13: memref<40x128xi32, #tpu.memory_space<vmem>>, %arg14: memref<40x128xi32, #tpu.memory_space<vmem>>, %arg15: memref<40x128xi32, #tpu.memory_space<vmem>>, %arg16: memref<40x128xf32, #tpu.memory_space<vmem>>, %arg17: memref<40x128xf32, #tpu.memory_space<vmem>>, %arg18: memref<2x40xi32, #tpu.memory_space<vmem>>, %arg19: memref<10240x128xf32, #tpu.memory_space<vmem_shared>>, %arg20: memref<!tpu.dma_semaphore, #tpu.memory_space<semaphore_mem>>, %arg21: memref<!tpu.dma_semaphore, #tpu.memory_space<semaphore_mem>>, %arg22: memref<!tpu.dma_semaphore, #tpu.memory_space<semaphore_mem>>, %arg23: memref<!tpu.dma_semaphore, #tpu.memory_space<semaphore_mem>>, %arg24: memref<!tpu.dma_semaphore, #tpu.memory_space<semaphore_mem>>, %arg25: memref<!tpu.dma_semaphore, #tpu.memory_space<semaphore_mem>>) attributes {dimension_semantics = [#tpu.dimension_semantics<core_parallel>, #tpu.dimension_semantics<subcore_parallel>], iteration_bounds = array<i64: 2, 16>, scalar_prefetch = 0 : i64, scratch_operands = 18 : i64, tpu.core_type = #tpu.core_type<sc_vector_subcore>, window_params = [{transform_indices = #map}, {transform_indices = #map}, {transform_indices = #map}, {transform_indices = #map1}, {transform_indices = #map1}, {transform_indices = #map2}]} {
    %mul3A = arith.constant 16 : i32
    %mul3A_0 = arith.muli %arg0, %mul3A : i32
    %add3A = arith.addi %mul3A_0, %arg1 : i32
    %mul3A_1 = arith.constant 10000 : i32
    %mul3A_2 = arith.muli %add3A, %mul3A_1 : i32
    %broadcast_in_dim3A = arith.constant 0.000000e+00 : f32
    %broadcast_in_dim3A_3 = vector.broadcast %broadcast_in_dim3A : f32 to vector<16xf32>
    %scan3A = arith.constant 0 : i32
    %scan3A_4 = arith.constant 0 : i32
    %scan3A_5 = arith.constant 40 : i32
    %scan3A_6 = arith.addi %scan3A_4, %scan3A_5 : i32
    %scan3A_7 = arith.constant 1 : i32
    scf.for %scan3A_197 = %scan3A_4 to %scan3A_6 step %scan3A_7  : i32 {
      %swap3A_198 = arith.index_cast %scan3A_197 : i32 to index
      %swap3A_199 = arith.constant 0 : index
      %swap3A_200 = tpu.vector_load %arg16[%swap3A_198, %swap3A_199] {strides = array<i32>} : memref<40x128xf32, #tpu.memory_space<vmem>>, vector<16xf32>,
      tpu.vector_store %arg16[%swap3A_198, %swap3A_199], %broadcast_in_dim3A_3 {strides = array<i32>} : memref<40x128xf32, #tpu.memory_space<vmem>>, vector<16xf32>,
      %swap3A_201 = arith.index_cast %scan3A_197 : i32 to index
      %swap3A_202 = arith.constant 0 : index
      %swap3A_203 = tpu.vector_load %arg17[%swap3A_201, %swap3A_202] {strides = array<i32>} : memref<40x128xf32, #tpu.memory_space<vmem>>, vector<16xf32>,
      tpu.vector_store %arg17[%swap3A_201, %swap3A_202], %broadcast_in_dim3A_3 {strides = array<i32>} : memref<40x128xf32, #tpu.memory_space<vmem>>, vector<16xf32>,
      %swap3A_204 = arith.index_cast %scan3A_197 : i32 to index
      %swap3A_205 = arith.constant 16 : index
      %swap3A_206 = tpu.vector_load %arg16[%swap3A_204, %swap3A_205] {strides = array<i32>} : memref<40x128xf32, #tpu.memory_space<vmem>>, vector<16xf32>,
      tpu.vector_store %arg16[%swap3A_204, %swap3A_205], %broadcast_in_dim3A_3 {strides = array<i32>} : memref<40x128xf32, #tpu.memory_space<vmem>>, vector<16xf32>,
      %swap3A_207 = arith.index_cast %scan3A_197 : i32 to index
      %swap3A_208 = arith.constant 16 : index
      %swap3A_209 = tpu.vector_load %arg17[%swap3A_207, %swap3A_208] {strides = array<i32>} : memref<40x128xf32, #tpu.memory_space<vmem>>, vector<16xf32>,
      tpu.vector_store %arg17[%swap3A_207, %swap3A_208], %broadcast_in_dim3A_3 {strides = array<i32>} : memref<40x128xf32, #tpu.memory_space<vmem>>, vector<16xf32>,
      %swap3A_210 = arith.index_cast %scan3A_197 : i32 to index
      %swap3A_211 = arith.constant 32 : index
      %swap3A_212 = tpu.vector_load %arg16[%swap3A_210, %swap3A_211] {strides = array<i32>} : memref<40x128xf32, #tpu.memory_space<vmem>>, vector<16xf32>,
      tpu.vector_store %arg16[%swap3A_210, %swap3A_211], %broadcast_in_dim3A_3 {strides = array<i32>} : memref<40x128xf32, #tpu.memory_space<vmem>>, vector<16xf32>,
      %swap3A_213 = arith.index_cast %scan3A_197 : i32 to index
      %swap3A_214 = arith.constant 32 : index
      %swap3A_215 = tpu.vector_load %arg17[%swap3A_213, %swap3A_214] {strides = array<i32>} : memref<40x128xf32, #tpu.memory_space<vmem>>, vector<16xf32>,
      tpu.vector_store %arg17[%swap3A_213, %swap3A_214], %broadcast_in_dim3A_3 {strides = array<i32>} : memref<40x128xf32, #tpu.memory_space<vmem>>, vector<16xf32>,
      %swap3A_216 = arith.index_cast %scan3A_197 : i32 to index
      %swap3A_217 = arith.constant 48 : index
      %swap3A_218 = tpu.vector_load %arg16[%swap3A_216, %swap3A_217] {strides = array<i32>} : memref<40x128xf32, #tpu.memory_space<vmem>>, vector<16xf32>,
      tpu.vector_store %arg16[%swap3A_216, %swap3A_217], %broadcast_in_dim3A_3 {strides = array<i32>} : memref<40x128xf32, #tpu.memory_space<vmem>>, vector<16xf32>,
      %swap3A_219 = arith.index_cast %scan3A_197 : i32 to index
      %swap3A_220 = arith.constant 48 : index
      %swap3A_221 = tpu.vector_load %arg17[%swap3A_219, %swap3A_220] {strides = array<i32>} : memref<40x128xf32, #tpu.memory_space<vmem>>, vector<16xf32>,
      tpu.vector_store %arg17[%swap3A_219, %swap3A_220], %broadcast_in_dim3A_3 {strides = array<i32>} : memref<40x128xf32, #tpu.memory_space<vmem>>, vector<16xf32>,
      %swap3A_222 = arith.index_cast %scan3A_197 : i32 to index
      %swap3A_223 = arith.constant 64 : index
      %swap3A_224 = tpu.vector_load %arg16[%swap3A_222, %swap3A_223] {strides = array<i32>} : memref<40x128xf32, #tpu.memory_space<vmem>>, vector<16xf32>,
      tpu.vector_store %arg16[%swap3A_222, %swap3A_223], %broadcast_in_dim3A_3 {strides = array<i32>} : memref<40x128xf32, #tpu.memory_space<vmem>>, vector<16xf32>,
      %swap3A_225 = arith.index_cast %scan3A_197 : i32 to index
      %swap3A_226 = arith.constant 64 : index
      %swap3A_227 = tpu.vector_load %arg17[%swap3A_225, %swap3A_226] {strides = array<i32>} : memref<40x128xf32, #tpu.memory_space<vmem>>, vector<16xf32>,
      tpu.vector_store %arg17[%swap3A_225, %swap3A_226], %broadcast_in_dim3A_3 {strides = array<i32>} : memref<40x128xf32, #tpu.memory_space<vmem>>, vector<16xf32>,
      %swap3A_228 = arith.index_cast %scan3A_197 : i32 to index
      %swap3A_229 = arith.constant 80 : index
      %swap3A_230 = tpu.vector_load %arg16[%swap3A_228, %swap3A_229] {strides = array<i32>} : memref<40x128xf32, #tpu.memory_space<vmem>>, vector<16xf32>,
      tpu.vector_store %arg16[%swap3A_228, %swap3A_229], %broadcast_in_dim3A_3 {strides = array<i32>} : memref<40x128xf32, #tpu.memory_space<vmem>>, vector<16xf32>,
      %swap3A_231 = arith.index_cast %scan3A_197 : i32 to index
      %swap3A_232 = arith.constant 80 : index
      %swap3A_233 = tpu.vector_load %arg17[%swap3A_231, %swap3A_232] {strides = array<i32>} : memref<40x128xf32, #tpu.memory_space<vmem>>, vector<16xf32>,
      tpu.vector_store %arg17[%swap3A_231, %swap3A_232], %broadcast_in_dim3A_3 {strides = array<i32>} : memref<40x128xf32, #tpu.memory_space<vmem>>, vector<16xf32>,
      %swap3A_234 = arith.index_cast %scan3A_197 : i32 to index
      %swap3A_235 = arith.constant 96 : index
      %swap3A_236 = tpu.vector_load %arg16[%swap3A_234, %swap3A_235] {strides = array<i32>} : memref<40x128xf32, #tpu.memory_space<vmem>>, vector<16xf32>,
      tpu.vector_store %arg16[%swap3A_234, %swap3A_235], %broadcast_in_dim3A_3 {strides = array<i32>} : memref<40x128xf32, #tpu.memory_space<vmem>>, vector<16xf32>,
      %swap3A_237 = arith.index_cast %scan3A_197 : i32 to index
      %swap3A_238 = arith.constant 96 : index
      %swap3A_239 = tpu.vector_load %arg17[%swap3A_237, %swap3A_238] {strides = array<i32>} : memref<40x128xf32, #tpu.memory_space<vmem>>, vector<16xf32>,
      tpu.vector_store %arg17[%swap3A_237, %swap3A_238], %broadcast_in_dim3A_3 {strides = array<i32>} : memref<40x128xf32, #tpu.memory_space<vmem>>, vector<16xf32>,
      %swap3A_240 = arith.index_cast %scan3A_197 : i32 to index
      %swap3A_241 = arith.constant 112 : index
      %swap3A_242 = tpu.vector_load %arg16[%swap3A_240, %swap3A_241] {strides = array<i32>} : memref<40x128xf32, #tpu.memory_space<vmem>>, vector<16xf32>,
      tpu.vector_store %arg16[%swap3A_240, %swap3A_241], %broadcast_in_dim3A_3 {strides = array<i32>} : memref<40x128xf32, #tpu.memory_space<vmem>>, vector<16xf32>,
      %swap3A_243 = arith.index_cast %scan3A_197 : i32 to index
      %swap3A_244 = arith.constant 112 : index
      %swap3A_245 = tpu.vector_load %arg17[%swap3A_243, %swap3A_244] {strides = array<i32>} : memref<40x128xf32, #tpu.memory_space<vmem>>, vector<16xf32>,
      tpu.vector_store %arg17[%swap3A_243, %swap3A_244], %broadcast_in_dim3A_3 {strides = array<i32>} : memref<40x128xf32, #tpu.memory_space<vmem>>, vector<16xf32>,
    }
    %scan3A_8 = arith.constant 40 : i32
    %mul3A_9 = arith.constant 640 : i32
    %mul3A_10 = arith.muli %arg1, %mul3A_9 : i32
    %add3A_11 = arith.constant 0 : i32
    %add3A_12 = arith.addi %mul3A_10, %add3A_11 : i32
    "tpu.region"() ({
      %run_scoped3A_197 = tpu.sem_alloc : memref<!tpu.dma_semaphore, #tpu.memory_space<semaphore_mem>>
      %dma_start3A_198 = arith.constant 0 : i32
      %dma_start3A_199 = tpu.memref_slice %arg19[%add3A_12, %dma_start3A_198] : memref<10240x128xf32, #tpu.memory_space<vmem_shared>> -> memref<40x128xf32, #tpu.memory_space<vmem_shared>>
      %dma_start3A_200 = arith.constant 0 : i32
      %dma_start3A_201 = tpu.memref_slice %arg19[%add3A_12, %dma_start3A_200] : memref<10240x128xf32, #tpu.memory_space<vmem_shared>> -> memref<40x128xf32, #tpu.memory_space<vmem_shared>>
      tpu.enqueue_dma source(%arg16 : memref<40x128xf32, #tpu.memory_space<vmem>>) target(%dma_start3A_201 : memref<40x128xf32, #tpu.memory_space<vmem_shared>>) target_semaphore(%run_scoped3A_197 : memref<!tpu.dma_semaphore, #tpu.memory_space<semaphore_mem>>)
      %dma_wait3A_202 = arith.constant 0 : i32
      %dma_wait3A_203 = tpu.memref_slice %arg19[%add3A_12, %dma_wait3A_202] : memref<10240x128xf32, #tpu.memory_space<vmem_shared>> -> memref<40x128xf32, #tpu.memory_space<vmem_shared>>
      %dma_wait3A_204 = arith.constant 0 : i32
      %dma_wait3A_205 = tpu.memref_slice %arg19[%add3A_12, %dma_wait3A_204] : memref<10240x128xf32, #tpu.memory_space<vmem_shared>> -> memref<40x128xf32, #tpu.memory_space<vmem_shared>>
      tpu.wait_dma2 semaphore(%run_scoped3A_197 : memref<!tpu.dma_semaphore, #tpu.memory_space<semaphore_mem>>) src(%arg16 : memref<40x128xf32, #tpu.memory_space<vmem>>) dst(%dma_wait3A_205 : memref<40x128xf32, #tpu.memory_space<vmem_shared>>)
      tpu.yield
    }) : () -> ()
    %add3A_13 = arith.constant 40 : i32
    %add3A_14 = arith.addi %mul3A_10, %add3A_13 : i32
    "tpu.region"() ({
      %run_scoped3A_197 = tpu.sem_alloc : memref<!tpu.dma_semaphore, #tpu.memory_space<semaphore_mem>>
      %dma_start3A_198 = arith.constant 0 : i32
      %dma_start3A_199 = tpu.memref_slice %arg19[%add3A_14, %dma_start3A_198] : memref<10240x128xf32, #tpu.memory_space<vmem_shared>> -> memref<40x128xf32, #tpu.memory_space<vmem_shared>>
      %dma_start3A_200 = arith.constant 0 : i32
      %dma_start3A_201 = tpu.memref_slice %arg19[%add3A_14, %dma_start3A_200] : memref<10240x128xf32, #tpu.memory_space<vmem_shared>> -> memref<40x128xf32, #tpu.memory_space<vmem_shared>>
      tpu.enqueue_dma source(%arg16 : memref<40x128xf32, #tpu.memory_space<vmem>>) target(%dma_start3A_201 : memref<40x128xf32, #tpu.memory_space<vmem_shared>>) target_semaphore(%run_scoped3A_197 : memref<!tpu.dma_semaphore, #tpu.memory_space<semaphore_mem>>)
      %dma_wait3A_202 = arith.constant 0 : i32
      %dma_wait3A_203 = tpu.memref_slice %arg19[%add3A_14, %dma_wait3A_202] : memref<10240x128xf32, #tpu.memory_space<vmem_shared>> -> memref<40x128xf32, #tpu.memory_space<vmem_shared>>
      %dma_wait3A_204 = arith.constant 0 : i32
      %dma_wait3A_205 = tpu.memref_slice %arg19[%add3A_14, %dma_wait3A_204] : memref<10240x128xf32, #tpu.memory_space<vmem_shared>> -> memref<40x128xf32, #tpu.memory_space<vmem_shared>>
      tpu.wait_dma2 semaphore(%run_scoped3A_197 : memref<!tpu.dma_semaphore, #tpu.memory_space<semaphore_mem>>) src(%arg16 : memref<40x128xf32, #tpu.memory_space<vmem>>) dst(%dma_wait3A_205 : memref<40x128xf32, #tpu.memory_space<vmem_shared>>)
      tpu.yield
    }) : () -> ()
    %add3A_15 = arith.constant 80 : i32
    %add3A_16 = arith.addi %mul3A_10, %add3A_15 : i32
    "tpu.region"() ({
      %run_scoped3A_197 = tpu.sem_alloc : memref<!tpu.dma_semaphore, #tpu.memory_space<semaphore_mem>>
      %dma_start3A_198 = arith.constant 0 : i32
      %dma_start3A_199 = tpu.memref_slice %arg19[%add3A_16, %dma_start3A_198] : memref<10240x128xf32, #tpu.memory_space<vmem_shared>> -> memref<40x128xf32, #tpu.memory_space<vmem_shared>>
      %dma_start3A_200 = arith.constant 0 : i32
      %dma_start3A_201 = tpu.memref_slice %arg19[%add3A_16, %dma_start3A_200] : memref<10240x128xf32, #tpu.memory_space<vmem_shared>> -> memref<40x128xf32, #tpu.memory_space<vmem_shared>>
      tpu.enqueue_dma source(%arg16 : memref<40x128xf32, #tpu.memory_space<vmem>>) target(%dma_start3A_201 : memref<40x128xf32, #tpu.memory_space<vmem_shared>>) target_semaphore(%run_scoped3A_197 : memref<!tpu.dma_semaphore, #tpu.memory_space<semaphore_mem>>)
      %dma_wait3A_202 = arith.constant 0 : i32
      %dma_wait3A_203 = tpu.memref_slice %arg19[%add3A_16, %dma_wait3A_202] : memref<10240x128xf32, #tpu.memory_space<vmem_shared>> -> memref<40x128xf32, #tpu.memory_space<vmem_shared>>
      %dma_wait3A_204 = arith.constant 0 : i32
      %dma_wait3A_205 = tpu.memref_slice %arg19[%add3A_16, %dma_wait3A_204] : memref<10240x128xf32, #tpu.memory_space<vmem_shared>> -> memref<40x128xf32, #tpu.memory_space<vmem_shared>>
      tpu.wait_dma2 semaphore(%run_scoped3A_197 : memref<!tpu.dma_semaphore, #tpu.memory_space<semaphore_mem>>) src(%arg16 : memref<40x128xf32, #tpu.memory_space<vmem>>) dst(%dma_wait3A_205 : memref<40x128xf32, #tpu.memory_space<vmem_shared>>)
      tpu.yield
    }) : () -> ()
    %add3A_17 = arith.constant 120 : i32
    %add3A_18 = arith.addi %mul3A_10, %add3A_17 : i32
    "tpu.region"() ({
      %run_scoped3A_197 = tpu.sem_alloc : memref<!tpu.dma_semaphore, #tpu.memory_space<semaphore_mem>>
      %dma_start3A_198 = arith.constant 0 : i32
      %dma_start3A_199 = tpu.memref_slice %arg19[%add3A_18, %dma_start3A_198] : memref<10240x128xf32, #tpu.memory_space<vmem_shared>> -> memref<40x128xf32, #tpu.memory_space<vmem_shared>>
      %dma_start3A_200 = arith.constant 0 : i32
      %dma_start3A_201 = tpu.memref_slice %arg19[%add3A_18, %dma_start3A_200] : memref<10240x128xf32, #tpu.memory_space<vmem_shared>> -> memref<40x128xf32, #tpu.memory_space<vmem_shared>>
      tpu.enqueue_dma source(%arg16 : memref<40x128xf32, #tpu.memory_space<vmem>>) target(%dma_start3A_201 : memref<40x128xf32, #tpu.memory_space<vmem_shared>>) target_semaphore(%run_scoped3A_197 : memref<!tpu.dma_semaphore, #tpu.memory_space<semaphore_mem>>)
      %dma_wait3A_202 = arith.constant 0 : i32
      %dma_wait3A_203 = tpu.memref_slice %arg19[%add3A_18, %dma_wait3A_202] : memref<10240x128xf32, #tpu.memory_space<vmem_shared>> -> memref<40x128xf32, #tpu.memory_space<vmem_shared>>
      %dma_wait3A_204 = arith.constant 0 : i32
      %dma_wait3A_205 = tpu.memref_slice %arg19[%add3A_18, %dma_wait3A_204] : memref<10240x128xf32, #tpu.memory_space<vmem_shared>> -> memref<40x128xf32, #tpu.memory_space<vmem_shared>>
      tpu.wait_dma2 semaphore(%run_scoped3A_197 : memref<!tpu.dma_semaphore, #tpu.memory_space<semaphore_mem>>) src(%arg16 : memref<40x128xf32, #tpu.memory_space<vmem>>) dst(%dma_wait3A_205 : memref<40x128xf32, #tpu.memory_space<vmem_shared>>)
      tpu.yield
    }) : () -> ()
    %add3A_19 = arith.constant 160 : i32
    %add3A_20 = arith.addi %mul3A_10, %add3A_19 : i32
    "tpu.region"() ({
      %run_scoped3A_197 = tpu.sem_alloc : memref<!tpu.dma_semaphore, #tpu.memory_space<semaphore_mem>>
      %dma_start3A_198 = arith.constant 0 : i32
      %dma_start3A_199 = tpu.memref_slice %arg19[%add3A_20, %dma_start3A_198] : memref<10240x128xf32, #tpu.memory_space<vmem_shared>> -> memref<40x128xf32, #tpu.memory_space<vmem_shared>>
      %dma_start3A_200 = arith.constant 0 : i32
      %dma_start3A_201 = tpu.memref_slice %arg19[%add3A_20, %dma_start3A_200] : memref<10240x128xf32, #tpu.memory_space<vmem_shared>> -> memref<40x128xf32, #tpu.memory_space<vmem_shared>>
      tpu.enqueue_dma source(%arg16 : memref<40x128xf32, #tpu.memory_space<vmem>>) target(%dma_start3A_201 : memref<40x128xf32, #tpu.memory_space<vmem_shared>>) target_semaphore(%run_scoped3A_197 : memref<!tpu.dma_semaphore, #tpu.memory_space<semaphore_mem>>)
      %dma_wait3A_202 = arith.constant 0 : i32
      %dma_wait3A_203 = tpu.memref_slice %arg19[%add3A_20, %dma_wait3A_202] : memref<10240x128xf32, #tpu.memory_space<vmem_shared>> -> memref<40x128xf32, #tpu.memory_space<vmem_shared>>
      %dma_wait3A_204 = arith.constant 0 : i32
      %dma_wait3A_205 = tpu.memref_slice %arg19[%add3A_20, %dma_wait3A_204] : memref<10240x128xf32, #tpu.memory_space<vmem_shared>> -> memref<40x128xf32, #tpu.memory_space<vmem_shared>>
      tpu.wait_dma2 semaphore(%run_scoped3A_197 : memref<!tpu.dma_semaphore, #tpu.memory_space<semaphore_mem>>) src(%arg16 : memref<40x128xf32, #tpu.memory_space<vmem>>) dst(%dma_wait3A_205 : memref<40x128xf32, #tpu.memory_space<vmem_shared>>)
      tpu.yield
    }) : () -> ()
    %add3A_21 = arith.constant 200 : i32
    %add3A_22 = arith.addi %mul3A_10, %add3A_21 : i32
    "tpu.region"() ({
      %run_scoped3A_197 = tpu.sem_alloc : memref<!tpu.dma_semaphore, #tpu.memory_space<semaphore_mem>>
      %dma_start3A_198 = arith.constant 0 : i32
      %dma_start3A_199 = tpu.memref_slice %arg19[%add3A_22, %dma_start3A_198] : memref<10240x128xf32, #tpu.memory_space<vmem_shared>> -> memref<40x128xf32, #tpu.memory_space<vmem_shared>>
      %dma_start3A_200 = arith.constant 0 : i32
      %dma_start3A_201 = tpu.memref_slice %arg19[%add3A_22, %dma_start3A_200] : memref<10240x128xf32, #tpu.memory_space<vmem_shared>> -> memref<40x128xf32, #tpu.memory_space<vmem_shared>>
      tpu.enqueue_dma source(%arg16 : memref<40x128xf32, #tpu.memory_space<vmem>>) target(%dma_start3A_201 : memref<40x128xf32, #tpu.memory_space<vmem_shared>>) target_semaphore(%run_scoped3A_197 : memref<!tpu.dma_semaphore, #tpu.memory_space<semaphore_mem>>)
      %dma_wait3A_202 = arith.constant 0 : i32
      %dma_wait3A_203 = tpu.memref_slice %arg19[%add3A_22, %dma_wait3A_202] : memref<10240x128xf32, #tpu.memory_space<vmem_shared>> -> memref<40x128xf32, #tpu.memory_space<vmem_shared>>
      %dma_wait3A_204 = arith.constant 0 : i32
      %dma_wait3A_205 = tpu.memref_slice %arg19[%add3A_22, %dma_wait3A_204] : memref<10240x128xf32, #tpu.memory_space<vmem_shared>> -> memref<40x128xf32, #tpu.memory_space<vmem_shared>>
      tpu.wait_dma2 semaphore(%run_scoped3A_197 : memref<!tpu.dma_semaphore, #tpu.memory_space<semaphore_mem>>) src(%arg16 : memref<40x128xf32, #tpu.memory_space<vmem>>) dst(%dma_wait3A_205 : memref<40x128xf32, #tpu.memory_space<vmem_shared>>)
      tpu.yield
    }) : () -> ()
    %add3A_23 = arith.constant 240 : i32
    %add3A_24 = arith.addi %mul3A_10, %add3A_23 : i32
    "tpu.region"() ({
      %run_scoped3A_197 = tpu.sem_alloc : memref<!tpu.dma_semaphore, #tpu.memory_space<semaphore_mem>>
      %dma_start3A_198 = arith.constant 0 : i32
      %dma_start3A_199 = tpu.memref_slice %arg19[%add3A_24, %dma_start3A_198] : memref<10240x128xf32, #tpu.memory_space<vmem_shared>> -> memref<40x128xf32, #tpu.memory_space<vmem_shared>>
      %dma_start3A_200 = arith.constant 0 : i32
      %dma_start3A_201 = tpu.memref_slice %arg19[%add3A_24, %dma_start3A_200] : memref<10240x128xf32, #tpu.memory_space<vmem_shared>> -> memref<40x128xf32, #tpu.memory_space<vmem_shared>>
      tpu.enqueue_dma source(%arg16 : memref<40x128xf32, #tpu.memory_space<vmem>>) target(%dma_start3A_201 : memref<40x128xf32, #tpu.memory_space<vmem_shared>>) target_semaphore(%run_scoped3A_197 : memref<!tpu.dma_semaphore, #tpu.memory_space<semaphore_mem>>)
      %dma_wait3A_202 = arith.constant 0 : i32
      %dma_wait3A_203 = tpu.memref_slice %arg19[%add3A_24, %dma_wait3A_202] : memref<10240x128xf32, #tpu.memory_space<vmem_shared>> -> memref<40x128xf32, #tpu.memory_space<vmem_shared>>
      %dma_wait3A_204 = arith.constant 0 : i32
      %dma_wait3A_205 = tpu.memref_slice %arg19[%add3A_24, %dma_wait3A_204] : memref<10240x128xf32, #tpu.memory_space<vmem_shared>> -> memref<40x128xf32, #tpu.memory_space<vmem_shared>>
      tpu.wait_dma2 semaphore(%run_scoped3A_197 : memref<!tpu.dma_semaphore, #tpu.memory_space<semaphore_mem>>) src(%arg16 : memref<40x128xf32, #tpu.memory_space<vmem>>) dst(%dma_wait3A_205 : memref<40x128xf32, #tpu.memory_space<vmem_shared>>)
      tpu.yield
    }) : () -> ()
    %add3A_25 = arith.constant 280 : i32
    %add3A_26 = arith.addi %mul3A_10, %add3A_25 : i32
    "tpu.region"() ({
      %run_scoped3A_197 = tpu.sem_alloc : memref<!tpu.dma_semaphore, #tpu.memory_space<semaphore_mem>>
      %dma_start3A_198 = arith.constant 0 : i32
      %dma_start3A_199 = tpu.memref_slice %arg19[%add3A_26, %dma_start3A_198] : memref<10240x128xf32, #tpu.memory_space<vmem_shared>> -> memref<40x128xf32, #tpu.memory_space<vmem_shared>>
      %dma_start3A_200 = arith.constant 0 : i32
      %dma_start3A_201 = tpu.memref_slice %arg19[%add3A_26, %dma_start3A_200] : memref<10240x128xf32, #tpu.memory_space<vmem_shared>> -> memref<40x128xf32, #tpu.memory_space<vmem_shared>>
      tpu.enqueue_dma source(%arg16 : memref<40x128xf32, #tpu.memory_space<vmem>>) target(%dma_start3A_201 : memref<40x128xf32, #tpu.memory_space<vmem_shared>>) target_semaphore(%run_scoped3A_197 : memref<!tpu.dma_semaphore, #tpu.memory_space<semaphore_mem>>)
      %dma_wait3A_202 = arith.constant 0 : i32
      %dma_wait3A_203 = tpu.memref_slice %arg19[%add3A_26, %dma_wait3A_202] : memref<10240x128xf32, #tpu.memory_space<vmem_shared>> -> memref<40x128xf32, #tpu.memory_space<vmem_shared>>
      %dma_wait3A_204 = arith.constant 0 : i32
      %dma_wait3A_205 = tpu.memref_slice %arg19[%add3A_26, %dma_wait3A_204] : memref<10240x128xf32, #tpu.memory_space<vmem_shared>> -> memref<40x128xf32, #tpu.memory_space<vmem_shared>>
      tpu.wait_dma2 semaphore(%run_scoped3A_197 : memref<!tpu.dma_semaphore, #tpu.memory_space<semaphore_mem>>) src(%arg16 : memref<40x128xf32, #tpu.memory_space<vmem>>) dst(%dma_wait3A_205 : memref<40x128xf32, #tpu.memory_space<vmem_shared>>)
      tpu.yield
    }) : () -> ()
    %add3A_27 = arith.constant 320 : i32
    %add3A_28 = arith.addi %mul3A_10, %add3A_27 : i32
    "tpu.region"() ({
      %run_scoped3A_197 = tpu.sem_alloc : memref<!tpu.dma_semaphore, #tpu.memory_space<semaphore_mem>>
      %dma_start3A_198 = arith.constant 0 : i32
      %dma_start3A_199 = tpu.memref_slice %arg19[%add3A_28, %dma_start3A_198] : memref<10240x128xf32, #tpu.memory_space<vmem_shared>> -> memref<40x128xf32, #tpu.memory_space<vmem_shared>>
      %dma_start3A_200 = arith.constant 0 : i32
      %dma_start3A_201 = tpu.memref_slice %arg19[%add3A_28, %dma_start3A_200] : memref<10240x128xf32, #tpu.memory_space<vmem_shared>> -> memref<40x128xf32, #tpu.memory_space<vmem_shared>>
      tpu.enqueue_dma source(%arg16 : memref<40x128xf32, #tpu.memory_space<vmem>>) target(%dma_start3A_201 : memref<40x128xf32, #tpu.memory_space<vmem_shared>>) target_semaphore(%run_scoped3A_197 : memref<!tpu.dma_semaphore, #tpu.memory_space<semaphore_mem>>)
      %dma_wait3A_202 = arith.constant 0 : i32
      %dma_wait3A_203 = tpu.memref_slice %arg19[%add3A_28, %dma_wait3A_202] : memref<10240x128xf32, #tpu.memory_space<vmem_shared>> -> memref<40x128xf32, #tpu.memory_space<vmem_shared>>
      %dma_wait3A_204 = arith.constant 0 : i32
      %dma_wait3A_205 = tpu.memref_slice %arg19[%add3A_28, %dma_wait3A_204] : memref<10240x128xf32, #tpu.memory_space<vmem_shared>> -> memref<40x128xf32, #tpu.memory_space<vmem_shared>>
      tpu.wait_dma2 semaphore(%run_scoped3A_197 : memref<!tpu.dma_semaphore, #tpu.memory_space<semaphore_mem>>) src(%arg16 : memref<40x128xf32, #tpu.memory_space<vmem>>) dst(%dma_wait3A_205 : memref<40x128xf32, #tpu.memory_space<vmem_shared>>)
      tpu.yield
    }) : () -> ()
    %add3A_29 = arith.constant 360 : i32
    %add3A_30 = arith.addi %mul3A_10, %add3A_29 : i32
    "tpu.region"() ({
      %run_scoped3A_197 = tpu.sem_alloc : memref<!tpu.dma_semaphore, #tpu.memory_space<semaphore_mem>>
      %dma_start3A_198 = arith.constant 0 : i32
      %dma_start3A_199 = tpu.memref_slice %arg19[%add3A_30, %dma_start3A_198] : memref<10240x128xf32, #tpu.memory_space<vmem_shared>> -> memref<40x128xf32, #tpu.memory_space<vmem_shared>>
      %dma_start3A_200 = arith.constant 0 : i32
      %dma_start3A_201 = tpu.memref_slice %arg19[%add3A_30, %dma_start3A_200] : memref<10240x128xf32, #tpu.memory_space<vmem_shared>> -> memref<40x128xf32, #tpu.memory_space<vmem_shared>>
      tpu.enqueue_dma source(%arg16 : memref<40x128xf32, #tpu.memory_space<vmem>>) target(%dma_start3A_201 : memref<40x128xf32, #tpu.memory_space<vmem_shared>>) target_semaphore(%run_scoped3A_197 : memref<!tpu.dma_semaphore, #tpu.memory_space<semaphore_mem>>)
      %dma_wait3A_202 = arith.constant 0 : i32
      %dma_wait3A_203 = tpu.memref_slice %arg19[%add3A_30, %dma_wait3A_202] : memref<10240x128xf32, #tpu.memory_space<vmem_shared>> -> memref<40x128xf32, #tpu.memory_space<vmem_shared>>
      %dma_wait3A_204 = arith.constant 0 : i32
      %dma_wait3A_205 = tpu.memref_slice %arg19[%add3A_30, %dma_wait3A_204] : memref<10240x128xf32, #tpu.memory_space<vmem_shared>> -> memref<40x128xf32, #tpu.memory_space<vmem_shared>>
      tpu.wait_dma2 semaphore(%run_scoped3A_197 : memref<!tpu.dma_semaphore, #tpu.memory_space<semaphore_mem>>) src(%arg16 : memref<40x128xf32, #tpu.memory_space<vmem>>) dst(%dma_wait3A_205 : memref<40x128xf32, #tpu.memory_space<vmem_shared>>)
      tpu.yield
    }) : () -> ()
    %add3A_31 = arith.constant 400 : i32
    %add3A_32 = arith.addi %mul3A_10, %add3A_31 : i32
    "tpu.region"() ({
      %run_scoped3A_197 = tpu.sem_alloc : memref<!tpu.dma_semaphore, #tpu.memory_space<semaphore_mem>>
      %dma_start3A_198 = arith.constant 0 : i32
      %dma_start3A_199 = tpu.memref_slice %arg19[%add3A_32, %dma_start3A_198] : memref<10240x128xf32, #tpu.memory_space<vmem_shared>> -> memref<40x128xf32, #tpu.memory_space<vmem_shared>>
      %dma_start3A_200 = arith.constant 0 : i32
      %dma_start3A_201 = tpu.memref_slice %arg19[%add3A_32, %dma_start3A_200] : memref<10240x128xf32, #tpu.memory_space<vmem_shared>> -> memref<40x128xf32, #tpu.memory_space<vmem_shared>>
      tpu.enqueue_dma source(%arg16 : memref<40x128xf32, #tpu.memory_space<vmem>>) target(%dma_start3A_201 : memref<40x128xf32, #tpu.memory_space<vmem_shared>>) target_semaphore(%run_scoped3A_197 : memref<!tpu.dma_semaphore, #tpu.memory_space<semaphore_mem>>)
      %dma_wait3A_202 = arith.constant 0 : i32
      %dma_wait3A_203 = tpu.memref_slice %arg19[%add3A_32, %dma_wait3A_202] : memref<10240x128xf32, #tpu.memory_space<vmem_shared>> -> memref<40x128xf32, #tpu.memory_space<vmem_shared>>
      %dma_wait3A_204 = arith.constant 0 : i32
      %dma_wait3A_205 = tpu.memref_slice %arg19[%add3A_32, %dma_wait3A_204] : memref<10240x128xf32, #tpu.memory_space<vmem_shared>> -> memref<40x128xf32, #tpu.memory_space<vmem_shared>>
      tpu.wait_dma2 semaphore(%run_scoped3A_197 : memref<!tpu.dma_semaphore, #tpu.memory_space<semaphore_mem>>) src(%arg16 : memref<40x128xf32, #tpu.memory_space<vmem>>) dst(%dma_wait3A_205 : memref<40x128xf32, #tpu.memory_space<vmem_shared>>)
      tpu.yield
    }) : () -> ()
    %add3A_33 = arith.constant 440 : i32
    %add3A_34 = arith.addi %mul3A_10, %add3A_33 : i32
    "tpu.region"() ({
      %run_scoped3A_197 = tpu.sem_alloc : memref<!tpu.dma_semaphore, #tpu.memory_space<semaphore_mem>>
      %dma_start3A_198 = arith.constant 0 : i32
      %dma_start3A_199 = tpu.memref_slice %arg19[%add3A_34, %dma_start3A_198] : memref<10240x128xf32, #tpu.memory_space<vmem_shared>> -> memref<40x128xf32, #tpu.memory_space<vmem_shared>>
      %dma_start3A_200 = arith.constant 0 : i32
      %dma_start3A_201 = tpu.memref_slice %arg19[%add3A_34, %dma_start3A_200] : memref<10240x128xf32, #tpu.memory_space<vmem_shared>> -> memref<40x128xf32, #tpu.memory_space<vmem_shared>>
      tpu.enqueue_dma source(%arg16 : memref<40x128xf32, #tpu.memory_space<vmem>>) target(%dma_start3A_201 : memref<40x128xf32, #tpu.memory_space<vmem_shared>>) target_semaphore(%run_scoped3A_197 : memref<!tpu.dma_semaphore, #tpu.memory_space<semaphore_mem>>)
      %dma_wait3A_202 = arith.constant 0 : i32
      %dma_wait3A_203 = tpu.memref_slice %arg19[%add3A_34, %dma_wait3A_202] : memref<10240x128xf32, #tpu.memory_space<vmem_shared>> -> memref<40x128xf32, #tpu.memory_space<vmem_shared>>
      %dma_wait3A_204 = arith.constant 0 : i32
      %dma_wait3A_205 = tpu.memref_slice %arg19[%add3A_34, %dma_wait3A_204] : memref<10240x128xf32, #tpu.memory_space<vmem_shared>> -> memref<40x128xf32, #tpu.memory_space<vmem_shared>>
      tpu.wait_dma2 semaphore(%run_scoped3A_197 : memref<!tpu.dma_semaphore, #tpu.memory_space<semaphore_mem>>) src(%arg16 : memref<40x128xf32, #tpu.memory_space<vmem>>) dst(%dma_wait3A_205 : memref<40x128xf32, #tpu.memory_space<vmem_shared>>)
      tpu.yield
    }) : () -> ()
    %add3A_35 = arith.constant 480 : i32
    %add3A_36 = arith.addi %mul3A_10, %add3A_35 : i32
    "tpu.region"() ({
      %run_scoped3A_197 = tpu.sem_alloc : memref<!tpu.dma_semaphore, #tpu.memory_space<semaphore_mem>>
      %dma_start3A_198 = arith.constant 0 : i32
      %dma_start3A_199 = tpu.memref_slice %arg19[%add3A_36, %dma_start3A_198] : memref<10240x128xf32, #tpu.memory_space<vmem_shared>> -> memref<40x128xf32, #tpu.memory_space<vmem_shared>>
      %dma_start3A_200 = arith.constant 0 : i32
      %dma_start3A_201 = tpu.memref_slice %arg19[%add3A_36, %dma_start3A_200] : memref<10240x128xf32, #tpu.memory_space<vmem_shared>> -> memref<40x128xf32, #tpu.memory_space<vmem_shared>>
      tpu.enqueue_dma source(%arg16 : memref<40x128xf32, #tpu.memory_space<vmem>>) target(%dma_start3A_201 : memref<40x128xf32, #tpu.memory_space<vmem_shared>>) target_semaphore(%run_scoped3A_197 : memref<!tpu.dma_semaphore, #tpu.memory_space<semaphore_mem>>)
      %dma_wait3A_202 = arith.constant 0 : i32
      %dma_wait3A_203 = tpu.memref_slice %arg19[%add3A_36, %dma_wait3A_202] : memref<10240x128xf32, #tpu.memory_space<vmem_shared>> -> memref<40x128xf32, #tpu.memory_space<vmem_shared>>
      %dma_wait3A_204 = arith.constant 0 : i32
      %dma_wait3A_205 = tpu.memref_slice %arg19[%add3A_36, %dma_wait3A_204] : memref<10240x128xf32, #tpu.memory_space<vmem_shared>> -> memref<40x128xf32, #tpu.memory_space<vmem_shared>>
      tpu.wait_dma2 semaphore(%run_scoped3A_197 : memref<!tpu.dma_semaphore, #tpu.memory_space<semaphore_mem>>) src(%arg16 : memref<40x128xf32, #tpu.memory_space<vmem>>) dst(%dma_wait3A_205 : memref<40x128xf32, #tpu.memory_space<vmem_shared>>)
      tpu.yield
    }) : () -> ()
    %add3A_37 = arith.constant 520 : i32
    %add3A_38 = arith.addi %mul3A_10, %add3A_37 : i32
    "tpu.region"() ({
      %run_scoped3A_197 = tpu.sem_alloc : memref<!tpu.dma_semaphore, #tpu.memory_space<semaphore_mem>>
      %dma_start3A_198 = arith.constant 0 : i32
      %dma_start3A_199 = tpu.memref_slice %arg19[%add3A_38, %dma_start3A_198] : memref<10240x128xf32, #tpu.memory_space<vmem_shared>> -> memref<40x128xf32, #tpu.memory_space<vmem_shared>>
      %dma_start3A_200 = arith.constant 0 : i32
      %dma_start3A_201 = tpu.memref_slice %arg19[%add3A_38, %dma_start3A_200] : memref<10240x128xf32, #tpu.memory_space<vmem_shared>> -> memref<40x128xf32, #tpu.memory_space<vmem_shared>>
      tpu.enqueue_dma source(%arg16 : memref<40x128xf32, #tpu.memory_space<vmem>>) target(%dma_start3A_201 : memref<40x128xf32, #tpu.memory_space<vmem_shared>>) target_semaphore(%run_scoped3A_197 : memref<!tpu.dma_semaphore, #tpu.memory_space<semaphore_mem>>)
      %dma_wait3A_202 = arith.constant 0 : i32
      %dma_wait3A_203 = tpu.memref_slice %arg19[%add3A_38, %dma_wait3A_202] : memref<10240x128xf32, #tpu.memory_space<vmem_shared>> -> memref<40x128xf32, #tpu.memory_space<vmem_shared>>
      %dma_wait3A_204 = arith.constant 0 : i32
      %dma_wait3A_205 = tpu.memref_slice %arg19[%add3A_38, %dma_wait3A_204] : memref<10240x128xf32, #tpu.memory_space<vmem_shared>> -> memref<40x128xf32, #tpu.memory_space<vmem_shared>>
      tpu.wait_dma2 semaphore(%run_scoped3A_197 : memref<!tpu.dma_semaphore, #tpu.memory_space<semaphore_mem>>) src(%arg16 : memref<40x128xf32, #tpu.memory_space<vmem>>) dst(%dma_wait3A_205 : memref<40x128xf32, #tpu.memory_space<vmem_shared>>)
      tpu.yield
    }) : () -> ()
    %add3A_39 = arith.constant 560 : i32
    %add3A_40 = arith.addi %mul3A_10, %add3A_39 : i32
    "tpu.region"() ({
      %run_scoped3A_197 = tpu.sem_alloc : memref<!tpu.dma_semaphore, #tpu.memory_space<semaphore_mem>>
      %dma_start3A_198 = arith.constant 0 : i32
      %dma_start3A_199 = tpu.memref_slice %arg19[%add3A_40, %dma_start3A_198] : memref<10240x128xf32, #tpu.memory_space<vmem_shared>> -> memref<40x128xf32, #tpu.memory_space<vmem_shared>>
      %dma_start3A_200 = arith.constant 0 : i32
      %dma_start3A_201 = tpu.memref_slice %arg19[%add3A_40, %dma_start3A_200] : memref<10240x128xf32, #tpu.memory_space<vmem_shared>> -> memref<40x128xf32, #tpu.memory_space<vmem_shared>>
      tpu.enqueue_dma source(%arg16 : memref<40x128xf32, #tpu.memory_space<vmem>>) target(%dma_start3A_201 : memref<40x128xf32, #tpu.memory_space<vmem_shared>>) target_semaphore(%run_scoped3A_197 : memref<!tpu.dma_semaphore, #tpu.memory_space<semaphore_mem>>)
      %dma_wait3A_202 = arith.constant 0 : i32
      %dma_wait3A_203 = tpu.memref_slice %arg19[%add3A_40, %dma_wait3A_202] : memref<10240x128xf32, #tpu.memory_space<vmem_shared>> -> memref<40x128xf32, #tpu.memory_space<vmem_shared>>
      %dma_wait3A_204 = arith.constant 0 : i32
      %dma_wait3A_205 = tpu.memref_slice %arg19[%add3A_40, %dma_wait3A_204] : memref<10240x128xf32, #tpu.memory_space<vmem_shared>> -> memref<40x128xf32, #tpu.memory_space<vmem_shared>>
      tpu.wait_dma2 semaphore(%run_scoped3A_197 : memref<!tpu.dma_semaphore, #tpu.memory_space<semaphore_mem>>) src(%arg16 : memref<40x128xf32, #tpu.memory_space<vmem>>) dst(%dma_wait3A_205 : memref<40x128xf32, #tpu.memory_space<vmem_shared>>)
      tpu.yield
    }) : () -> ()
    %add3A_41 = arith.constant 600 : i32
    %add3A_42 = arith.addi %mul3A_10, %add3A_41 : i32
    "tpu.region"() ({
      %run_scoped3A_197 = tpu.sem_alloc : memref<!tpu.dma_semaphore, #tpu.memory_space<semaphore_mem>>
      %dma_start3A_198 = arith.constant 0 : i32
      %dma_start3A_199 = tpu.memref_slice %arg19[%add3A_42, %dma_start3A_198] : memref<10240x128xf32, #tpu.memory_space<vmem_shared>> -> memref<40x128xf32, #tpu.memory_space<vmem_shared>>
      %dma_start3A_200 = arith.constant 0 : i32
      %dma_start3A_201 = tpu.memref_slice %arg19[%add3A_42, %dma_start3A_200] : memref<10240x128xf32, #tpu.memory_space<vmem_shared>> -> memref<40x128xf32, #tpu.memory_space<vmem_shared>>
      tpu.enqueue_dma source(%arg16 : memref<40x128xf32, #tpu.memory_space<vmem>>) target(%dma_start3A_201 : memref<40x128xf32, #tpu.memory_space<vmem_shared>>) target_semaphore(%run_scoped3A_197 : memref<!tpu.dma_semaphore, #tpu.memory_space<semaphore_mem>>)
      %dma_wait3A_202 = arith.constant 0 : i32
      %dma_wait3A_203 = tpu.memref_slice %arg19[%add3A_42, %dma_wait3A_202] : memref<10240x128xf32, #tpu.memory_space<vmem_shared>> -> memref<40x128xf32, #tpu.memory_space<vmem_shared>>
      %dma_wait3A_204 = arith.constant 0 : i32
      %dma_wait3A_205 = tpu.memref_slice %arg19[%add3A_42, %dma_wait3A_204] : memref<10240x128xf32, #tpu.memory_space<vmem_shared>> -> memref<40x128xf32, #tpu.memory_space<vmem_shared>>
      tpu.wait_dma2 semaphore(%run_scoped3A_197 : memref<!tpu.dma_semaphore, #tpu.memory_space<semaphore_mem>>) src(%arg16 : memref<40x128xf32, #tpu.memory_space<vmem>>) dst(%dma_wait3A_205 : memref<40x128xf32, #tpu.memory_space<vmem_shared>>)
      tpu.yield
    }) : () -> ()
    %barrier3A = arith.constant 0 : index
    tpu.barrier barrier_id(%barrier3A)
    %run_scoped3A = arith.constant 0 : i32
    "tpu.region"() ({
      %run_scoped3A_197 = tpu.sem_alloc : memref<!tpu.dma_semaphore, #tpu.memory_space<semaphore_mem>>
      %dma_start3A_198 = arith.constant 0 : i32
      %dma_start3A_199 = tpu.memref_slice %arg8[%run_scoped3A, %dma_start3A_198] : memref<2x40xi32, #tpu.memory_space<vmem>> -> memref<1x40xi32, #tpu.memory_space<vmem>>
      %dma_start3A_200 = tpu.memref_squeeze %dma_start3A_199 : memref<1x40xi32, #tpu.memory_space<vmem>> -> memref<40xi32, #tpu.memory_space<vmem>>
      %dma_start3A_201 = tpu.memref_slice %arg5[%mul3A_2] : memref<320000xi32, #tpu.memory_space<hbm>> -> memref<40xi32, #tpu.memory_space<hbm>>
      %dma_start3A_202 = arith.constant 0 : i32
      %dma_start3A_203 = tpu.memref_slice %arg8[%run_scoped3A, %dma_start3A_202] : memref<2x40xi32, #tpu.memory_space<vmem>> -> memref<1x40xi32, #tpu.memory_space<vmem>>
      %dma_start3A_204 = tpu.memref_squeeze %dma_start3A_203 : memref<1x40xi32, #tpu.memory_space<vmem>> -> memref<40xi32, #tpu.memory_space<vmem>>
      %dma_start3A_205 = tpu.memref_slice %arg5[%mul3A_2] : memref<320000xi32, #tpu.memory_space<hbm>> -> memref<40xi32, #tpu.memory_space<hbm>>
      tpu.enqueue_dma source(%dma_start3A_205 : memref<40xi32, #tpu.memory_space<hbm>>) target(%dma_start3A_204 : memref<40xi32, #tpu.memory_space<vmem>>) target_semaphore(%run_scoped3A_197 : memref<!tpu.dma_semaphore, #tpu.memory_space<semaphore_mem>>)
      %dma_wait3A_206 = arith.constant 0 : i32
      %dma_wait3A_207 = tpu.memref_slice %arg8[%run_scoped3A, %dma_wait3A_206] : memref<2x40xi32, #tpu.memory_space<vmem>> -> memref<1x40xi32, #tpu.memory_space<vmem>>
      %dma_wait3A_208 = tpu.memref_squeeze %dma_wait3A_207 : memref<1x40xi32, #tpu.memory_space<vmem>> -> memref<40xi32, #tpu.memory_space<vmem>>
      %dma_wait3A_209 = tpu.memref_slice %arg5[%mul3A_2] : memref<320000xi32, #tpu.memory_space<hbm>> -> memref<40xi32, #tpu.memory_space<hbm>>
      %dma_wait3A_210 = arith.constant 0 : i32
      %dma_wait3A_211 = tpu.memref_slice %arg8[%run_scoped3A, %dma_wait3A_210] : memref<2x40xi32, #tpu.memory_space<vmem>> -> memref<1x40xi32, #tpu.memory_space<vmem>>
      %dma_wait3A_212 = tpu.memref_squeeze %dma_wait3A_211 : memref<1x40xi32, #tpu.memory_space<vmem>> -> memref<40xi32, #tpu.memory_space<vmem>>
      %dma_wait3A_213 = tpu.memref_slice %arg5[%mul3A_2] : memref<320000xi32, #tpu.memory_space<hbm>> -> memref<40xi32, #tpu.memory_space<hbm>>
      tpu.wait_dma2 semaphore(%run_scoped3A_197 : memref<!tpu.dma_semaphore, #tpu.memory_space<semaphore_mem>>) src(%dma_wait3A_213 : memref<40xi32, #tpu.memory_space<hbm>>) dst(%dma_wait3A_212 : memref<40xi32, #tpu.memory_space<vmem>>)
      tpu.yield
    }) : () -> ()
    %run_scoped3A_43 = arith.constant 0 : i32
    "tpu.region"() ({
      %run_scoped3A_197 = tpu.sem_alloc : memref<!tpu.dma_semaphore, #tpu.memory_space<semaphore_mem>>
      %dma_start3A_198 = arith.constant 0 : i32
      %dma_start3A_199 = tpu.memref_slice %arg9[%run_scoped3A_43, %dma_start3A_198] : memref<2x40xi32, #tpu.memory_space<vmem>> -> memref<1x40xi32, #tpu.memory_space<vmem>>
      %dma_start3A_200 = tpu.memref_squeeze %dma_start3A_199 : memref<1x40xi32, #tpu.memory_space<vmem>> -> memref<40xi32, #tpu.memory_space<vmem>>
      %dma_start3A_201 = tpu.memref_slice %arg6[%mul3A_2] : memref<320000xi32, #tpu.memory_space<hbm>> -> memref<40xi32, #tpu.memory_space<hbm>>
      %dma_start3A_202 = arith.constant 0 : i32
      %dma_start3A_203 = tpu.memref_slice %arg9[%run_scoped3A_43, %dma_start3A_202] : memref<2x40xi32, #tpu.memory_space<vmem>> -> memref<1x40xi32, #tpu.memory_space<vmem>>
      %dma_start3A_204 = tpu.memref_squeeze %dma_start3A_203 : memref<1x40xi32, #tpu.memory_space<vmem>> -> memref<40xi32, #tpu.memory_space<vmem>>
      %dma_start3A_205 = tpu.memref_slice %arg6[%mul3A_2] : memref<320000xi32, #tpu.memory_space<hbm>> -> memref<40xi32, #tpu.memory_space<hbm>>
      tpu.enqueue_dma source(%dma_start3A_205 : memref<40xi32, #tpu.memory_space<hbm>>) target(%dma_start3A_204 : memref<40xi32, #tpu.memory_space<vmem>>) target_semaphore(%run_scoped3A_197 : memref<!tpu.dma_semaphore, #tpu.memory_space<semaphore_mem>>)
      %dma_wait3A_206 = arith.constant 0 : i32
      %dma_wait3A_207 = tpu.memref_slice %arg9[%run_scoped3A_43, %dma_wait3A_206] : memref<2x40xi32, #tpu.memory_space<vmem>> -> memref<1x40xi32, #tpu.memory_space<vmem>>
      %dma_wait3A_208 = tpu.memref_squeeze %dma_wait3A_207 : memref<1x40xi32, #tpu.memory_space<vmem>> -> memref<40xi32, #tpu.memory_space<vmem>>
      %dma_wait3A_209 = tpu.memref_slice %arg6[%mul3A_2] : memref<320000xi32, #tpu.memory_space<hbm>> -> memref<40xi32, #tpu.memory_space<hbm>>
      %dma_wait3A_210 = arith.constant 0 : i32
      %dma_wait3A_211 = tpu.memref_slice %arg9[%run_scoped3A_43, %dma_wait3A_210] : memref<2x40xi32, #tpu.memory_space<vmem>> -> memref<1x40xi32, #tpu.memory_space<vmem>>
      %dma_wait3A_212 = tpu.memref_squeeze %dma_wait3A_211 : memref<1x40xi32, #tpu.memory_space<vmem>> -> memref<40xi32, #tpu.memory_space<vmem>>
      %dma_wait3A_213 = tpu.memref_slice %arg6[%mul3A_2] : memref<320000xi32, #tpu.memory_space<hbm>> -> memref<40xi32, #tpu.memory_space<hbm>>
      tpu.wait_dma2 semaphore(%run_scoped3A_197 : memref<!tpu.dma_semaphore, #tpu.memory_space<semaphore_mem>>) src(%dma_wait3A_213 : memref<40xi32, #tpu.memory_space<hbm>>) dst(%dma_wait3A_212 : memref<40xi32, #tpu.memory_space<vmem>>)
      tpu.yield
    }) : () -> ()
    %dma_start3A = arith.constant 0 : i32
    %dma_start3A_44 = arith.constant 0 : i32
    %dma_start3A_45 = tpu.memref_slice %arg8[%dma_start3A, %dma_start3A_44] : memref<2x40xi32, #tpu.memory_space<vmem>> -> memref<1x40xi32, #tpu.memory_space<vmem>>
    %dma_start3A_46 = tpu.memref_squeeze %dma_start3A_45 : memref<1x40xi32, #tpu.memory_space<vmem>> -> memref<40xi32, #tpu.memory_space<vmem>>
    %dma_start3A_47 = arith.constant 0 : i32
    %dma_start3A_48 = arith.constant 0 : i32
    %dma_start3A_49 = tpu.memref_slice %arg2[%dma_start3A_47, %dma_start3A_48] : memref<10000x128xi32, #tpu.memory_space<hbm>> -> memref<10000x128xi32, #tpu.memory_space<hbm>>
    tpu.enqueue_indirect_dma source(%dma_start3A_49 : memref<10000x128xi32, #tpu.memory_space<hbm>>) target(%arg10 : memref<40x128xi32, #tpu.memory_space<vmem>>) offsets(%dma_start3A_46 : memref<40xi32, #tpu.memory_space<vmem>>) semaphore(%arg20 : memref<!tpu.dma_semaphore, #tpu.memory_space<semaphore_mem>>)
    %dma_start3A_50 = arith.constant 0 : i32
    %dma_start3A_51 = arith.constant 0 : i32
    %dma_start3A_52 = tpu.memref_slice %arg9[%dma_start3A_50, %dma_start3A_51] : memref<2x40xi32, #tpu.memory_space<vmem>> -> memref<1x40xi32, #tpu.memory_space<vmem>>
    %dma_start3A_53 = tpu.memref_squeeze %dma_start3A_52 : memref<1x40xi32, #tpu.memory_space<vmem>> -> memref<40xi32, #tpu.memory_space<vmem>>
    %dma_start3A_54 = arith.constant 0 : i32
    %dma_start3A_55 = arith.constant 0 : i32
    %dma_start3A_56 = tpu.memref_slice %arg3[%dma_start3A_54, %dma_start3A_55] : memref<10000x128xi32, #tpu.memory_space<hbm>> -> memref<10000x128xi32, #tpu.memory_space<hbm>>
    tpu.enqueue_indirect_dma source(%dma_start3A_56 : memref<10000x128xi32, #tpu.memory_space<hbm>>) target(%arg11 : memref<40x128xi32, #tpu.memory_space<vmem>>) offsets(%dma_start3A_53 : memref<40xi32, #tpu.memory_space<vmem>>) semaphore(%arg20 : memref<!tpu.dma_semaphore, #tpu.memory_space<semaphore_mem>>)
    %add3A_57 = arith.constant 0 : i32
    %add3A_58 = arith.addi %mul3A_2, %add3A_57 : i32
    %dma_start3A_59 = arith.constant 0 : i32
    %dma_start3A_60 = tpu.memref_slice %arg4[%add3A_58, %dma_start3A_59] : memref<320000x128xi32, #tpu.memory_space<hbm>> -> memref<40x128xi32, #tpu.memory_space<hbm>>
    %dma_start3A_61 = arith.constant 0 : i32
    %dma_start3A_62 = tpu.memref_slice %arg4[%add3A_58, %dma_start3A_61] : memref<320000x128xi32, #tpu.memory_space<hbm>> -> memref<40x128xi32, #tpu.memory_space<hbm>>
    tpu.enqueue_dma source(%dma_start3A_62 : memref<40x128xi32, #tpu.memory_space<hbm>>) target(%arg12 : memref<40x128xi32, #tpu.memory_space<vmem>>) target_semaphore(%arg20 : memref<!tpu.dma_semaphore, #tpu.memory_space<semaphore_mem>>)
    %add3A_63 = arith.constant 40 : i32
    %add3A_64 = arith.addi %mul3A_2, %add3A_63 : i32
    %dma_start3A_65 = arith.constant 1 : i32
    %dma_start3A_66 = arith.constant 0 : i32
    %dma_start3A_67 = tpu.memref_slice %arg8[%dma_start3A_65, %dma_start3A_66] : memref<2x40xi32, #tpu.memory_space<vmem>> -> memref<1x40xi32, #tpu.memory_space<vmem>>
    %dma_start3A_68 = tpu.memref_squeeze %dma_start3A_67 : memref<1x40xi32, #tpu.memory_space<vmem>> -> memref<40xi32, #tpu.memory_space<vmem>>
    %dma_start3A_69 = tpu.memref_slice %arg5[%add3A_64] : memref<320000xi32, #tpu.memory_space<hbm>> -> memref<40xi32, #tpu.memory_space<hbm>>
    %dma_start3A_70 = arith.constant 0 : i32
    %dma_start3A_71 = tpu.memref_slice %arg8[%dma_start3A_65, %dma_start3A_70] : memref<2x40xi32, #tpu.memory_space<vmem>> -> memref<1x40xi32, #tpu.memory_space<vmem>>
    %dma_start3A_72 = tpu.memref_squeeze %dma_start3A_71 : memref<1x40xi32, #tpu.memory_space<vmem>> -> memref<40xi32, #tpu.memory_space<vmem>>
    %dma_start3A_73 = tpu.memref_slice %arg5[%add3A_64] : memref<320000xi32, #tpu.memory_space<hbm>> -> memref<40xi32, #tpu.memory_space<hbm>>
    tpu.enqueue_dma source(%dma_start3A_73 : memref<40xi32, #tpu.memory_space<hbm>>) target(%dma_start3A_72 : memref<40xi32, #tpu.memory_space<vmem>>) target_semaphore(%arg23 : memref<!tpu.dma_semaphore, #tpu.memory_space<semaphore_mem>>)
    %dma_start3A_74 = arith.constant 1 : i32
    %dma_start3A_75 = arith.constant 0 : i32
    %dma_start3A_76 = tpu.memref_slice %arg9[%dma_start3A_74, %dma_start3A_75] : memref<2x40xi32, #tpu.memory_space<vmem>> -> memref<1x40xi32, #tpu.memory_space<vmem>>
    %dma_start3A_77 = tpu.memref_squeeze %dma_start3A_76 : memref<1x40xi32, #tpu.memory_space<vmem>> -> memref<40xi32, #tpu.memory_space<vmem>>
    %dma_start3A_78 = tpu.memref_slice %arg6[%add3A_64] : memref<320000xi32, #tpu.memory_space<hbm>> -> memref<40xi32, #tpu.memory_space<hbm>>
    %dma_start3A_79 = arith.constant 0 : i32
    %dma_start3A_80 = tpu.memref_slice %arg9[%dma_start3A_74, %dma_start3A_79] : memref<2x40xi32, #tpu.memory_space<vmem>> -> memref<1x40xi32, #tpu.memory_space<vmem>>
    %dma_start3A_81 = tpu.memref_squeeze %dma_start3A_80 : memref<1x40xi32, #tpu.memory_space<vmem>> -> memref<40xi32, #tpu.memory_space<vmem>>
    %dma_start3A_82 = tpu.memref_slice %arg6[%add3A_64] : memref<320000xi32, #tpu.memory_space<hbm>> -> memref<40xi32, #tpu.memory_space<hbm>>
    tpu.enqueue_dma source(%dma_start3A_82 : memref<40xi32, #tpu.memory_space<hbm>>) target(%dma_start3A_81 : memref<40xi32, #tpu.memory_space<vmem>>) target_semaphore(%arg23 : memref<!tpu.dma_semaphore, #tpu.memory_space<semaphore_mem>>)
    %get3A = arith.constant 0 : i32
    %get3A_83 = arith.index_cast %get3A : i32 to index
    %get3A_84 = arith.constant 0 : index
    %get3A_85 = tpu.vector_load %arg8[%get3A_83, %get3A_84] {strides = array<i32>} : memref<2x40xi32, #tpu.memory_space<vmem>>, vector<16xi32>,
    %swap3A = arith.constant 0 : i32
    %swap3A_86 = arith.index_cast %swap3A : i32 to index
    %swap3A_87 = arith.constant 0 : index
    %swap3A_88 = tpu.vector_load %arg18[%swap3A_86, %swap3A_87] {strides = array<i32>} : memref<2x40xi32, #tpu.memory_space<vmem>>, vector<16xi32>,
    tpu.vector_store %arg18[%swap3A_86, %swap3A_87], %get3A_85 {strides = array<i32>} : memref<2x40xi32, #tpu.memory_space<vmem>>, vector<16xi32>,
    %get3A_89 = arith.constant 0 : i32
    %get3A_90 = arith.index_cast %get3A_89 : i32 to index
    %get3A_91 = arith.constant 16 : index
    %get3A_92 = tpu.vector_load %arg8[%get3A_90, %get3A_91] {strides = array<i32>} : memref<2x40xi32, #tpu.memory_space<vmem>>, vector<16xi32>,
    %swap3A_93 = arith.constant 0 : i32
    %swap3A_94 = arith.index_cast %swap3A_93 : i32 to index
    %swap3A_95 = arith.constant 16 : index
    %swap3A_96 = tpu.vector_load %arg18[%swap3A_94, %swap3A_95] {strides = array<i32>} : memref<2x40xi32, #tpu.memory_space<vmem>>, vector<16xi32>,
    tpu.vector_store %arg18[%swap3A_94, %swap3A_95], %get3A_92 {strides = array<i32>} : memref<2x40xi32, #tpu.memory_space<vmem>>, vector<16xi32>,
    %get3A_97 = arith.constant 0 : i32
    %get3A_98 = arith.index_cast %get3A_97 : i32 to index
    %get3A_99 = arith.constant 24 : index
    %get3A_100 = tpu.vector_load %arg8[%get3A_98, %get3A_99] {strides = array<i32>} : memref<2x40xi32, #tpu.memory_space<vmem>>, vector<16xi32>,
    %swap3A_101 = arith.constant 0 : i32
    %swap3A_102 = arith.index_cast %swap3A_101 : i32 to index
    %swap3A_103 = arith.constant 24 : index
    %swap3A_104 = tpu.vector_load %arg18[%swap3A_102, %swap3A_103] {strides = array<i32>} : memref<2x40xi32, #tpu.memory_space<vmem>>, vector<16xi32>,
    tpu.vector_store %arg18[%swap3A_102, %swap3A_103], %get3A_100 {strides = array<i32>} : memref<2x40xi32, #tpu.memory_space<vmem>>, vector<16xi32>,
    %get3A_105 = arith.constant 0 : i32
    %get3A_106 = arith.index_cast %get3A_105 : i32 to index
    %get3A_107 = arith.constant 0 : index
    %get3A_108 = tpu.vector_load %arg8[%get3A_106, %get3A_107] {strides = array<i32>} : memref<2x40xi32, #tpu.memory_space<vmem>>, vector<16xi32>,
    %swap3A_109 = arith.constant 1 : i32
    %swap3A_110 = arith.index_cast %swap3A_109 : i32 to index
    %swap3A_111 = arith.constant 0 : index
    %swap3A_112 = tpu.vector_load %arg18[%swap3A_110, %swap3A_111] {strides = array<i32>} : memref<2x40xi32, #tpu.memory_space<vmem>>, vector<16xi32>,
    tpu.vector_store %arg18[%swap3A_110, %swap3A_111], %get3A_108 {strides = array<i32>} : memref<2x40xi32, #tpu.memory_space<vmem>>, vector<16xi32>,
    %get3A_113 = arith.constant 0 : i32
    %get3A_114 = arith.index_cast %get3A_113 : i32 to index
    %get3A_115 = arith.constant 16 : index
    %get3A_116 = tpu.vector_load %arg8[%get3A_114, %get3A_115] {strides = array<i32>} : memref<2x40xi32, #tpu.memory_space<vmem>>, vector<16xi32>,
    %swap3A_117 = arith.constant 1 : i32
    %swap3A_118 = arith.index_cast %swap3A_117 : i32 to index
    %swap3A_119 = arith.constant 16 : index
    %swap3A_120 = tpu.vector_load %arg18[%swap3A_118, %swap3A_119] {strides = array<i32>} : memref<2x40xi32, #tpu.memory_space<vmem>>, vector<16xi32>,
    tpu.vector_store %arg18[%swap3A_118, %swap3A_119], %get3A_116 {strides = array<i32>} : memref<2x40xi32, #tpu.memory_space<vmem>>, vector<16xi32>,
    %get3A_121 = arith.constant 0 : i32
    %get3A_122 = arith.index_cast %get3A_121 : i32 to index
    %get3A_123 = arith.constant 24 : index
    %get3A_124 = tpu.vector_load %arg8[%get3A_122, %get3A_123] {strides = array<i32>} : memref<2x40xi32, #tpu.memory_space<vmem>>, vector<16xi32>,
    %swap3A_125 = arith.constant 1 : i32
    %swap3A_126 = arith.index_cast %swap3A_125 : i32 to index
    %swap3A_127 = arith.constant 24 : index
    %swap3A_128 = tpu.vector_load %arg18[%swap3A_126, %swap3A_127] {strides = array<i32>} : memref<2x40xi32, #tpu.memory_space<vmem>>, vector<16xi32>,
    tpu.vector_store %arg18[%swap3A_126, %swap3A_127], %get3A_124 {strides = array<i32>} : memref<2x40xi32, #tpu.memory_space<vmem>>, vector<16xi32>,
    %dma_start3A_129 = arith.constant 0 : i32
    %dma_start3A_130 = arith.constant 0 : i32
    %dma_start3A_131 = tpu.memref_slice %arg18[%dma_start3A_129, %dma_start3A_130] : memref<2x40xi32, #tpu.memory_space<vmem>> -> memref<1x40xi32, #tpu.memory_space<vmem>>
    %dma_start3A_132 = tpu.memref_squeeze %dma_start3A_131 : memref<1x40xi32, #tpu.memory_space<vmem>> -> memref<40xi32, #tpu.memory_space<vmem>>
    %dma_start3A_133 = arith.constant 0 : i32
    %dma_start3A_134 = arith.constant 0 : i32
    %dma_start3A_135 = tpu.memref_slice %arg19[%dma_start3A_133, %dma_start3A_134] : memref<10240x128xf32, #tpu.memory_space<vmem_shared>> -> memref<10240x128xf32, #tpu.memory_space<vmem_shared>>
    tpu.enqueue_indirect_dma source(%arg16 : memref<40x128xf32, #tpu.memory_space<vmem>>) target(%dma_start3A_135 : memref<10240x128xf32, #tpu.memory_space<vmem_shared>>) offsets(%dma_start3A_132 : memref<40xi32, #tpu.memory_space<vmem>>) semaphore(%arg24 : memref<!tpu.dma_semaphore, #tpu.memory_space<semaphore_mem>>) {add = true}
    %dma_start3A_136 = arith.constant 1 : i32
    %dma_start3A_137 = arith.constant 0 : i32
    %dma_start3A_138 = tpu.memref_slice %arg18[%dma_start3A_136, %dma_start3A_137] : memref<2x40xi32, #tpu.memory_space<vmem>> -> memref<1x40xi32, #tpu.memory_space<vmem>>
    %dma_start3A_139 = tpu.memref_squeeze %dma_start3A_138 : memref<1x40xi32, #tpu.memory_space<vmem>> -> memref<40xi32, #tpu.memory_space<vmem>>
    %dma_start3A_140 = arith.constant 0 : i32
    %dma_start3A_141 = arith.constant 0 : i32
    %dma_start3A_142 = tpu.memref_slice %arg19[%dma_start3A_140, %dma_start3A_141] : memref<10240x128xf32, #tpu.memory_space<vmem_shared>> -> memref<10240x128xf32, #tpu.memory_space<vmem_shared>>
    tpu.enqueue_indirect_dma source(%arg17 : memref<40x128xf32, #tpu.memory_space<vmem>>) target(%dma_start3A_142 : memref<10240x128xf32, #tpu.memory_space<vmem_shared>>) offsets(%dma_start3A_139 : memref<40xi32, #tpu.memory_space<vmem>>) semaphore(%arg25 : memref<!tpu.dma_semaphore, #tpu.memory_space<semaphore_mem>>) {add = true}
    %scan3A_143 = arith.constant 0 : i32
    %scan3A_144 = arith.constant 0 : i32
    %scan3A_145 = arith.constant 125 : i32
    %scan3A_146 = arith.addi %scan3A_144, %scan3A_145 : i32
    %scan3A_147 = arith.constant 1 : i32
    scf.for %scan3A_197 = %scan3A_144 to %scan3A_146 step %scan3A_147  : i32 {
      %mul3A_198 = arith.constant 2 : i32
      %mul3A_199 = arith.muli %mul3A_198, %scan3A_197 : i32
      %dma_wait3A_200 = arith.constant 0 : i32
      %dma_wait3A_201 = arith.constant 0 : i32
      %dma_wait3A_202 = tpu.memref_slice %arg4[%dma_wait3A_200, %dma_wait3A_201] : memref<320000x128xi32, #tpu.memory_space<hbm>> -> memref<40x128xi32, #tpu.memory_space<hbm>>
      %dma_wait3A_203 = arith.constant 0 : i32
      %dma_wait3A_204 = arith.constant 0 : i32
      %dma_wait3A_205 = tpu.memref_slice %arg4[%dma_wait3A_203, %dma_wait3A_204] : memref<320000x128xi32, #tpu.memory_space<hbm>> -> memref<40x128xi32, #tpu.memory_space<hbm>>
      tpu.wait_dma2 semaphore(%arg20 : memref<!tpu.dma_semaphore, #tpu.memory_space<semaphore_mem>>) src(%dma_wait3A_205 : memref<40x128xi32, #tpu.memory_space<hbm>>) dst(%arg10 : memref<40x128xi32, #tpu.memory_space<vmem>>)
      %dma_wait3A_206 = arith.constant 0 : i32
      %dma_wait3A_207 = arith.constant 0 : i32
      %dma_wait3A_208 = tpu.memref_slice %arg4[%dma_wait3A_206, %dma_wait3A_207] : memref<320000x128xi32, #tpu.memory_space<hbm>> -> memref<40x128xi32, #tpu.memory_space<hbm>>
      %dma_wait3A_209 = arith.constant 0 : i32
      %dma_wait3A_210 = arith.constant 0 : i32
      %dma_wait3A_211 = tpu.memref_slice %arg4[%dma_wait3A_209, %dma_wait3A_210] : memref<320000x128xi32, #tpu.memory_space<hbm>> -> memref<40x128xi32, #tpu.memory_space<hbm>>
      tpu.wait_dma2 semaphore(%arg20 : memref<!tpu.dma_semaphore, #tpu.memory_space<semaphore_mem>>) src(%dma_wait3A_211 : memref<40x128xi32, #tpu.memory_space<hbm>>) dst(%arg11 : memref<40x128xi32, #tpu.memory_space<vmem>>)
      %dma_wait3A_212 = arith.constant 0 : i32
      %dma_wait3A_213 = arith.constant 0 : i32
      %dma_wait3A_214 = tpu.memref_slice %arg4[%dma_wait3A_212, %dma_wait3A_213] : memref<320000x128xi32, #tpu.memory_space<hbm>> -> memref<40x128xi32, #tpu.memory_space<hbm>>
      %dma_wait3A_215 = arith.constant 0 : i32
      %dma_wait3A_216 = arith.constant 0 : i32
      %dma_wait3A_217 = tpu.memref_slice %arg4[%dma_wait3A_215, %dma_wait3A_216] : memref<320000x128xi32, #tpu.memory_space<hbm>> -> memref<40x128xi32, #tpu.memory_space<hbm>>
      tpu.wait_dma2 semaphore(%arg20 : memref<!tpu.dma_semaphore, #tpu.memory_space<semaphore_mem>>) src(%dma_wait3A_217 : memref<40x128xi32, #tpu.memory_space<hbm>>) dst(%arg12 : memref<40x128xi32, #tpu.memory_space<vmem>>)
      %dma_wait3A_218 = arith.constant 1 : i32
      %dma_wait3A_219 = arith.constant 0 : i32
      %dma_wait3A_220 = tpu.memref_slice %arg8[%dma_wait3A_218, %dma_wait3A_219] : memref<2x40xi32, #tpu.memory_space<vmem>> -> memref<1x40xi32, #tpu.memory_space<vmem>>
      %dma_wait3A_221 = tpu.memref_squeeze %dma_wait3A_220 : memref<1x40xi32, #tpu.memory_space<vmem>> -> memref<40xi32, #tpu.memory_space<vmem>>
      %dma_wait3A_222 = arith.constant 0 : i32
      %dma_wait3A_223 = tpu.memref_slice %arg5[%dma_wait3A_222] : memref<320000xi32, #tpu.memory_space<hbm>> -> memref<40xi32, #tpu.memory_space<hbm>>
      %dma_wait3A_224 = arith.constant 0 : i32
      %dma_wait3A_225 = tpu.memref_slice %arg8[%dma_wait3A_218, %dma_wait3A_224] : memref<2x40xi32, #tpu.memory_space<vmem>> -> memref<1x40xi32, #tpu.memory_space<vmem>>
      %dma_wait3A_226 = tpu.memref_squeeze %dma_wait3A_225 : memref<1x40xi32, #tpu.memory_space<vmem>> -> memref<40xi32, #tpu.memory_space<vmem>>
      %dma_wait3A_227 = arith.constant 0 : i32
      %dma_wait3A_228 = tpu.memref_slice %arg5[%dma_wait3A_227] : memref<320000xi32, #tpu.memory_space<hbm>> -> memref<40xi32, #tpu.memory_space<hbm>>
      tpu.wait_dma2 semaphore(%arg23 : memref<!tpu.dma_semaphore, #tpu.memory_space<semaphore_mem>>) src(%dma_wait3A_228 : memref<40xi32, #tpu.memory_space<hbm>>) dst(%dma_wait3A_226 : memref<40xi32, #tpu.memory_space<vmem>>)
      %dma_wait3A_229 = arith.constant 1 : i32
      %dma_wait3A_230 = arith.constant 0 : i32
      %dma_wait3A_231 = tpu.memref_slice %arg9[%dma_wait3A_229, %dma_wait3A_230] : memref<2x40xi32, #tpu.memory_space<vmem>> -> memref<1x40xi32, #tpu.memory_space<vmem>>
      %dma_wait3A_232 = tpu.memref_squeeze %dma_wait3A_231 : memref<1x40xi32, #tpu.memory_space<vmem>> -> memref<40xi32, #tpu.memory_space<vmem>>
      %dma_wait3A_233 = arith.constant 0 : i32
      %dma_wait3A_234 = tpu.memref_slice %arg6[%dma_wait3A_233] : memref<320000xi32, #tpu.memory_space<hbm>> -> memref<40xi32, #tpu.memory_space<hbm>>
      %dma_wait3A_235 = arith.constant 0 : i32
      %dma_wait3A_236 = tpu.memref_slice %arg9[%dma_wait3A_229, %dma_wait3A_235] : memref<2x40xi32, #tpu.memory_space<vmem>> -> memref<1x40xi32, #tpu.memory_space<vmem>>
      %dma_wait3A_237 = tpu.memref_squeeze %dma_wait3A_236 : memref<1x40xi32, #tpu.memory_space<vmem>> -> memref<40xi32, #tpu.memory_space<vmem>>
      %dma_wait3A_238 = arith.constant 0 : i32
      %dma_wait3A_239 = tpu.memref_slice %arg6[%dma_wait3A_238] : memref<320000xi32, #tpu.memory_space<hbm>> -> memref<40xi32, #tpu.memory_space<hbm>>
      tpu.wait_dma2 semaphore(%arg23 : memref<!tpu.dma_semaphore, #tpu.memory_space<semaphore_mem>>) src(%dma_wait3A_239 : memref<40xi32, #tpu.memory_space<hbm>>) dst(%dma_wait3A_237 : memref<40xi32, #tpu.memory_space<vmem>>)
      %add3A_240 = arith.constant 1 : i32
      %add3A_241 = arith.addi %mul3A_199, %add3A_240 : i32
      %min3A = arith.constant 249 : i32
      %min3A_242 = arith.minsi %add3A_241, %min3A : i32
      %dma_start3A_243 = arith.constant 1 : i32
      %dma_start3A_244 = arith.constant 0 : i32
      %dma_start3A_245 = tpu.memref_slice %arg8[%dma_start3A_243, %dma_start3A_244] : memref<2x40xi32, #tpu.memory_space<vmem>> -> memref<1x40xi32, #tpu.memory_space<vmem>>
      %dma_start3A_246 = tpu.memref_squeeze %dma_start3A_245 : memref<1x40xi32, #tpu.memory_space<vmem>> -> memref<40xi32, #tpu.memory_space<vmem>>
      %dma_start3A_247 = arith.constant 0 : i32
      %dma_start3A_248 = arith.constant 0 : i32
      %dma_start3A_249 = tpu.memref_slice %arg2[%dma_start3A_247, %dma_start3A_248] : memref<10000x128xi32, #tpu.memory_space<hbm>> -> memref<10000x128xi32, #tpu.memory_space<hbm>>
      tpu.enqueue_indirect_dma source(%dma_start3A_249 : memref<10000x128xi32, #tpu.memory_space<hbm>>) target(%arg13 : memref<40x128xi32, #tpu.memory_space<vmem>>) offsets(%dma_start3A_246 : memref<40xi32, #tpu.memory_space<vmem>>) semaphore(%arg21 : memref<!tpu.dma_semaphore, #tpu.memory_space<semaphore_mem>>)
      %dma_start3A_250 = arith.constant 1 : i32
      %dma_start3A_251 = arith.constant 0 : i32
      %dma_start3A_252 = tpu.memref_slice %arg9[%dma_start3A_250, %dma_start3A_251] : memref<2x40xi32, #tpu.memory_space<vmem>> -> memref<1x40xi32, #tpu.memory_space<vmem>>
      %dma_start3A_253 = tpu.memref_squeeze %dma_start3A_252 : memref<1x40xi32, #tpu.memory_space<vmem>> -> memref<40xi32, #tpu.memory_space<vmem>>
      %dma_start3A_254 = arith.constant 0 : i32
      %dma_start3A_255 = arith.constant 0 : i32
      %dma_start3A_256 = tpu.memref_slice %arg3[%dma_start3A_254, %dma_start3A_255] : memref<10000x128xi32, #tpu.memory_space<hbm>> -> memref<10000x128xi32, #tpu.memory_space<hbm>>
      tpu.enqueue_indirect_dma source(%dma_start3A_256 : memref<10000x128xi32, #tpu.memory_space<hbm>>) target(%arg14 : memref<40x128xi32, #tpu.memory_space<vmem>>) offsets(%dma_start3A_253 : memref<40xi32, #tpu.memory_space<vmem>>) semaphore(%arg21 : memref<!tpu.dma_semaphore, #tpu.memory_space<semaphore_mem>>)
      %mul3A_257 = arith.constant 40 : i32
      %mul3A_258 = arith.muli %min3A_242, %mul3A_257 : i32
      %add3A_259 = arith.addi %mul3A_2, %mul3A_258 : i32
      %dma_start3A_260 = arith.constant 0 : i32
      %dma_start3A_261 = tpu.memref_slice %arg4[%add3A_259, %dma_start3A_260] : memref<320000x128xi32, #tpu.memory_space<hbm>> -> memref<40x128xi32, #tpu.memory_space<hbm>>
      %dma_start3A_262 = arith.constant 0 : i32
      %dma_start3A_263 = tpu.memref_slice %arg4[%add3A_259, %dma_start3A_262] : memref<320000x128xi32, #tpu.memory_space<hbm>> -> memref<40x128xi32, #tpu.memory_space<hbm>>
      tpu.enqueue_dma source(%dma_start3A_263 : memref<40x128xi32, #tpu.memory_space<hbm>>) target(%arg15 : memref<40x128xi32, #tpu.memory_space<vmem>>) target_semaphore(%arg21 : memref<!tpu.dma_semaphore, #tpu.memory_space<semaphore_mem>>)
      %dma_wait3A_264 = arith.constant 0 : i32
      %dma_wait3A_265 = tpu.memref_slice %arg19[%mul3A_10, %dma_wait3A_264] : memref<10240x128xf32, #tpu.memory_space<vmem_shared>> -> memref<40x128xf32, #tpu.memory_space<vmem_shared>>
      %dma_wait3A_266 = arith.constant 0 : i32
      %dma_wait3A_267 = tpu.memref_slice %arg19[%mul3A_10, %dma_wait3A_266] : memref<10240x128xf32, #tpu.memory_space<vmem_shared>> -> memref<40x128xf32, #tpu.memory_space<vmem_shared>>
      tpu.wait_dma2 semaphore(%arg24 : memref<!tpu.dma_semaphore, #tpu.memory_space<semaphore_mem>>) src(%arg16 : memref<40x128xf32, #tpu.memory_space<vmem>>) dst(%dma_wait3A_267 : memref<40x128xf32, #tpu.memory_space<vmem_shared>>)
      %get3A_268 = arith.constant 0 : i32
      %get3A_269 = arith.index_cast %get3A_268 : i32 to index
      %get3A_270 = arith.constant 0 : index
      %get3A_271 = tpu.vector_load %arg8[%get3A_269, %get3A_270] {strides = array<i32>} : memref<2x40xi32, #tpu.memory_space<vmem>>, vector<16xi32>,
      %swap3A_272 = arith.constant 0 : i32
      %swap3A_273 = arith.index_cast %swap3A_272 : i32 to index
      %swap3A_274 = arith.constant 0 : index
      %swap3A_275 = tpu.vector_load %arg18[%swap3A_273, %swap3A_274] {strides = array<i32>} : memref<2x40xi32, #tpu.memory_space<vmem>>, vector<16xi32>,
      tpu.vector_store %arg18[%swap3A_273, %swap3A_274], %get3A_271 {strides = array<i32>} : memref<2x40xi32, #tpu.memory_space<vmem>>, vector<16xi32>,
      %get3A_276 = arith.constant 0 : i32
      %get3A_277 = arith.index_cast %get3A_276 : i32 to index
      %get3A_278 = arith.constant 16 : index
      %get3A_279 = tpu.vector_load %arg8[%get3A_277, %get3A_278] {strides = array<i32>} : memref<2x40xi32, #tpu.memory_space<vmem>>, vector<16xi32>,
      %swap3A_280 = arith.constant 0 : i32
      %swap3A_281 = arith.index_cast %swap3A_280 : i32 to index
      %swap3A_282 = arith.constant 16 : index
      %swap3A_283 = tpu.vector_load %arg18[%swap3A_281, %swap3A_282] {strides = array<i32>} : memref<2x40xi32, #tpu.memory_space<vmem>>, vector<16xi32>,
      tpu.vector_store %arg18[%swap3A_281, %swap3A_282], %get3A_279 {strides = array<i32>} : memref<2x40xi32, #tpu.memory_space<vmem>>, vector<16xi32>,
      %get3A_284 = arith.constant 0 : i32
      %get3A_285 = arith.index_cast %get3A_284 : i32 to index
      %get3A_286 = arith.constant 24 : index
      %get3A_287 = tpu.vector_load %arg8[%get3A_285, %get3A_286] {strides = array<i32>} : memref<2x40xi32, #tpu.memory_space<vmem>>, vector<16xi32>,
      %swap3A_288 = arith.constant 0 : i32
      %swap3A_289 = arith.index_cast %swap3A_288 : i32 to index
      %swap3A_290 = arith.constant 24 : index
      %swap3A_291 = tpu.vector_load %arg18[%swap3A_289, %swap3A_290] {strides = array<i32>} : memref<2x40xi32, #tpu.memory_space<vmem>>, vector<16xi32>,
      tpu.vector_store %arg18[%swap3A_289, %swap3A_290], %get3A_287 {strides = array<i32>} : memref<2x40xi32, #tpu.memory_space<vmem>>, vector<16xi32>,
      %scan3A_292 = arith.constant 0 : i32
      %scan3A_293 = arith.constant 0 : i32
      %scan3A_294 = arith.constant 20 : i32
      %scan3A_295 = arith.addi %scan3A_293, %scan3A_294 : i32
      %scan3A_296 = arith.constant 1 : i32
      scf.for %scan3A_465 = %scan3A_293 to %scan3A_295 step %scan3A_296  : i32 {
        %mul3A_466 = arith.constant 2 : i32
        %mul3A_467 = arith.muli %mul3A_466, %scan3A_465 : i32
        %add3A_468 = arith.constant 0 : i32
        %add3A_469 = arith.addi %mul3A_467, %add3A_468 : i32
        %get3A_470 = arith.index_cast %add3A_469 : i32 to index
        %get3A_471 = arith.constant 0 : index
        %get3A_472 = tpu.vector_load %arg10[%get3A_470, %get3A_471] {strides = array<i32>} : memref<40x128xi32, #tpu.memory_space<vmem>>, vector<16xi32>,
        %bitcast3A = vector.bitcast %get3A_472 : vector<16xi32> to vector<32xbf16>
        %get3A_473 = arith.index_cast %add3A_469 : i32 to index
        %get3A_474 = arith.constant 0 : index
        %get3A_475 = tpu.vector_load %arg11[%get3A_473, %get3A_474] {strides = array<i32>} : memref<40x128xi32, #tpu.memory_space<vmem>>, vector<16xi32>,
        %bitcast3A_476 = vector.bitcast %get3A_475 : vector<16xi32> to vector<32xbf16>
        %add3A_477 = arith.addf %bitcast3A, %bitcast3A_476 : vector<32xbf16>
        %get3A_478 = arith.index_cast %add3A_469 : i32 to index
        %get3A_479 = arith.constant 0 : index
        %get3A_480 = tpu.vector_load %arg12[%get3A_478, %get3A_479] {strides = array<i32>} : memref<40x128xi32, #tpu.memory_space<vmem>>, vector<16xi32>,
        %bitcast3A_481 = vector.bitcast %get3A_480 : vector<16xi32> to vector<32xbf16>
        %add3A_482 = arith.addf %add3A_477, %bitcast3A_481 : vector<32xbf16>
        %bitcast3A_483 = vector.bitcast %add3A_482 : vector<32xbf16> to vector<16xi32>
        %shift_left3A = arith.constant 16 : i32
        %shift_left3A_484 = vector.broadcast %shift_left3A : i32 to vector<16xi32>
        %shift_left3A_485 = arith.shli %bitcast3A_483, %shift_left3A_484 : vector<16xi32>
        %bitcast3A_486 = vector.bitcast %shift_left3A_485 : vector<16xi32> to vector<16xf32>
        %bitcast3A_487 = vector.bitcast %bitcast3A_483 : vector<16xi32> to vector<16xf32>
        %neg3A = arith.constant 0.000000e+00 : f32
        %neg3A_488 = vector.broadcast %neg3A : f32 to vector<16xf32>
        %neg3A_489 = arith.subf %neg3A_488, %bitcast3A_486 : vector<16xf32>
        %exp3A = math.exp %neg3A_489 : vector<16xf32>
        %add3A_490 = arith.constant 1.000000e+00 : f32
        %add3A_491 = vector.broadcast %add3A_490 : f32 to vector<16xf32>
        %add3A_492 = arith.addf %add3A_491, %exp3A : vector<16xf32>
        %div3A = arith.constant 1.000000e+00 : f32
        %div3A_493 = vector.broadcast %div3A : f32 to vector<16xf32>
        %div3A_494 = arith.divf %div3A_493, %add3A_492 : vector<16xf32>
        %abs3A = math.absf %bitcast3A_487 : vector<16xf32>
        %neg3A_495 = arith.constant 0.000000e+00 : f32
        %neg3A_496 = vector.broadcast %neg3A_495 : f32 to vector<16xf32>
        %neg3A_497 = arith.subf %neg3A_496, %abs3A : vector<16xf32>
        %exp3A_498 = math.exp %neg3A_497 : vector<16xf32>
        %add3A_499 = arith.constant 2.000000e+00 : f32
        %add3A_500 = vector.broadcast %add3A_499 : f32 to vector<16xf32>
        %add3A_501 = arith.addf %exp3A_498, %add3A_500 : vector<16xf32>
        %div3A_502 = arith.divf %exp3A_498, %add3A_501 : vector<16xf32>
        %mul3A_503 = arith.mulf %div3A_502, %div3A_502 : vector<16xf32>
        %mul3A_504 = arith.constant 0.666666686 : f32
        %mul3A_505 = vector.broadcast %mul3A_504 : f32 to vector<16xf32>
        %mul3A_506 = arith.mulf %mul3A_505, %mul3A_503 : vector<16xf32>
        %add3A_507 = arith.constant 2.000000e+00 : f32
        %add3A_508 = vector.broadcast %add3A_507 : f32 to vector<16xf32>
        %add3A_509 = arith.addf %mul3A_506, %add3A_508 : vector<16xf32>
        %max3A = arith.constant 0.000000e+00 : f32
        %max3A_510 = vector.broadcast %max3A : f32 to vector<16xf32>
        %max3A_511 = arith.maximumf %bitcast3A_487, %max3A_510 : vector<16xf32>
        %mul3A_512 = arith.mulf %add3A_509, %div3A_502 : vector<16xf32>
        %add3A_513 = arith.addf %max3A_511, %mul3A_512 : vector<16xf32>
        %mul3A_514 = arith.mulf %div3A_494, %add3A_513 : vector<16xf32>
        %swap3A_515 = arith.index_cast %add3A_469 : i32 to index
        %swap3A_516 = arith.constant 0 : index
        %swap3A_517 = tpu.vector_load %arg16[%swap3A_515, %swap3A_516] {strides = array<i32>} : memref<40x128xf32, #tpu.memory_space<vmem>>, vector<16xf32>,
        tpu.vector_store %arg16[%swap3A_515, %swap3A_516], %mul3A_514 {strides = array<i32>} : memref<40x128xf32, #tpu.memory_space<vmem>>, vector<16xf32>,
        %get3A_518 = arith.index_cast %add3A_469 : i32 to index
        %get3A_519 = arith.constant 16 : index
        %get3A_520 = tpu.vector_load %arg10[%get3A_518, %get3A_519] {strides = array<i32>} : memref<40x128xi32, #tpu.memory_space<vmem>>, vector<16xi32>,
        %bitcast3A_521 = vector.bitcast %get3A_520 : vector<16xi32> to vector<32xbf16>
        %get3A_522 = arith.index_cast %add3A_469 : i32 to index
        %get3A_523 = arith.constant 16 : index
        %get3A_524 = tpu.vector_load %arg11[%get3A_522, %get3A_523] {strides = array<i32>} : memref<40x128xi32, #tpu.memory_space<vmem>>, vector<16xi32>,
        %bitcast3A_525 = vector.bitcast %get3A_524 : vector<16xi32> to vector<32xbf16>
        %add3A_526 = arith.addf %bitcast3A_521, %bitcast3A_525 : vector<32xbf16>
        %get3A_527 = arith.index_cast %add3A_469 : i32 to index
        %get3A_528 = arith.constant 16 : index
        %get3A_529 = tpu.vector_load %arg12[%get3A_527, %get3A_528] {strides = array<i32>} : memref<40x128xi32, #tpu.memory_space<vmem>>, vector<16xi32>,
        %bitcast3A_530 = vector.bitcast %get3A_529 : vector<16xi32> to vector<32xbf16>
        %add3A_531 = arith.addf %add3A_526, %bitcast3A_530 : vector<32xbf16>
        %bitcast3A_532 = vector.bitcast %add3A_531 : vector<32xbf16> to vector<16xi32>
        %shift_left3A_533 = arith.constant 16 : i32
        %shift_left3A_534 = vector.broadcast %shift_left3A_533 : i32 to vector<16xi32>
        %shift_left3A_535 = arith.shli %bitcast3A_532, %shift_left3A_534 : vector<16xi32>
        %bitcast3A_536 = vector.bitcast %shift_left3A_535 : vector<16xi32> to vector<16xf32>
        %bitcast3A_537 = vector.bitcast %bitcast3A_532 : vector<16xi32> to vector<16xf32>
        %neg3A_538 = arith.constant 0.000000e+00 : f32
        %neg3A_539 = vector.broadcast %neg3A_538 : f32 to vector<16xf32>
        %neg3A_540 = arith.subf %neg3A_539, %bitcast3A_536 : vector<16xf32>
        %exp3A_541 = math.exp %neg3A_540 : vector<16xf32>
        %add3A_542 = arith.constant 1.000000e+00 : f32
        %add3A_543 = vector.broadcast %add3A_542 : f32 to vector<16xf32>
        %add3A_544 = arith.addf %add3A_543, %exp3A_541 : vector<16xf32>
        %div3A_545 = arith.constant 1.000000e+00 : f32
        %div3A_546 = vector.broadcast %div3A_545 : f32 to vector<16xf32>
        %div3A_547 = arith.divf %div3A_546, %add3A_544 : vector<16xf32>
        %abs3A_548 = math.absf %bitcast3A_537 : vector<16xf32>
        %neg3A_549 = arith.constant 0.000000e+00 : f32
        %neg3A_550 = vector.broadcast %neg3A_549 : f32 to vector<16xf32>
        %neg3A_551 = arith.subf %neg3A_550, %abs3A_548 : vector<16xf32>
        %exp3A_552 = math.exp %neg3A_551 : vector<16xf32>
        %add3A_553 = arith.constant 2.000000e+00 : f32
        %add3A_554 = vector.broadcast %add3A_553 : f32 to vector<16xf32>
        %add3A_555 = arith.addf %exp3A_552, %add3A_554 : vector<16xf32>
        %div3A_556 = arith.divf %exp3A_552, %add3A_555 : vector<16xf32>
        %mul3A_557 = arith.mulf %div3A_556, %div3A_556 : vector<16xf32>
        %mul3A_558 = arith.constant 0.666666686 : f32
        %mul3A_559 = vector.broadcast %mul3A_558 : f32 to vector<16xf32>
        %mul3A_560 = arith.mulf %mul3A_559, %mul3A_557 : vector<16xf32>
        %add3A_561 = arith.constant 2.000000e+00 : f32
        %add3A_562 = vector.broadcast %add3A_561 : f32 to vector<16xf32>
        %add3A_563 = arith.addf %mul3A_560, %add3A_562 : vector<16xf32>
        %max3A_564 = arith.constant 0.000000e+00 : f32
        %max3A_565 = vector.broadcast %max3A_564 : f32 to vector<16xf32>
        %max3A_566 = arith.maximumf %bitcast3A_537, %max3A_565 : vector<16xf32>
        %mul3A_567 = arith.mulf %add3A_563, %div3A_556 : vector<16xf32>
        %add3A_568 = arith.addf %max3A_566, %mul3A_567 : vector<16xf32>
        %mul3A_569 = arith.mulf %div3A_547, %add3A_568 : vector<16xf32>
        %swap3A_570 = arith.index_cast %add3A_469 : i32 to index
        %swap3A_571 = arith.constant 16 : index
        %swap3A_572 = tpu.vector_load %arg16[%swap3A_570, %swap3A_571] {strides = array<i32>} : memref<40x128xf32, #tpu.memory_space<vmem>>, vector<16xf32>,
        tpu.vector_store %arg16[%swap3A_570, %swap3A_571], %mul3A_569 {strides = array<i32>} : memref<40x128xf32, #tpu.memory_space<vmem>>, vector<16xf32>,
        %get3A_573 = arith.index_cast %add3A_469 : i32 to index
        %get3A_574 = arith.constant 32 : index
        %get3A_575 = tpu.vector_load %arg10[%get3A_573, %get3A_574] {strides = array<i32>} : memref<40x128xi32, #tpu.memory_space<vmem>>, vector<16xi32>,
        %bitcast3A_576 = vector.bitcast %get3A_575 : vector<16xi32> to vector<32xbf16>
        %get3A_577 = arith.index_cast %add3A_469 : i32 to index
        %get3A_578 = arith.constant 32 : index
        %get3A_579 = tpu.vector_load %arg11[%get3A_577, %get3A_578] {strides = array<i32>} : memref<40x128xi32, #tpu.memory_space<vmem>>, vector<16xi32>,
        %bitcast3A_580 = vector.bitcast %get3A_579 : vector<16xi32> to vector<32xbf16>
        %add3A_581 = arith.addf %bitcast3A_576, %bitcast3A_580 : vector<32xbf16>
        %get3A_582 = arith.index_cast %add3A_469 : i32 to index
        %get3A_583 = arith.constant 32 : index
        %get3A_584 = tpu.vector_load %arg12[%get3A_582, %get3A_583] {strides = array<i32>} : memref<40x128xi32, #tpu.memory_space<vmem>>, vector<16xi32>,
        %bitcast3A_585 = vector.bitcast %get3A_584 : vector<16xi32> to vector<32xbf16>
        %add3A_586 = arith.addf %add3A_581, %bitcast3A_585 : vector<32xbf16>
        %bitcast3A_587 = vector.bitcast %add3A_586 : vector<32xbf16> to vector<16xi32>
        %shift_left3A_588 = arith.constant 16 : i32
        %shift_left3A_589 = vector.broadcast %shift_left3A_588 : i32 to vector<16xi32>
        %shift_left3A_590 = arith.shli %bitcast3A_587, %shift_left3A_589 : vector<16xi32>
        %bitcast3A_591 = vector.bitcast %shift_left3A_590 : vector<16xi32> to vector<16xf32>
        %bitcast3A_592 = vector.bitcast %bitcast3A_587 : vector<16xi32> to vector<16xf32>
        %neg3A_593 = arith.constant 0.000000e+00 : f32
        %neg3A_594 = vector.broadcast %neg3A_593 : f32 to vector<16xf32>
        %neg3A_595 = arith.subf %neg3A_594, %bitcast3A_591 : vector<16xf32>
        %exp3A_596 = math.exp %neg3A_595 : vector<16xf32>
        %add3A_597 = arith.constant 1.000000e+00 : f32
        %add3A_598 = vector.broadcast %add3A_597 : f32 to vector<16xf32>
        %add3A_599 = arith.addf %add3A_598, %exp3A_596 : vector<16xf32>
        %div3A_600 = arith.constant 1.000000e+00 : f32
        %div3A_601 = vector.broadcast %div3A_600 : f32 to vector<16xf32>
        %div3A_602 = arith.divf %div3A_601, %add3A_599 : vector<16xf32>
        %abs3A_603 = math.absf %bitcast3A_592 : vector<16xf32>
        %neg3A_604 = arith.constant 0.000000e+00 : f32
        %neg3A_605 = vector.broadcast %neg3A_604 : f32 to vector<16xf32>
        %neg3A_606 = arith.subf %neg3A_605, %abs3A_603 : vector<16xf32>
        %exp3A_607 = math.exp %neg3A_606 : vector<16xf32>
        %add3A_608 = arith.constant 2.000000e+00 : f32
        %add3A_609 = vector.broadcast %add3A_608 : f32 to vector<16xf32>
        %add3A_610 = arith.addf %exp3A_607, %add3A_609 : vector<16xf32>
        %div3A_611 = arith.divf %exp3A_607, %add3A_610 : vector<16xf32>
        %mul3A_612 = arith.mulf %div3A_611, %div3A_611 : vector<16xf32>
        %mul3A_613 = arith.constant 0.666666686 : f32
        %mul3A_614 = vector.broadcast %mul3A_613 : f32 to vector<16xf32>
        %mul3A_615 = arith.mulf %mul3A_614, %mul3A_612 : vector<16xf32>
        %add3A_616 = arith.constant 2.000000e+00 : f32
        %add3A_617 = vector.broadcast %add3A_616 : f32 to vector<16xf32>
        %add3A_618 = arith.addf %mul3A_615, %add3A_617 : vector<16xf32>
        %max3A_619 = arith.constant 0.000000e+00 : f32
        %max3A_620 = vector.broadcast %max3A_619 : f32 to vector<16xf32>
        %max3A_621 = arith.maximumf %bitcast3A_592, %max3A_620 : vector<16xf32>
        %mul3A_622 = arith.mulf %add3A_618, %div3A_611 : vector<16xf32>
        %add3A_623 = arith.addf %max3A_621, %mul3A_622 : vector<16xf32>
        %mul3A_624 = arith.mulf %div3A_602, %add3A_623 : vector<16xf32>
        %swap3A_625 = arith.index_cast %add3A_469 : i32 to index
        %swap3A_626 = arith.constant 32 : index
        %swap3A_627 = tpu.vector_load %arg16[%swap3A_625, %swap3A_626] {strides = array<i32>} : memref<40x128xf32, #tpu.memory_space<vmem>>, vector<16xf32>,
        tpu.vector_store %arg16[%swap3A_625, %swap3A_626], %mul3A_624 {strides = array<i32>} : memref<40x128xf32, #tpu.memory_space<vmem>>, vector<16xf32>,
        %get3A_628 = arith.index_cast %add3A_469 : i32 to index
        %get3A_629 = arith.constant 48 : index
        %get3A_630 = tpu.vector_load %arg10[%get3A_628, %get3A_629] {strides = array<i32>} : memref<40x128xi32, #tpu.memory_space<vmem>>, vector<16xi32>,
        %bitcast3A_631 = vector.bitcast %get3A_630 : vector<16xi32> to vector<32xbf16>
        %get3A_632 = arith.index_cast %add3A_469 : i32 to index
        %get3A_633 = arith.constant 48 : index
        %get3A_634 = tpu.vector_load %arg11[%get3A_632, %get3A_633] {strides = array<i32>} : memref<40x128xi32, #tpu.memory_space<vmem>>, vector<16xi32>,
        %bitcast3A_635 = vector.bitcast %get3A_634 : vector<16xi32> to vector<32xbf16>
        %add3A_636 = arith.addf %bitcast3A_631, %bitcast3A_635 : vector<32xbf16>
        %get3A_637 = arith.index_cast %add3A_469 : i32 to index
        %get3A_638 = arith.constant 48 : index
        %get3A_639 = tpu.vector_load %arg12[%get3A_637, %get3A_638] {strides = array<i32>} : memref<40x128xi32, #tpu.memory_space<vmem>>, vector<16xi32>,
        %bitcast3A_640 = vector.bitcast %get3A_639 : vector<16xi32> to vector<32xbf16>
        %add3A_641 = arith.addf %add3A_636, %bitcast3A_640 : vector<32xbf16>
        %bitcast3A_642 = vector.bitcast %add3A_641 : vector<32xbf16> to vector<16xi32>
        %shift_left3A_643 = arith.constant 16 : i32
        %shift_left3A_644 = vector.broadcast %shift_left3A_643 : i32 to vector<16xi32>
        %shift_left3A_645 = arith.shli %bitcast3A_642, %shift_left3A_644 : vector<16xi32>
        %bitcast3A_646 = vector.bitcast %shift_left3A_645 : vector<16xi32> to vector<16xf32>
        %bitcast3A_647 = vector.bitcast %bitcast3A_642 : vector<16xi32> to vector<16xf32>
        %neg3A_648 = arith.constant 0.000000e+00 : f32
        %neg3A_649 = vector.broadcast %neg3A_648 : f32 to vector<16xf32>
        %neg3A_650 = arith.subf %neg3A_649, %bitcast3A_646 : vector<16xf32>
        %exp3A_651 = math.exp %neg3A_650 : vector<16xf32>
        %add3A_652 = arith.constant 1.000000e+00 : f32
        %add3A_653 = vector.broadcast %add3A_652 : f32 to vector<16xf32>
        %add3A_654 = arith.addf %add3A_653, %exp3A_651 : vector<16xf32>
        %div3A_655 = arith.constant 1.000000e+00 : f32
        %div3A_656 = vector.broadcast %div3A_655 : f32 to vector<16xf32>
        %div3A_657 = arith.divf %div3A_656, %add3A_654 : vector<16xf32>
        %abs3A_658 = math.absf %bitcast3A_647 : vector<16xf32>
        %neg3A_659 = arith.constant 0.000000e+00 : f32
        %neg3A_660 = vector.broadcast %neg3A_659 : f32 to vector<16xf32>
        %neg3A_661 = arith.subf %neg3A_660, %abs3A_658 : vector<16xf32>
        %exp3A_662 = math.exp %neg3A_661 : vector<16xf32>
        %add3A_663 = arith.constant 2.000000e+00 : f32
        %add3A_664 = vector.broadcast %add3A_663 : f32 to vector<16xf32>
        %add3A_665 = arith.addf %exp3A_662, %add3A_664 : vector<16xf32>
        %div3A_666 = arith.divf %exp3A_662, %add3A_665 : vector<16xf32>
        %mul3A_667 = arith.mulf %div3A_666, %div3A_666 : vector<16xf32>
        %mul3A_668 = arith.constant 0.666666686 : f32
        %mul3A_669 = vector.broadcast %mul3A_668 : f32 to vector<16xf32>
        %mul3A_670 = arith.mulf %mul3A_669, %mul3A_667 : vector<16xf32>
        %add3A_671 = arith.constant 2.000000e+00 : f32
        %add3A_672 = vector.broadcast %add3A_671 : f32 to vector<16xf32>
        %add3A_673 = arith.addf %mul3A_670, %add3A_672 : vector<16xf32>
        %max3A_674 = arith.constant 0.000000e+00 : f32
        %max3A_675 = vector.broadcast %max3A_674 : f32 to vector<16xf32>
        %max3A_676 = arith.maximumf %bitcast3A_647, %max3A_675 : vector<16xf32>
        %mul3A_677 = arith.mulf %add3A_673, %div3A_666 : vector<16xf32>
        %add3A_678 = arith.addf %max3A_676, %mul3A_677 : vector<16xf32>
        %mul3A_679 = arith.mulf %div3A_657, %add3A_678 : vector<16xf32>
        %swap3A_680 = arith.index_cast %add3A_469 : i32 to index
        %swap3A_681 = arith.constant 48 : index
        %swap3A_682 = tpu.vector_load %arg16[%swap3A_680, %swap3A_681] {strides = array<i32>} : memref<40x128xf32, #tpu.memory_space<vmem>>, vector<16xf32>,
        tpu.vector_store %arg16[%swap3A_680, %swap3A_681], %mul3A_679 {strides = array<i32>} : memref<40x128xf32, #tpu.memory_space<vmem>>, vector<16xf32>,
        %get3A_683 = arith.index_cast %add3A_469 : i32 to index
        %get3A_684 = arith.constant 64 : index
        %get3A_685 = tpu.vector_load %arg10[%get3A_683, %get3A_684] {strides = array<i32>} : memref<40x128xi32, #tpu.memory_space<vmem>>, vector<16xi32>,
        %bitcast3A_686 = vector.bitcast %get3A_685 : vector<16xi32> to vector<32xbf16>
        %get3A_687 = arith.index_cast %add3A_469 : i32 to index
        %get3A_688 = arith.constant 64 : index
        %get3A_689 = tpu.vector_load %arg11[%get3A_687, %get3A_688] {strides = array<i32>} : memref<40x128xi32, #tpu.memory_space<vmem>>, vector<16xi32>,
        %bitcast3A_690 = vector.bitcast %get3A_689 : vector<16xi32> to vector<32xbf16>
        %add3A_691 = arith.addf %bitcast3A_686, %bitcast3A_690 : vector<32xbf16>
        %get3A_692 = arith.index_cast %add3A_469 : i32 to index
        %get3A_693 = arith.constant 64 : index
        %get3A_694 = tpu.vector_load %arg12[%get3A_692, %get3A_693] {strides = array<i32>} : memref<40x128xi32, #tpu.memory_space<vmem>>, vector<16xi32>,
        %bitcast3A_695 = vector.bitcast %get3A_694 : vector<16xi32> to vector<32xbf16>
        %add3A_696 = arith.addf %add3A_691, %bitcast3A_695 : vector<32xbf16>
        %bitcast3A_697 = vector.bitcast %add3A_696 : vector<32xbf16> to vector<16xi32>
        %shift_left3A_698 = arith.constant 16 : i32
        %shift_left3A_699 = vector.broadcast %shift_left3A_698 : i32 to vector<16xi32>
        %shift_left3A_700 = arith.shli %bitcast3A_697, %shift_left3A_699 : vector<16xi32>
        %bitcast3A_701 = vector.bitcast %shift_left3A_700 : vector<16xi32> to vector<16xf32>
        %bitcast3A_702 = vector.bitcast %bitcast3A_697 : vector<16xi32> to vector<16xf32>
        %neg3A_703 = arith.constant 0.000000e+00 : f32
        %neg3A_704 = vector.broadcast %neg3A_703 : f32 to vector<16xf32>
        %neg3A_705 = arith.subf %neg3A_704, %bitcast3A_701 : vector<16xf32>
        %exp3A_706 = math.exp %neg3A_705 : vector<16xf32>
        %add3A_707 = arith.constant 1.000000e+00 : f32
        %add3A_708 = vector.broadcast %add3A_707 : f32 to vector<16xf32>
        %add3A_709 = arith.addf %add3A_708, %exp3A_706 : vector<16xf32>
        %div3A_710 = arith.constant 1.000000e+00 : f32
        %div3A_711 = vector.broadcast %div3A_710 : f32 to vector<16xf32>
        %div3A_712 = arith.divf %div3A_711, %add3A_709 : vector<16xf32>
        %abs3A_713 = math.absf %bitcast3A_702 : vector<16xf32>
        %neg3A_714 = arith.constant 0.000000e+00 : f32
        %neg3A_715 = vector.broadcast %neg3A_714 : f32 to vector<16xf32>
        %neg3A_716 = arith.subf %neg3A_715, %abs3A_713 : vector<16xf32>
        %exp3A_717 = math.exp %neg3A_716 : vector<16xf32>
        %add3A_718 = arith.constant 2.000000e+00 : f32
        %add3A_719 = vector.broadcast %add3A_718 : f32 to vector<16xf32>
        %add3A_720 = arith.addf %exp3A_717, %add3A_719 : vector<16xf32>
        %div3A_721 = arith.divf %exp3A_717, %add3A_720 : vector<16xf32>
        %mul3A_722 = arith.mulf %div3A_721, %div3A_721 : vector<16xf32>
        %mul3A_723 = arith.constant 0.666666686 : f32
        %mul3A_724 = vector.broadcast %mul3A_723 : f32 to vector<16xf32>
        %mul3A_725 = arith.mulf %mul3A_724, %mul3A_722 : vector<16xf32>
        %add3A_726 = arith.constant 2.000000e+00 : f32
        %add3A_727 = vector.broadcast %add3A_726 : f32 to vector<16xf32>
        %add3A_728 = arith.addf %mul3A_725, %add3A_727 : vector<16xf32>
        %max3A_729 = arith.constant 0.000000e+00 : f32
        %max3A_730 = vector.broadcast %max3A_729 : f32 to vector<16xf32>
        %max3A_731 = arith.maximumf %bitcast3A_702, %max3A_730 : vector<16xf32>
        %mul3A_732 = arith.mulf %add3A_728, %div3A_721 : vector<16xf32>
        %add3A_733 = arith.addf %max3A_731, %mul3A_732 : vector<16xf32>
        %mul3A_734 = arith.mulf %div3A_712, %add3A_733 : vector<16xf32>
        %swap3A_735 = arith.index_cast %add3A_469 : i32 to index
        %swap3A_736 = arith.constant 64 : index
        %swap3A_737 = tpu.vector_load %arg16[%swap3A_735, %swap3A_736] {strides = array<i32>} : memref<40x128xf32, #tpu.memory_space<vmem>>, vector<16xf32>,
        tpu.vector_store %arg16[%swap3A_735, %swap3A_736], %mul3A_734 {strides = array<i32>} : memref<40x128xf32, #tpu.memory_space<vmem>>, vector<16xf32>,
        %get3A_738 = arith.index_cast %add3A_469 : i32 to index
        %get3A_739 = arith.constant 80 : index
        %get3A_740 = tpu.vector_load %arg10[%get3A_738, %get3A_739] {strides = array<i32>} : memref<40x128xi32, #tpu.memory_space<vmem>>, vector<16xi32>,
        %bitcast3A_741 = vector.bitcast %get3A_740 : vector<16xi32> to vector<32xbf16>
        %get3A_742 = arith.index_cast %add3A_469 : i32 to index
        %get3A_743 = arith.constant 80 : index
        %get3A_744 = tpu.vector_load %arg11[%get3A_742, %get3A_743] {strides = array<i32>} : memref<40x128xi32, #tpu.memory_space<vmem>>, vector<16xi32>,
        %bitcast3A_745 = vector.bitcast %get3A_744 : vector<16xi32> to vector<32xbf16>
        %add3A_746 = arith.addf %bitcast3A_741, %bitcast3A_745 : vector<32xbf16>
        %get3A_747 = arith.index_cast %add3A_469 : i32 to index
        %get3A_748 = arith.constant 80 : index
        %get3A_749 = tpu.vector_load %arg12[%get3A_747, %get3A_748] {strides = array<i32>} : memref<40x128xi32, #tpu.memory_space<vmem>>, vector<16xi32>,
        %bitcast3A_750 = vector.bitcast %get3A_749 : vector<16xi32> to vector<32xbf16>
        %add3A_751 = arith.addf %add3A_746, %bitcast3A_750 : vector<32xbf16>
        %bitcast3A_752 = vector.bitcast %add3A_751 : vector<32xbf16> to vector<16xi32>
        %shift_left3A_753 = arith.constant 16 : i32
        %shift_left3A_754 = vector.broadcast %shift_left3A_753 : i32 to vector<16xi32>
        %shift_left3A_755 = arith.shli %bitcast3A_752, %shift_left3A_754 : vector<16xi32>
        %bitcast3A_756 = vector.bitcast %shift_left3A_755 : vector<16xi32> to vector<16xf32>
        %bitcast3A_757 = vector.bitcast %bitcast3A_752 : vector<16xi32> to vector<16xf32>
        %neg3A_758 = arith.constant 0.000000e+00 : f32
        %neg3A_759 = vector.broadcast %neg3A_758 : f32 to vector<16xf32>
        %neg3A_760 = arith.subf %neg3A_759, %bitcast3A_756 : vector<16xf32>
        %exp3A_761 = math.exp %neg3A_760 : vector<16xf32>
        %add3A_762 = arith.constant 1.000000e+00 : f32
        %add3A_763 = vector.broadcast %add3A_762 : f32 to vector<16xf32>
        %add3A_764 = arith.addf %add3A_763, %exp3A_761 : vector<16xf32>
        %div3A_765 = arith.constant 1.000000e+00 : f32
        %div3A_766 = vector.broadcast %div3A_765 : f32 to vector<16xf32>
        %div3A_767 = arith.divf %div3A_766, %add3A_764 : vector<16xf32>
        %abs3A_768 = math.absf %bitcast3A_757 : vector<16xf32>
        %neg3A_769 = arith.constant 0.000000e+00 : f32
        %neg3A_770 = vector.broadcast %neg3A_769 : f32 to vector<16xf32>
        %neg3A_771 = arith.subf %neg3A_770, %abs3A_768 : vector<16xf32>
        %exp3A_772 = math.exp %neg3A_771 : vector<16xf32>
        %add3A_773 = arith.constant 2.000000e+00 : f32
        %add3A_774 = vector.broadcast %add3A_773 : f32 to vector<16xf32>
        %add3A_775 = arith.addf %exp3A_772, %add3A_774 : vector<16xf32>
        %div3A_776 = arith.divf %exp3A_772, %add3A_775 : vector<16xf32>
        %mul3A_777 = arith.mulf %div3A_776, %div3A_776 : vector<16xf32>
        %mul3A_778 = arith.constant 0.666666686 : f32
        %mul3A_779 = vector.broadcast %mul3A_778 : f32 to vector<16xf32>
        %mul3A_780 = arith.mulf %mul3A_779, %mul3A_777 : vector<16xf32>
        %add3A_781 = arith.constant 2.000000e+00 : f32
        %add3A_782 = vector.broadcast %add3A_781 : f32 to vector<16xf32>
        %add3A_783 = arith.addf %mul3A_780, %add3A_782 : vector<16xf32>
        %max3A_784 = arith.constant 0.000000e+00 : f32
        %max3A_785 = vector.broadcast %max3A_784 : f32 to vector<16xf32>
        %max3A_786 = arith.maximumf %bitcast3A_757, %max3A_785 : vector<16xf32>
        %mul3A_787 = arith.mulf %add3A_783, %div3A_776 : vector<16xf32>
        %add3A_788 = arith.addf %max3A_786, %mul3A_787 : vector<16xf32>
        %mul3A_789 = arith.mulf %div3A_767, %add3A_788 : vector<16xf32>
        %swap3A_790 = arith.index_cast %add3A_469 : i32 to index
        %swap3A_791 = arith.constant 80 : index
        %swap3A_792 = tpu.vector_load %arg16[%swap3A_790, %swap3A_791] {strides = array<i32>} : memref<40x128xf32, #tpu.memory_space<vmem>>, vector<16xf32>,
        tpu.vector_store %arg16[%swap3A_790, %swap3A_791], %mul3A_789 {strides = array<i32>} : memref<40x128xf32, #tpu.memory_space<vmem>>, vector<16xf32>,
        %get3A_793 = arith.index_cast %add3A_469 : i32 to index
        %get3A_794 = arith.constant 96 : index
        %get3A_795 = tpu.vector_load %arg10[%get3A_793, %get3A_794] {strides = array<i32>} : memref<40x128xi32, #tpu.memory_space<vmem>>, vector<16xi32>,
        %bitcast3A_796 = vector.bitcast %get3A_795 : vector<16xi32> to vector<32xbf16>
        %get3A_797 = arith.index_cast %add3A_469 : i32 to index
        %get3A_798 = arith.constant 96 : index
        %get3A_799 = tpu.vector_load %arg11[%get3A_797, %get3A_798] {strides = array<i32>} : memref<40x128xi32, #tpu.memory_space<vmem>>, vector<16xi32>,
        %bitcast3A_800 = vector.bitcast %get3A_799 : vector<16xi32> to vector<32xbf16>
        %add3A_801 = arith.addf %bitcast3A_796, %bitcast3A_800 : vector<32xbf16>
        %get3A_802 = arith.index_cast %add3A_469 : i32 to index
        %get3A_803 = arith.constant 96 : index
        %get3A_804 = tpu.vector_load %arg12[%get3A_802, %get3A_803] {strides = array<i32>} : memref<40x128xi32, #tpu.memory_space<vmem>>, vector<16xi32>,
        %bitcast3A_805 = vector.bitcast %get3A_804 : vector<16xi32> to vector<32xbf16>
        %add3A_806 = arith.addf %add3A_801, %bitcast3A_805 : vector<32xbf16>
        %bitcast3A_807 = vector.bitcast %add3A_806 : vector<32xbf16> to vector<16xi32>
        %shift_left3A_808 = arith.constant 16 : i32
        %shift_left3A_809 = vector.broadcast %shift_left3A_808 : i32 to vector<16xi32>
        %shift_left3A_810 = arith.shli %bitcast3A_807, %shift_left3A_809 : vector<16xi32>
        %bitcast3A_811 = vector.bitcast %shift_left3A_810 : vector<16xi32> to vector<16xf32>
        %bitcast3A_812 = vector.bitcast %bitcast3A_807 : vector<16xi32> to vector<16xf32>
        %neg3A_813 = arith.constant 0.000000e+00 : f32
        %neg3A_814 = vector.broadcast %neg3A_813 : f32 to vector<16xf32>
        %neg3A_815 = arith.subf %neg3A_814, %bitcast3A_811 : vector<16xf32>
        %exp3A_816 = math.exp %neg3A_815 : vector<16xf32>
        %add3A_817 = arith.constant 1.000000e+00 : f32
        %add3A_818 = vector.broadcast %add3A_817 : f32 to vector<16xf32>
        %add3A_819 = arith.addf %add3A_818, %exp3A_816 : vector<16xf32>
        %div3A_820 = arith.constant 1.000000e+00 : f32
        %div3A_821 = vector.broadcast %div3A_820 : f32 to vector<16xf32>
        %div3A_822 = arith.divf %div3A_821, %add3A_819 : vector<16xf32>
        %abs3A_823 = math.absf %bitcast3A_812 : vector<16xf32>
        %neg3A_824 = arith.constant 0.000000e+00 : f32
        %neg3A_825 = vector.broadcast %neg3A_824 : f32 to vector<16xf32>
        %neg3A_826 = arith.subf %neg3A_825, %abs3A_823 : vector<16xf32>
        %exp3A_827 = math.exp %neg3A_826 : vector<16xf32>
        %add3A_828 = arith.constant 2.000000e+00 : f32
        %add3A_829 = vector.broadcast %add3A_828 : f32 to vector<16xf32>
        %add3A_830 = arith.addf %exp3A_827, %add3A_829 : vector<16xf32>
        %div3A_831 = arith.divf %exp3A_827, %add3A_830 : vector<16xf32>
        %mul3A_832 = arith.mulf %div3A_831, %div3A_831 : vector<16xf32>
        %mul3A_833 = arith.constant 0.666666686 : f32
        %mul3A_834 = vector.broadcast %mul3A_833 : f32 to vector<16xf32>
        %mul3A_835 = arith.mulf %mul3A_834, %mul3A_832 : vector<16xf32>
        %add3A_836 = arith.constant 2.000000e+00 : f32
        %add3A_837 = vector.broadcast %add3A_836 : f32 to vector<16xf32>
        %add3A_838 = arith.addf %mul3A_835, %add3A_837 : vector<16xf32>
        %max3A_839 = arith.constant 0.000000e+00 : f32
        %max3A_840 = vector.broadcast %max3A_839 : f32 to vector<16xf32>
        %max3A_841 = arith.maximumf %bitcast3A_812, %max3A_840 : vector<16xf32>
        %mul3A_842 = arith.mulf %add3A_838, %div3A_831 : vector<16xf32>
        %add3A_843 = arith.addf %max3A_841, %mul3A_842 : vector<16xf32>
        %mul3A_844 = arith.mulf %div3A_822, %add3A_843 : vector<16xf32>
        %swap3A_845 = arith.index_cast %add3A_469 : i32 to index
        %swap3A_846 = arith.constant 96 : index
        %swap3A_847 = tpu.vector_load %arg16[%swap3A_845, %swap3A_846] {strides = array<i32>} : memref<40x128xf32, #tpu.memory_space<vmem>>, vector<16xf32>,
        tpu.vector_store %arg16[%swap3A_845, %swap3A_846], %mul3A_844 {strides = array<i32>} : memref<40x128xf32, #tpu.memory_space<vmem>>, vector<16xf32>,
        %get3A_848 = arith.index_cast %add3A_469 : i32 to index
        %get3A_849 = arith.constant 112 : index
        %get3A_850 = tpu.vector_load %arg10[%get3A_848, %get3A_849] {strides = array<i32>} : memref<40x128xi32, #tpu.memory_space<vmem>>, vector<16xi32>,
        %bitcast3A_851 = vector.bitcast %get3A_850 : vector<16xi32> to vector<32xbf16>
        %get3A_852 = arith.index_cast %add3A_469 : i32 to index
        %get3A_853 = arith.constant 112 : index
        %get3A_854 = tpu.vector_load %arg11[%get3A_852, %get3A_853] {strides = array<i32>} : memref<40x128xi32, #tpu.memory_space<vmem>>, vector<16xi32>,
        %bitcast3A_855 = vector.bitcast %get3A_854 : vector<16xi32> to vector<32xbf16>
        %add3A_856 = arith.addf %bitcast3A_851, %bitcast3A_855 : vector<32xbf16>
        %get3A_857 = arith.index_cast %add3A_469 : i32 to index
        %get3A_858 = arith.constant 112 : index
        %get3A_859 = tpu.vector_load %arg12[%get3A_857, %get3A_858] {strides = array<i32>} : memref<40x128xi32, #tpu.memory_space<vmem>>, vector<16xi32>,
        %bitcast3A_860 = vector.bitcast %get3A_859 : vector<16xi32> to vector<32xbf16>
        %add3A_861 = arith.addf %add3A_856, %bitcast3A_860 : vector<32xbf16>
        %bitcast3A_862 = vector.bitcast %add3A_861 : vector<32xbf16> to vector<16xi32>
        %shift_left3A_863 = arith.constant 16 : i32
        %shift_left3A_864 = vector.broadcast %shift_left3A_863 : i32 to vector<16xi32>
        %shift_left3A_865 = arith.shli %bitcast3A_862, %shift_left3A_864 : vector<16xi32>
        %bitcast3A_866 = vector.bitcast %shift_left3A_865 : vector<16xi32> to vector<16xf32>
        %bitcast3A_867 = vector.bitcast %bitcast3A_862 : vector<16xi32> to vector<16xf32>
        %neg3A_868 = arith.constant 0.000000e+00 : f32
        %neg3A_869 = vector.broadcast %neg3A_868 : f32 to vector<16xf32>
        %neg3A_870 = arith.subf %neg3A_869, %bitcast3A_866 : vector<16xf32>
        %exp3A_871 = math.exp %neg3A_870 : vector<16xf32>
        %add3A_872 = arith.constant 1.000000e+00 : f32
        %add3A_873 = vector.broadcast %add3A_872 : f32 to vector<16xf32>
        %add3A_874 = arith.addf %add3A_873, %exp3A_871 : vector<16xf32>
        %div3A_875 = arith.constant 1.000000e+00 : f32
        %div3A_876 = vector.broadcast %div3A_875 : f32 to vector<16xf32>
        %div3A_877 = arith.divf %div3A_876, %add3A_874 : vector<16xf32>
        %abs3A_878 = math.absf %bitcast3A_867 : vector<16xf32>
        %neg3A_879 = arith.constant 0.000000e+00 : f32
        %neg3A_880 = vector.broadcast %neg3A_879 : f32 to vector<16xf32>
        %neg3A_881 = arith.subf %neg3A_880, %abs3A_878 : vector<16xf32>
        %exp3A_882 = math.exp %neg3A_881 : vector<16xf32>
        %add3A_883 = arith.constant 2.000000e+00 : f32
        %add3A_884 = vector.broadcast %add3A_883 : f32 to vector<16xf32>
        %add3A_885 = arith.addf %exp3A_882, %add3A_884 : vector<16xf32>
        %div3A_886 = arith.divf %exp3A_882, %add3A_885 : vector<16xf32>
        %mul3A_887 = arith.mulf %div3A_886, %div3A_886 : vector<16xf32>
        %mul3A_888 = arith.constant 0.666666686 : f32
        %mul3A_889 = vector.broadcast %mul3A_888 : f32 to vector<16xf32>
        %mul3A_890 = arith.mulf %mul3A_889, %mul3A_887 : vector<16xf32>
        %add3A_891 = arith.constant 2.000000e+00 : f32
        %add3A_892 = vector.broadcast %add3A_891 : f32 to vector<16xf32>
        %add3A_893 = arith.addf %mul3A_890, %add3A_892 : vector<16xf32>
        %max3A_894 = arith.constant 0.000000e+00 : f32
        %max3A_895 = vector.broadcast %max3A_894 : f32 to vector<16xf32>
        %max3A_896 = arith.maximumf %bitcast3A_867, %max3A_895 : vector<16xf32>
        %mul3A_897 = arith.mulf %add3A_893, %div3A_886 : vector<16xf32>
        %add3A_898 = arith.addf %max3A_896, %mul3A_897 : vector<16xf32>
        %mul3A_899 = arith.mulf %div3A_877, %add3A_898 : vector<16xf32>
        %swap3A_900 = arith.index_cast %add3A_469 : i32 to index
        %swap3A_901 = arith.constant 112 : index
        %swap3A_902 = tpu.vector_load %arg16[%swap3A_900, %swap3A_901] {strides = array<i32>} : memref<40x128xf32, #tpu.memory_space<vmem>>, vector<16xf32>,
        tpu.vector_store %arg16[%swap3A_900, %swap3A_901], %mul3A_899 {strides = array<i32>} : memref<40x128xf32, #tpu.memory_space<vmem>>, vector<16xf32>,
        %mul3A_903 = arith.constant 2 : i32
        %mul3A_904 = arith.muli %mul3A_903, %scan3A_465 : i32
        %add3A_905 = arith.constant 1 : i32
        %add3A_906 = arith.addi %mul3A_904, %add3A_905 : i32
        %get3A_907 = arith.index_cast %add3A_906 : i32 to index
        %get3A_908 = arith.constant 0 : index
        %get3A_909 = tpu.vector_load %arg10[%get3A_907, %get3A_908] {strides = array<i32>} : memref<40x128xi32, #tpu.memory_space<vmem>>, vector<16xi32>,
        %bitcast3A_910 = vector.bitcast %get3A_909 : vector<16xi32> to vector<32xbf16>
        %get3A_911 = arith.index_cast %add3A_906 : i32 to index
        %get3A_912 = arith.constant 0 : index
        %get3A_913 = tpu.vector_load %arg11[%get3A_911, %get3A_912] {strides = array<i32>} : memref<40x128xi32, #tpu.memory_space<vmem>>, vector<16xi32>,
        %bitcast3A_914 = vector.bitcast %get3A_913 : vector<16xi32> to vector<32xbf16>
        %add3A_915 = arith.addf %bitcast3A_910, %bitcast3A_914 : vector<32xbf16>
        %get3A_916 = arith.index_cast %add3A_906 : i32 to index
        %get3A_917 = arith.constant 0 : index
        %get3A_918 = tpu.vector_load %arg12[%get3A_916, %get3A_917] {strides = array<i32>} : memref<40x128xi32, #tpu.memory_space<vmem>>, vector<16xi32>,
        %bitcast3A_919 = vector.bitcast %get3A_918 : vector<16xi32> to vector<32xbf16>
        %add3A_920 = arith.addf %add3A_915, %bitcast3A_919 : vector<32xbf16>
        %bitcast3A_921 = vector.bitcast %add3A_920 : vector<32xbf16> to vector<16xi32>
        %shift_left3A_922 = arith.constant 16 : i32
        %shift_left3A_923 = vector.broadcast %shift_left3A_922 : i32 to vector<16xi32>
        %shift_left3A_924 = arith.shli %bitcast3A_921, %shift_left3A_923 : vector<16xi32>
        %bitcast3A_925 = vector.bitcast %shift_left3A_924 : vector<16xi32> to vector<16xf32>
        %bitcast3A_926 = vector.bitcast %bitcast3A_921 : vector<16xi32> to vector<16xf32>
        %neg3A_927 = arith.constant 0.000000e+00 : f32
        %neg3A_928 = vector.broadcast %neg3A_927 : f32 to vector<16xf32>
        %neg3A_929 = arith.subf %neg3A_928, %bitcast3A_925 : vector<16xf32>
        %exp3A_930 = math.exp %neg3A_929 : vector<16xf32>
        %add3A_931 = arith.constant 1.000000e+00 : f32
        %add3A_932 = vector.broadcast %add3A_931 : f32 to vector<16xf32>
        %add3A_933 = arith.addf %add3A_932, %exp3A_930 : vector<16xf32>
        %div3A_934 = arith.constant 1.000000e+00 : f32
        %div3A_935 = vector.broadcast %div3A_934 : f32 to vector<16xf32>
        %div3A_936 = arith.divf %div3A_935, %add3A_933 : vector<16xf32>
        %abs3A_937 = math.absf %bitcast3A_926 : vector<16xf32>
        %neg3A_938 = arith.constant 0.000000e+00 : f32
        %neg3A_939 = vector.broadcast %neg3A_938 : f32 to vector<16xf32>
        %neg3A_940 = arith.subf %neg3A_939, %abs3A_937 : vector<16xf32>
        %exp3A_941 = math.exp %neg3A_940 : vector<16xf32>
        %add3A_942 = arith.constant 2.000000e+00 : f32
        %add3A_943 = vector.broadcast %add3A_942 : f32 to vector<16xf32>
        %add3A_944 = arith.addf %exp3A_941, %add3A_943 : vector<16xf32>
        %div3A_945 = arith.divf %exp3A_941, %add3A_944 : vector<16xf32>
        %mul3A_946 = arith.mulf %div3A_945, %div3A_945 : vector<16xf32>
        %mul3A_947 = arith.constant 0.666666686 : f32
        %mul3A_948 = vector.broadcast %mul3A_947 : f32 to vector<16xf32>
        %mul3A_949 = arith.mulf %mul3A_948, %mul3A_946 : vector<16xf32>
        %add3A_950 = arith.constant 2.000000e+00 : f32
        %add3A_951 = vector.broadcast %add3A_950 : f32 to vector<16xf32>
        %add3A_952 = arith.addf %mul3A_949, %add3A_951 : vector<16xf32>
        %max3A_953 = arith.constant 0.000000e+00 : f32
        %max3A_954 = vector.broadcast %max3A_953 : f32 to vector<16xf32>
        %max3A_955 = arith.maximumf %bitcast3A_926, %max3A_954 : vector<16xf32>
        %mul3A_956 = arith.mulf %add3A_952, %div3A_945 : vector<16xf32>
        %add3A_957 = arith.addf %max3A_955, %mul3A_956 : vector<16xf32>
        %mul3A_958 = arith.mulf %div3A_936, %add3A_957 : vector<16xf32>
        %swap3A_959 = arith.index_cast %add3A_906 : i32 to index
        %swap3A_960 = arith.constant 0 : index
        %swap3A_961 = tpu.vector_load %arg16[%swap3A_959, %swap3A_960] {strides = array<i32>} : memref<40x128xf32, #tpu.memory_space<vmem>>, vector<16xf32>,
        tpu.vector_store %arg16[%swap3A_959, %swap3A_960], %mul3A_958 {strides = array<i32>} : memref<40x128xf32, #tpu.memory_space<vmem>>, vector<16xf32>,
        %get3A_962 = arith.index_cast %add3A_906 : i32 to index
        %get3A_963 = arith.constant 16 : index
        %get3A_964 = tpu.vector_load %arg10[%get3A_962, %get3A_963] {strides = array<i32>} : memref<40x128xi32, #tpu.memory_space<vmem>>, vector<16xi32>,
        %bitcast3A_965 = vector.bitcast %get3A_964 : vector<16xi32> to vector<32xbf16>
        %get3A_966 = arith.index_cast %add3A_906 : i32 to index
        %get3A_967 = arith.constant 16 : index
        %get3A_968 = tpu.vector_load %arg11[%get3A_966, %get3A_967] {strides = array<i32>} : memref<40x128xi32, #tpu.memory_space<vmem>>, vector<16xi32>,
        %bitcast3A_969 = vector.bitcast %get3A_968 : vector<16xi32> to vector<32xbf16>
        %add3A_970 = arith.addf %bitcast3A_965, %bitcast3A_969 : vector<32xbf16>
        %get3A_971 = arith.index_cast %add3A_906 : i32 to index
        %get3A_972 = arith.constant 16 : index
        %get3A_973 = tpu.vector_load %arg12[%get3A_971, %get3A_972] {strides = array<i32>} : memref<40x128xi32, #tpu.memory_space<vmem>>, vector<16xi32>,
        %bitcast3A_974 = vector.bitcast %get3A_973 : vector<16xi32> to vector<32xbf16>
        %add3A_975 = arith.addf %add3A_970, %bitcast3A_974 : vector<32xbf16>
        %bitcast3A_976 = vector.bitcast %add3A_975 : vector<32xbf16> to vector<16xi32>
        %shift_left3A_977 = arith.constant 16 : i32
        %shift_left3A_978 = vector.broadcast %shift_left3A_977 : i32 to vector<16xi32>
        %shift_left3A_979 = arith.shli %bitcast3A_976, %shift_left3A_978 : vector<16xi32>
        %bitcast3A_980 = vector.bitcast %shift_left3A_979 : vector<16xi32> to vector<16xf32>
        %bitcast3A_981 = vector.bitcast %bitcast3A_976 : vector<16xi32> to vector<16xf32>
        %neg3A_982 = arith.constant 0.000000e+00 : f32
        %neg3A_983 = vector.broadcast %neg3A_982 : f32 to vector<16xf32>
        %neg3A_984 = arith.subf %neg3A_983, %bitcast3A_980 : vector<16xf32>
        %exp3A_985 = math.exp %neg3A_984 : vector<16xf32>
        %add3A_986 = arith.constant 1.000000e+00 : f32
        %add3A_987 = vector.broadcast %add3A_986 : f32 to vector<16xf32>
        %add3A_988 = arith.addf %add3A_987, %exp3A_985 : vector<16xf32>
        %div3A_989 = arith.constant 1.000000e+00 : f32
        %div3A_990 = vector.broadcast %div3A_989 : f32 to vector<16xf32>
        %div3A_991 = arith.divf %div3A_990, %add3A_988 : vector<16xf32>
        %abs3A_992 = math.absf %bitcast3A_981 : vector<16xf32>
        %neg3A_993 = arith.constant 0.000000e+00 : f32
        %neg3A_994 = vector.broadcast %neg3A_993 : f32 to vector<16xf32>
        %neg3A_995 = arith.subf %neg3A_994, %abs3A_992 : vector<16xf32>
        %exp3A_996 = math.exp %neg3A_995 : vector<16xf32>
        %add3A_997 = arith.constant 2.000000e+00 : f32
        %add3A_998 = vector.broadcast %add3A_997 : f32 to vector<16xf32>
        %add3A_999 = arith.addf %exp3A_996, %add3A_998 : vector<16xf32>
        %div3A_1000 = arith.divf %exp3A_996, %add3A_999 : vector<16xf32>
        %mul3A_1001 = arith.mulf %div3A_1000, %div3A_1000 : vector<16xf32>
        %mul3A_1002 = arith.constant 0.666666686 : f32
        %mul3A_1003 = vector.broadcast %mul3A_1002 : f32 to vector<16xf32>
        %mul3A_1004 = arith.mulf %mul3A_1003, %mul3A_1001 : vector<16xf32>
        %add3A_1005 = arith.constant 2.000000e+00 : f32
        %add3A_1006 = vector.broadcast %add3A_1005 : f32 to vector<16xf32>
        %add3A_1007 = arith.addf %mul3A_1004, %add3A_1006 : vector<16xf32>
        %max3A_1008 = arith.constant 0.000000e+00 : f32
        %max3A_1009 = vector.broadcast %max3A_1008 : f32 to vector<16xf32>
        %max3A_1010 = arith.maximumf %bitcast3A_981, %max3A_1009 : vector<16xf32>
        %mul3A_1011 = arith.mulf %add3A_1007, %div3A_1000 : vector<16xf32>
        %add3A_1012 = arith.addf %max3A_1010, %mul3A_1011 : vector<16xf32>
        %mul3A_1013 = arith.mulf %div3A_991, %add3A_1012 : vector<16xf32>
        %swap3A_1014 = arith.index_cast %add3A_906 : i32 to index
        %swap3A_1015 = arith.constant 16 : index
        %swap3A_1016 = tpu.vector_load %arg16[%swap3A_1014, %swap3A_1015] {strides = array<i32>} : memref<40x128xf32, #tpu.memory_space<vmem>>, vector<16xf32>,
        tpu.vector_store %arg16[%swap3A_1014, %swap3A_1015], %mul3A_1013 {strides = array<i32>} : memref<40x128xf32, #tpu.memory_space<vmem>>, vector<16xf32>,
        %get3A_1017 = arith.index_cast %add3A_906 : i32 to index
        %get3A_1018 = arith.constant 32 : index
        %get3A_1019 = tpu.vector_load %arg10[%get3A_1017, %get3A_1018] {strides = array<i32>} : memref<40x128xi32, #tpu.memory_space<vmem>>, vector<16xi32>,
        %bitcast3A_1020 = vector.bitcast %get3A_1019 : vector<16xi32> to vector<32xbf16>
        %get3A_1021 = arith.index_cast %add3A_906 : i32 to index
        %get3A_1022 = arith.constant 32 : index
        %get3A_1023 = tpu.vector_load %arg11[%get3A_1021, %get3A_1022] {strides = array<i32>} : memref<40x128xi32, #tpu.memory_space<vmem>>, vector<16xi32>,
        %bitcast3A_1024 = vector.bitcast %get3A_1023 : vector<16xi32> to vector<32xbf16>
        %add3A_1025 = arith.addf %bitcast3A_1020, %bitcast3A_1024 : vector<32xbf16>
        %get3A_1026 = arith.index_cast %add3A_906 : i32 to index
        %get3A_1027 = arith.constant 32 : index
        %get3A_1028 = tpu.vector_load %arg12[%get3A_1026, %get3A_1027] {strides = array<i32>} : memref<40x128xi32, #tpu.memory_space<vmem>>, vector<16xi32>,
        %bitcast3A_1029 = vector.bitcast %get3A_1028 : vector<16xi32> to vector<32xbf16>
        %add3A_1030 = arith.addf %add3A_1025, %bitcast3A_1029 : vector<32xbf16>
        %bitcast3A_1031 = vector.bitcast %add3A_1030 : vector<32xbf16> to vector<16xi32>
        %shift_left3A_1032 = arith.constant 16 : i32
        %shift_left3A_1033 = vector.broadcast %shift_left3A_1032 : i32 to vector<16xi32>
        %shift_left3A_1034 = arith.shli %bitcast3A_1031, %shift_left3A_1033 : vector<16xi32>
        %bitcast3A_1035 = vector.bitcast %shift_left3A_1034 : vector<16xi32> to vector<16xf32>
        %bitcast3A_1036 = vector.bitcast %bitcast3A_1031 : vector<16xi32> to vector<16xf32>
        %neg3A_1037 = arith.constant 0.000000e+00 : f32
        %neg3A_1038 = vector.broadcast %neg3A_1037 : f32 to vector<16xf32>
        %neg3A_1039 = arith.subf %neg3A_1038, %bitcast3A_1035 : vector<16xf32>
        %exp3A_1040 = math.exp %neg3A_1039 : vector<16xf32>
        %add3A_1041 = arith.constant 1.000000e+00 : f32
        %add3A_1042 = vector.broadcast %add3A_1041 : f32 to vector<16xf32>
        %add3A_1043 = arith.addf %add3A_1042, %exp3A_1040 : vector<16xf32>
        %div3A_1044 = arith.constant 1.000000e+00 : f32
        %div3A_1045 = vector.broadcast %div3A_1044 : f32 to vector<16xf32>
        %div3A_1046 = arith.divf %div3A_1045, %add3A_1043 : vector<16xf32>
        %abs3A_1047 = math.absf %bitcast3A_1036 : vector<16xf32>
        %neg3A_1048 = arith.constant 0.000000e+00 : f32
        %neg3A_1049 = vector.broadcast %neg3A_1048 : f32 to vector<16xf32>
        %neg3A_1050 = arith.subf %neg3A_1049, %abs3A_1047 : vector<16xf32>
        %exp3A_1051 = math.exp %neg3A_1050 : vector<16xf32>
        %add3A_1052 = arith.constant 2.000000e+00 : f32
        %add3A_1053 = vector.broadcast %add3A_1052 : f32 to vector<16xf32>
        %add3A_1054 = arith.addf %exp3A_1051, %add3A_1053 : vector<16xf32>
        %div3A_1055 = arith.divf %exp3A_1051, %add3A_1054 : vector<16xf32>
        %mul3A_1056 = arith.mulf %div3A_1055, %div3A_1055 : vector<16xf32>
        %mul3A_1057 = arith.constant 0.666666686 : f32
        %mul3A_1058 = vector.broadcast %mul3A_1057 : f32 to vector<16xf32>
        %mul3A_1059 = arith.mulf %mul3A_1058, %mul3A_1056 : vector<16xf32>
        %add3A_1060 = arith.constant 2.000000e+00 : f32
        %add3A_1061 = vector.broadcast %add3A_1060 : f32 to vector<16xf32>
        %add3A_1062 = arith.addf %mul3A_1059, %add3A_1061 : vector<16xf32>
        %max3A_1063 = arith.constant 0.000000e+00 : f32
        %max3A_1064 = vector.broadcast %max3A_1063 : f32 to vector<16xf32>
        %max3A_1065 = arith.maximumf %bitcast3A_1036, %max3A_1064 : vector<16xf32>
        %mul3A_1066 = arith.mulf %add3A_1062, %div3A_1055 : vector<16xf32>
        %add3A_1067 = arith.addf %max3A_1065, %mul3A_1066 : vector<16xf32>
        %mul3A_1068 = arith.mulf %div3A_1046, %add3A_1067 : vector<16xf32>
        %swap3A_1069 = arith.index_cast %add3A_906 : i32 to index
        %swap3A_1070 = arith.constant 32 : index
        %swap3A_1071 = tpu.vector_load %arg16[%swap3A_1069, %swap3A_1070] {strides = array<i32>} : memref<40x128xf32, #tpu.memory_space<vmem>>, vector<16xf32>,
        tpu.vector_store %arg16[%swap3A_1069, %swap3A_1070], %mul3A_1068 {strides = array<i32>} : memref<40x128xf32, #tpu.memory_space<vmem>>, vector<16xf32>,
        %get3A_1072 = arith.index_cast %add3A_906 : i32 to index
        %get3A_1073 = arith.constant 48 : index
        %get3A_1074 = tpu.vector_load %arg10[%get3A_1072, %get3A_1073] {strides = array<i32>} : memref<40x128xi32, #tpu.memory_space<vmem>>, vector<16xi32>,
        %bitcast3A_1075 = vector.bitcast %get3A_1074 : vector<16xi32> to vector<32xbf16>
        %get3A_1076 = arith.index_cast %add3A_906 : i32 to index
        %get3A_1077 = arith.constant 48 : index
        %get3A_1078 = tpu.vector_load %arg11[%get3A_1076, %get3A_1077] {strides = array<i32>} : memref<40x128xi32, #tpu.memory_space<vmem>>, vector<16xi32>,
        %bitcast3A_1079 = vector.bitcast %get3A_1078 : vector<16xi32> to vector<32xbf16>
        %add3A_1080 = arith.addf %bitcast3A_1075, %bitcast3A_1079 : vector<32xbf16>
        %get3A_1081 = arith.index_cast %add3A_906 : i32 to index
        %get3A_1082 = arith.constant 48 : index
        %get3A_1083 = tpu.vector_load %arg12[%get3A_1081, %get3A_1082] {strides = array<i32>} : memref<40x128xi32, #tpu.memory_space<vmem>>, vector<16xi32>,
        %bitcast3A_1084 = vector.bitcast %get3A_1083 : vector<16xi32> to vector<32xbf16>
        %add3A_1085 = arith.addf %add3A_1080, %bitcast3A_1084 : vector<32xbf16>
        %bitcast3A_1086 = vector.bitcast %add3A_1085 : vector<32xbf16> to vector<16xi32>
        %shift_left3A_1087 = arith.constant 16 : i32
        %shift_left3A_1088 = vector.broadcast %shift_left3A_1087 : i32 to vector<16xi32>
        %shift_left3A_1089 = arith.shli %bitcast3A_1086, %shift_left3A_1088 : vector<16xi32>
        %bitcast3A_1090 = vector.bitcast %shift_left3A_1089 : vector<16xi32> to vector<16xf32>
        %bitcast3A_1091 = vector.bitcast %bitcast3A_1086 : vector<16xi32> to vector<16xf32>
        %neg3A_1092 = arith.constant 0.000000e+00 : f32
        %neg3A_1093 = vector.broadcast %neg3A_1092 : f32 to vector<16xf32>
        %neg3A_1094 = arith.subf %neg3A_1093, %bitcast3A_1090 : vector<16xf32>
        %exp3A_1095 = math.exp %neg3A_1094 : vector<16xf32>
        %add3A_1096 = arith.constant 1.000000e+00 : f32
        %add3A_1097 = vector.broadcast %add3A_1096 : f32 to vector<16xf32>
        %add3A_1098 = arith.addf %add3A_1097, %exp3A_1095 : vector<16xf32>
        %div3A_1099 = arith.constant 1.000000e+00 : f32
        %div3A_1100 = vector.broadcast %div3A_1099 : f32 to vector<16xf32>
        %div3A_1101 = arith.divf %div3A_1100, %add3A_1098 : vector<16xf32>
        %abs3A_1102 = math.absf %bitcast3A_1091 : vector<16xf32>
        %neg3A_1103 = arith.constant 0.000000e+00 : f32
        %neg3A_1104 = vector.broadcast %neg3A_1103 : f32 to vector<16xf32>
        %neg3A_1105 = arith.subf %neg3A_1104, %abs3A_1102 : vector<16xf32>
        %exp3A_1106 = math.exp %neg3A_1105 : vector<16xf32>
        %add3A_1107 = arith.constant 2.000000e+00 : f32
        %add3A_1108 = vector.broadcast %add3A_1107 : f32 to vector<16xf32>
        %add3A_1109 = arith.addf %exp3A_1106, %add3A_1108 : vector<16xf32>
        %div3A_1110 = arith.divf %exp3A_1106, %add3A_1109 : vector<16xf32>
        %mul3A_1111 = arith.mulf %div3A_1110, %div3A_1110 : vector<16xf32>
        %mul3A_1112 = arith.constant 0.666666686 : f32
        %mul3A_1113 = vector.broadcast %mul3A_1112 : f32 to vector<16xf32>
        %mul3A_1114 = arith.mulf %mul3A_1113, %mul3A_1111 : vector<16xf32>
        %add3A_1115 = arith.constant 2.000000e+00 : f32
        %add3A_1116 = vector.broadcast %add3A_1115 : f32 to vector<16xf32>
        %add3A_1117 = arith.addf %mul3A_1114, %add3A_1116 : vector<16xf32>
        %max3A_1118 = arith.constant 0.000000e+00 : f32
        %max3A_1119 = vector.broadcast %max3A_1118 : f32 to vector<16xf32>
        %max3A_1120 = arith.maximumf %bitcast3A_1091, %max3A_1119 : vector<16xf32>
        %mul3A_1121 = arith.mulf %add3A_1117, %div3A_1110 : vector<16xf32>
        %add3A_1122 = arith.addf %max3A_1120, %mul3A_1121 : vector<16xf32>
        %mul3A_1123 = arith.mulf %div3A_1101, %add3A_1122 : vector<16xf32>
        %swap3A_1124 = arith.index_cast %add3A_906 : i32 to index
        %swap3A_1125 = arith.constant 48 : index
        %swap3A_1126 = tpu.vector_load %arg16[%swap3A_1124, %swap3A_1125] {strides = array<i32>} : memref<40x128xf32, #tpu.memory_space<vmem>>, vector<16xf32>,
        tpu.vector_store %arg16[%swap3A_1124, %swap3A_1125], %mul3A_1123 {strides = array<i32>} : memref<40x128xf32, #tpu.memory_space<vmem>>, vector<16xf32>,
        %get3A_1127 = arith.index_cast %add3A_906 : i32 to index
        %get3A_1128 = arith.constant 64 : index
        %get3A_1129 = tpu.vector_load %arg10[%get3A_1127, %get3A_1128] {strides = array<i32>} : memref<40x128xi32, #tpu.memory_space<vmem>>, vector<16xi32>,
        %bitcast3A_1130 = vector.bitcast %get3A_1129 : vector<16xi32> to vector<32xbf16>
        %get3A_1131 = arith.index_cast %add3A_906 : i32 to index
        %get3A_1132 = arith.constant 64 : index
        %get3A_1133 = tpu.vector_load %arg11[%get3A_1131, %get3A_1132] {strides = array<i32>} : memref<40x128xi32, #tpu.memory_space<vmem>>, vector<16xi32>,
        %bitcast3A_1134 = vector.bitcast %get3A_1133 : vector<16xi32> to vector<32xbf16>
        %add3A_1135 = arith.addf %bitcast3A_1130, %bitcast3A_1134 : vector<32xbf16>
        %get3A_1136 = arith.index_cast %add3A_906 : i32 to index
        %get3A_1137 = arith.constant 64 : index
        %get3A_1138 = tpu.vector_load %arg12[%get3A_1136, %get3A_1137] {strides = array<i32>} : memref<40x128xi32, #tpu.memory_space<vmem>>, vector<16xi32>,
        %bitcast3A_1139 = vector.bitcast %get3A_1138 : vector<16xi32> to vector<32xbf16>
        %add3A_1140 = arith.addf %add3A_1135, %bitcast3A_1139 : vector<32xbf16>
        %bitcast3A_1141 = vector.bitcast %add3A_1140 : vector<32xbf16> to vector<16xi32>
        %shift_left3A_1142 = arith.constant 16 : i32
        %shift_left3A_1143 = vector.broadcast %shift_left3A_1142 : i32 to vector<16xi32>
        %shift_left3A_1144 = arith.shli %bitcast3A_1141, %shift_left3A_1143 : vector<16xi32>
        %bitcast3A_1145 = vector.bitcast %shift_left3A_1144 : vector<16xi32> to vector<16xf32>
        %bitcast3A_1146 = vector.bitcast %bitcast3A_1141 : vector<16xi32> to vector<16xf32>
        %neg3A_1147 = arith.constant 0.000000e+00 : f32
        %neg3A_1148 = vector.broadcast %neg3A_1147 : f32 to vector<16xf32>
        %neg3A_1149 = arith.subf %neg3A_1148, %bitcast3A_1145 : vector<16xf32>
        %exp3A_1150 = math.exp %neg3A_1149 : vector<16xf32>
        %add3A_1151 = arith.constant 1.000000e+00 : f32
        %add3A_1152 = vector.broadcast %add3A_1151 : f32 to vector<16xf32>
        %add3A_1153 = arith.addf %add3A_1152, %exp3A_1150 : vector<16xf32>
        %div3A_1154 = arith.constant 1.000000e+00 : f32
        %div3A_1155 = vector.broadcast %div3A_1154 : f32 to vector<16xf32>
        %div3A_1156 = arith.divf %div3A_1155, %add3A_1153 : vector<16xf32>
        %abs3A_1157 = math.absf %bitcast3A_1146 : vector<16xf32>
        %neg3A_1158 = arith.constant 0.000000e+00 : f32
        %neg3A_1159 = vector.broadcast %neg3A_1158 : f32 to vector<16xf32>
        %neg3A_1160 = arith.subf %neg3A_1159, %abs3A_1157 : vector<16xf32>
        %exp3A_1161 = math.exp %neg3A_1160 : vector<16xf32>
        %add3A_1162 = arith.constant 2.000000e+00 : f32
        %add3A_1163 = vector.broadcast %add3A_1162 : f32 to vector<16xf32>
        %add3A_1164 = arith.addf %exp3A_1161, %add3A_1163 : vector<16xf32>
        %div3A_1165 = arith.divf %exp3A_1161, %add3A_1164 : vector<16xf32>
        %mul3A_1166 = arith.mulf %div3A_1165, %div3A_1165 : vector<16xf32>
        %mul3A_1167 = arith.constant 0.666666686 : f32
        %mul3A_1168 = vector.broadcast %mul3A_1167 : f32 to vector<16xf32>
        %mul3A_1169 = arith.mulf %mul3A_1168, %mul3A_1166 : vector<16xf32>
        %add3A_1170 = arith.constant 2.000000e+00 : f32
        %add3A_1171 = vector.broadcast %add3A_1170 : f32 to vector<16xf32>
        %add3A_1172 = arith.addf %mul3A_1169, %add3A_1171 : vector<16xf32>
        %max3A_1173 = arith.constant 0.000000e+00 : f32
        %max3A_1174 = vector.broadcast %max3A_1173 : f32 to vector<16xf32>
        %max3A_1175 = arith.maximumf %bitcast3A_1146, %max3A_1174 : vector<16xf32>
        %mul3A_1176 = arith.mulf %add3A_1172, %div3A_1165 : vector<16xf32>
        %add3A_1177 = arith.addf %max3A_1175, %mul3A_1176 : vector<16xf32>
        %mul3A_1178 = arith.mulf %div3A_1156, %add3A_1177 : vector<16xf32>
        %swap3A_1179 = arith.index_cast %add3A_906 : i32 to index
        %swap3A_1180 = arith.constant 64 : index
        %swap3A_1181 = tpu.vector_load %arg16[%swap3A_1179, %swap3A_1180] {strides = array<i32>} : memref<40x128xf32, #tpu.memory_space<vmem>>, vector<16xf32>,
        tpu.vector_store %arg16[%swap3A_1179, %swap3A_1180], %mul3A_1178 {strides = array<i32>} : memref<40x128xf32, #tpu.memory_space<vmem>>, vector<16xf32>,
        %get3A_1182 = arith.index_cast %add3A_906 : i32 to index
        %get3A_1183 = arith.constant 80 : index
        %get3A_1184 = tpu.vector_load %arg10[%get3A_1182, %get3A_1183] {strides = array<i32>} : memref<40x128xi32, #tpu.memory_space<vmem>>, vector<16xi32>,
        %bitcast3A_1185 = vector.bitcast %get3A_1184 : vector<16xi32> to vector<32xbf16>
        %get3A_1186 = arith.index_cast %add3A_906 : i32 to index
        %get3A_1187 = arith.constant 80 : index
        %get3A_1188 = tpu.vector_load %arg11[%get3A_1186, %get3A_1187] {strides = array<i32>} : memref<40x128xi32, #tpu.memory_space<vmem>>, vector<16xi32>,
        %bitcast3A_1189 = vector.bitcast %get3A_1188 : vector<16xi32> to vector<32xbf16>
        %add3A_1190 = arith.addf %bitcast3A_1185, %bitcast3A_1189 : vector<32xbf16>
        %get3A_1191 = arith.index_cast %add3A_906 : i32 to index
        %get3A_1192 = arith.constant 80 : index
        %get3A_1193 = tpu.vector_load %arg12[%get3A_1191, %get3A_1192] {strides = array<i32>} : memref<40x128xi32, #tpu.memory_space<vmem>>, vector<16xi32>,
        %bitcast3A_1194 = vector.bitcast %get3A_1193 : vector<16xi32> to vector<32xbf16>
        %add3A_1195 = arith.addf %add3A_1190, %bitcast3A_1194 : vector<32xbf16>
        %bitcast3A_1196 = vector.bitcast %add3A_1195 : vector<32xbf16> to vector<16xi32>
        %shift_left3A_1197 = arith.constant 16 : i32
        %shift_left3A_1198 = vector.broadcast %shift_left3A_1197 : i32 to vector<16xi32>
        %shift_left3A_1199 = arith.shli %bitcast3A_1196, %shift_left3A_1198 : vector<16xi32>
        %bitcast3A_1200 = vector.bitcast %shift_left3A_1199 : vector<16xi32> to vector<16xf32>
        %bitcast3A_1201 = vector.bitcast %bitcast3A_1196 : vector<16xi32> to vector<16xf32>
        %neg3A_1202 = arith.constant 0.000000e+00 : f32
        %neg3A_1203 = vector.broadcast %neg3A_1202 : f32 to vector<16xf32>
        %neg3A_1204 = arith.subf %neg3A_1203, %bitcast3A_1200 : vector<16xf32>
        %exp3A_1205 = math.exp %neg3A_1204 : vector<16xf32>
        %add3A_1206 = arith.constant 1.000000e+00 : f32
        %add3A_1207 = vector.broadcast %add3A_1206 : f32 to vector<16xf32>
        %add3A_1208 = arith.addf %add3A_1207, %exp3A_1205 : vector<16xf32>
        %div3A_1209 = arith.constant 1.000000e+00 : f32
        %div3A_1210 = vector.broadcast %div3A_1209 : f32 to vector<16xf32>
        %div3A_1211 = arith.divf %div3A_1210, %add3A_1208 : vector<16xf32>
        %abs3A_1212 = math.absf %bitcast3A_1201 : vector<16xf32>
        %neg3A_1213 = arith.constant 0.000000e+00 : f32
        %neg3A_1214 = vector.broadcast %neg3A_1213 : f32 to vector<16xf32>
        %neg3A_1215 = arith.subf %neg3A_1214, %abs3A_1212 : vector<16xf32>
        %exp3A_1216 = math.exp %neg3A_1215 : vector<16xf32>
        %add3A_1217 = arith.constant 2.000000e+00 : f32
        %add3A_1218 = vector.broadcast %add3A_1217 : f32 to vector<16xf32>
        %add3A_1219 = arith.addf %exp3A_1216, %add3A_1218 : vector<16xf32>
        %div3A_1220 = arith.divf %exp3A_1216, %add3A_1219 : vector<16xf32>
        %mul3A_1221 = arith.mulf %div3A_1220, %div3A_1220 : vector<16xf32>
        %mul3A_1222 = arith.constant 0.666666686 : f32
        %mul3A_1223 = vector.broadcast %mul3A_1222 : f32 to vector<16xf32>
        %mul3A_1224 = arith.mulf %mul3A_1223, %mul3A_1221 : vector<16xf32>
        %add3A_1225 = arith.constant 2.000000e+00 : f32
        %add3A_1226 = vector.broadcast %add3A_1225 : f32 to vector<16xf32>
        %add3A_1227 = arith.addf %mul3A_1224, %add3A_1226 : vector<16xf32>
        %max3A_1228 = arith.constant 0.000000e+00 : f32
        %max3A_1229 = vector.broadcast %max3A_1228 : f32 to vector<16xf32>
        %max3A_1230 = arith.maximumf %bitcast3A_1201, %max3A_1229 : vector<16xf32>
        %mul3A_1231 = arith.mulf %add3A_1227, %div3A_1220 : vector<16xf32>
        %add3A_1232 = arith.addf %max3A_1230, %mul3A_1231 : vector<16xf32>
        %mul3A_1233 = arith.mulf %div3A_1211, %add3A_1232 : vector<16xf32>
        %swap3A_1234 = arith.index_cast %add3A_906 : i32 to index
        %swap3A_1235 = arith.constant 80 : index
        %swap3A_1236 = tpu.vector_load %arg16[%swap3A_1234, %swap3A_1235] {strides = array<i32>} : memref<40x128xf32, #tpu.memory_space<vmem>>, vector<16xf32>,
        tpu.vector_store %arg16[%swap3A_1234, %swap3A_1235], %mul3A_1233 {strides = array<i32>} : memref<40x128xf32, #tpu.memory_space<vmem>>, vector<16xf32>,
        %get3A_1237 = arith.index_cast %add3A_906 : i32 to index
        %get3A_1238 = arith.constant 96 : index
        %get3A_1239 = tpu.vector_load %arg10[%get3A_1237, %get3A_1238] {strides = array<i32>} : memref<40x128xi32, #tpu.memory_space<vmem>>, vector<16xi32>,
        %bitcast3A_1240 = vector.bitcast %get3A_1239 : vector<16xi32> to vector<32xbf16>
        %get3A_1241 = arith.index_cast %add3A_906 : i32 to index
        %get3A_1242 = arith.constant 96 : index
        %get3A_1243 = tpu.vector_load %arg11[%get3A_1241, %get3A_1242] {strides = array<i32>} : memref<40x128xi32, #tpu.memory_space<vmem>>, vector<16xi32>,
        %bitcast3A_1244 = vector.bitcast %get3A_1243 : vector<16xi32> to vector<32xbf16>
        %add3A_1245 = arith.addf %bitcast3A_1240, %bitcast3A_1244 : vector<32xbf16>
        %get3A_1246 = arith.index_cast %add3A_906 : i32 to index
        %get3A_1247 = arith.constant 96 : index
        %get3A_1248 = tpu.vector_load %arg12[%get3A_1246, %get3A_1247] {strides = array<i32>} : memref<40x128xi32, #tpu.memory_space<vmem>>, vector<16xi32>,
        %bitcast3A_1249 = vector.bitcast %get3A_1248 : vector<16xi32> to vector<32xbf16>
        %add3A_1250 = arith.addf %add3A_1245, %bitcast3A_1249 : vector<32xbf16>
        %bitcast3A_1251 = vector.bitcast %add3A_1250 : vector<32xbf16> to vector<16xi32>
        %shift_left3A_1252 = arith.constant 16 : i32
        %shift_left3A_1253 = vector.broadcast %shift_left3A_1252 : i32 to vector<16xi32>
        %shift_left3A_1254 = arith.shli %bitcast3A_1251, %shift_left3A_1253 : vector<16xi32>
        %bitcast3A_1255 = vector.bitcast %shift_left3A_1254 : vector<16xi32> to vector<16xf32>
        %bitcast3A_1256 = vector.bitcast %bitcast3A_1251 : vector<16xi32> to vector<16xf32>
        %neg3A_1257 = arith.constant 0.000000e+00 : f32
        %neg3A_1258 = vector.broadcast %neg3A_1257 : f32 to vector<16xf32>
        %neg3A_1259 = arith.subf %neg3A_1258, %bitcast3A_1255 : vector<16xf32>
        %exp3A_1260 = math.exp %neg3A_1259 : vector<16xf32>
        %add3A_1261 = arith.constant 1.000000e+00 : f32
        %add3A_1262 = vector.broadcast %add3A_1261 : f32 to vector<16xf32>
        %add3A_1263 = arith.addf %add3A_1262, %exp3A_1260 : vector<16xf32>
        %div3A_1264 = arith.constant 1.000000e+00 : f32
        %div3A_1265 = vector.broadcast %div3A_1264 : f32 to vector<16xf32>
        %div3A_1266 = arith.divf %div3A_1265, %add3A_1263 : vector<16xf32>
        %abs3A_1267 = math.absf %bitcast3A_1256 : vector<16xf32>
        %neg3A_1268 = arith.constant 0.000000e+00 : f32
        %neg3A_1269 = vector.broadcast %neg3A_1268 : f32 to vector<16xf32>
        %neg3A_1270 = arith.subf %neg3A_1269, %abs3A_1267 : vector<16xf32>
        %exp3A_1271 = math.exp %neg3A_1270 : vector<16xf32>
        %add3A_1272 = arith.constant 2.000000e+00 : f32
        %add3A_1273 = vector.broadcast %add3A_1272 : f32 to vector<16xf32>
        %add3A_1274 = arith.addf %exp3A_1271, %add3A_1273 : vector<16xf32>
        %div3A_1275 = arith.divf %exp3A_1271, %add3A_1274 : vector<16xf32>
        %mul3A_1276 = arith.mulf %div3A_1275, %div3A_1275 : vector<16xf32>
        %mul3A_1277 = arith.constant 0.666666686 : f32
        %mul3A_1278 = vector.broadcast %mul3A_1277 : f32 to vector<16xf32>
        %mul3A_1279 = arith.mulf %mul3A_1278, %mul3A_1276 : vector<16xf32>
        %add3A_1280 = arith.constant 2.000000e+00 : f32
        %add3A_1281 = vector.broadcast %add3A_1280 : f32 to vector<16xf32>
        %add3A_1282 = arith.addf %mul3A_1279, %add3A_1281 : vector<16xf32>
        %max3A_1283 = arith.constant 0.000000e+00 : f32
        %max3A_1284 = vector.broadcast %max3A_1283 : f32 to vector<16xf32>
        %max3A_1285 = arith.maximumf %bitcast3A_1256, %max3A_1284 : vector<16xf32>
        %mul3A_1286 = arith.mulf %add3A_1282, %div3A_1275 : vector<16xf32>
        %add3A_1287 = arith.addf %max3A_1285, %mul3A_1286 : vector<16xf32>
        %mul3A_1288 = arith.mulf %div3A_1266, %add3A_1287 : vector<16xf32>
        %swap3A_1289 = arith.index_cast %add3A_906 : i32 to index
        %swap3A_1290 = arith.constant 96 : index
        %swap3A_1291 = tpu.vector_load %arg16[%swap3A_1289, %swap3A_1290] {strides = array<i32>} : memref<40x128xf32, #tpu.memory_space<vmem>>, vector<16xf32>,
        tpu.vector_store %arg16[%swap3A_1289, %swap3A_1290], %mul3A_1288 {strides = array<i32>} : memref<40x128xf32, #tpu.memory_space<vmem>>, vector<16xf32>,
        %get3A_1292 = arith.index_cast %add3A_906 : i32 to index
        %get3A_1293 = arith.constant 112 : index
        %get3A_1294 = tpu.vector_load %arg10[%get3A_1292, %get3A_1293] {strides = array<i32>} : memref<40x128xi32, #tpu.memory_space<vmem>>, vector<16xi32>,
        %bitcast3A_1295 = vector.bitcast %get3A_1294 : vector<16xi32> to vector<32xbf16>
        %get3A_1296 = arith.index_cast %add3A_906 : i32 to index
        %get3A_1297 = arith.constant 112 : index
        %get3A_1298 = tpu.vector_load %arg11[%get3A_1296, %get3A_1297] {strides = array<i32>} : memref<40x128xi32, #tpu.memory_space<vmem>>, vector<16xi32>,
        %bitcast3A_1299 = vector.bitcast %get3A_1298 : vector<16xi32> to vector<32xbf16>
        %add3A_1300 = arith.addf %bitcast3A_1295, %bitcast3A_1299 : vector<32xbf16>
        %get3A_1301 = arith.index_cast %add3A_906 : i32 to index
        %get3A_1302 = arith.constant 112 : index
        %get3A_1303 = tpu.vector_load %arg12[%get3A_1301, %get3A_1302] {strides = array<i32>} : memref<40x128xi32, #tpu.memory_space<vmem>>, vector<16xi32>,
        %bitcast3A_1304 = vector.bitcast %get3A_1303 : vector<16xi32> to vector<32xbf16>
        %add3A_1305 = arith.addf %add3A_1300, %bitcast3A_1304 : vector<32xbf16>
        %bitcast3A_1306 = vector.bitcast %add3A_1305 : vector<32xbf16> to vector<16xi32>
        %shift_left3A_1307 = arith.constant 16 : i32
        %shift_left3A_1308 = vector.broadcast %shift_left3A_1307 : i32 to vector<16xi32>
        %shift_left3A_1309 = arith.shli %bitcast3A_1306, %shift_left3A_1308 : vector<16xi32>
        %bitcast3A_1310 = vector.bitcast %shift_left3A_1309 : vector<16xi32> to vector<16xf32>
        %bitcast3A_1311 = vector.bitcast %bitcast3A_1306 : vector<16xi32> to vector<16xf32>
        %neg3A_1312 = arith.constant 0.000000e+00 : f32
        %neg3A_1313 = vector.broadcast %neg3A_1312 : f32 to vector<16xf32>
        %neg3A_1314 = arith.subf %neg3A_1313, %bitcast3A_1310 : vector<16xf32>
        %exp3A_1315 = math.exp %neg3A_1314 : vector<16xf32>
        %add3A_1316 = arith.constant 1.000000e+00 : f32
        %add3A_1317 = vector.broadcast %add3A_1316 : f32 to vector<16xf32>
        %add3A_1318 = arith.addf %add3A_1317, %exp3A_1315 : vector<16xf32>
        %div3A_1319 = arith.constant 1.000000e+00 : f32
        %div3A_1320 = vector.broadcast %div3A_1319 : f32 to vector<16xf32>
        %div3A_1321 = arith.divf %div3A_1320, %add3A_1318 : vector<16xf32>
        %abs3A_1322 = math.absf %bitcast3A_1311 : vector<16xf32>
        %neg3A_1323 = arith.constant 0.000000e+00 : f32
        %neg3A_1324 = vector.broadcast %neg3A_1323 : f32 to vector<16xf32>
        %neg3A_1325 = arith.subf %neg3A_1324, %abs3A_1322 : vector<16xf32>
        %exp3A_1326 = math.exp %neg3A_1325 : vector<16xf32>
        %add3A_1327 = arith.constant 2.000000e+00 : f32
        %add3A_1328 = vector.broadcast %add3A_1327 : f32 to vector<16xf32>
        %add3A_1329 = arith.addf %exp3A_1326, %add3A_1328 : vector<16xf32>
        %div3A_1330 = arith.divf %exp3A_1326, %add3A_1329 : vector<16xf32>
        %mul3A_1331 = arith.mulf %div3A_1330, %div3A_1330 : vector<16xf32>
        %mul3A_1332 = arith.constant 0.666666686 : f32
        %mul3A_1333 = vector.broadcast %mul3A_1332 : f32 to vector<16xf32>
        %mul3A_1334 = arith.mulf %mul3A_1333, %mul3A_1331 : vector<16xf32>
        %add3A_1335 = arith.constant 2.000000e+00 : f32
        %add3A_1336 = vector.broadcast %add3A_1335 : f32 to vector<16xf32>
        %add3A_1337 = arith.addf %mul3A_1334, %add3A_1336 : vector<16xf32>
        %max3A_1338 = arith.constant 0.000000e+00 : f32
        %max3A_1339 = vector.broadcast %max3A_1338 : f32 to vector<16xf32>
        %max3A_1340 = arith.maximumf %bitcast3A_1311, %max3A_1339 : vector<16xf32>
        %mul3A_1341 = arith.mulf %add3A_1337, %div3A_1330 : vector<16xf32>
        %add3A_1342 = arith.addf %max3A_1340, %mul3A_1341 : vector<16xf32>
        %mul3A_1343 = arith.mulf %div3A_1321, %add3A_1342 : vector<16xf32>
        %swap3A_1344 = arith.index_cast %add3A_906 : i32 to index
        %swap3A_1345 = arith.constant 112 : index
        %swap3A_1346 = tpu.vector_load %arg16[%swap3A_1344, %swap3A_1345] {strides = array<i32>} : memref<40x128xf32, #tpu.memory_space<vmem>>, vector<16xf32>,
        tpu.vector_store %arg16[%swap3A_1344, %swap3A_1345], %mul3A_1343 {strides = array<i32>} : memref<40x128xf32, #tpu.memory_space<vmem>>, vector<16xf32>,
      }
      %scan3A_297 = arith.constant 20 : i32
      %dma_start3A_298 = arith.constant 0 : i32
      %dma_start3A_299 = arith.constant 0 : i32
      %dma_start3A_300 = tpu.memref_slice %arg18[%dma_start3A_298, %dma_start3A_299] : memref<2x40xi32, #tpu.memory_space<vmem>> -> memref<1x40xi32, #tpu.memory_space<vmem>>
      %dma_start3A_301 = tpu.memref_squeeze %dma_start3A_300 : memref<1x40xi32, #tpu.memory_space<vmem>> -> memref<40xi32, #tpu.memory_space<vmem>>
      %dma_start3A_302 = arith.constant 0 : i32
      %dma_start3A_303 = arith.constant 0 : i32
      %dma_start3A_304 = tpu.memref_slice %arg19[%dma_start3A_302, %dma_start3A_303] : memref<10240x128xf32, #tpu.memory_space<vmem_shared>> -> memref<10240x128xf32, #tpu.memory_space<vmem_shared>>
      tpu.enqueue_indirect_dma source(%arg16 : memref<40x128xf32, #tpu.memory_space<vmem>>) target(%dma_start3A_304 : memref<10240x128xf32, #tpu.memory_space<vmem_shared>>) offsets(%dma_start3A_301 : memref<40xi32, #tpu.memory_space<vmem>>) semaphore(%arg24 : memref<!tpu.dma_semaphore, #tpu.memory_space<semaphore_mem>>) {add = true}
      %add3A_305 = arith.constant 2 : i32
      %add3A_306 = arith.addi %mul3A_199, %add3A_305 : i32
      %min3A_307 = arith.constant 249 : i32
      %min3A_308 = arith.minsi %add3A_306, %min3A_307 : i32
      %mul3A_309 = arith.constant 40 : i32
      %mul3A_310 = arith.muli %min3A_308, %mul3A_309 : i32
      %add3A_311 = arith.addi %mul3A_2, %mul3A_310 : i32
      %dma_start3A_312 = arith.constant 0 : i32
      %dma_start3A_313 = arith.constant 0 : i32
      %dma_start3A_314 = tpu.memref_slice %arg8[%dma_start3A_312, %dma_start3A_313] : memref<2x40xi32, #tpu.memory_space<vmem>> -> memref<1x40xi32, #tpu.memory_space<vmem>>
      %dma_start3A_315 = tpu.memref_squeeze %dma_start3A_314 : memref<1x40xi32, #tpu.memory_space<vmem>> -> memref<40xi32, #tpu.memory_space<vmem>>
      %dma_start3A_316 = tpu.memref_slice %arg5[%add3A_311] : memref<320000xi32, #tpu.memory_space<hbm>> -> memref<40xi32, #tpu.memory_space<hbm>>
      %dma_start3A_317 = arith.constant 0 : i32
      %dma_start3A_318 = tpu.memref_slice %arg8[%dma_start3A_312, %dma_start3A_317] : memref<2x40xi32, #tpu.memory_space<vmem>> -> memref<1x40xi32, #tpu.memory_space<vmem>>
      %dma_start3A_319 = tpu.memref_squeeze %dma_start3A_318 : memref<1x40xi32, #tpu.memory_space<vmem>> -> memref<40xi32, #tpu.memory_space<vmem>>
      %dma_start3A_320 = tpu.memref_slice %arg5[%add3A_311] : memref<320000xi32, #tpu.memory_space<hbm>> -> memref<40xi32, #tpu.memory_space<hbm>>
      tpu.enqueue_dma source(%dma_start3A_320 : memref<40xi32, #tpu.memory_space<hbm>>) target(%dma_start3A_319 : memref<40xi32, #tpu.memory_space<vmem>>) target_semaphore(%arg22 : memref<!tpu.dma_semaphore, #tpu.memory_space<semaphore_mem>>)
      %dma_start3A_321 = arith.constant 0 : i32
      %dma_start3A_322 = arith.constant 0 : i32
      %dma_start3A_323 = tpu.memref_slice %arg9[%dma_start3A_321, %dma_start3A_322] : memref<2x40xi32, #tpu.memory_space<vmem>> -> memref<1x40xi32, #tpu.memory_space<vmem>>
      %dma_start3A_324 = tpu.memref_squeeze %dma_start3A_323 : memref<1x40xi32, #tpu.memory_space<vmem>> -> memref<40xi32, #tpu.memory_space<vmem>>
      %dma_start3A_325 = tpu.memref_slice %arg6[%add3A_311] : memref<320000xi32, #tpu.memory_space<hbm>> -> memref<40xi32, #tpu.memory_space<hbm>>
      %dma_start3A_326 = arith.constant 0 : i32
      %dma_start3A_327 = tpu.memref_slice %arg9[%dma_start3A_321, %dma_start3A_326] : memref<2x40xi32, #tpu.memory_space<vmem>> -> memref<1x40xi32, #tpu.memory_space<vmem>>
      %dma_start3A_328 = tpu.memref_squeeze %dma_start3A_327 : memref<1x40xi32, #tpu.memory_space<vmem>> -> memref<40xi32, #tpu.memory_space<vmem>>
      %dma_start3A_329 = tpu.memref_slice %arg6[%add3A_311] : memref<320000xi32, #tpu.memory_space<hbm>> -> memref<40xi32, #tpu.memory_space<hbm>>
      tpu.enqueue_dma source(%dma_start3A_329 : memref<40xi32, #tpu.memory_space<hbm>>) target(%dma_start3A_328 : memref<40xi32, #tpu.memory_space<vmem>>) target_semaphore(%arg22 : memref<!tpu.dma_semaphore, #tpu.memory_space<semaphore_mem>>)
      %mul3A_330 = arith.constant 2 : i32
      %mul3A_331 = arith.muli %mul3A_330, %scan3A_197 : i32
      %add3A_332 = arith.constant 1 : i32
      %add3A_333 = arith.addi %mul3A_331, %add3A_332 : i32
      %dma_wait3A_334 = arith.constant 0 : i32
      %dma_wait3A_335 = arith.constant 0 : i32
      %dma_wait3A_336 = tpu.memref_slice %arg4[%dma_wait3A_334, %dma_wait3A_335] : memref<320000x128xi32, #tpu.memory_space<hbm>> -> memref<40x128xi32, #tpu.memory_space<hbm>>
      %dma_wait3A_337 = arith.constant 0 : i32
      %dma_wait3A_338 = arith.constant 0 : i32
      %dma_wait3A_339 = tpu.memref_slice %arg4[%dma_wait3A_337, %dma_wait3A_338] : memref<320000x128xi32, #tpu.memory_space<hbm>> -> memref<40x128xi32, #tpu.memory_space<hbm>>
      tpu.wait_dma2 semaphore(%arg21 : memref<!tpu.dma_semaphore, #tpu.memory_space<semaphore_mem>>) src(%dma_wait3A_339 : memref<40x128xi32, #tpu.memory_space<hbm>>) dst(%arg13 : memref<40x128xi32, #tpu.memory_space<vmem>>)
      %dma_wait3A_340 = arith.constant 0 : i32
      %dma_wait3A_341 = arith.constant 0 : i32
      %dma_wait3A_342 = tpu.memref_slice %arg4[%dma_wait3A_340, %dma_wait3A_341] : memref<320000x128xi32, #tpu.memory_space<hbm>> -> memref<40x128xi32, #tpu.memory_space<hbm>>
      %dma_wait3A_343 = arith.constant 0 : i32
      %dma_wait3A_344 = arith.constant 0 : i32
      %dma_wait3A_345 = tpu.memref_slice %arg4[%dma_wait3A_343, %dma_wait3A_344] : memref<320000x128xi32, #tpu.memory_space<hbm>> -> memref<40x128xi32, #tpu.memory_space<hbm>>
      tpu.wait_dma2 semaphore(%arg21 : memref<!tpu.dma_semaphore, #tpu.memory_space<semaphore_mem>>) src(%dma_wait3A_345 : memref<40x128xi32, #tpu.memory_space<hbm>>) dst(%arg14 : memref<40x128xi32, #tpu.memory_space<vmem>>)
      %dma_wait3A_346 = arith.constant 0 : i32
      %dma_wait3A_347 = arith.constant 0 : i32
      %dma_wait3A_348 = tpu.memref_slice %arg4[%dma_wait3A_346, %dma_wait3A_347] : memref<320000x128xi32, #tpu.memory_space<hbm>> -> memref<40x128xi32, #tpu.memory_space<hbm>>
      %dma_wait3A_349 = arith.constant 0 : i32
      %dma_wait3A_350 = arith.constant 0 : i32
      %dma_wait3A_351 = tpu.memref_slice %arg4[%dma_wait3A_349, %dma_wait3A_350] : memref<320000x128xi32, #tpu.memory_space<hbm>> -> memref<40x128xi32, #tpu.memory_space<hbm>>
      tpu.wait_dma2 semaphore(%arg21 : memref<!tpu.dma_semaphore, #tpu.memory_space<semaphore_mem>>) src(%dma_wait3A_351 : memref<40x128xi32, #tpu.memory_space<hbm>>) dst(%arg15 : memref<40x128xi32, #tpu.memory_space<vmem>>)
      %dma_wait3A_352 = arith.constant 0 : i32
      %dma_wait3A_353 = arith.constant 0 : i32
      %dma_wait3A_354 = tpu.memref_slice %arg8[%dma_wait3A_352, %dma_wait3A_353] : memref<2x40xi32, #tpu.memory_space<vmem>> -> memref<1x40xi32, #tpu.memory_space<vmem>>
      %dma_wait3A_355 = tpu.memref_squeeze %dma_wait3A_354 : memref<1x40xi32, #tpu.memory_space<vmem>> -> memref<40xi32, #tpu.memory_space<vmem>>
      %dma_wait3A_356 = arith.constant 0 : i32
      %dma_wait3A_357 = tpu.memref_slice %arg5[%dma_wait3A_356] : memref<320000xi32, #tpu.memory_space<hbm>> -> memref<40xi32, #tpu.memory_space<hbm>>
      %dma_wait3A_358 = arith.constant 0 : i32
      %dma_wait3A_359 = tpu.memref_slice %arg8[%dma_wait3A_352, %dma_wait3A_358] : memref<2x40xi32, #tpu.memory_space<vmem>> -> memref<1x40xi32, #tpu.memory_space<vmem>>
      %dma_wait3A_360 = tpu.memref_squeeze %dma_wait3A_359 : memref<1x40xi32, #tpu.memory_space<vmem>> -> memref<40xi32, #tpu.memory_space<vmem>>
      %dma_wait3A_361 = arith.constant 0 : i32
      %dma_wait3A_362 = tpu.memref_slice %arg5[%dma_wait3A_361] : memref<320000xi32, #tpu.memory_space<hbm>> -> memref<40xi32, #tpu.memory_space<hbm>>
      tpu.wait_dma2 semaphore(%arg22 : memref<!tpu.dma_semaphore, #tpu.memory_space<semaphore_mem>>) src(%dma_wait3A_362 : memref<40xi32, #tpu.memory_space<hbm>>) dst(%dma_wait3A_360 : memref<40xi32, #tpu.memory_space<vmem>>)
      %dma_wait3A_363 = arith.constant 0 : i32
      %dma_wait3A_364 = arith.constant 0 : i32
      %dma_wait3A_365 = tpu.memref_slice %arg9[%dma_wait3A_363, %dma_wait3A_364] : memref<2x40xi32, #tpu.memory_space<vmem>> -> memref<1x40xi32, #tpu.memory_space<vmem>>
      %dma_wait3A_366 = tpu.memref_squeeze %dma_wait3A_365 : memref<1x40xi32, #tpu.memory_space<vmem>> -> memref<40xi32, #tpu.memory_space<vmem>>
      %dma_wait3A_367 = arith.constant 0 : i32
      %dma_wait3A_368 = tpu.memref_slice %arg6[%dma_wait3A_367] : memref<320000xi32, #tpu.memory_space<hbm>> -> memref<40xi32, #tpu.memory_space<hbm>>
      %dma_wait3A_369 = arith.constant 0 : i32
      %dma_wait3A_370 = tpu.memref_slice %arg9[%dma_wait3A_363, %dma_wait3A_369] : memref<2x40xi32, #tpu.memory_space<vmem>> -> memref<1x40xi32, #tpu.memory_space<vmem>>
      %dma_wait3A_371 = tpu.memref_squeeze %dma_wait3A_370 : memref<1x40xi32, #tpu.memory_space<vmem>> -> memref<40xi32, #tpu.memory_space<vmem>>
      %dma_wait3A_372 = arith.constant 0 : i32
      %dma_wait3A_373 = tpu.memref_slice %arg6[%dma_wait3A_372] : memref<320000xi32, #tpu.memory_space<hbm>> -> memref<40xi32, #tpu.memory_space<hbm>>
      tpu.wait_dma2 semaphore(%arg22 : memref<!tpu.dma_semaphore, #tpu.memory_space<semaphore_mem>>) src(%dma_wait3A_373 : memref<40xi32, #tpu.memory_space<hbm>>) dst(%dma_wait3A_371 : memref<40xi32, #tpu.memory_space<vmem>>)
      %add3A_374 = arith.constant 1 : i32
      %add3A_375 = arith.addi %add3A_333, %add3A_374 : i32
      %min3A_376 = arith.constant 249 : i32
      %min3A_377 = arith.minsi %add3A_375, %min3A_376 : i32
      %dma_start3A_378 = arith.constant 0 : i32
      %dma_start3A_379 = arith.constant 0 : i32
      %dma_start3A_380 = tpu.memref_slice %arg8[%dma_start3A_378, %dma_start3A_379] : memref<2x40xi32, #tpu.memory_space<vmem>> -> memref<1x40xi32, #tpu.memory_space<vmem>>
      %dma_start3A_381 = tpu.memref_squeeze %dma_start3A_380 : memref<1x40xi32, #tpu.memory_space<vmem>> -> memref<40xi32, #tpu.memory_space<vmem>>
      %dma_start3A_382 = arith.constant 0 : i32
      %dma_start3A_383 = arith.constant 0 : i32
      %dma_start3A_384 = tpu.memref_slice %arg2[%dma_start3A_382, %dma_start3A_383] : memref<10000x128xi32, #tpu.memory_space<hbm>> -> memref<10000x128xi32, #tpu.memory_space<hbm>>
      tpu.enqueue_indirect_dma source(%dma_start3A_384 : memref<10000x128xi32, #tpu.memory_space<hbm>>) target(%arg10 : memref<40x128xi32, #tpu.memory_space<vmem>>) offsets(%dma_start3A_381 : memref<40xi32, #tpu.memory_space<vmem>>) semaphore(%arg20 : memref<!tpu.dma_semaphore, #tpu.memory_space<semaphore_mem>>)
      %dma_start3A_385 = arith.constant 0 : i32
      %dma_start3A_386 = arith.constant 0 : i32
      %dma_start3A_387 = tpu.memref_slice %arg9[%dma_start3A_385, %dma_start3A_386] : memref<2x40xi32, #tpu.memory_space<vmem>> -> memref<1x40xi32, #tpu.memory_space<vmem>>
      %dma_start3A_388 = tpu.memref_squeeze %dma_start3A_387 : memref<1x40xi32, #tpu.memory_space<vmem>> -> memref<40xi32, #tpu.memory_space<vmem>>
      %dma_start3A_389 = arith.constant 0 : i32
      %dma_start3A_390 = arith.constant 0 : i32
      %dma_start3A_391 = tpu.memref_slice %arg3[%dma_start3A_389, %dma_start3A_390] : memref<10000x128xi32, #tpu.memory_space<hbm>> -> memref<10000x128xi32, #tpu.memory_space<hbm>>
      tpu.enqueue_indirect_dma source(%dma_start3A_391 : memref<10000x128xi32, #tpu.memory_space<hbm>>) target(%arg11 : memref<40x128xi32, #tpu.memory_space<vmem>>) offsets(%dma_start3A_388 : memref<40xi32, #tpu.memory_space<vmem>>) semaphore(%arg20 : memref<!tpu.dma_semaphore, #tpu.memory_space<semaphore_mem>>)
      %mul3A_392 = arith.constant 40 : i32
      %mul3A_393 = arith.muli %min3A_377, %mul3A_392 : i32
      %add3A_394 = arith.addi %mul3A_2, %mul3A_393 : i32
      %dma_start3A_395 = arith.constant 0 : i32
      %dma_start3A_396 = tpu.memref_slice %arg4[%add3A_394, %dma_start3A_395] : memref<320000x128xi32, #tpu.memory_space<hbm>> -> memref<40x128xi32, #tpu.memory_space<hbm>>
      %dma_start3A_397 = arith.constant 0 : i32
      %dma_start3A_398 = tpu.memref_slice %arg4[%add3A_394, %dma_start3A_397] : memref<320000x128xi32, #tpu.memory_space<hbm>> -> memref<40x128xi32, #tpu.memory_space<hbm>>
      tpu.enqueue_dma source(%dma_start3A_398 : memref<40x128xi32, #tpu.memory_space<hbm>>) target(%arg12 : memref<40x128xi32, #tpu.memory_space<vmem>>) target_semaphore(%arg20 : memref<!tpu.dma_semaphore, #tpu.memory_space<semaphore_mem>>)
      %dma_wait3A_399 = arith.constant 0 : i32
      %dma_wait3A_400 = tpu.memref_slice %arg19[%mul3A_10, %dma_wait3A_399] : memref<10240x128xf32, #tpu.memory_space<vmem_shared>> -> memref<40x128xf32, #tpu.memory_space<vmem_shared>>
      %dma_wait3A_401 = arith.constant 0 : i32
      %dma_wait3A_402 = tpu.memref_slice %arg19[%mul3A_10, %dma_wait3A_401] : memref<10240x128xf32, #tpu.memory_space<vmem_shared>> -> memref<40x128xf32, #tpu.memory_space<vmem_shared>>
      tpu.wait_dma2 semaphore(%arg25 : memref<!tpu.dma_semaphore, #tpu.memory_space<semaphore_mem>>) src(%arg17 : memref<40x128xf32, #tpu.memory_space<vmem>>) dst(%dma_wait3A_402 : memref<40x128xf32, #tpu.memory_space<vmem_shared>>)
      %get3A_403 = arith.constant 1 : i32
      %get3A_404 = arith.index_cast %get3A_403 : i32 to index
      %get3A_405 = arith.constant 0 : index
      %get3A_406 = tpu.vector_load %arg8[%get3A_404, %get3A_405] {strides = array<i32>} : memref<2x40xi32, #tpu.memory_space<vmem>>, vector<16xi32>,
      %swap3A_407 = arith.constant 1 : i32
      %swap3A_408 = arith.index_cast %swap3A_407 : i32 to index
      %swap3A_409 = arith.constant 0 : index
      %swap3A_410 = tpu.vector_load %arg18[%swap3A_408, %swap3A_409] {strides = array<i32>} : memref<2x40xi32, #tpu.memory_space<vmem>>, vector<16xi32>,
      tpu.vector_store %arg18[%swap3A_408, %swap3A_409], %get3A_406 {strides = array<i32>} : memref<2x40xi32, #tpu.memory_space<vmem>>, vector<16xi32>,
      %get3A_411 = arith.constant 1 : i32
      %get3A_412 = arith.index_cast %get3A_411 : i32 to index
      %get3A_413 = arith.constant 16 : index
      %get3A_414 = tpu.vector_load %arg8[%get3A_412, %get3A_413] {strides = array<i32>} : memref<2x40xi32, #tpu.memory_space<vmem>>, vector<16xi32>,
      %swap3A_415 = arith.constant 1 : i32
      %swap3A_416 = arith.index_cast %swap3A_415 : i32 to index
      %swap3A_417 = arith.constant 16 : index
      %swap3A_418 = tpu.vector_load %arg18[%swap3A_416, %swap3A_417] {strides = array<i32>} : memref<2x40xi32, #tpu.memory_space<vmem>>, vector<16xi32>,
      tpu.vector_store %arg18[%swap3A_416, %swap3A_417], %get3A_414 {strides = array<i32>} : memref<2x40xi32, #tpu.memory_space<vmem>>, vector<16xi32>,
      %get3A_419 = arith.constant 1 : i32
      %get3A_420 = arith.index_cast %get3A_419 : i32 to index
      %get3A_421 = arith.constant 24 : index
      %get3A_422 = tpu.vector_load %arg8[%get3A_420, %get3A_421] {strides = array<i32>} : memref<2x40xi32, #tpu.memory_space<vmem>>, vector<16xi32>,
      %swap3A_423 = arith.constant 1 : i32
      %swap3A_424 = arith.index_cast %swap3A_423 : i32 to index
      %swap3A_425 = arith.constant 24 : index
      %swap3A_426 = tpu.vector_load %arg18[%swap3A_424, %swap3A_425] {strides = array<i32>} : memref<2x40xi32, #tpu.memory_space<vmem>>, vector<16xi32>,
      tpu.vector_store %arg18[%swap3A_424, %swap3A_425], %get3A_422 {strides = array<i32>} : memref<2x40xi32, #tpu.memory_space<vmem>>, vector<16xi32>,
      %scan3A_427 = arith.constant 0 : i32
      %scan3A_428 = arith.constant 0 : i32
      %scan3A_429 = arith.constant 20 : i32
      %scan3A_430 = arith.addi %scan3A_428, %scan3A_429 : i32
      %scan3A_431 = arith.constant 1 : i32
      scf.for %scan3A_465 = %scan3A_428 to %scan3A_430 step %scan3A_431  : i32 {
        %mul3A_466 = arith.constant 2 : i32
        %mul3A_467 = arith.muli %mul3A_466, %scan3A_465 : i32
        %add3A_468 = arith.constant 0 : i32
        %add3A_469 = arith.addi %mul3A_467, %add3A_468 : i32
        %get3A_470 = arith.index_cast %add3A_469 : i32 to index
        %get3A_471 = arith.constant 0 : index
        %get3A_472 = tpu.vector_load %arg13[%get3A_470, %get3A_471] {strides = array<i32>} : memref<40x128xi32, #tpu.memory_space<vmem>>, vector<16xi32>,
        %bitcast3A = vector.bitcast %get3A_472 : vector<16xi32> to vector<32xbf16>
        %get3A_473 = arith.index_cast %add3A_469 : i32 to index
        %get3A_474 = arith.constant 0 : index
        %get3A_475 = tpu.vector_load %arg14[%get3A_473, %get3A_474] {strides = array<i32>} : memref<40x128xi32, #tpu.memory_space<vmem>>, vector<16xi32>,
        %bitcast3A_476 = vector.bitcast %get3A_475 : vector<16xi32> to vector<32xbf16>
        %add3A_477 = arith.addf %bitcast3A, %bitcast3A_476 : vector<32xbf16>
        %get3A_478 = arith.index_cast %add3A_469 : i32 to index
        %get3A_479 = arith.constant 0 : index
        %get3A_480 = tpu.vector_load %arg15[%get3A_478, %get3A_479] {strides = array<i32>} : memref<40x128xi32, #tpu.memory_space<vmem>>, vector<16xi32>,
        %bitcast3A_481 = vector.bitcast %get3A_480 : vector<16xi32> to vector<32xbf16>
        %add3A_482 = arith.addf %add3A_477, %bitcast3A_481 : vector<32xbf16>
        %bitcast3A_483 = vector.bitcast %add3A_482 : vector<32xbf16> to vector<16xi32>
        %shift_left3A = arith.constant 16 : i32
        %shift_left3A_484 = vector.broadcast %shift_left3A : i32 to vector<16xi32>
        %shift_left3A_485 = arith.shli %bitcast3A_483, %shift_left3A_484 : vector<16xi32>
        %bitcast3A_486 = vector.bitcast %shift_left3A_485 : vector<16xi32> to vector<16xf32>
        %bitcast3A_487 = vector.bitcast %bitcast3A_483 : vector<16xi32> to vector<16xf32>
        %neg3A = arith.constant 0.000000e+00 : f32
        %neg3A_488 = vector.broadcast %neg3A : f32 to vector<16xf32>
        %neg3A_489 = arith.subf %neg3A_488, %bitcast3A_486 : vector<16xf32>
        %exp3A = math.exp %neg3A_489 : vector<16xf32>
        %add3A_490 = arith.constant 1.000000e+00 : f32
        %add3A_491 = vector.broadcast %add3A_490 : f32 to vector<16xf32>
        %add3A_492 = arith.addf %add3A_491, %exp3A : vector<16xf32>
        %div3A = arith.constant 1.000000e+00 : f32
        %div3A_493 = vector.broadcast %div3A : f32 to vector<16xf32>
        %div3A_494 = arith.divf %div3A_493, %add3A_492 : vector<16xf32>
        %abs3A = math.absf %bitcast3A_487 : vector<16xf32>
        %neg3A_495 = arith.constant 0.000000e+00 : f32
        %neg3A_496 = vector.broadcast %neg3A_495 : f32 to vector<16xf32>
        %neg3A_497 = arith.subf %neg3A_496, %abs3A : vector<16xf32>
        %exp3A_498 = math.exp %neg3A_497 : vector<16xf32>
        %add3A_499 = arith.constant 2.000000e+00 : f32
        %add3A_500 = vector.broadcast %add3A_499 : f32 to vector<16xf32>
        %add3A_501 = arith.addf %exp3A_498, %add3A_500 : vector<16xf32>
        %div3A_502 = arith.divf %exp3A_498, %add3A_501 : vector<16xf32>
        %mul3A_503 = arith.mulf %div3A_502, %div3A_502 : vector<16xf32>
        %mul3A_504 = arith.constant 0.666666686 : f32
        %mul3A_505 = vector.broadcast %mul3A_504 : f32 to vector<16xf32>
        %mul3A_506 = arith.mulf %mul3A_505, %mul3A_503 : vector<16xf32>
        %add3A_507 = arith.constant 2.000000e+00 : f32
        %add3A_508 = vector.broadcast %add3A_507 : f32 to vector<16xf32>
        %add3A_509 = arith.addf %mul3A_506, %add3A_508 : vector<16xf32>
        %max3A = arith.constant 0.000000e+00 : f32
        %max3A_510 = vector.broadcast %max3A : f32 to vector<16xf32>
        %max3A_511 = arith.maximumf %bitcast3A_487, %max3A_510 : vector<16xf32>
        %mul3A_512 = arith.mulf %add3A_509, %div3A_502 : vector<16xf32>
        %add3A_513 = arith.addf %max3A_511, %mul3A_512 : vector<16xf32>
        %mul3A_514 = arith.mulf %div3A_494, %add3A_513 : vector<16xf32>
        %swap3A_515 = arith.index_cast %add3A_469 : i32 to index
        %swap3A_516 = arith.constant 0 : index
        %swap3A_517 = tpu.vector_load %arg17[%swap3A_515, %swap3A_516] {strides = array<i32>} : memref<40x128xf32, #tpu.memory_space<vmem>>, vector<16xf32>,
        tpu.vector_store %arg17[%swap3A_515, %swap3A_516], %mul3A_514 {strides = array<i32>} : memref<40x128xf32, #tpu.memory_space<vmem>>, vector<16xf32>,
        %get3A_518 = arith.index_cast %add3A_469 : i32 to index
        %get3A_519 = arith.constant 16 : index
        %get3A_520 = tpu.vector_load %arg13[%get3A_518, %get3A_519] {strides = array<i32>} : memref<40x128xi32, #tpu.memory_space<vmem>>, vector<16xi32>,
        %bitcast3A_521 = vector.bitcast %get3A_520 : vector<16xi32> to vector<32xbf16>
        %get3A_522 = arith.index_cast %add3A_469 : i32 to index
        %get3A_523 = arith.constant 16 : index
        %get3A_524 = tpu.vector_load %arg14[%get3A_522, %get3A_523] {strides = array<i32>} : memref<40x128xi32, #tpu.memory_space<vmem>>, vector<16xi32>,
        %bitcast3A_525 = vector.bitcast %get3A_524 : vector<16xi32> to vector<32xbf16>
        %add3A_526 = arith.addf %bitcast3A_521, %bitcast3A_525 : vector<32xbf16>
        %get3A_527 = arith.index_cast %add3A_469 : i32 to index
        %get3A_528 = arith.constant 16 : index
        %get3A_529 = tpu.vector_load %arg15[%get3A_527, %get3A_528] {strides = array<i32>} : memref<40x128xi32, #tpu.memory_space<vmem>>, vector<16xi32>,
        %bitcast3A_530 = vector.bitcast %get3A_529 : vector<16xi32> to vector<32xbf16>
        %add3A_531 = arith.addf %add3A_526, %bitcast3A_530 : vector<32xbf16>
        %bitcast3A_532 = vector.bitcast %add3A_531 : vector<32xbf16> to vector<16xi32>
        %shift_left3A_533 = arith.constant 16 : i32
        %shift_left3A_534 = vector.broadcast %shift_left3A_533 : i32 to vector<16xi32>
        %shift_left3A_535 = arith.shli %bitcast3A_532, %shift_left3A_534 : vector<16xi32>
        %bitcast3A_536 = vector.bitcast %shift_left3A_535 : vector<16xi32> to vector<16xf32>
        %bitcast3A_537 = vector.bitcast %bitcast3A_532 : vector<16xi32> to vector<16xf32>
        %neg3A_538 = arith.constant 0.000000e+00 : f32
        %neg3A_539 = vector.broadcast %neg3A_538 : f32 to vector<16xf32>
        %neg3A_540 = arith.subf %neg3A_539, %bitcast3A_536 : vector<16xf32>
        %exp3A_541 = math.exp %neg3A_540 : vector<16xf32>
        %add3A_542 = arith.constant 1.000000e+00 : f32
        %add3A_543 = vector.broadcast %add3A_542 : f32 to vector<16xf32>
        %add3A_544 = arith.addf %add3A_543, %exp3A_541 : vector<16xf32>
        %div3A_545 = arith.constant 1.000000e+00 : f32
        %div3A_546 = vector.broadcast %div3A_545 : f32 to vector<16xf32>
        %div3A_547 = arith.divf %div3A_546, %add3A_544 : vector<16xf32>
        %abs3A_548 = math.absf %bitcast3A_537 : vector<16xf32>
        %neg3A_549 = arith.constant 0.000000e+00 : f32
        %neg3A_550 = vector.broadcast %neg3A_549 : f32 to vector<16xf32>
        %neg3A_551 = arith.subf %neg3A_550, %abs3A_548 : vector<16xf32>
        %exp3A_552 = math.exp %neg3A_551 : vector<16xf32>
        %add3A_553 = arith.constant 2.000000e+00 : f32
        %add3A_554 = vector.broadcast %add3A_553 : f32 to vector<16xf32>
        %add3A_555 = arith.addf %exp3A_552, %add3A_554 : vector<16xf32>
        %div3A_556 = arith.divf %exp3A_552, %add3A_555 : vector<16xf32>
        %mul3A_557 = arith.mulf %div3A_556, %div3A_556 : vector<16xf32>
        %mul3A_558 = arith.constant 0.666666686 : f32
        %mul3A_559 = vector.broadcast %mul3A_558 : f32 to vector<16xf32>
        %mul3A_560 = arith.mulf %mul3A_559, %mul3A_557 : vector<16xf32>
        %add3A_561 = arith.constant 2.000000e+00 : f32
        %add3A_562 = vector.broadcast %add3A_561 : f32 to vector<16xf32>
        %add3A_563 = arith.addf %mul3A_560, %add3A_562 : vector<16xf32>
        %max3A_564 = arith.constant 0.000000e+00 : f32
        %max3A_565 = vector.broadcast %max3A_564 : f32 to vector<16xf32>
        %max3A_566 = arith.maximumf %bitcast3A_537, %max3A_565 : vector<16xf32>
        %mul3A_567 = arith.mulf %add3A_563, %div3A_556 : vector<16xf32>
        %add3A_568 = arith.addf %max3A_566, %mul3A_567 : vector<16xf32>
        %mul3A_569 = arith.mulf %div3A_547, %add3A_568 : vector<16xf32>
        %swap3A_570 = arith.index_cast %add3A_469 : i32 to index
        %swap3A_571 = arith.constant 16 : index
        %swap3A_572 = tpu.vector_load %arg17[%swap3A_570, %swap3A_571] {strides = array<i32>} : memref<40x128xf32, #tpu.memory_space<vmem>>, vector<16xf32>,
        tpu.vector_store %arg17[%swap3A_570, %swap3A_571], %mul3A_569 {strides = array<i32>} : memref<40x128xf32, #tpu.memory_space<vmem>>, vector<16xf32>,
        %get3A_573 = arith.index_cast %add3A_469 : i32 to index
        %get3A_574 = arith.constant 32 : index
        %get3A_575 = tpu.vector_load %arg13[%get3A_573, %get3A_574] {strides = array<i32>} : memref<40x128xi32, #tpu.memory_space<vmem>>, vector<16xi32>,
        %bitcast3A_576 = vector.bitcast %get3A_575 : vector<16xi32> to vector<32xbf16>
        %get3A_577 = arith.index_cast %add3A_469 : i32 to index
        %get3A_578 = arith.constant 32 : index
        %get3A_579 = tpu.vector_load %arg14[%get3A_577, %get3A_578] {strides = array<i32>} : memref<40x128xi32, #tpu.memory_space<vmem>>, vector<16xi32>,
        %bitcast3A_580 = vector.bitcast %get3A_579 : vector<16xi32> to vector<32xbf16>
        %add3A_581 = arith.addf %bitcast3A_576, %bitcast3A_580 : vector<32xbf16>
        %get3A_582 = arith.index_cast %add3A_469 : i32 to index
        %get3A_583 = arith.constant 32 : index
        %get3A_584 = tpu.vector_load %arg15[%get3A_582, %get3A_583] {strides = array<i32>} : memref<40x128xi32, #tpu.memory_space<vmem>>, vector<16xi32>,
        %bitcast3A_585 = vector.bitcast %get3A_584 : vector<16xi32> to vector<32xbf16>
        %add3A_586 = arith.addf %add3A_581, %bitcast3A_585 : vector<32xbf16>
        %bitcast3A_587 = vector.bitcast %add3A_586 : vector<32xbf16> to vector<16xi32>
        %shift_left3A_588 = arith.constant 16 : i32
        %shift_left3A_589 = vector.broadcast %shift_left3A_588 : i32 to vector<16xi32>
        %shift_left3A_590 = arith.shli %bitcast3A_587, %shift_left3A_589 : vector<16xi32>
        %bitcast3A_591 = vector.bitcast %shift_left3A_590 : vector<16xi32> to vector<16xf32>
        %bitcast3A_592 = vector.bitcast %bitcast3A_587 : vector<16xi32> to vector<16xf32>
        %neg3A_593 = arith.constant 0.000000e+00 : f32
        %neg3A_594 = vector.broadcast %neg3A_593 : f32 to vector<16xf32>
        %neg3A_595 = arith.subf %neg3A_594, %bitcast3A_591 : vector<16xf32>
        %exp3A_596 = math.exp %neg3A_595 : vector<16xf32>
        %add3A_597 = arith.constant 1.000000e+00 : f32
        %add3A_598 = vector.broadcast %add3A_597 : f32 to vector<16xf32>
        %add3A_599 = arith.addf %add3A_598, %exp3A_596 : vector<16xf32>
        %div3A_600 = arith.constant 1.000000e+00 : f32
        %div3A_601 = vector.broadcast %div3A_600 : f32 to vector<16xf32>
        %div3A_602 = arith.divf %div3A_601, %add3A_599 : vector<16xf32>
        %abs3A_603 = math.absf %bitcast3A_592 : vector<16xf32>
        %neg3A_604 = arith.constant 0.000000e+00 : f32
        %neg3A_605 = vector.broadcast %neg3A_604 : f32 to vector<16xf32>
        %neg3A_606 = arith.subf %neg3A_605, %abs3A_603 : vector<16xf32>
        %exp3A_607 = math.exp %neg3A_606 : vector<16xf32>
        %add3A_608 = arith.constant 2.000000e+00 : f32
        %add3A_609 = vector.broadcast %add3A_608 : f32 to vector<16xf32>
        %add3A_610 = arith.addf %exp3A_607, %add3A_609 : vector<16xf32>
        %div3A_611 = arith.divf %exp3A_607, %add3A_610 : vector<16xf32>
        %mul3A_612 = arith.mulf %div3A_611, %div3A_611 : vector<16xf32>
        %mul3A_613 = arith.constant 0.666666686 : f32
        %mul3A_614 = vector.broadcast %mul3A_613 : f32 to vector<16xf32>
        %mul3A_615 = arith.mulf %mul3A_614, %mul3A_612 : vector<16xf32>
        %add3A_616 = arith.constant 2.000000e+00 : f32
        %add3A_617 = vector.broadcast %add3A_616 : f32 to vector<16xf32>
        %add3A_618 = arith.addf %mul3A_615, %add3A_617 : vector<16xf32>
        %max3A_619 = arith.constant 0.000000e+00 : f32
        %max3A_620 = vector.broadcast %max3A_619 : f32 to vector<16xf32>
        %max3A_621 = arith.maximumf %bitcast3A_592, %max3A_620 : vector<16xf32>
        %mul3A_622 = arith.mulf %add3A_618, %div3A_611 : vector<16xf32>
        %add3A_623 = arith.addf %max3A_621, %mul3A_622 : vector<16xf32>
        %mul3A_624 = arith.mulf %div3A_602, %add3A_623 : vector<16xf32>
        %swap3A_625 = arith.index_cast %add3A_469 : i32 to index
        %swap3A_626 = arith.constant 32 : index
        %swap3A_627 = tpu.vector_load %arg17[%swap3A_625, %swap3A_626] {strides = array<i32>} : memref<40x128xf32, #tpu.memory_space<vmem>>, vector<16xf32>,
        tpu.vector_store %arg17[%swap3A_625, %swap3A_626], %mul3A_624 {strides = array<i32>} : memref<40x128xf32, #tpu.memory_space<vmem>>, vector<16xf32>,
        %get3A_628 = arith.index_cast %add3A_469 : i32 to index
        %get3A_629 = arith.constant 48 : index
        %get3A_630 = tpu.vector_load %arg13[%get3A_628, %get3A_629] {strides = array<i32>} : memref<40x128xi32, #tpu.memory_space<vmem>>, vector<16xi32>,
        %bitcast3A_631 = vector.bitcast %get3A_630 : vector<16xi32> to vector<32xbf16>
        %get3A_632 = arith.index_cast %add3A_469 : i32 to index
        %get3A_633 = arith.constant 48 : index
        %get3A_634 = tpu.vector_load %arg14[%get3A_632, %get3A_633] {strides = array<i32>} : memref<40x128xi32, #tpu.memory_space<vmem>>, vector<16xi32>,
        %bitcast3A_635 = vector.bitcast %get3A_634 : vector<16xi32> to vector<32xbf16>
        %add3A_636 = arith.addf %bitcast3A_631, %bitcast3A_635 : vector<32xbf16>
        %get3A_637 = arith.index_cast %add3A_469 : i32 to index
        %get3A_638 = arith.constant 48 : index
        %get3A_639 = tpu.vector_load %arg15[%get3A_637, %get3A_638] {strides = array<i32>} : memref<40x128xi32, #tpu.memory_space<vmem>>, vector<16xi32>,
        %bitcast3A_640 = vector.bitcast %get3A_639 : vector<16xi32> to vector<32xbf16>
        %add3A_641 = arith.addf %add3A_636, %bitcast3A_640 : vector<32xbf16>
        %bitcast3A_642 = vector.bitcast %add3A_641 : vector<32xbf16> to vector<16xi32>
        %shift_left3A_643 = arith.constant 16 : i32
        %shift_left3A_644 = vector.broadcast %shift_left3A_643 : i32 to vector<16xi32>
        %shift_left3A_645 = arith.shli %bitcast3A_642, %shift_left3A_644 : vector<16xi32>
        %bitcast3A_646 = vector.bitcast %shift_left3A_645 : vector<16xi32> to vector<16xf32>
        %bitcast3A_647 = vector.bitcast %bitcast3A_642 : vector<16xi32> to vector<16xf32>
        %neg3A_648 = arith.constant 0.000000e+00 : f32
        %neg3A_649 = vector.broadcast %neg3A_648 : f32 to vector<16xf32>
        %neg3A_650 = arith.subf %neg3A_649, %bitcast3A_646 : vector<16xf32>
        %exp3A_651 = math.exp %neg3A_650 : vector<16xf32>
        %add3A_652 = arith.constant 1.000000e+00 : f32
        %add3A_653 = vector.broadcast %add3A_652 : f32 to vector<16xf32>
        %add3A_654 = arith.addf %add3A_653, %exp3A_651 : vector<16xf32>
        %div3A_655 = arith.constant 1.000000e+00 : f32
        %div3A_656 = vector.broadcast %div3A_655 : f32 to vector<16xf32>
        %div3A_657 = arith.divf %div3A_656, %add3A_654 : vector<16xf32>
        %abs3A_658 = math.absf %bitcast3A_647 : vector<16xf32>
        %neg3A_659 = arith.constant 0.000000e+00 : f32
        %neg3A_660 = vector.broadcast %neg3A_659 : f32 to vector<16xf32>
        %neg3A_661 = arith.subf %neg3A_660, %abs3A_658 : vector<16xf32>
        %exp3A_662 = math.exp %neg3A_661 : vector<16xf32>
        %add3A_663 = arith.constant 2.000000e+00 : f32
        %add3A_664 = vector.broadcast %add3A_663 : f32 to vector<16xf32>
        %add3A_665 = arith.addf %exp3A_662, %add3A_664 : vector<16xf32>
        %div3A_666 = arith.divf %exp3A_662, %add3A_665 : vector<16xf32>
        %mul3A_667 = arith.mulf %div3A_666, %div3A_666 : vector<16xf32>
        %mul3A_668 = arith.constant 0.666666686 : f32
        %mul3A_669 = vector.broadcast %mul3A_668 : f32 to vector<16xf32>
        %mul3A_670 = arith.mulf %mul3A_669, %mul3A_667 : vector<16xf32>
        %add3A_671 = arith.constant 2.000000e+00 : f32
        %add3A_672 = vector.broadcast %add3A_671 : f32 to vector<16xf32>
        %add3A_673 = arith.addf %mul3A_670, %add3A_672 : vector<16xf32>
        %max3A_674 = arith.constant 0.000000e+00 : f32
        %max3A_675 = vector.broadcast %max3A_674 : f32 to vector<16xf32>
        %max3A_676 = arith.maximumf %bitcast3A_647, %max3A_675 : vector<16xf32>
        %mul3A_677 = arith.mulf %add3A_673, %div3A_666 : vector<16xf32>
        %add3A_678 = arith.addf %max3A_676, %mul3A_677 : vector<16xf32>
        %mul3A_679 = arith.mulf %div3A_657, %add3A_678 : vector<16xf32>
        %swap3A_680 = arith.index_cast %add3A_469 : i32 to index
        %swap3A_681 = arith.constant 48 : index
        %swap3A_682 = tpu.vector_load %arg17[%swap3A_680, %swap3A_681] {strides = array<i32>} : memref<40x128xf32, #tpu.memory_space<vmem>>, vector<16xf32>,
        tpu.vector_store %arg17[%swap3A_680, %swap3A_681], %mul3A_679 {strides = array<i32>} : memref<40x128xf32, #tpu.memory_space<vmem>>, vector<16xf32>,
        %get3A_683 = arith.index_cast %add3A_469 : i32 to index
        %get3A_684 = arith.constant 64 : index
        %get3A_685 = tpu.vector_load %arg13[%get3A_683, %get3A_684] {strides = array<i32>} : memref<40x128xi32, #tpu.memory_space<vmem>>, vector<16xi32>,
        %bitcast3A_686 = vector.bitcast %get3A_685 : vector<16xi32> to vector<32xbf16>
        %get3A_687 = arith.index_cast %add3A_469 : i32 to index
        %get3A_688 = arith.constant 64 : index
        %get3A_689 = tpu.vector_load %arg14[%get3A_687, %get3A_688] {strides = array<i32>} : memref<40x128xi32, #tpu.memory_space<vmem>>, vector<16xi32>,
        %bitcast3A_690 = vector.bitcast %get3A_689 : vector<16xi32> to vector<32xbf16>
        %add3A_691 = arith.addf %bitcast3A_686, %bitcast3A_690 : vector<32xbf16>
        %get3A_692 = arith.index_cast %add3A_469 : i32 to index
        %get3A_693 = arith.constant 64 : index
        %get3A_694 = tpu.vector_load %arg15[%get3A_692, %get3A_693] {strides = array<i32>} : memref<40x128xi32, #tpu.memory_space<vmem>>, vector<16xi32>,
        %bitcast3A_695 = vector.bitcast %get3A_694 : vector<16xi32> to vector<32xbf16>
        %add3A_696 = arith.addf %add3A_691, %bitcast3A_695 : vector<32xbf16>
        %bitcast3A_697 = vector.bitcast %add3A_696 : vector<32xbf16> to vector<16xi32>
        %shift_left3A_698 = arith.constant 16 : i32
        %shift_left3A_699 = vector.broadcast %shift_left3A_698 : i32 to vector<16xi32>
        %shift_left3A_700 = arith.shli %bitcast3A_697, %shift_left3A_699 : vector<16xi32>
        %bitcast3A_701 = vector.bitcast %shift_left3A_700 : vector<16xi32> to vector<16xf32>
        %bitcast3A_702 = vector.bitcast %bitcast3A_697 : vector<16xi32> to vector<16xf32>
        %neg3A_703 = arith.constant 0.000000e+00 : f32
        %neg3A_704 = vector.broadcast %neg3A_703 : f32 to vector<16xf32>
        %neg3A_705 = arith.subf %neg3A_704, %bitcast3A_701 : vector<16xf32>
        %exp3A_706 = math.exp %neg3A_705 : vector<16xf32>
        %add3A_707 = arith.constant 1.000000e+00 : f32
        %add3A_708 = vector.broadcast %add3A_707 : f32 to vector<16xf32>
        %add3A_709 = arith.addf %add3A_708, %exp3A_706 : vector<16xf32>
        %div3A_710 = arith.constant 1.000000e+00 : f32
        %div3A_711 = vector.broadcast %div3A_710 : f32 to vector<16xf32>
        %div3A_712 = arith.divf %div3A_711, %add3A_709 : vector<16xf32>
        %abs3A_713 = math.absf %bitcast3A_702 : vector<16xf32>
        %neg3A_714 = arith.constant 0.000000e+00 : f32
        %neg3A_715 = vector.broadcast %neg3A_714 : f32 to vector<16xf32>
        %neg3A_716 = arith.subf %neg3A_715, %abs3A_713 : vector<16xf32>
        %exp3A_717 = math.exp %neg3A_716 : vector<16xf32>
        %add3A_718 = arith.constant 2.000000e+00 : f32
        %add3A_719 = vector.broadcast %add3A_718 : f32 to vector<16xf32>
        %add3A_720 = arith.addf %exp3A_717, %add3A_719 : vector<16xf32>
        %div3A_721 = arith.divf %exp3A_717, %add3A_720 : vector<16xf32>
        %mul3A_722 = arith.mulf %div3A_721, %div3A_721 : vector<16xf32>
        %mul3A_723 = arith.constant 0.666666686 : f32
        %mul3A_724 = vector.broadcast %mul3A_723 : f32 to vector<16xf32>
        %mul3A_725 = arith.mulf %mul3A_724, %mul3A_722 : vector<16xf32>
        %add3A_726 = arith.constant 2.000000e+00 : f32
        %add3A_727 = vector.broadcast %add3A_726 : f32 to vector<16xf32>
        %add3A_728 = arith.addf %mul3A_725, %add3A_727 : vector<16xf32>
        %max3A_729 = arith.constant 0.000000e+00 : f32
        %max3A_730 = vector.broadcast %max3A_729 : f32 to vector<16xf32>
        %max3A_731 = arith.maximumf %bitcast3A_702, %max3A_730 : vector<16xf32>
        %mul3A_732 = arith.mulf %add3A_728, %div3A_721 : vector<16xf32>
        %add3A_733 = arith.addf %max3A_731, %mul3A_732 : vector<16xf32>
        %mul3A_734 = arith.mulf %div3A_712, %add3A_733 : vector<16xf32>
        %swap3A_735 = arith.index_cast %add3A_469 : i32 to index
        %swap3A_736 = arith.constant 64 : index
        %swap3A_737 = tpu.vector_load %arg17[%swap3A_735, %swap3A_736] {strides = array<i32>} : memref<40x128xf32, #tpu.memory_space<vmem>>, vector<16xf32>,
        tpu.vector_store %arg17[%swap3A_735, %swap3A_736], %mul3A_734 {strides = array<i32>} : memref<40x128xf32, #tpu.memory_space<vmem>>, vector<16xf32>,
        %get3A_738 = arith.index_cast %add3A_469 : i32 to index
        %get3A_739 = arith.constant 80 : index
        %get3A_740 = tpu.vector_load %arg13[%get3A_738, %get3A_739] {strides = array<i32>} : memref<40x128xi32, #tpu.memory_space<vmem>>, vector<16xi32>,
        %bitcast3A_741 = vector.bitcast %get3A_740 : vector<16xi32> to vector<32xbf16>
        %get3A_742 = arith.index_cast %add3A_469 : i32 to index
        %get3A_743 = arith.constant 80 : index
        %get3A_744 = tpu.vector_load %arg14[%get3A_742, %get3A_743] {strides = array<i32>} : memref<40x128xi32, #tpu.memory_space<vmem>>, vector<16xi32>,
        %bitcast3A_745 = vector.bitcast %get3A_744 : vector<16xi32> to vector<32xbf16>
        %add3A_746 = arith.addf %bitcast3A_741, %bitcast3A_745 : vector<32xbf16>
        %get3A_747 = arith.index_cast %add3A_469 : i32 to index
        %get3A_748 = arith.constant 80 : index
        %get3A_749 = tpu.vector_load %arg15[%get3A_747, %get3A_748] {strides = array<i32>} : memref<40x128xi32, #tpu.memory_space<vmem>>, vector<16xi32>,
        %bitcast3A_750 = vector.bitcast %get3A_749 : vector<16xi32> to vector<32xbf16>
        %add3A_751 = arith.addf %add3A_746, %bitcast3A_750 : vector<32xbf16>
        %bitcast3A_752 = vector.bitcast %add3A_751 : vector<32xbf16> to vector<16xi32>
        %shift_left3A_753 = arith.constant 16 : i32
        %shift_left3A_754 = vector.broadcast %shift_left3A_753 : i32 to vector<16xi32>
        %shift_left3A_755 = arith.shli %bitcast3A_752, %shift_left3A_754 : vector<16xi32>
        %bitcast3A_756 = vector.bitcast %shift_left3A_755 : vector<16xi32> to vector<16xf32>
        %bitcast3A_757 = vector.bitcast %bitcast3A_752 : vector<16xi32> to vector<16xf32>
        %neg3A_758 = arith.constant 0.000000e+00 : f32
        %neg3A_759 = vector.broadcast %neg3A_758 : f32 to vector<16xf32>
        %neg3A_760 = arith.subf %neg3A_759, %bitcast3A_756 : vector<16xf32>
        %exp3A_761 = math.exp %neg3A_760 : vector<16xf32>
        %add3A_762 = arith.constant 1.000000e+00 : f32
        %add3A_763 = vector.broadcast %add3A_762 : f32 to vector<16xf32>
        %add3A_764 = arith.addf %add3A_763, %exp3A_761 : vector<16xf32>
        %div3A_765 = arith.constant 1.000000e+00 : f32
        %div3A_766 = vector.broadcast %div3A_765 : f32 to vector<16xf32>
        %div3A_767 = arith.divf %div3A_766, %add3A_764 : vector<16xf32>
        %abs3A_768 = math.absf %bitcast3A_757 : vector<16xf32>
        %neg3A_769 = arith.constant 0.000000e+00 : f32
        %neg3A_770 = vector.broadcast %neg3A_769 : f32 to vector<16xf32>
        %neg3A_771 = arith.subf %neg3A_770, %abs3A_768 : vector<16xf32>
        %exp3A_772 = math.exp %neg3A_771 : vector<16xf32>
        %add3A_773 = arith.constant 2.000000e+00 : f32
        %add3A_774 = vector.broadcast %add3A_773 : f32 to vector<16xf32>
        %add3A_775 = arith.addf %exp3A_772, %add3A_774 : vector<16xf32>
        %div3A_776 = arith.divf %exp3A_772, %add3A_775 : vector<16xf32>
        %mul3A_777 = arith.mulf %div3A_776, %div3A_776 : vector<16xf32>
        %mul3A_778 = arith.constant 0.666666686 : f32
        %mul3A_779 = vector.broadcast %mul3A_778 : f32 to vector<16xf32>
        %mul3A_780 = arith.mulf %mul3A_779, %mul3A_777 : vector<16xf32>
        %add3A_781 = arith.constant 2.000000e+00 : f32
        %add3A_782 = vector.broadcast %add3A_781 : f32 to vector<16xf32>
        %add3A_783 = arith.addf %mul3A_780, %add3A_782 : vector<16xf32>
        %max3A_784 = arith.constant 0.000000e+00 : f32
        %max3A_785 = vector.broadcast %max3A_784 : f32 to vector<16xf32>
        %max3A_786 = arith.maximumf %bitcast3A_757, %max3A_785 : vector<16xf32>
        %mul3A_787 = arith.mulf %add3A_783, %div3A_776 : vector<16xf32>
        %add3A_788 = arith.addf %max3A_786, %mul3A_787 : vector<16xf32>
        %mul3A_789 = arith.mulf %div3A_767, %add3A_788 : vector<16xf32>
        %swap3A_790 = arith.index_cast %add3A_469 : i32 to index
        %swap3A_791 = arith.constant 80 : index
        %swap3A_792 = tpu.vector_load %arg17[%swap3A_790, %swap3A_791] {strides = array<i32>} : memref<40x128xf32, #tpu.memory_space<vmem>>, vector<16xf32>,
        tpu.vector_store %arg17[%swap3A_790, %swap3A_791], %mul3A_789 {strides = array<i32>} : memref<40x128xf32, #tpu.memory_space<vmem>>, vector<16xf32>,
        %get3A_793 = arith.index_cast %add3A_469 : i32 to index
        %get3A_794 = arith.constant 96 : index
        %get3A_795 = tpu.vector_load %arg13[%get3A_793, %get3A_794] {strides = array<i32>} : memref<40x128xi32, #tpu.memory_space<vmem>>, vector<16xi32>,
        %bitcast3A_796 = vector.bitcast %get3A_795 : vector<16xi32> to vector<32xbf16>
        %get3A_797 = arith.index_cast %add3A_469 : i32 to index
        %get3A_798 = arith.constant 96 : index
        %get3A_799 = tpu.vector_load %arg14[%get3A_797, %get3A_798] {strides = array<i32>} : memref<40x128xi32, #tpu.memory_space<vmem>>, vector<16xi32>,
        %bitcast3A_800 = vector.bitcast %get3A_799 : vector<16xi32> to vector<32xbf16>
        %add3A_801 = arith.addf %bitcast3A_796, %bitcast3A_800 : vector<32xbf16>
        %get3A_802 = arith.index_cast %add3A_469 : i32 to index
        %get3A_803 = arith.constant 96 : index
        %get3A_804 = tpu.vector_load %arg15[%get3A_802, %get3A_803] {strides = array<i32>} : memref<40x128xi32, #tpu.memory_space<vmem>>, vector<16xi32>,
        %bitcast3A_805 = vector.bitcast %get3A_804 : vector<16xi32> to vector<32xbf16>
        %add3A_806 = arith.addf %add3A_801, %bitcast3A_805 : vector<32xbf16>
        %bitcast3A_807 = vector.bitcast %add3A_806 : vector<32xbf16> to vector<16xi32>
        %shift_left3A_808 = arith.constant 16 : i32
        %shift_left3A_809 = vector.broadcast %shift_left3A_808 : i32 to vector<16xi32>
        %shift_left3A_810 = arith.shli %bitcast3A_807, %shift_left3A_809 : vector<16xi32>
        %bitcast3A_811 = vector.bitcast %shift_left3A_810 : vector<16xi32> to vector<16xf32>
        %bitcast3A_812 = vector.bitcast %bitcast3A_807 : vector<16xi32> to vector<16xf32>
        %neg3A_813 = arith.constant 0.000000e+00 : f32
        %neg3A_814 = vector.broadcast %neg3A_813 : f32 to vector<16xf32>
        %neg3A_815 = arith.subf %neg3A_814, %bitcast3A_811 : vector<16xf32>
        %exp3A_816 = math.exp %neg3A_815 : vector<16xf32>
        %add3A_817 = arith.constant 1.000000e+00 : f32
        %add3A_818 = vector.broadcast %add3A_817 : f32 to vector<16xf32>
        %add3A_819 = arith.addf %add3A_818, %exp3A_816 : vector<16xf32>
        %div3A_820 = arith.constant 1.000000e+00 : f32
        %div3A_821 = vector.broadcast %div3A_820 : f32 to vector<16xf32>
        %div3A_822 = arith.divf %div3A_821, %add3A_819 : vector<16xf32>
        %abs3A_823 = math.absf %bitcast3A_812 : vector<16xf32>
        %neg3A_824 = arith.constant 0.000000e+00 : f32
        %neg3A_825 = vector.broadcast %neg3A_824 : f32 to vector<16xf32>
        %neg3A_826 = arith.subf %neg3A_825, %abs3A_823 : vector<16xf32>
        %exp3A_827 = math.exp %neg3A_826 : vector<16xf32>
        %add3A_828 = arith.constant 2.000000e+00 : f32
        %add3A_829 = vector.broadcast %add3A_828 : f32 to vector<16xf32>
        %add3A_830 = arith.addf %exp3A_827, %add3A_829 : vector<16xf32>
        %div3A_831 = arith.divf %exp3A_827, %add3A_830 : vector<16xf32>
        %mul3A_832 = arith.mulf %div3A_831, %div3A_831 : vector<16xf32>
        %mul3A_833 = arith.constant 0.666666686 : f32
        %mul3A_834 = vector.broadcast %mul3A_833 : f32 to vector<16xf32>
        %mul3A_835 = arith.mulf %mul3A_834, %mul3A_832 : vector<16xf32>
        %add3A_836 = arith.constant 2.000000e+00 : f32
        %add3A_837 = vector.broadcast %add3A_836 : f32 to vector<16xf32>
        %add3A_838 = arith.addf %mul3A_835, %add3A_837 : vector<16xf32>
        %max3A_839 = arith.constant 0.000000e+00 : f32
        %max3A_840 = vector.broadcast %max3A_839 : f32 to vector<16xf32>
        %max3A_841 = arith.maximumf %bitcast3A_812, %max3A_840 : vector<16xf32>
        %mul3A_842 = arith.mulf %add3A_838, %div3A_831 : vector<16xf32>
        %add3A_843 = arith.addf %max3A_841, %mul3A_842 : vector<16xf32>
        %mul3A_844 = arith.mulf %div3A_822, %add3A_843 : vector<16xf32>
        %swap3A_845 = arith.index_cast %add3A_469 : i32 to index
        %swap3A_846 = arith.constant 96 : index
        %swap3A_847 = tpu.vector_load %arg17[%swap3A_845, %swap3A_846] {strides = array<i32>} : memref<40x128xf32, #tpu.memory_space<vmem>>, vector<16xf32>,
        tpu.vector_store %arg17[%swap3A_845, %swap3A_846], %mul3A_844 {strides = array<i32>} : memref<40x128xf32, #tpu.memory_space<vmem>>, vector<16xf32>,
        %get3A_848 = arith.index_cast %add3A_469 : i32 to index
        %get3A_849 = arith.constant 112 : index
        %get3A_850 = tpu.vector_load %arg13[%get3A_848, %get3A_849] {strides = array<i32>} : memref<40x128xi32, #tpu.memory_space<vmem>>, vector<16xi32>,
        %bitcast3A_851 = vector.bitcast %get3A_850 : vector<16xi32> to vector<32xbf16>
        %get3A_852 = arith.index_cast %add3A_469 : i32 to index
        %get3A_853 = arith.constant 112 : index
        %get3A_854 = tpu.vector_load %arg14[%get3A_852, %get3A_853] {strides = array<i32>} : memref<40x128xi32, #tpu.memory_space<vmem>>, vector<16xi32>,
        %bitcast3A_855 = vector.bitcast %get3A_854 : vector<16xi32> to vector<32xbf16>
        %add3A_856 = arith.addf %bitcast3A_851, %bitcast3A_855 : vector<32xbf16>
        %get3A_857 = arith.index_cast %add3A_469 : i32 to index
        %get3A_858 = arith.constant 112 : index
        %get3A_859 = tpu.vector_load %arg15[%get3A_857, %get3A_858] {strides = array<i32>} : memref<40x128xi32, #tpu.memory_space<vmem>>, vector<16xi32>,
        %bitcast3A_860 = vector.bitcast %get3A_859 : vector<16xi32> to vector<32xbf16>
        %add3A_861 = arith.addf %add3A_856, %bitcast3A_860 : vector<32xbf16>
        %bitcast3A_862 = vector.bitcast %add3A_861 : vector<32xbf16> to vector<16xi32>
        %shift_left3A_863 = arith.constant 16 : i32
        %shift_left3A_864 = vector.broadcast %shift_left3A_863 : i32 to vector<16xi32>
        %shift_left3A_865 = arith.shli %bitcast3A_862, %shift_left3A_864 : vector<16xi32>
        %bitcast3A_866 = vector.bitcast %shift_left3A_865 : vector<16xi32> to vector<16xf32>
        %bitcast3A_867 = vector.bitcast %bitcast3A_862 : vector<16xi32> to vector<16xf32>
        %neg3A_868 = arith.constant 0.000000e+00 : f32
        %neg3A_869 = vector.broadcast %neg3A_868 : f32 to vector<16xf32>
        %neg3A_870 = arith.subf %neg3A_869, %bitcast3A_866 : vector<16xf32>
        %exp3A_871 = math.exp %neg3A_870 : vector<16xf32>
        %add3A_872 = arith.constant 1.000000e+00 : f32
        %add3A_873 = vector.broadcast %add3A_872 : f32 to vector<16xf32>
        %add3A_874 = arith.addf %add3A_873, %exp3A_871 : vector<16xf32>
        %div3A_875 = arith.constant 1.000000e+00 : f32
        %div3A_876 = vector.broadcast %div3A_875 : f32 to vector<16xf32>
        %div3A_877 = arith.divf %div3A_876, %add3A_874 : vector<16xf32>
        %abs3A_878 = math.absf %bitcast3A_867 : vector<16xf32>
        %neg3A_879 = arith.constant 0.000000e+00 : f32
        %neg3A_880 = vector.broadcast %neg3A_879 : f32 to vector<16xf32>
        %neg3A_881 = arith.subf %neg3A_880, %abs3A_878 : vector<16xf32>
        %exp3A_882 = math.exp %neg3A_881 : vector<16xf32>
        %add3A_883 = arith.constant 2.000000e+00 : f32
        %add3A_884 = vector.broadcast %add3A_883 : f32 to vector<16xf32>
        %add3A_885 = arith.addf %exp3A_882, %add3A_884 : vector<16xf32>
        %div3A_886 = arith.divf %exp3A_882, %add3A_885 : vector<16xf32>
        %mul3A_887 = arith.mulf %div3A_886, %div3A_886 : vector<16xf32>
        %mul3A_888 = arith.constant 0.666666686 : f32
        %mul3A_889 = vector.broadcast %mul3A_888 : f32 to vector<16xf32>
        %mul3A_890 = arith.mulf %mul3A_889, %mul3A_887 : vector<16xf32>
        %add3A_891 = arith.constant 2.000000e+00 : f32
        %add3A_892 = vector.broadcast %add3A_891 : f32 to vector<16xf32>
        %add3A_893 = arith.addf %mul3A_890, %add3A_892 : vector<16xf32>
        %max3A_894 = arith.constant 0.000000e+00 : f32
        %max3A_895 = vector.broadcast %max3A_894 : f32 to vector<16xf32>
        %max3A_896 = arith.maximumf %bitcast3A_867, %max3A_895 : vector<16xf32>
        %mul3A_897 = arith.mulf %add3A_893, %div3A_886 : vector<16xf32>
        %add3A_898 = arith.addf %max3A_896, %mul3A_897 : vector<16xf32>
        %mul3A_899 = arith.mulf %div3A_877, %add3A_898 : vector<16xf32>
        %swap3A_900 = arith.index_cast %add3A_469 : i32 to index
        %swap3A_901 = arith.constant 112 : index
        %swap3A_902 = tpu.vector_load %arg17[%swap3A_900, %swap3A_901] {strides = array<i32>} : memref<40x128xf32, #tpu.memory_space<vmem>>, vector<16xf32>,
        tpu.vector_store %arg17[%swap3A_900, %swap3A_901], %mul3A_899 {strides = array<i32>} : memref<40x128xf32, #tpu.memory_space<vmem>>, vector<16xf32>,
        %mul3A_903 = arith.constant 2 : i32
        %mul3A_904 = arith.muli %mul3A_903, %scan3A_465 : i32
        %add3A_905 = arith.constant 1 : i32
        %add3A_906 = arith.addi %mul3A_904, %add3A_905 : i32
        %get3A_907 = arith.index_cast %add3A_906 : i32 to index
        %get3A_908 = arith.constant 0 : index
        %get3A_909 = tpu.vector_load %arg13[%get3A_907, %get3A_908] {strides = array<i32>} : memref<40x128xi32, #tpu.memory_space<vmem>>, vector<16xi32>,
        %bitcast3A_910 = vector.bitcast %get3A_909 : vector<16xi32> to vector<32xbf16>
        %get3A_911 = arith.index_cast %add3A_906 : i32 to index
        %get3A_912 = arith.constant 0 : index
        %get3A_913 = tpu.vector_load %arg14[%get3A_911, %get3A_912] {strides = array<i32>} : memref<40x128xi32, #tpu.memory_space<vmem>>, vector<16xi32>,
        %bitcast3A_914 = vector.bitcast %get3A_913 : vector<16xi32> to vector<32xbf16>
        %add3A_915 = arith.addf %bitcast3A_910, %bitcast3A_914 : vector<32xbf16>
        %get3A_916 = arith.index_cast %add3A_906 : i32 to index
        %get3A_917 = arith.constant 0 : index
        %get3A_918 = tpu.vector_load %arg15[%get3A_916, %get3A_917] {strides = array<i32>} : memref<40x128xi32, #tpu.memory_space<vmem>>, vector<16xi32>,
        %bitcast3A_919 = vector.bitcast %get3A_918 : vector<16xi32> to vector<32xbf16>
        %add3A_920 = arith.addf %add3A_915, %bitcast3A_919 : vector<32xbf16>
        %bitcast3A_921 = vector.bitcast %add3A_920 : vector<32xbf16> to vector<16xi32>
        %shift_left3A_922 = arith.constant 16 : i32
        %shift_left3A_923 = vector.broadcast %shift_left3A_922 : i32 to vector<16xi32>
        %shift_left3A_924 = arith.shli %bitcast3A_921, %shift_left3A_923 : vector<16xi32>
        %bitcast3A_925 = vector.bitcast %shift_left3A_924 : vector<16xi32> to vector<16xf32>
        %bitcast3A_926 = vector.bitcast %bitcast3A_921 : vector<16xi32> to vector<16xf32>
        %neg3A_927 = arith.constant 0.000000e+00 : f32
        %neg3A_928 = vector.broadcast %neg3A_927 : f32 to vector<16xf32>
        %neg3A_929 = arith.subf %neg3A_928, %bitcast3A_925 : vector<16xf32>
        %exp3A_930 = math.exp %neg3A_929 : vector<16xf32>
        %add3A_931 = arith.constant 1.000000e+00 : f32
        %add3A_932 = vector.broadcast %add3A_931 : f32 to vector<16xf32>
        %add3A_933 = arith.addf %add3A_932, %exp3A_930 : vector<16xf32>
        %div3A_934 = arith.constant 1.000000e+00 : f32
        %div3A_935 = vector.broadcast %div3A_934 : f32 to vector<16xf32>
        %div3A_936 = arith.divf %div3A_935, %add3A_933 : vector<16xf32>
        %abs3A_937 = math.absf %bitcast3A_926 : vector<16xf32>
        %neg3A_938 = arith.constant 0.000000e+00 : f32
        %neg3A_939 = vector.broadcast %neg3A_938 : f32 to vector<16xf32>
        %neg3A_940 = arith.subf %neg3A_939, %abs3A_937 : vector<16xf32>
        %exp3A_941 = math.exp %neg3A_940 : vector<16xf32>
        %add3A_942 = arith.constant 2.000000e+00 : f32
        %add3A_943 = vector.broadcast %add3A_942 : f32 to vector<16xf32>
        %add3A_944 = arith.addf %exp3A_941, %add3A_943 : vector<16xf32>
        %div3A_945 = arith.divf %exp3A_941, %add3A_944 : vector<16xf32>
        %mul3A_946 = arith.mulf %div3A_945, %div3A_945 : vector<16xf32>
        %mul3A_947 = arith.constant 0.666666686 : f32
        %mul3A_948 = vector.broadcast %mul3A_947 : f32 to vector<16xf32>
        %mul3A_949 = arith.mulf %mul3A_948, %mul3A_946 : vector<16xf32>
        %add3A_950 = arith.constant 2.000000e+00 : f32
        %add3A_951 = vector.broadcast %add3A_950 : f32 to vector<16xf32>
        %add3A_952 = arith.addf %mul3A_949, %add3A_951 : vector<16xf32>
        %max3A_953 = arith.constant 0.000000e+00 : f32
        %max3A_954 = vector.broadcast %max3A_953 : f32 to vector<16xf32>
        %max3A_955 = arith.maximumf %bitcast3A_926, %max3A_954 : vector<16xf32>
        %mul3A_956 = arith.mulf %add3A_952, %div3A_945 : vector<16xf32>
        %add3A_957 = arith.addf %max3A_955, %mul3A_956 : vector<16xf32>
        %mul3A_958 = arith.mulf %div3A_936, %add3A_957 : vector<16xf32>
        %swap3A_959 = arith.index_cast %add3A_906 : i32 to index
        %swap3A_960 = arith.constant 0 : index
        %swap3A_961 = tpu.vector_load %arg17[%swap3A_959, %swap3A_960] {strides = array<i32>} : memref<40x128xf32, #tpu.memory_space<vmem>>, vector<16xf32>,
        tpu.vector_store %arg17[%swap3A_959, %swap3A_960], %mul3A_958 {strides = array<i32>} : memref<40x128xf32, #tpu.memory_space<vmem>>, vector<16xf32>,
        %get3A_962 = arith.index_cast %add3A_906 : i32 to index
        %get3A_963 = arith.constant 16 : index
        %get3A_964 = tpu.vector_load %arg13[%get3A_962, %get3A_963] {strides = array<i32>} : memref<40x128xi32, #tpu.memory_space<vmem>>, vector<16xi32>,
        %bitcast3A_965 = vector.bitcast %get3A_964 : vector<16xi32> to vector<32xbf16>
        %get3A_966 = arith.index_cast %add3A_906 : i32 to index
        %get3A_967 = arith.constant 16 : index
        %get3A_968 = tpu.vector_load %arg14[%get3A_966, %get3A_967] {strides = array<i32>} : memref<40x128xi32, #tpu.memory_space<vmem>>, vector<16xi32>,
        %bitcast3A_969 = vector.bitcast %get3A_968 : vector<16xi32> to vector<32xbf16>
        %add3A_970 = arith.addf %bitcast3A_965, %bitcast3A_969 : vector<32xbf16>
        %get3A_971 = arith.index_cast %add3A_906 : i32 to index
        %get3A_972 = arith.constant 16 : index
        %get3A_973 = tpu.vector_load %arg15[%get3A_971, %get3A_972] {strides = array<i32>} : memref<40x128xi32, #tpu.memory_space<vmem>>, vector<16xi32>,
        %bitcast3A_974 = vector.bitcast %get3A_973 : vector<16xi32> to vector<32xbf16>
        %add3A_975 = arith.addf %add3A_970, %bitcast3A_974 : vector<32xbf16>
        %bitcast3A_976 = vector.bitcast %add3A_975 : vector<32xbf16> to vector<16xi32>
        %shift_left3A_977 = arith.constant 16 : i32
        %shift_left3A_978 = vector.broadcast %shift_left3A_977 : i32 to vector<16xi32>
        %shift_left3A_979 = arith.shli %bitcast3A_976, %shift_left3A_978 : vector<16xi32>
        %bitcast3A_980 = vector.bitcast %shift_left3A_979 : vector<16xi32> to vector<16xf32>
        %bitcast3A_981 = vector.bitcast %bitcast3A_976 : vector<16xi32> to vector<16xf32>
        %neg3A_982 = arith.constant 0.000000e+00 : f32
        %neg3A_983 = vector.broadcast %neg3A_982 : f32 to vector<16xf32>
        %neg3A_984 = arith.subf %neg3A_983, %bitcast3A_980 : vector<16xf32>
        %exp3A_985 = math.exp %neg3A_984 : vector<16xf32>
        %add3A_986 = arith.constant 1.000000e+00 : f32
        %add3A_987 = vector.broadcast %add3A_986 : f32 to vector<16xf32>
        %add3A_988 = arith.addf %add3A_987, %exp3A_985 : vector<16xf32>
        %div3A_989 = arith.constant 1.000000e+00 : f32
        %div3A_990 = vector.broadcast %div3A_989 : f32 to vector<16xf32>
        %div3A_991 = arith.divf %div3A_990, %add3A_988 : vector<16xf32>
        %abs3A_992 = math.absf %bitcast3A_981 : vector<16xf32>
        %neg3A_993 = arith.constant 0.000000e+00 : f32
        %neg3A_994 = vector.broadcast %neg3A_993 : f32 to vector<16xf32>
        %neg3A_995 = arith.subf %neg3A_994, %abs3A_992 : vector<16xf32>
        %exp3A_996 = math.exp %neg3A_995 : vector<16xf32>
        %add3A_997 = arith.constant 2.000000e+00 : f32
        %add3A_998 = vector.broadcast %add3A_997 : f32 to vector<16xf32>
        %add3A_999 = arith.addf %exp3A_996, %add3A_998 : vector<16xf32>
        %div3A_1000 = arith.divf %exp3A_996, %add3A_999 : vector<16xf32>
        %mul3A_1001 = arith.mulf %div3A_1000, %div3A_1000 : vector<16xf32>
        %mul3A_1002 = arith.constant 0.666666686 : f32
        %mul3A_1003 = vector.broadcast %mul3A_1002 : f32 to vector<16xf32>
        %mul3A_1004 = arith.mulf %mul3A_1003, %mul3A_1001 : vector<16xf32>
        %add3A_1005 = arith.constant 2.000000e+00 : f32
        %add3A_1006 = vector.broadcast %add3A_1005 : f32 to vector<16xf32>
        %add3A_1007 = arith.addf %mul3A_1004, %add3A_1006 : vector<16xf32>
        %max3A_1008 = arith.constant 0.000000e+00 : f32
        %max3A_1009 = vector.broadcast %max3A_1008 : f32 to vector<16xf32>
        %max3A_1010 = arith.maximumf %bitcast3A_981, %max3A_1009 : vector<16xf32>
        %mul3A_1011 = arith.mulf %add3A_1007, %div3A_1000 : vector<16xf32>
        %add3A_1012 = arith.addf %max3A_1010, %mul3A_1011 : vector<16xf32>
        %mul3A_1013 = arith.mulf %div3A_991, %add3A_1012 : vector<16xf32>
        %swap3A_1014 = arith.index_cast %add3A_906 : i32 to index
        %swap3A_1015 = arith.constant 16 : index
        %swap3A_1016 = tpu.vector_load %arg17[%swap3A_1014, %swap3A_1015] {strides = array<i32>} : memref<40x128xf32, #tpu.memory_space<vmem>>, vector<16xf32>,
        tpu.vector_store %arg17[%swap3A_1014, %swap3A_1015], %mul3A_1013 {strides = array<i32>} : memref<40x128xf32, #tpu.memory_space<vmem>>, vector<16xf32>,
        %get3A_1017 = arith.index_cast %add3A_906 : i32 to index
        %get3A_1018 = arith.constant 32 : index
        %get3A_1019 = tpu.vector_load %arg13[%get3A_1017, %get3A_1018] {strides = array<i32>} : memref<40x128xi32, #tpu.memory_space<vmem>>, vector<16xi32>,
        %bitcast3A_1020 = vector.bitcast %get3A_1019 : vector<16xi32> to vector<32xbf16>
        %get3A_1021 = arith.index_cast %add3A_906 : i32 to index
        %get3A_1022 = arith.constant 32 : index
        %get3A_1023 = tpu.vector_load %arg14[%get3A_1021, %get3A_1022] {strides = array<i32>} : memref<40x128xi32, #tpu.memory_space<vmem>>, vector<16xi32>,
        %bitcast3A_1024 = vector.bitcast %get3A_1023 : vector<16xi32> to vector<32xbf16>
        %add3A_1025 = arith.addf %bitcast3A_1020, %bitcast3A_1024 : vector<32xbf16>
        %get3A_1026 = arith.index_cast %add3A_906 : i32 to index
        %get3A_1027 = arith.constant 32 : index
        %get3A_1028 = tpu.vector_load %arg15[%get3A_1026, %get3A_1027] {strides = array<i32>} : memref<40x128xi32, #tpu.memory_space<vmem>>, vector<16xi32>,
        %bitcast3A_1029 = vector.bitcast %get3A_1028 : vector<16xi32> to vector<32xbf16>
        %add3A_1030 = arith.addf %add3A_1025, %bitcast3A_1029 : vector<32xbf16>
        %bitcast3A_1031 = vector.bitcast %add3A_1030 : vector<32xbf16> to vector<16xi32>
        %shift_left3A_1032 = arith.constant 16 : i32
        %shift_left3A_1033 = vector.broadcast %shift_left3A_1032 : i32 to vector<16xi32>
        %shift_left3A_1034 = arith.shli %bitcast3A_1031, %shift_left3A_1033 : vector<16xi32>
        %bitcast3A_1035 = vector.bitcast %shift_left3A_1034 : vector<16xi32> to vector<16xf32>
        %bitcast3A_1036 = vector.bitcast %bitcast3A_1031 : vector<16xi32> to vector<16xf32>
        %neg3A_1037 = arith.constant 0.000000e+00 : f32
        %neg3A_1038 = vector.broadcast %neg3A_1037 : f32 to vector<16xf32>
        %neg3A_1039 = arith.subf %neg3A_1038, %bitcast3A_1035 : vector<16xf32>
        %exp3A_1040 = math.exp %neg3A_1039 : vector<16xf32>
        %add3A_1041 = arith.constant 1.000000e+00 : f32
        %add3A_1042 = vector.broadcast %add3A_1041 : f32 to vector<16xf32>
        %add3A_1043 = arith.addf %add3A_1042, %exp3A_1040 : vector<16xf32>
        %div3A_1044 = arith.constant 1.000000e+00 : f32
        %div3A_1045 = vector.broadcast %div3A_1044 : f32 to vector<16xf32>
        %div3A_1046 = arith.divf %div3A_1045, %add3A_1043 : vector<16xf32>
        %abs3A_1047 = math.absf %bitcast3A_1036 : vector<16xf32>
        %neg3A_1048 = arith.constant 0.000000e+00 : f32
        %neg3A_1049 = vector.broadcast %neg3A_1048 : f32 to vector<16xf32>
        %neg3A_1050 = arith.subf %neg3A_1049, %abs3A_1047 : vector<16xf32>
        %exp3A_1051 = math.exp %neg3A_1050 : vector<16xf32>
        %add3A_1052 = arith.constant 2.000000e+00 : f32
        %add3A_1053 = vector.broadcast %add3A_1052 : f32 to vector<16xf32>
        %add3A_1054 = arith.addf %exp3A_1051, %add3A_1053 : vector<16xf32>
        %div3A_1055 = arith.divf %exp3A_1051, %add3A_1054 : vector<16xf32>
        %mul3A_1056 = arith.mulf %div3A_1055, %div3A_1055 : vector<16xf32>
        %mul3A_1057 = arith.constant 0.666666686 : f32
        %mul3A_1058 = vector.broadcast %mul3A_1057 : f32 to vector<16xf32>
        %mul3A_1059 = arith.mulf %mul3A_1058, %mul3A_1056 : vector<16xf32>
        %add3A_1060 = arith.constant 2.000000e+00 : f32
        %add3A_1061 = vector.broadcast %add3A_1060 : f32 to vector<16xf32>
        %add3A_1062 = arith.addf %mul3A_1059, %add3A_1061 : vector<16xf32>
        %max3A_1063 = arith.constant 0.000000e+00 : f32
        %max3A_1064 = vector.broadcast %max3A_1063 : f32 to vector<16xf32>
        %max3A_1065 = arith.maximumf %bitcast3A_1036, %max3A_1064 : vector<16xf32>
        %mul3A_1066 = arith.mulf %add3A_1062, %div3A_1055 : vector<16xf32>
        %add3A_1067 = arith.addf %max3A_1065, %mul3A_1066 : vector<16xf32>
        %mul3A_1068 = arith.mulf %div3A_1046, %add3A_1067 : vector<16xf32>
        %swap3A_1069 = arith.index_cast %add3A_906 : i32 to index
        %swap3A_1070 = arith.constant 32 : index
        %swap3A_1071 = tpu.vector_load %arg17[%swap3A_1069, %swap3A_1070] {strides = array<i32>} : memref<40x128xf32, #tpu.memory_space<vmem>>, vector<16xf32>,
        tpu.vector_store %arg17[%swap3A_1069, %swap3A_1070], %mul3A_1068 {strides = array<i32>} : memref<40x128xf32, #tpu.memory_space<vmem>>, vector<16xf32>,
        %get3A_1072 = arith.index_cast %add3A_906 : i32 to index
        %get3A_1073 = arith.constant 48 : index
        %get3A_1074 = tpu.vector_load %arg13[%get3A_1072, %get3A_1073] {strides = array<i32>} : memref<40x128xi32, #tpu.memory_space<vmem>>, vector<16xi32>,
        %bitcast3A_1075 = vector.bitcast %get3A_1074 : vector<16xi32> to vector<32xbf16>
        %get3A_1076 = arith.index_cast %add3A_906 : i32 to index
        %get3A_1077 = arith.constant 48 : index
        %get3A_1078 = tpu.vector_load %arg14[%get3A_1076, %get3A_1077] {strides = array<i32>} : memref<40x128xi32, #tpu.memory_space<vmem>>, vector<16xi32>,
        %bitcast3A_1079 = vector.bitcast %get3A_1078 : vector<16xi32> to vector<32xbf16>
        %add3A_1080 = arith.addf %bitcast3A_1075, %bitcast3A_1079 : vector<32xbf16>
        %get3A_1081 = arith.index_cast %add3A_906 : i32 to index
        %get3A_1082 = arith.constant 48 : index
        %get3A_1083 = tpu.vector_load %arg15[%get3A_1081, %get3A_1082] {strides = array<i32>} : memref<40x128xi32, #tpu.memory_space<vmem>>, vector<16xi32>,
        %bitcast3A_1084 = vector.bitcast %get3A_1083 : vector<16xi32> to vector<32xbf16>
        %add3A_1085 = arith.addf %add3A_1080, %bitcast3A_1084 : vector<32xbf16>
        %bitcast3A_1086 = vector.bitcast %add3A_1085 : vector<32xbf16> to vector<16xi32>
        %shift_left3A_1087 = arith.constant 16 : i32
        %shift_left3A_1088 = vector.broadcast %shift_left3A_1087 : i32 to vector<16xi32>
        %shift_left3A_1089 = arith.shli %bitcast3A_1086, %shift_left3A_1088 : vector<16xi32>
        %bitcast3A_1090 = vector.bitcast %shift_left3A_1089 : vector<16xi32> to vector<16xf32>
        %bitcast3A_1091 = vector.bitcast %bitcast3A_1086 : vector<16xi32> to vector<16xf32>
        %neg3A_1092 = arith.constant 0.000000e+00 : f32
        %neg3A_1093 = vector.broadcast %neg3A_1092 : f32 to vector<16xf32>
        %neg3A_1094 = arith.subf %neg3A_1093, %bitcast3A_1090 : vector<16xf32>
        %exp3A_1095 = math.exp %neg3A_1094 : vector<16xf32>
        %add3A_1096 = arith.constant 1.000000e+00 : f32
        %add3A_1097 = vector.broadcast %add3A_1096 : f32 to vector<16xf32>
        %add3A_1098 = arith.addf %add3A_1097, %exp3A_1095 : vector<16xf32>
        %div3A_1099 = arith.constant 1.000000e+00 : f32
        %div3A_1100 = vector.broadcast %div3A_1099 : f32 to vector<16xf32>
        %div3A_1101 = arith.divf %div3A_1100, %add3A_1098 : vector<16xf32>
        %abs3A_1102 = math.absf %bitcast3A_1091 : vector<16xf32>
        %neg3A_1103 = arith.constant 0.000000e+00 : f32
        %neg3A_1104 = vector.broadcast %neg3A_1103 : f32 to vector<16xf32>
        %neg3A_1105 = arith.subf %neg3A_1104, %abs3A_1102 : vector<16xf32>
        %exp3A_1106 = math.exp %neg3A_1105 : vector<16xf32>
        %add3A_1107 = arith.constant 2.000000e+00 : f32
        %add3A_1108 = vector.broadcast %add3A_1107 : f32 to vector<16xf32>
        %add3A_1109 = arith.addf %exp3A_1106, %add3A_1108 : vector<16xf32>
        %div3A_1110 = arith.divf %exp3A_1106, %add3A_1109 : vector<16xf32>
        %mul3A_1111 = arith.mulf %div3A_1110, %div3A_1110 : vector<16xf32>
        %mul3A_1112 = arith.constant 0.666666686 : f32
        %mul3A_1113 = vector.broadcast %mul3A_1112 : f32 to vector<16xf32>
        %mul3A_1114 = arith.mulf %mul3A_1113, %mul3A_1111 : vector<16xf32>
        %add3A_1115 = arith.constant 2.000000e+00 : f32
        %add3A_1116 = vector.broadcast %add3A_1115 : f32 to vector<16xf32>
        %add3A_1117 = arith.addf %mul3A_1114, %add3A_1116 : vector<16xf32>
        %max3A_1118 = arith.constant 0.000000e+00 : f32
        %max3A_1119 = vector.broadcast %max3A_1118 : f32 to vector<16xf32>
        %max3A_1120 = arith.maximumf %bitcast3A_1091, %max3A_1119 : vector<16xf32>
        %mul3A_1121 = arith.mulf %add3A_1117, %div3A_1110 : vector<16xf32>
        %add3A_1122 = arith.addf %max3A_1120, %mul3A_1121 : vector<16xf32>
        %mul3A_1123 = arith.mulf %div3A_1101, %add3A_1122 : vector<16xf32>
        %swap3A_1124 = arith.index_cast %add3A_906 : i32 to index
        %swap3A_1125 = arith.constant 48 : index
        %swap3A_1126 = tpu.vector_load %arg17[%swap3A_1124, %swap3A_1125] {strides = array<i32>} : memref<40x128xf32, #tpu.memory_space<vmem>>, vector<16xf32>,
        tpu.vector_store %arg17[%swap3A_1124, %swap3A_1125], %mul3A_1123 {strides = array<i32>} : memref<40x128xf32, #tpu.memory_space<vmem>>, vector<16xf32>,
        %get3A_1127 = arith.index_cast %add3A_906 : i32 to index
        %get3A_1128 = arith.constant 64 : index
        %get3A_1129 = tpu.vector_load %arg13[%get3A_1127, %get3A_1128] {strides = array<i32>} : memref<40x128xi32, #tpu.memory_space<vmem>>, vector<16xi32>,
        %bitcast3A_1130 = vector.bitcast %get3A_1129 : vector<16xi32> to vector<32xbf16>
        %get3A_1131 = arith.index_cast %add3A_906 : i32 to index
        %get3A_1132 = arith.constant 64 : index
        %get3A_1133 = tpu.vector_load %arg14[%get3A_1131, %get3A_1132] {strides = array<i32>} : memref<40x128xi32, #tpu.memory_space<vmem>>, vector<16xi32>,
        %bitcast3A_1134 = vector.bitcast %get3A_1133 : vector<16xi32> to vector<32xbf16>
        %add3A_1135 = arith.addf %bitcast3A_1130, %bitcast3A_1134 : vector<32xbf16>
        %get3A_1136 = arith.index_cast %add3A_906 : i32 to index
        %get3A_1137 = arith.constant 64 : index
        %get3A_1138 = tpu.vector_load %arg15[%get3A_1136, %get3A_1137] {strides = array<i32>} : memref<40x128xi32, #tpu.memory_space<vmem>>, vector<16xi32>,
        %bitcast3A_1139 = vector.bitcast %get3A_1138 : vector<16xi32> to vector<32xbf16>
        %add3A_1140 = arith.addf %add3A_1135, %bitcast3A_1139 : vector<32xbf16>
        %bitcast3A_1141 = vector.bitcast %add3A_1140 : vector<32xbf16> to vector<16xi32>
        %shift_left3A_1142 = arith.constant 16 : i32
        %shift_left3A_1143 = vector.broadcast %shift_left3A_1142 : i32 to vector<16xi32>
        %shift_left3A_1144 = arith.shli %bitcast3A_1141, %shift_left3A_1143 : vector<16xi32>
        %bitcast3A_1145 = vector.bitcast %shift_left3A_1144 : vector<16xi32> to vector<16xf32>
        %bitcast3A_1146 = vector.bitcast %bitcast3A_1141 : vector<16xi32> to vector<16xf32>
        %neg3A_1147 = arith.constant 0.000000e+00 : f32
        %neg3A_1148 = vector.broadcast %neg3A_1147 : f32 to vector<16xf32>
        %neg3A_1149 = arith.subf %neg3A_1148, %bitcast3A_1145 : vector<16xf32>
        %exp3A_1150 = math.exp %neg3A_1149 : vector<16xf32>
        %add3A_1151 = arith.constant 1.000000e+00 : f32
        %add3A_1152 = vector.broadcast %add3A_1151 : f32 to vector<16xf32>
        %add3A_1153 = arith.addf %add3A_1152, %exp3A_1150 : vector<16xf32>
        %div3A_1154 = arith.constant 1.000000e+00 : f32
        %div3A_1155 = vector.broadcast %div3A_1154 : f32 to vector<16xf32>
        %div3A_1156 = arith.divf %div3A_1155, %add3A_1153 : vector<16xf32>
        %abs3A_1157 = math.absf %bitcast3A_1146 : vector<16xf32>
        %neg3A_1158 = arith.constant 0.000000e+00 : f32
        %neg3A_1159 = vector.broadcast %neg3A_1158 : f32 to vector<16xf32>
        %neg3A_1160 = arith.subf %neg3A_1159, %abs3A_1157 : vector<16xf32>
        %exp3A_1161 = math.exp %neg3A_1160 : vector<16xf32>
        %add3A_1162 = arith.constant 2.000000e+00 : f32
        %add3A_1163 = vector.broadcast %add3A_1162 : f32 to vector<16xf32>
        %add3A_1164 = arith.addf %exp3A_1161, %add3A_1163 : vector<16xf32>
        %div3A_1165 = arith.divf %exp3A_1161, %add3A_1164 : vector<16xf32>
        %mul3A_1166 = arith.mulf %div3A_1165, %div3A_1165 : vector<16xf32>
        %mul3A_1167 = arith.constant 0.666666686 : f32
        %mul3A_1168 = vector.broadcast %mul3A_1167 : f32 to vector<16xf32>
        %mul3A_1169 = arith.mulf %mul3A_1168, %mul3A_1166 : vector<16xf32>
        %add3A_1170 = arith.constant 2.000000e+00 : f32
        %add3A_1171 = vector.broadcast %add3A_1170 : f32 to vector<16xf32>
        %add3A_1172 = arith.addf %mul3A_1169, %add3A_1171 : vector<16xf32>
        %max3A_1173 = arith.constant 0.000000e+00 : f32
        %max3A_1174 = vector.broadcast %max3A_1173 : f32 to vector<16xf32>
        %max3A_1175 = arith.maximumf %bitcast3A_1146, %max3A_1174 : vector<16xf32>
        %mul3A_1176 = arith.mulf %add3A_1172, %div3A_1165 : vector<16xf32>
        %add3A_1177 = arith.addf %max3A_1175, %mul3A_1176 : vector<16xf32>
        %mul3A_1178 = arith.mulf %div3A_1156, %add3A_1177 : vector<16xf32>
        %swap3A_1179 = arith.index_cast %add3A_906 : i32 to index
        %swap3A_1180 = arith.constant 64 : index
        %swap3A_1181 = tpu.vector_load %arg17[%swap3A_1179, %swap3A_1180] {strides = array<i32>} : memref<40x128xf32, #tpu.memory_space<vmem>>, vector<16xf32>,
        tpu.vector_store %arg17[%swap3A_1179, %swap3A_1180], %mul3A_1178 {strides = array<i32>} : memref<40x128xf32, #tpu.memory_space<vmem>>, vector<16xf32>,
        %get3A_1182 = arith.index_cast %add3A_906 : i32 to index
        %get3A_1183 = arith.constant 80 : index
        %get3A_1184 = tpu.vector_load %arg13[%get3A_1182, %get3A_1183] {strides = array<i32>} : memref<40x128xi32, #tpu.memory_space<vmem>>, vector<16xi32>,
        %bitcast3A_1185 = vector.bitcast %get3A_1184 : vector<16xi32> to vector<32xbf16>
        %get3A_1186 = arith.index_cast %add3A_906 : i32 to index
        %get3A_1187 = arith.constant 80 : index
        %get3A_1188 = tpu.vector_load %arg14[%get3A_1186, %get3A_1187] {strides = array<i32>} : memref<40x128xi32, #tpu.memory_space<vmem>>, vector<16xi32>,
        %bitcast3A_1189 = vector.bitcast %get3A_1188 : vector<16xi32> to vector<32xbf16>
        %add3A_1190 = arith.addf %bitcast3A_1185, %bitcast3A_1189 : vector<32xbf16>
        %get3A_1191 = arith.index_cast %add3A_906 : i32 to index
        %get3A_1192 = arith.constant 80 : index
        %get3A_1193 = tpu.vector_load %arg15[%get3A_1191, %get3A_1192] {strides = array<i32>} : memref<40x128xi32, #tpu.memory_space<vmem>>, vector<16xi32>,
        %bitcast3A_1194 = vector.bitcast %get3A_1193 : vector<16xi32> to vector<32xbf16>
        %add3A_1195 = arith.addf %add3A_1190, %bitcast3A_1194 : vector<32xbf16>
        %bitcast3A_1196 = vector.bitcast %add3A_1195 : vector<32xbf16> to vector<16xi32>
        %shift_left3A_1197 = arith.constant 16 : i32
        %shift_left3A_1198 = vector.broadcast %shift_left3A_1197 : i32 to vector<16xi32>
        %shift_left3A_1199 = arith.shli %bitcast3A_1196, %shift_left3A_1198 : vector<16xi32>
        %bitcast3A_1200 = vector.bitcast %shift_left3A_1199 : vector<16xi32> to vector<16xf32>
        %bitcast3A_1201 = vector.bitcast %bitcast3A_1196 : vector<16xi32> to vector<16xf32>
        %neg3A_1202 = arith.constant 0.000000e+00 : f32
        %neg3A_1203 = vector.broadcast %neg3A_1202 : f32 to vector<16xf32>
        %neg3A_1204 = arith.subf %neg3A_1203, %bitcast3A_1200 : vector<16xf32>
        %exp3A_1205 = math.exp %neg3A_1204 : vector<16xf32>
        %add3A_1206 = arith.constant 1.000000e+00 : f32
        %add3A_1207 = vector.broadcast %add3A_1206 : f32 to vector<16xf32>
        %add3A_1208 = arith.addf %add3A_1207, %exp3A_1205 : vector<16xf32>
        %div3A_1209 = arith.constant 1.000000e+00 : f32
        %div3A_1210 = vector.broadcast %div3A_1209 : f32 to vector<16xf32>
        %div3A_1211 = arith.divf %div3A_1210, %add3A_1208 : vector<16xf32>
        %abs3A_1212 = math.absf %bitcast3A_1201 : vector<16xf32>
        %neg3A_1213 = arith.constant 0.000000e+00 : f32
        %neg3A_1214 = vector.broadcast %neg3A_1213 : f32 to vector<16xf32>
        %neg3A_1215 = arith.subf %neg3A_1214, %abs3A_1212 : vector<16xf32>
        %exp3A_1216 = math.exp %neg3A_1215 : vector<16xf32>
        %add3A_1217 = arith.constant 2.000000e+00 : f32
        %add3A_1218 = vector.broadcast %add3A_1217 : f32 to vector<16xf32>
        %add3A_1219 = arith.addf %exp3A_1216, %add3A_1218 : vector<16xf32>
        %div3A_1220 = arith.divf %exp3A_1216, %add3A_1219 : vector<16xf32>
        %mul3A_1221 = arith.mulf %div3A_1220, %div3A_1220 : vector<16xf32>
        %mul3A_1222 = arith.constant 0.666666686 : f32
        %mul3A_1223 = vector.broadcast %mul3A_1222 : f32 to vector<16xf32>
        %mul3A_1224 = arith.mulf %mul3A_1223, %mul3A_1221 : vector<16xf32>
        %add3A_1225 = arith.constant 2.000000e+00 : f32
        %add3A_1226 = vector.broadcast %add3A_1225 : f32 to vector<16xf32>
        %add3A_1227 = arith.addf %mul3A_1224, %add3A_1226 : vector<16xf32>
        %max3A_1228 = arith.constant 0.000000e+00 : f32
        %max3A_1229 = vector.broadcast %max3A_1228 : f32 to vector<16xf32>
        %max3A_1230 = arith.maximumf %bitcast3A_1201, %max3A_1229 : vector<16xf32>
        %mul3A_1231 = arith.mulf %add3A_1227, %div3A_1220 : vector<16xf32>
        %add3A_1232 = arith.addf %max3A_1230, %mul3A_1231 : vector<16xf32>
        %mul3A_1233 = arith.mulf %div3A_1211, %add3A_1232 : vector<16xf32>
        %swap3A_1234 = arith.index_cast %add3A_906 : i32 to index
        %swap3A_1235 = arith.constant 80 : index
        %swap3A_1236 = tpu.vector_load %arg17[%swap3A_1234, %swap3A_1235] {strides = array<i32>} : memref<40x128xf32, #tpu.memory_space<vmem>>, vector<16xf32>,
        tpu.vector_store %arg17[%swap3A_1234, %swap3A_1235], %mul3A_1233 {strides = array<i32>} : memref<40x128xf32, #tpu.memory_space<vmem>>, vector<16xf32>,
        %get3A_1237 = arith.index_cast %add3A_906 : i32 to index
        %get3A_1238 = arith.constant 96 : index
        %get3A_1239 = tpu.vector_load %arg13[%get3A_1237, %get3A_1238] {strides = array<i32>} : memref<40x128xi32, #tpu.memory_space<vmem>>, vector<16xi32>,
        %bitcast3A_1240 = vector.bitcast %get3A_1239 : vector<16xi32> to vector<32xbf16>
        %get3A_1241 = arith.index_cast %add3A_906 : i32 to index
        %get3A_1242 = arith.constant 96 : index
        %get3A_1243 = tpu.vector_load %arg14[%get3A_1241, %get3A_1242] {strides = array<i32>} : memref<40x128xi32, #tpu.memory_space<vmem>>, vector<16xi32>,
        %bitcast3A_1244 = vector.bitcast %get3A_1243 : vector<16xi32> to vector<32xbf16>
        %add3A_1245 = arith.addf %bitcast3A_1240, %bitcast3A_1244 : vector<32xbf16>
        %get3A_1246 = arith.index_cast %add3A_906 : i32 to index
        %get3A_1247 = arith.constant 96 : index
        %get3A_1248 = tpu.vector_load %arg15[%get3A_1246, %get3A_1247] {strides = array<i32>} : memref<40x128xi32, #tpu.memory_space<vmem>>, vector<16xi32>,
        %bitcast3A_1249 = vector.bitcast %get3A_1248 : vector<16xi32> to vector<32xbf16>
        %add3A_1250 = arith.addf %add3A_1245, %bitcast3A_1249 : vector<32xbf16>
        %bitcast3A_1251 = vector.bitcast %add3A_1250 : vector<32xbf16> to vector<16xi32>
        %shift_left3A_1252 = arith.constant 16 : i32
        %shift_left3A_1253 = vector.broadcast %shift_left3A_1252 : i32 to vector<16xi32>
        %shift_left3A_1254 = arith.shli %bitcast3A_1251, %shift_left3A_1253 : vector<16xi32>
        %bitcast3A_1255 = vector.bitcast %shift_left3A_1254 : vector<16xi32> to vector<16xf32>
        %bitcast3A_1256 = vector.bitcast %bitcast3A_1251 : vector<16xi32> to vector<16xf32>
        %neg3A_1257 = arith.constant 0.000000e+00 : f32
        %neg3A_1258 = vector.broadcast %neg3A_1257 : f32 to vector<16xf32>
        %neg3A_1259 = arith.subf %neg3A_1258, %bitcast3A_1255 : vector<16xf32>
        %exp3A_1260 = math.exp %neg3A_1259 : vector<16xf32>
        %add3A_1261 = arith.constant 1.000000e+00 : f32
        %add3A_1262 = vector.broadcast %add3A_1261 : f32 to vector<16xf32>
        %add3A_1263 = arith.addf %add3A_1262, %exp3A_1260 : vector<16xf32>
        %div3A_1264 = arith.constant 1.000000e+00 : f32
        %div3A_1265 = vector.broadcast %div3A_1264 : f32 to vector<16xf32>
        %div3A_1266 = arith.divf %div3A_1265, %add3A_1263 : vector<16xf32>
        %abs3A_1267 = math.absf %bitcast3A_1256 : vector<16xf32>
        %neg3A_1268 = arith.constant 0.000000e+00 : f32
        %neg3A_1269 = vector.broadcast %neg3A_1268 : f32 to vector<16xf32>
        %neg3A_1270 = arith.subf %neg3A_1269, %abs3A_1267 : vector<16xf32>
        %exp3A_1271 = math.exp %neg3A_1270 : vector<16xf32>
        %add3A_1272 = arith.constant 2.000000e+00 : f32
        %add3A_1273 = vector.broadcast %add3A_1272 : f32 to vector<16xf32>
        %add3A_1274 = arith.addf %exp3A_1271, %add3A_1273 : vector<16xf32>
        %div3A_1275 = arith.divf %exp3A_1271, %add3A_1274 : vector<16xf32>
        %mul3A_1276 = arith.mulf %div3A_1275, %div3A_1275 : vector<16xf32>
        %mul3A_1277 = arith.constant 0.666666686 : f32
        %mul3A_1278 = vector.broadcast %mul3A_1277 : f32 to vector<16xf32>
        %mul3A_1279 = arith.mulf %mul3A_1278, %mul3A_1276 : vector<16xf32>
        %add3A_1280 = arith.constant 2.000000e+00 : f32
        %add3A_1281 = vector.broadcast %add3A_1280 : f32 to vector<16xf32>
        %add3A_1282 = arith.addf %mul3A_1279, %add3A_1281 : vector<16xf32>
        %max3A_1283 = arith.constant 0.000000e+00 : f32
        %max3A_1284 = vector.broadcast %max3A_1283 : f32 to vector<16xf32>
        %max3A_1285 = arith.maximumf %bitcast3A_1256, %max3A_1284 : vector<16xf32>
        %mul3A_1286 = arith.mulf %add3A_1282, %div3A_1275 : vector<16xf32>
        %add3A_1287 = arith.addf %max3A_1285, %mul3A_1286 : vector<16xf32>
        %mul3A_1288 = arith.mulf %div3A_1266, %add3A_1287 : vector<16xf32>
        %swap3A_1289 = arith.index_cast %add3A_906 : i32 to index
        %swap3A_1290 = arith.constant 96 : index
        %swap3A_1291 = tpu.vector_load %arg17[%swap3A_1289, %swap3A_1290] {strides = array<i32>} : memref<40x128xf32, #tpu.memory_space<vmem>>, vector<16xf32>,
        tpu.vector_store %arg17[%swap3A_1289, %swap3A_1290], %mul3A_1288 {strides = array<i32>} : memref<40x128xf32, #tpu.memory_space<vmem>>, vector<16xf32>,
        %get3A_1292 = arith.index_cast %add3A_906 : i32 to index
        %get3A_1293 = arith.constant 112 : index
        %get3A_1294 = tpu.vector_load %arg13[%get3A_1292, %get3A_1293] {strides = array<i32>} : memref<40x128xi32, #tpu.memory_space<vmem>>, vector<16xi32>,
        %bitcast3A_1295 = vector.bitcast %get3A_1294 : vector<16xi32> to vector<32xbf16>
        %get3A_1296 = arith.index_cast %add3A_906 : i32 to index
        %get3A_1297 = arith.constant 112 : index
        %get3A_1298 = tpu.vector_load %arg14[%get3A_1296, %get3A_1297] {strides = array<i32>} : memref<40x128xi32, #tpu.memory_space<vmem>>, vector<16xi32>,
        %bitcast3A_1299 = vector.bitcast %get3A_1298 : vector<16xi32> to vector<32xbf16>
        %add3A_1300 = arith.addf %bitcast3A_1295, %bitcast3A_1299 : vector<32xbf16>
        %get3A_1301 = arith.index_cast %add3A_906 : i32 to index
        %get3A_1302 = arith.constant 112 : index
        %get3A_1303 = tpu.vector_load %arg15[%get3A_1301, %get3A_1302] {strides = array<i32>} : memref<40x128xi32, #tpu.memory_space<vmem>>, vector<16xi32>,
        %bitcast3A_1304 = vector.bitcast %get3A_1303 : vector<16xi32> to vector<32xbf16>
        %add3A_1305 = arith.addf %add3A_1300, %bitcast3A_1304 : vector<32xbf16>
        %bitcast3A_1306 = vector.bitcast %add3A_1305 : vector<32xbf16> to vector<16xi32>
        %shift_left3A_1307 = arith.constant 16 : i32
        %shift_left3A_1308 = vector.broadcast %shift_left3A_1307 : i32 to vector<16xi32>
        %shift_left3A_1309 = arith.shli %bitcast3A_1306, %shift_left3A_1308 : vector<16xi32>
        %bitcast3A_1310 = vector.bitcast %shift_left3A_1309 : vector<16xi32> to vector<16xf32>
        %bitcast3A_1311 = vector.bitcast %bitcast3A_1306 : vector<16xi32> to vector<16xf32>
        %neg3A_1312 = arith.constant 0.000000e+00 : f32
        %neg3A_1313 = vector.broadcast %neg3A_1312 : f32 to vector<16xf32>
        %neg3A_1314 = arith.subf %neg3A_1313, %bitcast3A_1310 : vector<16xf32>
        %exp3A_1315 = math.exp %neg3A_1314 : vector<16xf32>
        %add3A_1316 = arith.constant 1.000000e+00 : f32
        %add3A_1317 = vector.broadcast %add3A_1316 : f32 to vector<16xf32>
        %add3A_1318 = arith.addf %add3A_1317, %exp3A_1315 : vector<16xf32>
        %div3A_1319 = arith.constant 1.000000e+00 : f32
        %div3A_1320 = vector.broadcast %div3A_1319 : f32 to vector<16xf32>
        %div3A_1321 = arith.divf %div3A_1320, %add3A_1318 : vector<16xf32>
        %abs3A_1322 = math.absf %bitcast3A_1311 : vector<16xf32>
        %neg3A_1323 = arith.constant 0.000000e+00 : f32
        %neg3A_1324 = vector.broadcast %neg3A_1323 : f32 to vector<16xf32>
        %neg3A_1325 = arith.subf %neg3A_1324, %abs3A_1322 : vector<16xf32>
        %exp3A_1326 = math.exp %neg3A_1325 : vector<16xf32>
        %add3A_1327 = arith.constant 2.000000e+00 : f32
        %add3A_1328 = vector.broadcast %add3A_1327 : f32 to vector<16xf32>
        %add3A_1329 = arith.addf %exp3A_1326, %add3A_1328 : vector<16xf32>
        %div3A_1330 = arith.divf %exp3A_1326, %add3A_1329 : vector<16xf32>
        %mul3A_1331 = arith.mulf %div3A_1330, %div3A_1330 : vector<16xf32>
        %mul3A_1332 = arith.constant 0.666666686 : f32
        %mul3A_1333 = vector.broadcast %mul3A_1332 : f32 to vector<16xf32>
        %mul3A_1334 = arith.mulf %mul3A_1333, %mul3A_1331 : vector<16xf32>
        %add3A_1335 = arith.constant 2.000000e+00 : f32
        %add3A_1336 = vector.broadcast %add3A_1335 : f32 to vector<16xf32>
        %add3A_1337 = arith.addf %mul3A_1334, %add3A_1336 : vector<16xf32>
        %max3A_1338 = arith.constant 0.000000e+00 : f32
        %max3A_1339 = vector.broadcast %max3A_1338 : f32 to vector<16xf32>
        %max3A_1340 = arith.maximumf %bitcast3A_1311, %max3A_1339 : vector<16xf32>
        %mul3A_1341 = arith.mulf %add3A_1337, %div3A_1330 : vector<16xf32>
        %add3A_1342 = arith.addf %max3A_1340, %mul3A_1341 : vector<16xf32>
        %mul3A_1343 = arith.mulf %div3A_1321, %add3A_1342 : vector<16xf32>
        %swap3A_1344 = arith.index_cast %add3A_906 : i32 to index
        %swap3A_1345 = arith.constant 112 : index
        %swap3A_1346 = tpu.vector_load %arg17[%swap3A_1344, %swap3A_1345] {strides = array<i32>} : memref<40x128xf32, #tpu.memory_space<vmem>>, vector<16xf32>,
        tpu.vector_store %arg17[%swap3A_1344, %swap3A_1345], %mul3A_1343 {strides = array<i32>} : memref<40x128xf32, #tpu.memory_space<vmem>>, vector<16xf32>,
      }
      %scan3A_432 = arith.constant 20 : i32
      %dma_start3A_433 = arith.constant 1 : i32
      %dma_start3A_434 = arith.constant 0 : i32
      %dma_start3A_435 = tpu.memref_slice %arg18[%dma_start3A_433, %dma_start3A_434] : memref<2x40xi32, #tpu.memory_space<vmem>> -> memref<1x40xi32, #tpu.memory_space<vmem>>
      %dma_start3A_436 = tpu.memref_squeeze %dma_start3A_435 : memref<1x40xi32, #tpu.memory_space<vmem>> -> memref<40xi32, #tpu.memory_space<vmem>>
      %dma_start3A_437 = arith.constant 0 : i32
      %dma_start3A_438 = arith.constant 0 : i32
      %dma_start3A_439 = tpu.memref_slice %arg19[%dma_start3A_437, %dma_start3A_438] : memref<10240x128xf32, #tpu.memory_space<vmem_shared>> -> memref<10240x128xf32, #tpu.memory_space<vmem_shared>>
      tpu.enqueue_indirect_dma source(%arg17 : memref<40x128xf32, #tpu.memory_space<vmem>>) target(%dma_start3A_439 : memref<10240x128xf32, #tpu.memory_space<vmem_shared>>) offsets(%dma_start3A_436 : memref<40xi32, #tpu.memory_space<vmem>>) semaphore(%arg25 : memref<!tpu.dma_semaphore, #tpu.memory_space<semaphore_mem>>) {add = true}
      %add3A_440 = arith.constant 2 : i32
      %add3A_441 = arith.addi %add3A_333, %add3A_440 : i32
      %min3A_442 = arith.constant 249 : i32
      %min3A_443 = arith.minsi %add3A_441, %min3A_442 : i32
      %mul3A_444 = arith.constant 40 : i32
      %mul3A_445 = arith.muli %min3A_443, %mul3A_444 : i32
      %add3A_446 = arith.addi %mul3A_2, %mul3A_445 : i32
      %dma_start3A_447 = arith.constant 1 : i32
      %dma_start3A_448 = arith.constant 0 : i32
      %dma_start3A_449 = tpu.memref_slice %arg8[%dma_start3A_447, %dma_start3A_448] : memref<2x40xi32, #tpu.memory_space<vmem>> -> memref<1x40xi32, #tpu.memory_space<vmem>>
      %dma_start3A_450 = tpu.memref_squeeze %dma_start3A_449 : memref<1x40xi32, #tpu.memory_space<vmem>> -> memref<40xi32, #tpu.memory_space<vmem>>
      %dma_start3A_451 = tpu.memref_slice %arg5[%add3A_446] : memref<320000xi32, #tpu.memory_space<hbm>> -> memref<40xi32, #tpu.memory_space<hbm>>
      %dma_start3A_452 = arith.constant 0 : i32
      %dma_start3A_453 = tpu.memref_slice %arg8[%dma_start3A_447, %dma_start3A_452] : memref<2x40xi32, #tpu.memory_space<vmem>> -> memref<1x40xi32, #tpu.memory_space<vmem>>
      %dma_start3A_454 = tpu.memref_squeeze %dma_start3A_453 : memref<1x40xi32, #tpu.memory_space<vmem>> -> memref<40xi32, #tpu.memory_space<vmem>>
      %dma_start3A_455 = tpu.memref_slice %arg5[%add3A_446] : memref<320000xi32, #tpu.memory_space<hbm>> -> memref<40xi32, #tpu.memory_space<hbm>>
      tpu.enqueue_dma source(%dma_start3A_455 : memref<40xi32, #tpu.memory_space<hbm>>) target(%dma_start3A_454 : memref<40xi32, #tpu.memory_space<vmem>>) target_semaphore(%arg23 : memref<!tpu.dma_semaphore, #tpu.memory_space<semaphore_mem>>)
      %dma_start3A_456 = arith.constant 1 : i32
      %dma_start3A_457 = arith.constant 0 : i32
      %dma_start3A_458 = tpu.memref_slice %arg9[%dma_start3A_456, %dma_start3A_457] : memref<2x40xi32, #tpu.memory_space<vmem>> -> memref<1x40xi32, #tpu.memory_space<vmem>>
      %dma_start3A_459 = tpu.memref_squeeze %dma_start3A_458 : memref<1x40xi32, #tpu.memory_space<vmem>> -> memref<40xi32, #tpu.memory_space<vmem>>
      %dma_start3A_460 = tpu.memref_slice %arg6[%add3A_446] : memref<320000xi32, #tpu.memory_space<hbm>> -> memref<40xi32, #tpu.memory_space<hbm>>
      %dma_start3A_461 = arith.constant 0 : i32
      %dma_start3A_462 = tpu.memref_slice %arg9[%dma_start3A_456, %dma_start3A_461] : memref<2x40xi32, #tpu.memory_space<vmem>> -> memref<1x40xi32, #tpu.memory_space<vmem>>
      %dma_start3A_463 = tpu.memref_squeeze %dma_start3A_462 : memref<1x40xi32, #tpu.memory_space<vmem>> -> memref<40xi32, #tpu.memory_space<vmem>>
      %dma_start3A_464 = tpu.memref_slice %arg6[%add3A_446] : memref<320000xi32, #tpu.memory_space<hbm>> -> memref<40xi32, #tpu.memory_space<hbm>>
      tpu.enqueue_dma source(%dma_start3A_464 : memref<40xi32, #tpu.memory_space<hbm>>) target(%dma_start3A_463 : memref<40xi32, #tpu.memory_space<vmem>>) target_semaphore(%arg23 : memref<!tpu.dma_semaphore, #tpu.memory_space<semaphore_mem>>)
    }
    %scan3A_148 = arith.constant 125 : i32
    %dma_wait3A = arith.constant 0 : i32
    %dma_wait3A_149 = arith.constant 0 : i32
    %dma_wait3A_150 = tpu.memref_slice %arg4[%dma_wait3A, %dma_wait3A_149] : memref<320000x128xi32, #tpu.memory_space<hbm>> -> memref<40x128xi32, #tpu.memory_space<hbm>>
    %dma_wait3A_151 = arith.constant 0 : i32
    %dma_wait3A_152 = arith.constant 0 : i32
    %dma_wait3A_153 = tpu.memref_slice %arg4[%dma_wait3A_151, %dma_wait3A_152] : memref<320000x128xi32, #tpu.memory_space<hbm>> -> memref<40x128xi32, #tpu.memory_space<hbm>>
    tpu.wait_dma2 semaphore(%arg20 : memref<!tpu.dma_semaphore, #tpu.memory_space<semaphore_mem>>) src(%dma_wait3A_153 : memref<40x128xi32, #tpu.memory_space<hbm>>) dst(%arg10 : memref<40x128xi32, #tpu.memory_space<vmem>>)
    %dma_wait3A_154 = arith.constant 0 : i32
    %dma_wait3A_155 = arith.constant 0 : i32
    %dma_wait3A_156 = tpu.memref_slice %arg4[%dma_wait3A_154, %dma_wait3A_155] : memref<320000x128xi32, #tpu.memory_space<hbm>> -> memref<40x128xi32, #tpu.memory_space<hbm>>
    %dma_wait3A_157 = arith.constant 0 : i32
    %dma_wait3A_158 = arith.constant 0 : i32
    %dma_wait3A_159 = tpu.memref_slice %arg4[%dma_wait3A_157, %dma_wait3A_158] : memref<320000x128xi32, #tpu.memory_space<hbm>> -> memref<40x128xi32, #tpu.memory_space<hbm>>
    tpu.wait_dma2 semaphore(%arg20 : memref<!tpu.dma_semaphore, #tpu.memory_space<semaphore_mem>>) src(%dma_wait3A_159 : memref<40x128xi32, #tpu.memory_space<hbm>>) dst(%arg11 : memref<40x128xi32, #tpu.memory_space<vmem>>)
    %dma_wait3A_160 = arith.constant 0 : i32
    %dma_wait3A_161 = arith.constant 0 : i32
    %dma_wait3A_162 = tpu.memref_slice %arg4[%dma_wait3A_160, %dma_wait3A_161] : memref<320000x128xi32, #tpu.memory_space<hbm>> -> memref<40x128xi32, #tpu.memory_space<hbm>>
    %dma_wait3A_163 = arith.constant 0 : i32
    %dma_wait3A_164 = arith.constant 0 : i32
    %dma_wait3A_165 = tpu.memref_slice %arg4[%dma_wait3A_163, %dma_wait3A_164] : memref<320000x128xi32, #tpu.memory_space<hbm>> -> memref<40x128xi32, #tpu.memory_space<hbm>>
    tpu.wait_dma2 semaphore(%arg20 : memref<!tpu.dma_semaphore, #tpu.memory_space<semaphore_mem>>) src(%dma_wait3A_165 : memref<40x128xi32, #tpu.memory_space<hbm>>) dst(%arg12 : memref<40x128xi32, #tpu.memory_space<vmem>>)
    %dma_wait3A_166 = arith.constant 1 : i32
    %dma_wait3A_167 = arith.constant 0 : i32
    %dma_wait3A_168 = tpu.memref_slice %arg8[%dma_wait3A_166, %dma_wait3A_167] : memref<2x40xi32, #tpu.memory_space<vmem>> -> memref<1x40xi32, #tpu.memory_space<vmem>>
    %dma_wait3A_169 = tpu.memref_squeeze %dma_wait3A_168 : memref<1x40xi32, #tpu.memory_space<vmem>> -> memref<40xi32, #tpu.memory_space<vmem>>
    %dma_wait3A_170 = arith.constant 0 : i32
    %dma_wait3A_171 = tpu.memref_slice %arg5[%dma_wait3A_170] : memref<320000xi32, #tpu.memory_space<hbm>> -> memref<40xi32, #tpu.memory_space<hbm>>
    %dma_wait3A_172 = arith.constant 0 : i32
    %dma_wait3A_173 = tpu.memref_slice %arg8[%dma_wait3A_166, %dma_wait3A_172] : memref<2x40xi32, #tpu.memory_space<vmem>> -> memref<1x40xi32, #tpu.memory_space<vmem>>
    %dma_wait3A_174 = tpu.memref_squeeze %dma_wait3A_173 : memref<1x40xi32, #tpu.memory_space<vmem>> -> memref<40xi32, #tpu.memory_space<vmem>>
    %dma_wait3A_175 = arith.constant 0 : i32
    %dma_wait3A_176 = tpu.memref_slice %arg5[%dma_wait3A_175] : memref<320000xi32, #tpu.memory_space<hbm>> -> memref<40xi32, #tpu.memory_space<hbm>>
    tpu.wait_dma2 semaphore(%arg23 : memref<!tpu.dma_semaphore, #tpu.memory_space<semaphore_mem>>) src(%dma_wait3A_176 : memref<40xi32, #tpu.memory_space<hbm>>) dst(%dma_wait3A_174 : memref<40xi32, #tpu.memory_space<vmem>>)
    %dma_wait3A_177 = arith.constant 1 : i32
    %dma_wait3A_178 = arith.constant 0 : i32
    %dma_wait3A_179 = tpu.memref_slice %arg9[%dma_wait3A_177, %dma_wait3A_178] : memref<2x40xi32, #tpu.memory_space<vmem>> -> memref<1x40xi32, #tpu.memory_space<vmem>>
    %dma_wait3A_180 = tpu.memref_squeeze %dma_wait3A_179 : memref<1x40xi32, #tpu.memory_space<vmem>> -> memref<40xi32, #tpu.memory_space<vmem>>
    %dma_wait3A_181 = arith.constant 0 : i32
    %dma_wait3A_182 = tpu.memref_slice %arg6[%dma_wait3A_181] : memref<320000xi32, #tpu.memory_space<hbm>> -> memref<40xi32, #tpu.memory_space<hbm>>
    %dma_wait3A_183 = arith.constant 0 : i32
    %dma_wait3A_184 = tpu.memref_slice %arg9[%dma_wait3A_177, %dma_wait3A_183] : memref<2x40xi32, #tpu.memory_space<vmem>> -> memref<1x40xi32, #tpu.memory_space<vmem>>
    %dma_wait3A_185 = tpu.memref_squeeze %dma_wait3A_184 : memref<1x40xi32, #tpu.memory_space<vmem>> -> memref<40xi32, #tpu.memory_space<vmem>>
    %dma_wait3A_186 = arith.constant 0 : i32
    %dma_wait3A_187 = tpu.memref_slice %arg6[%dma_wait3A_186] : memref<320000xi32, #tpu.memory_space<hbm>> -> memref<40xi32, #tpu.memory_space<hbm>>
    tpu.wait_dma2 semaphore(%arg23 : memref<!tpu.dma_semaphore, #tpu.memory_space<semaphore_mem>>) src(%dma_wait3A_187 : memref<40xi32, #tpu.memory_space<hbm>>) dst(%dma_wait3A_185 : memref<40xi32, #tpu.memory_space<vmem>>)
    %dma_wait3A_188 = arith.constant 0 : i32
    %dma_wait3A_189 = tpu.memref_slice %arg19[%mul3A_10, %dma_wait3A_188] : memref<10240x128xf32, #tpu.memory_space<vmem_shared>> -> memref<40x128xf32, #tpu.memory_space<vmem_shared>>
    %dma_wait3A_190 = arith.constant 0 : i32
    %dma_wait3A_191 = tpu.memref_slice %arg19[%mul3A_10, %dma_wait3A_190] : memref<10240x128xf32, #tpu.memory_space<vmem_shared>> -> memref<40x128xf32, #tpu.memory_space<vmem_shared>>
    tpu.wait_dma2 semaphore(%arg24 : memref<!tpu.dma_semaphore, #tpu.memory_space<semaphore_mem>>) src(%arg16 : memref<40x128xf32, #tpu.memory_space<vmem>>) dst(%dma_wait3A_191 : memref<40x128xf32, #tpu.memory_space<vmem_shared>>)
    %dma_wait3A_192 = arith.constant 0 : i32
    %dma_wait3A_193 = tpu.memref_slice %arg19[%mul3A_10, %dma_wait3A_192] : memref<10240x128xf32, #tpu.memory_space<vmem_shared>> -> memref<40x128xf32, #tpu.memory_space<vmem_shared>>
    %dma_wait3A_194 = arith.constant 0 : i32
    %dma_wait3A_195 = tpu.memref_slice %arg19[%mul3A_10, %dma_wait3A_194] : memref<10240x128xf32, #tpu.memory_space<vmem_shared>> -> memref<40x128xf32, #tpu.memory_space<vmem_shared>>
    tpu.wait_dma2 semaphore(%arg25 : memref<!tpu.dma_semaphore, #tpu.memory_space<semaphore_mem>>) src(%arg17 : memref<40x128xf32, #tpu.memory_space<vmem>>) dst(%dma_wait3A_195 : memref<40x128xf32, #tpu.memory_space<vmem_shared>>)
    %barrier3A_196 = arith.constant 0 : index
    tpu.barrier barrier_id(%barrier3A_196)
    "tpu.region"() ({
      %run_scoped3A_197 = tpu.sem_alloc : memref<!tpu.dma_semaphore, #tpu.memory_space<semaphore_mem>>
      %dma_start3A_198 = arith.constant 0 : i32
      %dma_start3A_199 = tpu.memref_slice %arg7[%arg0, %mul3A_10, %dma_start3A_198] : memref<2x10240x128xf32, #tpu.memory_space<hbm>> -> memref<1x640x128xf32, #tpu.memory_space<hbm>>
      %dma_start3A_200 = tpu.memref_squeeze %dma_start3A_199 : memref<1x640x128xf32, #tpu.memory_space<hbm>> -> memref<640x128xf32, #tpu.memory_space<hbm>>
      %dma_start3A_201 = arith.constant 0 : i32
      %dma_start3A_202 = tpu.memref_slice %arg19[%mul3A_10, %dma_start3A_201] : memref<10240x128xf32, #tpu.memory_space<vmem_shared>> -> memref<640x128xf32, #tpu.memory_space<vmem_shared>>
      tpu.enqueue_dma source(%dma_start3A_202 : memref<640x128xf32, #tpu.memory_space<vmem_shared>>) target(%dma_start3A_200 : memref<640x128xf32, #tpu.memory_space<hbm>>) target_semaphore(%run_scoped3A_197 : memref<!tpu.dma_semaphore, #tpu.memory_space<semaphore_mem>>)
      %dma_wait3A_203 = arith.constant 0 : i32
      %dma_wait3A_204 = tpu.memref_slice %arg7[%arg0, %mul3A_10, %dma_wait3A_203] : memref<2x10240x128xf32, #tpu.memory_space<hbm>> -> memref<1x640x128xf32, #tpu.memory_space<hbm>>
      %dma_wait3A_205 = tpu.memref_squeeze %dma_wait3A_204 : memref<1x640x128xf32, #tpu.memory_space<hbm>> -> memref<640x128xf32, #tpu.memory_space<hbm>>
      %dma_wait3A_206 = arith.constant 0 : i32
      %dma_wait3A_207 = tpu.memref_slice %arg19[%mul3A_10, %dma_wait3A_206] : memref<10240x128xf32, #tpu.memory_space<vmem_shared>> -> memref<640x128xf32, #tpu.memory_space<vmem_shared>>
      tpu.wait_dma2 semaphore(%run_scoped3A_197 : memref<!tpu.dma_semaphore, #tpu.memory_space<semaphore_mem>>) src(%dma_wait3A_207 : memref<640x128xf32, #tpu.memory_space<vmem_shared>>) dst(%dma_wait3A_205 : memref<640x128xf32, #tpu.memory_space<hbm>>)
      tpu.yield
    }) : () -> ()
    return
  }
}

module attributes {stable_mosaic.version = 14 : i64} {
  func.func @_tables_body(%arg0: memref<10000x128xf32, #tpu.memory_space<vmem>>, %arg1: memref<128x256xf32, #tpu.memory_space<vmem>>, %arg2: memref<128x256xf32, #tpu.memory_space<vmem>>, %arg3: memref<10000x128xi32, #tpu.memory_space<vmem>>, %arg4: memref<10000x128xi32, #tpu.memory_space<vmem>>) attributes {dimension_semantics = [], scalar_prefetch = 0 : i64, scratch_operands = 0 : i64, tpu.core_type = #tpu.core_type<tc>} {
    %get3A = arith.constant 0 : index
    %get3A_0 = arith.constant 0 : index
    %get3A_1 = vector.load %arg0[%get3A, %get3A_0] : memref<10000x128xf32, #tpu.memory_space<vmem>>, vector<10000x128xf32>
    %get3A_2 = arith.constant 0 : index
    %get3A_3 = arith.constant 0 : index
    %get3A_4 = vector.load %arg1[%get3A_2, %get3A_3] : memref<128x256xf32, #tpu.memory_space<vmem>>, vector<128x256xf32>
    %dot_general3A = arith.constant dense<0.000000e+00> : vector<10000x256xf32>
    %dot_general3A_5 = tpu.matmul %get3A_1, %get3A_4, %dot_general3A {dimension_numbers = #tpu.dot_dimension_numbers<[1], [0], [0], [1], [0, 0, 1, 1], [], []>, transpose_lhs_hint = false} : vector<10000x128xf32>, vector<128x256xf32>, vector<10000x256xf32> -> vector<10000x256xf32>
    %slice3A = vector.extract_strided_slice %dot_general3A_5 {offsets = [0, 0], sizes = [10000, 128], strides = [1, 1]} : vector<10000x256xf32> to vector<10000x128xf32>
    %bitcast_convert_type3A = tpu.bitcast %slice3A : vector<10000x128xf32> -> vector<10000x128xi32>
    %shift_right_logical3A = arith.constant 16 : i32
    %shift_right_logical3A_6 = vector.broadcast %shift_right_logical3A : i32 to vector<10000x128xi32>
    %shift_right_logical3A_7 = arith.shrui %bitcast_convert_type3A, %shift_right_logical3A_6 : vector<10000x128xi32>
    %and3A = arith.constant 1 : i32
    %and3A_8 = vector.broadcast %and3A : i32 to vector<10000x128xi32>
    %and3A_9 = arith.andi %shift_right_logical3A_7, %and3A_8 : vector<10000x128xi32>
    %add3A = arith.constant 32767 : i32
    %add3A_10 = vector.broadcast %add3A : i32 to vector<10000x128xi32>
    %add3A_11 = arith.addi %bitcast_convert_type3A, %add3A_10 : vector<10000x128xi32>
    %add3A_12 = arith.addi %add3A_11, %and3A_9 : vector<10000x128xi32>
    %shift_right_logical3A_13 = arith.constant 16 : i32
    %shift_right_logical3A_14 = vector.broadcast %shift_right_logical3A_13 : i32 to vector<10000x128xi32>
    %shift_right_logical3A_15 = arith.shrui %add3A_12, %shift_right_logical3A_14 : vector<10000x128xi32>
    %slice3A_16 = vector.extract_strided_slice %dot_general3A_5 {offsets = [0, 128], sizes = [10000, 128], strides = [1, 1]} : vector<10000x256xf32> to vector<10000x128xf32>
    %bitcast_convert_type3A_17 = tpu.bitcast %slice3A_16 : vector<10000x128xf32> -> vector<10000x128xi32>
    %shift_right_logical3A_18 = arith.constant 16 : i32
    %shift_right_logical3A_19 = vector.broadcast %shift_right_logical3A_18 : i32 to vector<10000x128xi32>
    %shift_right_logical3A_20 = arith.shrui %bitcast_convert_type3A_17, %shift_right_logical3A_19 : vector<10000x128xi32>
    %and3A_21 = arith.constant 1 : i32
    %and3A_22 = vector.broadcast %and3A_21 : i32 to vector<10000x128xi32>
    %and3A_23 = arith.andi %shift_right_logical3A_20, %and3A_22 : vector<10000x128xi32>
    %add3A_24 = arith.constant 32767 : i32
    %add3A_25 = vector.broadcast %add3A_24 : i32 to vector<10000x128xi32>
    %add3A_26 = arith.addi %bitcast_convert_type3A_17, %add3A_25 : vector<10000x128xi32>
    %add3A_27 = arith.addi %add3A_26, %and3A_23 : vector<10000x128xi32>
    %shift_right_logical3A_28 = arith.constant 16 : i32
    %shift_right_logical3A_29 = vector.broadcast %shift_right_logical3A_28 : i32 to vector<10000x128xi32>
    %shift_right_logical3A_30 = arith.shrui %add3A_27, %shift_right_logical3A_29 : vector<10000x128xi32>
    %shift_left3A = arith.constant 16 : i32
    %shift_left3A_31 = vector.broadcast %shift_left3A : i32 to vector<10000x128xi32>
    %shift_left3A_32 = arith.shli %shift_right_logical3A_30, %shift_left3A_31 : vector<10000x128xi32>
    %or3A = arith.ori %shift_right_logical3A_15, %shift_left3A_32 : vector<10000x128xi32>
    %swap3A = arith.constant 0 : index
    %swap3A_33 = arith.constant 0 : index
    %swap3A_34 = vector.load %arg3[%swap3A, %swap3A_33] : memref<10000x128xi32, #tpu.memory_space<vmem>>, vector<10000x128xi32>
    tpu.vector_store %arg3[%swap3A, %swap3A_33], %or3A {strides = array<i32>} : memref<10000x128xi32, #tpu.memory_space<vmem>>, vector<10000x128xi32>,
    %get3A_35 = arith.constant 0 : index
    %get3A_36 = arith.constant 0 : index
    %get3A_37 = vector.load %arg2[%get3A_35, %get3A_36] : memref<128x256xf32, #tpu.memory_space<vmem>>, vector<128x256xf32>
    %dot_general3A_38 = arith.constant dense<0.000000e+00> : vector<10000x256xf32>
    %dot_general3A_39 = tpu.matmul %get3A_1, %get3A_37, %dot_general3A_38 {dimension_numbers = #tpu.dot_dimension_numbers<[1], [0], [0], [1], [0, 0, 1, 1], [], []>, transpose_lhs_hint = false} : vector<10000x128xf32>, vector<128x256xf32>, vector<10000x256xf32> -> vector<10000x256xf32>
    %slice3A_40 = vector.extract_strided_slice %dot_general3A_39 {offsets = [0, 0], sizes = [10000, 128], strides = [1, 1]} : vector<10000x256xf32> to vector<10000x128xf32>
    %bitcast_convert_type3A_41 = tpu.bitcast %slice3A_40 : vector<10000x128xf32> -> vector<10000x128xi32>
    %shift_right_logical3A_42 = arith.constant 16 : i32
    %shift_right_logical3A_43 = vector.broadcast %shift_right_logical3A_42 : i32 to vector<10000x128xi32>
    %shift_right_logical3A_44 = arith.shrui %bitcast_convert_type3A_41, %shift_right_logical3A_43 : vector<10000x128xi32>
    %and3A_45 = arith.constant 1 : i32
    %and3A_46 = vector.broadcast %and3A_45 : i32 to vector<10000x128xi32>
    %and3A_47 = arith.andi %shift_right_logical3A_44, %and3A_46 : vector<10000x128xi32>
    %add3A_48 = arith.constant 32767 : i32
    %add3A_49 = vector.broadcast %add3A_48 : i32 to vector<10000x128xi32>
    %add3A_50 = arith.addi %bitcast_convert_type3A_41, %add3A_49 : vector<10000x128xi32>
    %add3A_51 = arith.addi %add3A_50, %and3A_47 : vector<10000x128xi32>
    %shift_right_logical3A_52 = arith.constant 16 : i32
    %shift_right_logical3A_53 = vector.broadcast %shift_right_logical3A_52 : i32 to vector<10000x128xi32>
    %shift_right_logical3A_54 = arith.shrui %add3A_51, %shift_right_logical3A_53 : vector<10000x128xi32>
    %slice3A_55 = vector.extract_strided_slice %dot_general3A_39 {offsets = [0, 128], sizes = [10000, 128], strides = [1, 1]} : vector<10000x256xf32> to vector<10000x128xf32>
    %bitcast_convert_type3A_56 = tpu.bitcast %slice3A_55 : vector<10000x128xf32> -> vector<10000x128xi32>
    %shift_right_logical3A_57 = arith.constant 16 : i32
    %shift_right_logical3A_58 = vector.broadcast %shift_right_logical3A_57 : i32 to vector<10000x128xi32>
    %shift_right_logical3A_59 = arith.shrui %bitcast_convert_type3A_56, %shift_right_logical3A_58 : vector<10000x128xi32>
    %and3A_60 = arith.constant 1 : i32
    %and3A_61 = vector.broadcast %and3A_60 : i32 to vector<10000x128xi32>
    %and3A_62 = arith.andi %shift_right_logical3A_59, %and3A_61 : vector<10000x128xi32>
    %add3A_63 = arith.constant 32767 : i32
    %add3A_64 = vector.broadcast %add3A_63 : i32 to vector<10000x128xi32>
    %add3A_65 = arith.addi %bitcast_convert_type3A_56, %add3A_64 : vector<10000x128xi32>
    %add3A_66 = arith.addi %add3A_65, %and3A_62 : vector<10000x128xi32>
    %shift_right_logical3A_67 = arith.constant 16 : i32
    %shift_right_logical3A_68 = vector.broadcast %shift_right_logical3A_67 : i32 to vector<10000x128xi32>
    %shift_right_logical3A_69 = arith.shrui %add3A_66, %shift_right_logical3A_68 : vector<10000x128xi32>
    %shift_left3A_70 = arith.constant 16 : i32
    %shift_left3A_71 = vector.broadcast %shift_left3A_70 : i32 to vector<10000x128xi32>
    %shift_left3A_72 = arith.shli %shift_right_logical3A_69, %shift_left3A_71 : vector<10000x128xi32>
    %or3A_73 = arith.ori %shift_right_logical3A_54, %shift_left3A_72 : vector<10000x128xi32>
    %swap3A_74 = arith.constant 0 : index
    %swap3A_75 = arith.constant 0 : index
    %swap3A_76 = vector.load %arg4[%swap3A_74, %swap3A_75] : memref<10000x128xi32, #tpu.memory_space<vmem>>, vector<10000x128xi32>
    tpu.vector_store %arg4[%swap3A_74, %swap3A_75], %or3A_73 {strides = array<i32>} : memref<10000x128xi32, #tpu.memory_space<vmem>>, vector<10000x128xi32>,
    return
  }
}

module attributes {stable_mosaic.version = 14 : i64} {
  func.func @_edge_table_body(%arg0: i32, %arg1: memref<8000x16xf32, #tpu.memory_space<vmem>>, %arg2: memref<16x256xf32, #tpu.memory_space<vmem>>, %arg3: memref<1x256xf32, #tpu.memory_space<vmem>>, %arg4: memref<8000x128xi32, #tpu.memory_space<vmem>>) attributes {dimension_semantics = [#tpu.dimension_semantics<arbitrary>], iteration_bounds = array<i64: 40>, scalar_prefetch = 0 : i64, scratch_operands = 0 : i64, tpu.core_type = #tpu.core_type<tc>, window_params = [{transform_indices = @transform_0, window_bounds = array<i64: 8000, 16>}, {pipeline_mode = #tpu.pipeline_mode<synchronous>, transform_indices = @transform_1, window_bounds = array<i64: 16, 256>}, {pipeline_mode = #tpu.pipeline_mode<synchronous>, transform_indices = @transform_2, window_bounds = array<i64: 1, 256>}, {transform_indices = @transform_3, window_bounds = array<i64: 8000, 128>}]} {
    %get3A = arith.constant 0 : index
    %get3A_0 = arith.constant 0 : index
    %get3A_1 = vector.load %arg1[%get3A, %get3A_0] : memref<8000x16xf32, #tpu.memory_space<vmem>>, vector<8000x16xf32>
    %get3A_2 = arith.constant 0 : index
    %get3A_3 = arith.constant 0 : index
    %get3A_4 = vector.load %arg2[%get3A_2, %get3A_3] : memref<16x256xf32, #tpu.memory_space<vmem>>, vector<16x256xf32>
    %dot_general3A = arith.constant dense<0.000000e+00> : vector<8000x256xf32>
    %dot_general3A_5 = tpu.matmul %get3A_1, %get3A_4, %dot_general3A {dimension_numbers = #tpu.dot_dimension_numbers<[1], [0], [0], [1], [0, 0, 1, 1], [], []>, transpose_lhs_hint = false} : vector<8000x16xf32>, vector<16x256xf32>, vector<8000x256xf32> -> vector<8000x256xf32>
    %get3A_6 = arith.constant 0 : index
    %get3A_7 = arith.constant 0 : index
    %get3A_8 = vector.load %arg3[%get3A_6, %get3A_7] : memref<1x256xf32, #tpu.memory_space<vmem>>, vector<1x256xf32>
    %add3A = vector.broadcast %get3A_8 : vector<1x256xf32> to vector<8000x256xf32>
    %add3A_9 = arith.addf %dot_general3A_5, %add3A : vector<8000x256xf32>
    %slice3A = vector.extract_strided_slice %add3A_9 {offsets = [0, 0], sizes = [8000, 128], strides = [1, 1]} : vector<8000x256xf32> to vector<8000x128xf32>
    %bitcast_convert_type3A = tpu.bitcast %slice3A : vector<8000x128xf32> -> vector<8000x128xi32>
    %shift_right_logical3A = arith.constant 16 : i32
    %shift_right_logical3A_10 = vector.broadcast %shift_right_logical3A : i32 to vector<8000x128xi32>
    %shift_right_logical3A_11 = arith.shrui %bitcast_convert_type3A, %shift_right_logical3A_10 : vector<8000x128xi32>
    %and3A = arith.constant 1 : i32
    %and3A_12 = vector.broadcast %and3A : i32 to vector<8000x128xi32>
    %and3A_13 = arith.andi %shift_right_logical3A_11, %and3A_12 : vector<8000x128xi32>
    %add3A_14 = arith.constant 32767 : i32
    %add3A_15 = vector.broadcast %add3A_14 : i32 to vector<8000x128xi32>
    %add3A_16 = arith.addi %bitcast_convert_type3A, %add3A_15 : vector<8000x128xi32>
    %add3A_17 = arith.addi %add3A_16, %and3A_13 : vector<8000x128xi32>
    %shift_right_logical3A_18 = arith.constant 16 : i32
    %shift_right_logical3A_19 = vector.broadcast %shift_right_logical3A_18 : i32 to vector<8000x128xi32>
    %shift_right_logical3A_20 = arith.shrui %add3A_17, %shift_right_logical3A_19 : vector<8000x128xi32>
    %slice3A_21 = vector.extract_strided_slice %add3A_9 {offsets = [0, 128], sizes = [8000, 128], strides = [1, 1]} : vector<8000x256xf32> to vector<8000x128xf32>
    %bitcast_convert_type3A_22 = tpu.bitcast %slice3A_21 : vector<8000x128xf32> -> vector<8000x128xi32>
    %shift_right_logical3A_23 = arith.constant 16 : i32
    %shift_right_logical3A_24 = vector.broadcast %shift_right_logical3A_23 : i32 to vector<8000x128xi32>
    %shift_right_logical3A_25 = arith.shrui %bitcast_convert_type3A_22, %shift_right_logical3A_24 : vector<8000x128xi32>
    %and3A_26 = arith.constant 1 : i32
    %and3A_27 = vector.broadcast %and3A_26 : i32 to vector<8000x128xi32>
    %and3A_28 = arith.andi %shift_right_logical3A_25, %and3A_27 : vector<8000x128xi32>
    %add3A_29 = arith.constant 32767 : i32
    %add3A_30 = vector.broadcast %add3A_29 : i32 to vector<8000x128xi32>
    %add3A_31 = arith.addi %bitcast_convert_type3A_22, %add3A_30 : vector<8000x128xi32>
    %add3A_32 = arith.addi %add3A_31, %and3A_28 : vector<8000x128xi32>
    %shift_right_logical3A_33 = arith.constant 16 : i32
    %shift_right_logical3A_34 = vector.broadcast %shift_right_logical3A_33 : i32 to vector<8000x128xi32>
    %shift_right_logical3A_35 = arith.shrui %add3A_32, %shift_right_logical3A_34 : vector<8000x128xi32>
    %shift_left3A = arith.constant 16 : i32
    %shift_left3A_36 = vector.broadcast %shift_left3A : i32 to vector<8000x128xi32>
    %shift_left3A_37 = arith.shli %shift_right_logical3A_35, %shift_left3A_36 : vector<8000x128xi32>
    %or3A = arith.ori %shift_right_logical3A_20, %shift_left3A_37 : vector<8000x128xi32>
    %swap3A = arith.constant 0 : index
    %swap3A_38 = arith.constant 0 : index
    %swap3A_39 = vector.load %arg4[%swap3A, %swap3A_38] : memref<8000x128xi32, #tpu.memory_space<vmem>>, vector<8000x128xi32>
    tpu.vector_store %arg4[%swap3A, %swap3A_38], %or3A {strides = array<i32>} : memref<8000x128xi32, #tpu.memory_space<vmem>>, vector<8000x128xi32>,
    return
  }
  func.func @transform_0(%arg0: i32) -> (i32, i32) {
    %c0_i32 = arith.constant 0 : i32
    %c0_i32_0 = arith.constant 0 : i32
    return %arg0, %c0_i32 : i32, i32
  }
  func.func @transform_1(%arg0: i32) -> (i32, i32) {
    %c0_i32 = arith.constant 0 : i32
    %c0_i32_0 = arith.constant 0 : i32
    %c0_i32_1 = arith.constant 0 : i32
    return %c0_i32, %c0_i32_0 : i32, i32
  }
  func.func @transform_2(%arg0: i32) -> (i32, i32) {
    %c0_i32 = arith.constant 0 : i32
    %c0_i32_0 = arith.constant 0 : i32
    %c0_i32_1 = arith.constant 0 : i32
    return %c0_i32, %c0_i32_0 : i32, i32
  }
  func.func @transform_3(%arg0: i32) -> (i32, i32) {
    %c0_i32 = arith.constant 0 : i32
    %c0_i32_0 = arith.constant 0 : i32
    return %arg0, %c0_i32 : i32, i32
  }
}

module attributes {stable_mosaic.version = 14 : i64} {
  func.func @_final_body(%arg0: memref<2x10240x128xf32, #tpu.memory_space<vmem>>, %arg1: memref<10000x128xf32, #tpu.memory_space<vmem>>, %arg2: memref<10000x128xf32, #tpu.memory_space<vmem>>) attributes {dimension_semantics = [], scalar_prefetch = 0 : i64, scratch_operands = 0 : i64, tpu.core_type = #tpu.core_type<tc>} {
    %get3A = arith.constant 0 : index
    %get3A_0 = arith.constant 0 : index
    %get3A_1 = arith.constant 0 : index
    %get3A_2 = vector.load %arg0[%get3A, %get3A_0, %get3A_1] : memref<2x10240x128xf32, #tpu.memory_space<vmem>>, vector<1x10000x128xf32>
    %get3A_3 = vector.shape_cast %get3A_2 : vector<1x10000x128xf32> to vector<10000x128xf32>
    %get3A_4 = arith.constant 1 : index
    %get3A_5 = arith.constant 0 : index
    %get3A_6 = arith.constant 0 : index
    %get3A_7 = vector.load %arg0[%get3A_4, %get3A_5, %get3A_6] : memref<2x10240x128xf32, #tpu.memory_space<vmem>>, vector<1x10000x128xf32>
    %get3A_8 = vector.shape_cast %get3A_7 : vector<1x10000x128xf32> to vector<10000x128xf32>
    %add3A = arith.addf %get3A_3, %get3A_8 : vector<10000x128xf32>
    %get3A_9 = arith.constant 0 : index
    %get3A_10 = arith.constant 0 : index
    %get3A_11 = vector.load %arg1[%get3A_9, %get3A_10] : memref<10000x128xf32, #tpu.memory_space<vmem>>, vector<10000x128xf32>
    %add3A_12 = arith.addf %add3A, %get3A_11 : vector<10000x128xf32>
    %swap3A = arith.constant 0 : index
    %swap3A_13 = arith.constant 0 : index
    %swap3A_14 = vector.load %arg2[%swap3A, %swap3A_13] : memref<10000x128xf32, #tpu.memory_space<vmem>>, vector<10000x128xf32>
    tpu.vector_store %arg2[%swap3A, %swap3A_13], %add3A_12 {strides = array<i32>} : memref<10000x128xf32, #tpu.memory_space<vmem>>, vector<10000x128xf32>,
    return
  }
}

</mosaic_0001>

<sc_bundles>
// kernel: kernel.6.cloned.1.call-start
scs
__scs_entry_jumppad:
0x0: {  	(pc) =	sbr.rel $0x88, $3  }
0x1: {  	(tag) =	ssettag $0x0;
	lr =	simm.s32 $0x1  }
0x2: {  	[smem:$0x3F9A] =	sst lr;
	_ =	strace $0xD0000000  }
0x3: {  	_ = 	snop  }
0x4: {  	_ = 	snop  }
0x5: {  	_ = 	snop  }
0x6: {  	_ = 	snop  }
0x7: {  	_ = 	snop  }
__scs_overlays_trampoline_lowered:
0x8: {  	[smem:$0x3FA9] =	sst s0  }
0x9: {  	[smem:$0x3FAA] =	sst s1  }
0xa: {  	[smem:$0x3FAB] =	sst s2  }
0xb: {  	[smem:$0x3FAC] =	sst s3  }
0xc: {  	[smem:$0x3FAD] =	sst s4  }
0xd: {  	[smem:$0x3FAE] =	sst s5  }
0xe: {  	[smem:$0x3FAF] =	sst s6  }
0xf: {  	[smem:$0x3FB0] =	sst s7  }
0x10: {  	[smem:$0x3FB1] =	sst s8  }
0x11: {  	[smem:$0x3FB2] =	sst s9;
	s0 =	simm.s32 @!p0 $0x0  }
0x12: {  	s1 =	sld [smem:$0x3F98];
	s0 =	simm.s32 @p0 $0x1  }
0x13: {  	[smem:$0x3FB3] =	sst s0;
	s0 =	simm.s32 @!p1 $0x0  }
0x14: {  	s2 =	sld [smem:$0x3F97];
	s0 =	simm.s32 @p1 $0x1  }
0x15: {  	[smem:$0x3FB4] =	sst s0;
	s0 =	simm.s32 @!p2 $0x0  }
0x16: {  	s3 =	sld [smem:$0x3FDB];
	s0 =	simm.s32 @p2 $0x1  }
0x17: {  	s4 =	simm.s32 $0x1BF5;
	[smem:$0x3FB6] =	sst s0  }
0x18: {  	s0 =	sld [smem:$0x3F99];
	_ =	swait.ge [sflag:s4], $0x0  }
0x19: {  	s7 =	sld [smem:$0x3F9A]  }
0x1a: {  	s8 =	sadd.s32 $0xFFFFE003, lr  }
0x1b: {  	s9 =	sadd.s32 $0xFFFFFEF7, lr;
	s5 =	simm.s32 $0xFFFFFFFF;
	p2 =	slt.u32 s8, $0xFFFFF086  }
0x1c: {  	p1 =	slt.u32 s9, $0xF7A;
	s5 =	simm.s32 @!p2 $0x0  }
0x1d: {  	s5 =	simm.s32 @p1 $0x1;
	p0 =	seq.s32 s7, s2  }
0x1e: {  	s7 =	smul.u32 @!p0 $0xF7A, s2;
	p2 =	seq.s32 @!p0 s5, $0x0  }
0x1f: {  	s9 =	smul.u32 $0xF7A, s1;
	s8 =	simm.s32 @!p0 $0x1BF5;
	p2 =	por !p2, p0  }
0x20: {  	[sflag:s8] =	ssyncset.s32 @!p0 $0xFFFFF086;
	s6 =	sadd.s32 @!p0 s3, s7;
	s7 =	simm.s32 @!p0 $0x108  }
0x21: {  	s3 =	sadd.s32 s3, s9;
	s6 =	sadd.s32 @!p0 $0x88, s6;
	s7 =	simm.s32 @p2 $0x1082  }
0x22: {  	[simem:s7], [sflag:s8] =	dma.local @!p0 [hbm:s6], $0xF7A  }
0x23: {  	s9 =	sor.u32 $0xD0000000, s2;
	s6 =	simm.s32 $0x108;
	_ =	swait.ge @!p0 [sflag:s8], $0x0  }
0x24: {  	s3 =	sadd.s32 $0x88, s3;
	s6 =	simm.s32 @!p1 $0x1082;
	[sflag:s4] =	ssyncset.s32 $0xFFFFF086  }
0x25: {  	[simem:s6], [sflag:s4] =	dma.local [hbm:s3], $0xF7A  }
0x26: {  	[smem:$0x3F9A] =	sst s1;
	(tag) =	ssettag s2;
	_ =	strace s9  }
0x27: {  	s1 =	sld [smem:$0x3FAA]  }
0x28: {  	s2 =	sld [smem:$0x3FAB]  }
0x29: {  	s4 =	sld [smem:$0x3FAD]  }
0x2a: {  	p0 =	seq.s32 s5, $0x0;
	s5 =	sld [smem:$0x3FAE]  }
0x2b: {  	s6 =	sld [smem:$0x3FAF]  }
0x2c: {  	s7 =	sld [smem:$0x3FB0]  }
0x2d: {  	s3 =	simm.s32 $0x108;
	s8 =	sld [smem:$0x3FB1]  }
0x2e: {  	s3 =	simm.s32 @!p0 $0x1082;
	s9 =	sld [smem:$0x3FB2]  }
0x2f: {  	lr =	sadd.s32 s0, s3;
	s0 =	sld [smem:$0x3FA9]  }
0x30: {  	s3 =	sld [smem:$0x3FAC]  }
0x31: {  	[smem:$0x3FB5] =	sst s10  }
0x32: {  	s10 =	sld [smem:$0x3FB3];
	_ =	sdelay $0x3  }
0x33: {  	p0 =	seq.s32 s10, $0x1;
	s10 =	sld [smem:$0x3FB5];
	_ =	sdelay $0x3  }
0x34: {  	[smem:$0x3FB5] =	sst s10  }
0x35: {  	s10 =	sld [smem:$0x3FB4];
	_ =	sdelay $0x3  }
0x36: {  	p1 =	seq.s32 s10, $0x1;
	s10 =	sld [smem:$0x3FB5];
	_ =	sdelay $0x3  }
0x37: {  	[smem:$0x3FB5] =	sst s10  }
0x38: {  	s10 =	sld [smem:$0x3FB6]  }
0x39: {  	_ = 	snop;
	(pc) =	sbr.ind lr, $3  }
0x3a: {  	_ = 	snop  }
0x3b: {  	_ = 	snop  }
0x3c: {  	p2 =	seq.s32 s10, $0x1;
	s10 =	sld [smem:$0x3FB5]  }
0x3d: {  	_ =	shalt  }
0x3e: {  	_ =	shalt  }
0x3f: {  	_ =	shalt  }
0x40: {  	_ =	shalt  }
0x41: {  	_ =	shalt  }
0x42: {  	_ =	shalt  }
0x43: {  	_ =	shalt  }
0x44: {  	_ =	shalt  }
0x45: {  	_ =	shalt  }
0x46: {  	_ =	shalt  }
0x47: {  	_ =	shalt  }
0x48: {  	_ =	shalt  }
0x49: {  	_ =	shalt  }
0x4a: {  	_ =	shalt  }
0x4b: {  	_ =	shalt  }
0x4c: {  	_ =	shalt  }
0x4d: {  	_ =	shalt  }
0x4e: {  	_ =	shalt  }
0x4f: {  	_ =	shalt  }
0x50: {  	_ =	shalt  }
0x51: {  	_ =	shalt  }
0x52: {  	_ =	shalt  }
0x53: {  	_ =	shalt  }
0x54: {  	_ =	shalt  }
0x55: {  	_ =	shalt  }
0x56: {  	_ =	shalt  }
0x57: {  	_ =	shalt  }
0x58: {  	_ =	shalt  }
0x59: {  	_ =	shalt  }
0x5a: {  	_ =	shalt  }
0x5b: {  	_ =	shalt  }
0x5c: {  	_ =	shalt  }
0x5d: {  	_ =	shalt  }
0x5e: {  	_ =	shalt  }
0x5f: {  	_ =	shalt  }
0x60: {  	_ =	shalt  }
0x61: {  	_ =	shalt  }
0x62: {  	_ =	shalt  }
0x63: {  	_ =	shalt  }
0x64: {  	_ =	shalt  }
0x65: {  	_ =	shalt  }
0x66: {  	_ =	shalt  }
0x67: {  	_ =	shalt  }
0x68: {  	_ =	shalt  }
0x69: {  	_ =	shalt  }
0x6a: {  	_ =	shalt  }
0x6b: {  	_ =	shalt  }
0x6c: {  	_ =	shalt  }
0x6d: {  	_ =	shalt  }
0x6e: {  	_ =	shalt  }
0x6f: {  	_ =	shalt  }
0x70: {  	_ =	shalt  }
0x71: {  	_ =	shalt  }
0x72: {  	_ =	shalt  }
0x73: {  	_ =	shalt  }
0x74: {  	_ =	shalt  }
0x75: {  	_ =	shalt  }
0x76: {  	_ =	shalt  }
0x77: {  	_ =	shalt  }
0x78: {  	_ =	shalt  }
0x79: {  	_ =	shalt  }
0x7a: {  	_ =	shalt  }
0x7b: {  	_ =	shalt  }
0x7c: {  	_ =	shalt  }
0x7d: {  	_ =	shalt  }
0x7e: {  	_ =	shalt  }
0x7f: {  	_ =	shalt  }
0x80: {  	_ =	shalt  }
0x81: {  	_ =	shalt  }
0x82: {  	_ =	shalt  }
0x83: {  	_ =	shalt  }
0x84: {  	_ =	shalt  }
0x85: {  	_ =	shalt  }
0x86: {  	_ =	shalt  }
0x87: {  	_ =	shalt  }
.Lfunc_end0:
.L_simem_size_0:
called_computation_lowered:
.L_overlay_start_0:
0x88: {  	s2 =	sld [smem:$0x3FD9]  }
0x89: {  	s3 =	sld [smem:$0x3FFE];
	_ =	sdelay $0x1  }
0x8a: {  	s1 =	srdreg.scid  }
0x8b: {  	s0 =	sand.u32 $0x1, s1  }
0x8c: {  	s17 =	sshll.u32 s0, $0xA;
	s2 =	sadd.s32 s3, s2  }
0x8d: {  	s2 =	sadd.s32 s2, s17  }
0x8e: {  	[smem:$0x3FC1] =	sst s2  }
0x8f: {  	_ = 	snop  }
0x90: {  	s2 =	sld [smem:$0x3FD0];
	(tm) =	ssettm $0x1  }
0x91: {  	s18 =	sld [smem:$0x3FFB];
	_ =	sdelay $0x3  }
0x92: {  	_ =	strace s18  }
0x93: {  	s3 =	sld [smem:$0x3FFC];
	_ =	sdelay $0x3  }
0x94: {  	_ =	strace s3  }
0x95: {  	s3 =	sld [smem:$0x3FFD];
	_ =	sdelay $0x3  }
0x96: {  	_ =	strace s3  }
0x97: {  	_ =	strace $0x8FFFFFFF  }
0x98: {  	s19 =	sld [smem:$0x3FDB];
	_ =	sdelay $0x1  }
0x99: {  	s4 =	simm.s32 $_scs_section_size  }
0x9a: {  	s5 =	simm.s32 $_size__tile_overlayer_lowered;
	s6 =	simm.s32 $_tile_overlayer_lowered  }
0x9b: {  	s22 =	simm.s32 $0x1BFF;
	s21 =	sshll.u32 s6, $0x1;
	s3 =	sadd.s32 s4, s19  }
0x9c: {  	s7 =	simm.s32 $0x0;
	s20 =	sshll.u32 s5, $0x1;
	s5 =	sadd.s32 s21, s3  }
0x9d: {  	[timem:s7], [sflag:s22] =	dma.local [hbm:s5], s20  }
0x9e: {  	_ =	swait.ge [sflag:s22], s20  }
0x9f: {  	s4 =	ssub.s32 $0x0, s20;
	[sflag:s22] =	ssyncset.done $0x0  }
0xa0: {  	[sflag:s22] =	ssyncadd.s32 s4;
	_ =	sdelay $0x1  }
0xa1: {  	s23 =	simm.s32 $0x1B8B  }
0xa2: {  	_ =	swait.ge [sflag:s23], $0x1  }
0xa3: {  	[sflag:s23] =	ssyncset.done $0x0  }
0xa4: {  	s25 =	simm.s32 $0x1B8E;
	s24 =	sld [smem:$0x3FFE];
	[sflag:s23] =	ssyncadd.s32 $0xFFFFFFFF  }
0xa5: {  	s26 =	simm.s32 $execute0_lowered;
	[smem:$0x3FD2] =	sst s25  }
0xa6: {  	s5 =	sshll.u32 s26, $0x1;
	_ =	strace $0x80000046;
	[dreg:$0x1] =	wrdreg $0xFFFFFFFF  }
0xa7: {  	s28 =	simm.s32 $_size_execute0_lowered;
	s3 =	sadd.s32 s3, s5;
	[dreg:$0x0] =	wrdreg $0x0  }
0xa8: {  	s5 =	sshll.u32 s28, $0x1;
	[dreg:$0x2] =	wrdreg s3  }
0xa9: {  	[dreg:$0x3] =	wrdreg s5  }
0xaa: {  	[dreg:$0x4] =	wrdreg $0xC0  }
0xab: {  	_ =	task [dreg:s7], $0x5FFFF  }
0xac: {  	[dreg:$0x1] =	wrdreg $0xFFFFFFFF  }
0xad: {  	[dreg:$0x0] =	wrdreg $0x60  }
0xae: {  	[dreg:$0x2] =	wrdreg s2  }
0xaf: {  	[dreg:$0x3] =	wrdreg s24  }
0xb0: {  	[dreg:$0x4] =	wrdreg $0xA3000  }
0xb1: {  	[dreg:$0x5] =	wrdreg $0x9  }
0xb2: {  	_ =	task.clear_ibuf [dreg:s7], $0x6FFFF;
	_ =	strace $0x90000046  }
0xb3: {  	s29 =	simm.s32 $0x9;
	_ =	strace $0x80000048  }
0xb4: {  	_ =	swait.ge [sflag:s29], $0x1  }
0xb5: {  	[sflag:s29] =	ssyncadd.s32 $0xFFFFFFFF  }
0xb6: {  	_ =	strace $0x90000048  }
0xb7: {  	_ =	sfence  }
0xb8: {  	s30 =	sld [smem:$0x0];
	_ =	sdelay $0x2  }
0xb9: {  	s31 =	sshll.u32 s1, $0xD;
	s1 =	sshrl.u32 s1, $0x2  }
0xba: {  	s3 =	sand.u32 $0x4000, s31;
	s1 =	sadd.s32 s1, s30  }
0xbb: {  	s0 =	sor.u32 s3, s0;
	s1 =	sshll.u32 s1, $0x11  }
0xbc: {  	s0 =	sor.u32 s1, s0  }
0xbd: {  	s0 =	sadd.s32 $0x8F2B, s0  }
0xbe: {  	[sflag:s0] =	ssyncadd.remote.s32 $0x1  }
0xbf: {  	_ =	sfence.sel $0xFFFF  }
0xc0: {  	[dreg:$0x0] =	wrdreg $0xFFFFFFFF;
	(pc) =	sbr.abs _section_cstart, $3  }
0xc1: {  	[dreg:$0x1] =	wrdreg $0xFFFFFFFF  }
0xc2: {  	_ =	task.clear_ibuf [dreg:s7], $0x2FFFF;
	_ =	strace $0x9FFFFFFF  }
0xc3: {  	(tm) =	ssettm $0x7FFFFFFF  }
tec
execute0_lowered:
.L_overlay_start_1:
0x0: {  	(tag) =	ssettag $0x1  }
0x1: {  	s1 =	rddreg [dreg:$0x0]  }
0x2: {  	s0 =	rddreg [dreg:$0x1];
	s3 =	srdreg.scid  }
0x3: {  	s4 =	simm.s32 $0x0;
	s12 =	stileid.u32;
	s3 =	sand.u32 $0x1, s3  }
0x4: {  	[smem:$0x7FF] =	sst s4;
	s8 =	smul.u32 $0x14000, s12;
	s5 =	sadd.s32 $0x4F7800, s0  }
0x5: {  	s7 =	smul.u32 $0x140000, s3;
	s18 =	ssub.s32 $0x2, s3;
	s3 =	sshll.u32 s3, $0x4  }
0x6: {  	s6 =	sadd.s32 $0x51EA00, s0;
	s10 =	smul.u32 $0x50000, s12;
	s3 =	sor.u32 s12, s3  }
0x7: {  	s2 =	rddreg [dreg:$0x2];
	_ =	strace $0x80000047;
	s19 =	smul.u32 $0x2710, s3  }
0x8: {  	s11 =	sshrl.u32 s18, $0x1;
	s8 =	sadd.s32 s8, s7;
	s3 =	smul.u32 $0x27100, s3  }
0x9: {  	s10 =	sshrl.u32 s10, $0x2;
	s7 =	sadd.s32 $0x4EDA00, s0;
	s9 =	sshrl.u32 s8, $0x3  }
0xa: {  	s8 =	sadd.s32 $0x4E3C00, s0;
	s0 =	sadd.s32 s9, s0;
	s3 =	sadd.s32 s6, s3  }
0xb: {  	s9 =	ssub.s32 s18, s11;
	s18 =	sadd.s32 s10, s2;
	[dreg:$0xd] =	wrdreg s3  }
0xc: {  	s20 =	sadd.s32 $0x1400, s18;
	[dreg:$0x4] =	wrdreg s18  }
0xd: {  	s21 =	sadd.s32 $0x2800, s18;
	[dreg:$0x5] =	wrdreg s20  }
0xe: {  	s22 =	sadd.s32 $0x3C00, s18;
	[dreg:$0x6] =	wrdreg s21  }
0xf: {  	s23 =	sadd.s32 $0x5000, s18;
	[dreg:$0x7] =	wrdreg s22  }
0x10: {  	s24 =	sadd.s32 $0x6400, s18;
	[dreg:$0x8] =	wrdreg s23  }
0x11: {  	s25 =	sshrl.u32 s19, $0x3;
	s26 =	sadd.s32 $0x7800, s18;
	[dreg:$0x9] =	wrdreg s24  }
0x12: {  	s30 =	sadd.s32 s7, s25;
	[dreg:$0xa] =	wrdreg s26  }
0x13: {  	s11 =	sadd.s32 s8, s25;
	[dreg:$0xb] =	wrdreg s30  }
0x14: {  	s28 =	simm.s32 $0x1;
	s0 =	sadd.s32 $0x1C00, s0;
	[dreg:$0xc] =	wrdreg s11  }
0x15: {  	s29 =	simm.s32 $0x4;
	s16 =	smax.u32 s9, $0x1;
	[dreg:$0x10] =	wrdreg s0  }
0x16: {  	s15 =	sadd.s32 $0x28, s19;
	s17 =	sadd.s32 $0x8C00, s18;
	[dreg:$0x11] =	wrdreg s16  }
0x17: {  	s31 =	sshrl.u32 s15, $0x3;
	s25 =	sadd.s32 $0xF000, s18;
	[dreg:$0x12] =	wrdreg s17  }
0x18: {  	s12 =	simm.s32 $0x7A00;
	s13 =	sadd.s32 s7, s31;
	[dreg:$0x17] =	wrdreg s25  }
0x19: {  	s14 =	sadd.s32 s8, s31;
	s22 =	sadd.s32 $0x50, s19;
	[dreg:$0xe] =	wrdreg s13  }
0x1a: {  	s23 =	sadd.s32 $0x78, s19;
	s19 =	sadd.s32 $0xA000, s18;
	[dreg:$0xf] =	wrdreg s14  }
0x1b: {  	s10 =	simm.s32 $0x2;
	s20 =	sadd.s32 $0xB400, s18;
	[dreg:$0x13] =	wrdreg s19  }
0x1c: {  	s3 =	simm.s32 $0x5;
	s21 =	sadd.s32 $0xC800, s18;
	[dreg:$0x14] =	wrdreg s20  }
0x1d: {  	s9 =	simm.s32 $0x6;
	s24 =	sadd.s32 $0xDC00, s18;
	[dreg:$0x15] =	wrdreg s21  }
0x1e: {  	s26 =	sadd.s32 $0x10400, s18;
	s30 =	sadd.s32 $0x11800, s18;
	[dreg:$0x16] =	wrdreg s24  }
0x1f: {  	s31 =	sadd.s32 $0x12C00, s18;
	s16 =	simm.s32 $0x28;
	[dreg:$0x18] =	wrdreg s26  }
0x20: {  	s25 =	simm.s32 $0xA280;
	s11 =	simm.s32 $0x3;
	[dreg:$0x19] =	wrdreg s30  }
0x21: {  	s17 =	simm.s32 $0x0;
	[dreg:$0x1a] =	wrdreg s31;
	s13 =	simm.s32 $0x7  }
0x22: {  	s14 =	simm.s32 $0x100;
	s19 =	simm.s32 $0x2A00;
	s20 =	simm.s32 $0x80  }
0x23: {  	v0 =	vimm.f32 $0.0e+00;
	s21 =	simm.s32 $0x180;
	s24 =	simm.s32 $0xA200;
	s26 =	simm.s32 $0x8E00  }
.LBB2_1:
0x24: {  	[dreg:$0x1b] =	wrdreg s17;
	s0 =	simm.s32 $0x0;
	s17 =	simm.s32 $0x200  }
.LBB2_2:
0x25: {  	p0 =	sne.s32 s17, $0x4E00;
	[tilespmem:s0+$0x8E70] =	vst v0  }
0x26: {  	[tilespmem:s0+$0x7A00] =	vst v0  }
0x27: {  	[tilespmem:s0+$0x8E00] =	vst v0  }
0x28: {  	[tilespmem:s0+$0x7A10] =	vst v0  }
0x29: {  	[tilespmem:s0+$0x8E10] =	vst v0  }
0x2a: {  	[tilespmem:s0+$0x7A20] =	vst v0  }
0x2b: {  	[tilespmem:s0+$0x8E20] =	vst v0  }
0x2c: {  	[tilespmem:s0+$0x7A30] =	vst v0  }
0x2d: {  	[tilespmem:s0+$0x8E30] =	vst v0  }
0x2e: {  	[tilespmem:s0+$0x7A40] =	vst v0  }
0x2f: {  	[tilespmem:s0+$0x8E40] =	vst v0  }
.Ltmp0:
0x30: {  	[tilespmem:s0+$0x7A50] =	vst v0;
	(pc) =	sbr.rel @p0 .LBB2_2-.Ltmp0, $4  }
0x31: {  	[tilespmem:s0+$0x8E50] =	vst v0  }
0x32: {  	[tilespmem:s0+$0x7A60] =	vst v0  }
0x33: {  	[tilespmem:s0+$0x8E60] =	vst v0  }
0x34: {  	[tilespmem:s0+$0x7A70] =	vst v0;
	s0 =	sshra.s32 s17, $0x2;
	s17 =	sadd.s32 $0x200, s17  }
0x35: {  	[tilespmem:s0+$0x8E70] =	vst v0  }
0x36: {  	[tilespmem:s0+$0x7A00] =	vst v0  }
0x37: {  	[tilespmem:s0+$0x8E00] =	vst v0  }
0x38: {  	[tilespmem:s0+$0x7A10] =	vst v0  }
0x39: {  	[tilespmem:s0+$0x8E10] =	vst v0  }
0x3a: {  	[tilespmem:s0+$0x7A20] =	vst v0  }
0x3b: {  	[tilespmem:s0+$0x8E20] =	vst v0  }
0x3c: {  	[tilespmem:s0+$0x7A30] =	vst v0  }
0x3d: {  	[tilespmem:s0+$0x8E30] =	vst v0  }
0x3e: {  	[tilespmem:s0+$0x7A40] =	vst v0  }
0x3f: {  	[tilespmem:s0+$0x8E40] =	vst v0  }
0x40: {  	[tilespmem:s0+$0x7A50] =	vst v0  }
0x41: {  	[tilespmem:s0+$0x8E50] =	vst v0  }
0x42: {  	[tilespmem:s0+$0x7A60] =	vst v0  }
0x43: {  	[tilespmem:s0+$0x8E60] =	vst v0  }
0x44: {  	[tilespmem:s0+$0x7A70] =	vst v0  }
0x45: {  	[spmem:s18] =	stream.linear.scatter [tilespmem:s12], [sflag:$0x7], $0x1400, $0x38;
	[tilespmem:$0x1E300] =	vst v63  }
0x46: {  	_ =	swait.ge [sflag:s13], $0x1400  }
0x47: {  	[sflag:s13] =	ssyncset.done $0x0  }
0x48: {  	s31 =	rddreg [dreg:$0x5];
	[sflag:s13] =	ssyncadd.s32 $0xFFFFEC00  }
0x49: {  	[spmem:s31] =	stream.linear.scatter [tilespmem:s12], [sflag:$0x7], $0x1400, $0x38;
	[tilespmem:$0x1E300] =	vst v63  }
0x4a: {  	_ =	swait.ge [sflag:s13], $0x1400  }
0x4b: {  	[sflag:s13] =	ssyncset.done $0x0  }
0x4c: {  	s17 =	rddreg [dreg:$0x6];
	[sflag:s13] =	ssyncadd.s32 $0xFFFFEC00  }
0x4d: {  	[spmem:s17] =	stream.linear.scatter [tilespmem:s12], [sflag:$0x7], $0x1400, $0x38;
	[tilespmem:$0x1E300] =	vst v63  }
0x4e: {  	_ =	swait.ge [sflag:s13], $0x1400  }
0x4f: {  	[sflag:s13] =	ssyncset.done $0x0  }
0x50: {  	s18 =	rddreg [dreg:$0x7];
	[sflag:s13] =	ssyncadd.s32 $0xFFFFEC00  }
0x51: {  	[spmem:s18] =	stream.linear.scatter [tilespmem:s12], [sflag:$0x7], $0x1400, $0x38;
	[tilespmem:$0x1E300] =	vst v63  }
0x52: {  	_ =	swait.ge [sflag:s13], $0x1400  }
0x53: {  	[sflag:s13] =	ssyncset.done $0x0  }
0x54: {  	s31 =	rddreg [dreg:$0x8];
	[sflag:s13] =	ssyncadd.s32 $0xFFFFEC00  }
0x55: {  	[spmem:s31] =	stream.linear.scatter [tilespmem:s12], [sflag:$0x7], $0x1400, $0x38;
	[tilespmem:$0x1E300] =	vst v63  }
0x56: {  	_ =	swait.ge [sflag:s13], $0x1400  }
0x57: {  	[sflag:s13] =	ssyncset.done $0x0  }
0x58: {  	s17 =	rddreg [dreg:$0x9];
	[sflag:s13] =	ssyncadd.s32 $0xFFFFEC00  }
0x59: {  	[spmem:s17] =	stream.linear.scatter [tilespmem:s12], [sflag:$0x7], $0x1400, $0x38;
	[tilespmem:$0x1E300] =	vst v63  }
0x5a: {  	_ =	swait.ge [sflag:s13], $0x1400  }
0x5b: {  	[sflag:s13] =	ssyncset.done $0x0  }
0x5c: {  	s18 =	rddreg [dreg:$0xa];
	[sflag:s13] =	ssyncadd.s32 $0xFFFFEC00  }
0x5d: {  	[spmem:s18] =	stream.linear.scatter [tilespmem:s12], [sflag:$0x7], $0x1400, $0x38;
	[tilespmem:$0x1E300] =	vst v63  }
0x5e: {  	_ =	swait.ge [sflag:s13], $0x1400  }
0x5f: {  	[sflag:s13] =	ssyncset.done $0x0  }
0x60: {  	s31 =	rddreg [dreg:$0x12];
	[sflag:s13] =	ssyncadd.s32 $0xFFFFEC00  }
0x61: {  	[spmem:s31] =	stream.linear.scatter [tilespmem:s12], [sflag:$0x7], $0x1400, $0x38;
	[tilespmem:$0x1E300] =	vst v63  }
0x62: {  	_ =	swait.ge [sflag:s13], $0x1400  }
0x63: {  	[sflag:s13] =	ssyncset.done $0x0  }
0x64: {  	s17 =	rddreg [dreg:$0x13];
	[sflag:s13] =	ssyncadd.s32 $0xFFFFEC00  }
0x65: {  	[spmem:s17] =	stream.linear.scatter [tilespmem:s12], [sflag:$0x7], $0x1400, $0x38;
	[tilespmem:$0x1E300] =	vst v63  }
0x66: {  	_ =	swait.ge [sflag:s13], $0x1400  }
0x67: {  	[sflag:s13] =	ssyncset.done $0x0  }
0x68: {  	s18 =	rddreg [dreg:$0x14];
	[sflag:s13] =	ssyncadd.s32 $0xFFFFEC00  }
0x69: {  	[spmem:s18] =	stream.linear.scatter [tilespmem:s12], [sflag:$0x7], $0x1400, $0x38;
	[tilespmem:$0x1E300] =	vst v63  }
0x6a: {  	_ =	swait.ge [sflag:s13], $0x1400  }
0x6b: {  	[sflag:s13] =	ssyncset.done $0x0  }
0x6c: {  	s31 =	rddreg [dreg:$0x15];
	[sflag:s13] =	ssyncadd.s32 $0xFFFFEC00  }
0x6d: {  	[spmem:s31] =	stream.linear.scatter [tilespmem:s12], [sflag:$0x7], $0x1400, $0x38;
	[tilespmem:$0x1E300] =	vst v63  }
0x6e: {  	_ =	swait.ge [sflag:s13], $0x1400  }
0x6f: {  	[sflag:s13] =	ssyncset.done $0x0  }
0x70: {  	s17 =	rddreg [dreg:$0x16];
	[sflag:s13] =	ssyncadd.s32 $0xFFFFEC00  }
0x71: {  	[spmem:s17] =	stream.linear.scatter [tilespmem:s12], [sflag:$0x7], $0x1400, $0x38;
	[tilespmem:$0x1E300] =	vst v63  }
0x72: {  	_ =	swait.ge [sflag:s13], $0x1400  }
0x73: {  	[sflag:s13] =	ssyncset.done $0x0  }
0x74: {  	s18 =	rddreg [dreg:$0x17];
	[sflag:s13] =	ssyncadd.s32 $0xFFFFEC00  }
0x75: {  	[spmem:s18] =	stream.linear.scatter [tilespmem:s12], [sflag:$0x7], $0x1400, $0x38;
	[tilespmem:$0x1E300] =	vst v63  }
0x76: {  	_ =	swait.ge [sflag:s13], $0x1400  }
0x77: {  	[sflag:s13] =	ssyncset.done $0x0  }
0x78: {  	s31 =	rddreg [dreg:$0x18];
	[sflag:s13] =	ssyncadd.s32 $0xFFFFEC00  }
0x79: {  	[spmem:s31] =	stream.linear.scatter [tilespmem:s12], [sflag:$0x7], $0x1400, $0x38;
	[tilespmem:$0x1E300] =	vst v63  }
0x7a: {  	_ =	swait.ge [sflag:s13], $0x1400  }
0x7b: {  	[sflag:s13] =	ssyncset.done $0x0  }
0x7c: {  	s17 =	rddreg [dreg:$0x19];
	[sflag:s13] =	ssyncadd.s32 $0xFFFFEC00  }
0x7d: {  	[spmem:s17] =	stream.linear.scatter [tilespmem:s12], [sflag:$0x7], $0x1400, $0x38;
	[tilespmem:$0x1E300] =	vst v63  }
0x7e: {  	_ =	swait.ge [sflag:s13], $0x1400  }
0x7f: {  	[sflag:s13] =	ssyncset.done $0x0  }
0x80: {  	s18 =	rddreg [dreg:$0x1a];
	[sflag:s13] =	ssyncadd.s32 $0xFFFFEC00  }
0x81: {  	[spmem:s18] =	stream.linear.scatter [tilespmem:s12], [sflag:$0x7], $0x1400, $0x38;
	[tilespmem:$0x1E300] =	vst v63  }
0x82: {  	_ =	swait.ge [sflag:s13], $0x1400  }
0x83: {  	[sflag:s13] =	ssyncset.done $0x0  }
0x84: {  	[sflag:s13] =	ssyncadd.s32 $0xFFFFEC00  }
0x85: {  	[bflag:$0x0] =	sbarrier.arrive $0xFFFF  }
0x86: {  	s30 =	simm.s32 $0x0;
	s31 =	rddreg [dreg:$0xb]  }
0x87: {  	[tilespmem:s30], [sflag:$0x7] =	stream.linear.gather [hbm4b:s31+s30], $0x28, $0x38;
	[tilespmem:$0x1E300] =	vst v63  }
0x88: {  	_ =	swait.ge [sflag:s13], $0x28  }
0x89: {  	[sflag:s13] =	ssyncset.done $0x0  }
0x8a: {  	s17 =	rddreg [dreg:$0xc];
	[sflag:s13] =	ssyncadd.s32 $0xFFFFFFD8  }
0x8b: {  	[tilespmem:s14], [sflag:$0x7] =	stream.linear.gather [hbm4b:s17+s30], $0x28, $0x38;
	[tilespmem:$0x1E300] =	vst v63  }
0x8c: {  	_ =	swait.ge [sflag:s13], $0x28  }
0x8d: {  	[sflag:s13] =	ssyncset.done $0x0  }
0x8e: {  	s18 =	simm.s32 $0x200;
	[sflag:s13] =	ssyncadd.s32 $0xFFFFFFD8  }
0x8f: {  	[tilespmem:s18], [sflag:$0x1] =	stream.indirect.gather [hbm4b:s1+s16], $0x80, s30, s16, $0xb8;
	[tilespmem:$0x1E300] =	vst v63  }
0x90: {  	s31 =	simm.s32 $0x1600  }
0x91: {  	[tilespmem:s31], [sflag:$0x1] =	stream.indirect.gather [hbm4b:s5+s16], $0x80, s14, s16, $0xb8;
	[tilespmem:$0x1E300] =	vst v63  }
0x92: {  	s17 =	rddreg [dreg:$0xd]  }
0x93: {  	[tilespmem:s19], [sflag:$0x1] =	stream.linear.gather [hbm4b:s17+s30], $0x1400, $0x38;
	[tilespmem:$0x1E300] =	vst v63  }
0x94: {  	s18 =	rddreg [dreg:$0xe]  }
0x95: {  	[tilespmem:s20], [sflag:$0x4] =	stream.linear.gather [hbm4b:s18+s30], $0x28, $0x38;
	[tilespmem:$0x1E300] =	vst v63  }
0x96: {  	s31 =	rddreg [dreg:$0xf]  }
0x97: {  	[tilespmem:s21], [sflag:$0x4] =	stream.linear.gather [hbm4b:s31+s30], $0x28, $0x38;
	[tilespmem:$0x1E300] =	vst v63  }
0x98: {  	v1 =	vld [tilespmem:$0x0]  }
0x99: {  	v2 =	vld [tilespmem:$0x10]  }
0x9a: {  	v4 =	vld [tilespmem:$0x0]  }
0x9b: {  	v5 =	vld [tilespmem:$0x10]  }
0x9c: {  	v3 =	vld [tilespmem:$0x18]  }
0x9d: {  	v63 =	vld [tilespmem:$0x18];
	[tilespmem:$0xA200] =	vst v1  }
0x9e: {  	[tilespmem:$0xA210] =	vst v2  }
0x9f: {  	[tilespmem:$0xA280] =	vst v4  }
0xa0: {  	[tilespmem:$0xA290] =	vst v5  }
0xa1: {  	[tilespmem:$0xA218] =	vst v3  }
0xa2: {  	[tilespmem:$0xA298] =	vst v63  }
0xa3: {  	[spmem:s2] =	stream.indirect.scatter.add.f32 [tilespmem:s12], [sflag:$0x5], $0x80, s24, s16, $0xb8;
	[tilespmem:$0x1E300] =	vst v63  }
0xa4: {  	_ = 	snop  }
0xa5: {  	[spmem:s2] =	stream.indirect.scatter.add.f32 [tilespmem:s26], [sflag:$0x6], $0x80, s25, s16, $0xb8;
	[tilespmem:$0x1E300] =	vst v63  }
.LBB2_4:
0xa6: {  	_ =	swait.ge [sflag:s28], $0x1400  }
0xa7: {  	[sflag:s28] =	ssyncset.done $0x0  }
0xa8: {  	[sflag:s28] =	ssyncadd.s32 $0xFFFFEC00  }
0xa9: {  	_ =	swait.ge [sflag:s28], $0x1400  }
0xaa: {  	[sflag:s28] =	ssyncset.done $0x0  }
0xab: {  	[sflag:s28] =	ssyncadd.s32 $0xFFFFEC00  }
0xac: {  	_ =	swait.ge [sflag:s28], $0x1400  }
0xad: {  	[sflag:s28] =	ssyncset.done $0x0  }
0xae: {  	[sflag:s28] =	ssyncadd.s32 $0xFFFFEC00  }
0xaf: {  	_ =	swait.ge [sflag:s29], $0x28  }
0xb0: {  	[sflag:s29] =	ssyncset.done $0x0  }
0xb1: {  	[sflag:s29] =	ssyncadd.s32 $0xFFFFFFD8  }
0xb2: {  	_ =	swait.ge [sflag:s29], $0x28  }
0xb3: {  	[sflag:s29] =	ssyncset.done $0x0  }
0xb4: {  	s0 =	simm.s32 $0x3E00;
	s18 =	smul.u32 $0x50, s30;
	[sflag:s29] =	ssyncadd.s32 $0xFFFFFFD8  }
0xb5: {  	[tilespmem:s0], [sflag:$0x2] =	stream.indirect.gather [hbm4b:s1+s16], $0x80, s20, s16, $0xb8;
	[tilespmem:$0x1E300] =	vst v63  }
0xb6: {  	s0 =	sadd.s32 s18, s15  }
0xb7: {  	s17 =	simm.s32 $0x5200;
	s0 =	sshll.u32 s0, $0x4  }
0xb8: {  	[tilespmem:s17], [sflag:$0x2] =	stream.indirect.gather [hbm4b:s5+s16], $0x80, s21, s16, $0xb8;
	[tilespmem:$0x1E300] =	vst v63  }
0xb9: {  	s18 =	simm.s32 $0x6600;
	s0 =	sadd.s32 s6, s0  }
0xba: {  	[tilespmem:s18], [sflag:$0x2] =	stream.linear.gather [hbm4b:s0+s4], $0x1400, $0x38;
	[tilespmem:$0x1E300] =	vst v63  }
0xbb: {  	_ =	swait.ge [sflag:s3], $0x1400  }
0xbc: {  	[sflag:s3] =	ssyncset.done $0x0  }
0xbd: {  	[sflag:s3] =	ssyncadd.s32 $0xFFFFEC00  }
0xbe: {  	v1 =	vld [tilespmem:$0x0]  }
0xbf: {  	v2 =	vld [tilespmem:$0x10]  }
0xc0: {  	v3 =	vld [tilespmem:$0x18];
	_ =	sdelay $0x2  }
0xc1: {  	[tilespmem:$0xA200] =	vst v1  }
0xc2: {  	[tilespmem:$0xA210] =	vst v2  }
0xc3: {  	s31 =	simm.s32 $0xF0;
	[tilespmem:$0xA218] =	vst v3  }
0xc4: {  	v1 =	vld [tilespmem:s31+$0x200]  }
0xc5: {  	v2 =	vld [tilespmem:s31+$0x1600]  }
0xc6: {  	v3 =	vld [tilespmem:s31+$0x110]  }
0xc7: {  	v4 =	vld [tilespmem:s31+$0x2A00]  }
0xc8: {  	v5 =	vld [tilespmem:s31+$0x1510]  }
0xc9: {  	v6 =	vld [tilespmem:s31+$0x120]  }
0xca: {  	v7 =	vld [tilespmem:s31+$0x1520]  }
0xcb: {  	v57 =	vld [tilespmem:s31+$0x130]  }
0xcc: {  	v8 =	vld [tilespmem:s31+$0x1530]  }
0xcd: {  	v9 =	vld [tilespmem:s31+$0x1540]  }
0xce: {  	v11 =	vld [tilespmem:s31+$0x150];
	v1 =	vadd.bf16 v2, v1  }
0xcf: {  	v12 =	vld [tilespmem:s31+$0x1550]  }
0xd0: {  	v13 =	vld [tilespmem:s31+$0x160];
	v1 =	vadd.bf16 v4, v1  }
0xd1: {  	v14 =	vld [tilespmem:s31+$0x1560]  }
0xd2: {  	v15 =	vld [tilespmem:s31+$0x170];
	v10 =	vand.u32 $0x7FFFFFFF, v1  }
0xd3: {  	v16 =	vld [tilespmem:s31+$0x180];
	v10 =	vsub.f32 $0.0e+00, v10  }
0xd4: {  	v17 =	vld [tilespmem:s31+$0x1580]  }
0xd5: {  	v18 =	vld [tilespmem:s31+$0x190];
	v10 =	vmul.f32 $1.442695020e+00, v10  }
0xd6: {  	v19 =	vld [tilespmem:s31+$0x1590]  }
0xd7: {  	v20 =	vld [tilespmem:s31+$0x1A0];
	(erf) = vpow2.f32 v10  }
0xd8: {  	v22 =	vld [tilespmem:s31+$0x15A0]  }
0xd9: {  	v23 =	vld [tilespmem:s31+$0x1B0]  }
0xda: {  	v24 =	vld [tilespmem:s31+$0x15B0]  }
0xdb: {  	v26 =	vld [tilespmem:s31+$0x1C0]  }
0xdc: {  	v28 =	vld [tilespmem:s31+$0x15C0]  }
0xdd: {  	v29 =	vld [tilespmem:s31+$0x1E0];
	v21 =	vshll.u32 v1, $0x10  }
0xde: {  	v30 =	vld [tilespmem:s31+$0x15E0];
	v21 =	vsub.f32 $0.0e+00, v21  }
0xdf: {  	v3 =	vadd.bf16 v5, v3;
	v5 =	vadd.bf16 v7, v6;
	v6 =	vld [tilespmem:s31+$0x1F0]  }
0xe0: {  	v7 =	vld [tilespmem:s31+$0x15F0];
	v21 =	vmul.f32 $1.442695020e+00, v21;
	v25 =	vpop (erf)  }
0xe1: {  	v4 =	vld [tilespmem:s31+$0x140];
	v27 =	vadd.f32 $2.000000000e+00, v25  }
0xe2: {  	v2 =	vadd.bf16 v8, v57;
	v8 =	vld [tilespmem:s31+$0x2910];
	(erf) = vpow2.f32 v21  }
0xe3: {  	v10 =	vld [tilespmem:s31+$0x1570];
	(erf) = vrcp.f32 v27  }
0xe4: {  	v21 =	vld [tilespmem:s31+$0x1D0]  }
0xe5: {  	v27 =	vld [tilespmem:s31+$0x15D0]  }
0xe6: {  	v11 =	vadd.bf16 v12, v11;
	v4 =	vadd.bf16 v9, v4;
	v9 =	vld [tilespmem:s31+$0x2920]  }
0xe7: {  	v12 =	vadd.bf16 v14, v13;
	v14 =	vadd.bf16 v17, v16;
	v16 =	vld [tilespmem:s31+$0x2930]  }
0xe8: {  	v17 =	vadd.bf16 v22, v20;
	v22 =	vadd.bf16 v28, v26;
	v26 =	vld [tilespmem:s31+$0x2960]  }
0xe9: {  	v13 =	vadd.bf16 v10, v15;
	v15 =	vadd.bf16 v19, v18;
	v18 =	vld [tilespmem:s31+$0x2940]  }
0xea: {  	v21 =	vadd.bf16 v27, v21;
	v27 =	vadd.bf16 v7, v6;
	v6 =	vld [tilespmem:s31+$0x2970]  }
0xeb: {  	v59 =	vld [tilespmem:s31+$0x29E0];
	v9 =	vadd.bf16 v9, v5;
	v10 =	vpop (erf)  }
0xec: {  	v1 =	vmax.f32 v1, $0.0e+00;
	v19 =	vadd.bf16 v24, v23;
	v23 =	vadd.bf16 v30, v29;
	v20 =	vpop (erf)  }
0xed: {  	v20 =	vmul.f32 v20, v25;
	v25 =	vadd.f32 $1.000000000e+00, v10;
	v10 =	vadd.bf16 v8, v3  }
0xee: {  	v28 =	vld [tilespmem:s31+$0x2980];
	v60 =	vshll.u32 v9, $0x10;
	v8 =	vadd.bf16 v16, v2;
	v3 =	vadd.bf16 v18, v4  }
0xef: {  	v18 =	vand.u32 $0x7FFFFFFF, v9;
	v4 =	vadd.bf16 v26, v12;
	v6 =	vadd.bf16 v6, v13  }
0xf0: {  	v24 =	vld [tilespmem:s31+$0x2950];
	v2 =	vadd.bf16 v59, v23;
	v30 =	vsub.f32 $0.0e+00, v18;
	v5 =	vmul.f32 v20, v20  }
0xf1: {  	(erf) = vrcp.f32 v25;
	v25 =	vshll.u32 v10, $0x10;
	v7 =	vand.u32 $0x7FFFFFFF, v10  }
0xf2: {  	v58 =	vld [tilespmem:s31+$0x2990];
	v26 =	vand.u32 $0x7FFFFFFF, v3;
	v33 =	vand.u32 $0x7FFFFFFF, v4;
	v61 =	vshll.u32 v8, $0x10  }
0xf3: {  	v62 =	vshll.u32 v3, $0x10;
	v29 =	vsub.f32 $0.0e+00, v7;
	v7 =	vadd.bf16 v28, v14;
	v14 =	vld [tilespmem:s31+$0x29D0]  }
0xf4: {  	v28 =	vand.u32 $0x7FFFFFFF, v6;
	v30 =	vmul.f32 $1.442695020e+00, v30;
	v16 =	vmul.f32 $6.666666860e-01, v5  }
0xf5: {  	v5 =	vadd.bf16 v24, v11;
	v11 =	vld [tilespmem:s31+$0x29A0];
	v24 =	vand.u32 $0x7FFFFFFF, v8;
	v23 =	vsub.f32 $0.0e+00, v28  }
0xf6: {  	v63 =	vsub.f32 $0.0e+00, v62;
	v24 =	vsub.f32 $0.0e+00, v24;
	v29 =	vmul.f32 $1.442695020e+00, v29  }
0xf7: {  	v12 =	vld [tilespmem:s31+$0x29B0];
	v16 =	vadd.f32 $2.000000000e+00, v16;
	v31 =	vand.u32 $0x7FFFFFFF, v5;
	v23 =	vmul.f32 $1.442695020e+00, v23  }
0xf8: {  	v13 =	vld [tilespmem:s31+$0x29C0];
	v36 =	vshll.u32 v5, $0x10;
	(erf) = vpow2.f32 v29;
	v29 =	vshll.u32 v4, $0x10  }
0xf9: {  	v20 =	vmul.f32 v16, v20;
	v16 =	vadd.bf16 v58, v15;
	v29 =	vsub.f32 $0.0e+00, v29  }
0xfa: {  	v15 =	vand.u32 $0x7FFFFFFF, v7;
	v18 =	vadd.bf16 v11, v17;
	v17 =	vadd.bf16 v14, v21  }
0xfb: {  	v24 =	vmul.f32 $1.442695020e+00, v24;
	v14 =	vsub.f32 $0.0e+00, v31;
	v15 =	vsub.f32 $0.0e+00, v15  }
0xfc: {  	v1 =	vadd.f32 v20, v1;
	v34 =	vand.u32 $0x7FFFFFFF, v16;
	v20 =	vadd.bf16 v12, v19  }
0xfd: {  	v19 =	vadd.bf16 v13, v22;
	v22 =	vsub.f32 $0.0e+00, v33;
	v33 =	vmul.f32 $1.442695020e+00, v63  }
0xfe: {  	v37 =	vshll.u32 v16, $0x10;
	v43 =	vmul.f32 $1.442695020e+00, v29;
	v14 =	vmul.f32 $1.442695020e+00, v14  }
0xff: {  	v12 =	vpop (erf);
	v35 =	vand.u32 $0x7FFFFFFF, v18;
	v15 =	vmul.f32 $1.442695020e+00, v15;
	(erf) = vpow2.f32 v30  }
0x100: {  	v11 =	vld [tilespmem:s31+$0x29F0];
	v30 =	vshll.u32 v6, $0x10;
	v39 =	vshll.u32 v17, $0x10;
	v32 =	vmul.f32 v1, v12  }
0x101: {  	v12 =	vsub.f32 $0.0e+00, v26;
	v13 =	vand.u32 $0x7FFFFFFF, v20;
	v21 =	vand.u32 $0x7FFFFFFF, v19  }
0x102: {  	v26 =	vand.u32 $0x7FFFFFFF, v2;
	v28 =	vsub.f32 $0.0e+00, v35;
	v22 =	vmul.f32 $1.442695020e+00, v22  }
0x103: {  	(erf) = vpow2.f32 v24;
	v24 =	vshll.u32 v7, $0x10;
	v13 =	vsub.f32 $0.0e+00, v13  }
0x104: {  	v38 =	vshll.u32 v20, $0x10;
	v21 =	vsub.f32 $0.0e+00, v21;
	v26 =	vsub.f32 $0.0e+00, v26  }
0x105: {  	v24 =	vsub.f32 $0.0e+00, v24;
	v1 =	vadd.bf16 v11, v27;
	v12 =	vmul.f32 $1.442695020e+00, v12  }
0x106: {  	v11 =	vand.u32 $0x7FFFFFFF, v17;
	v28 =	vmul.f32 $1.442695020e+00, v28;
	v13 =	vmul.f32 $1.442695020e+00, v13  }
0x107: {  	v27 =	vsub.f32 $0.0e+00, v34;
	v21 =	vmul.f32 $1.442695020e+00, v21;
	v26 =	vmul.f32 $1.442695020e+00, v26  }
0x108: {  	v11 =	vsub.f32 $0.0e+00, v11;
	v47 =	vmul.f32 $1.442695020e+00, v24;
	(erf) = vpow2.f32 v12  }
0x109: {  	v31 =	vand.u32 $0x7FFFFFFF, v1;
	v27 =	vmul.f32 $1.442695020e+00, v27;
	(erf) = vpow2.f32 v14  }
0x10a: {  	v12 =	vshll.u32 v18, $0x10;
	v40 =	vshll.u32 v1, $0x10;
	(erf) = vpow2.f32 v22  }
0x10b: {  	v31 =	vsub.f32 $0.0e+00, v31;
	v11 =	vmul.f32 $1.442695020e+00, v11;
	(erf) = vpow2.f32 v23  }
0x10c: {  	v14 =	vshll.u32 v19, $0x10;
	v12 =	vsub.f32 $0.0e+00, v12;
	(erf) = vpow2.f32 v15  }
0x10d: {  	v0 =	vsub.f32 $0.0e+00, v40;
	v22 =	vshll.u32 v2, $0x10;
	(erf) = vpow2.f32 v27  }
0x10e: {  	v14 =	vsub.f32 $0.0e+00, v14;
	v31 =	vmul.f32 $1.442695020e+00, v31;
	(erf) = vpow2.f32 v28  }
0x10f: {  	v23 =	vsub.f32 $0.0e+00, v25;
	v25 =	vsub.f32 $0.0e+00, v60;
	(erf) = vpow2.f32 v13  }
0x110: {  	v49 =	vmul.f32 $1.442695020e+00, v12;
	v28 =	vsub.f32 $0.0e+00, v30;
	v30 =	vpop (erf);
	(erf) = vpow2.f32 v21  }
0x111: {  	v22 =	vsub.f32 $0.0e+00, v22;
	v52 =	vmul.f32 $1.442695020e+00, v14;
	v34 =	vpop (erf);
	(erf) = vpow2.f32 v11  }
0x112: {  	v15 =	vsub.f32 $0.0e+00, v61;
	v23 =	vmul.f32 $1.442695020e+00, v23;
	v35 =	vpop (erf);
	(erf) = vpow2.f32 v26  }
0x113: {  	v27 =	vsub.f32 $0.0e+00, v36;
	v56 =	vmul.f32 $1.442695020e+00, v22;
	(erf) = vpow2.f32 v31;
	v31 =	vpop (erf)  }
0x114: {  	v21 =	vsub.f32 $0.0e+00, v38;
	v38 =	vmul.f32 $1.442695020e+00, v25;
	v26 =	vadd.f32 $2.000000000e+00, v30;
	v25 =	vpop (erf)  }
0x115: {  	v36 =	vmul.f32 $1.442695020e+00, v0;
	v61 =	vmul.f32 $1.442695020e+00, v15;
	v59 =	vadd.f32 $2.000000000e+00, v34;
	v41 =	vpop (erf)  }
0x116: {  	v13 =	vsub.f32 $0.0e+00, v37;
	v60 =	vadd.f32 $2.000000000e+00, v35;
	(erf) = vrcp.f32 v26;
	v44 =	vpop (erf)  }
0x117: {  	v42 =	vmul.f32 $1.442695020e+00, v27;
	v15 =	vadd.f32 $2.000000000e+00, v31;
	(erf) = vrcp.f32 v59;
	v46 =	vpop (erf)  }
0x118: {  	v45 =	vmul.f32 $1.442695020e+00, v28;
	v27 =	vadd.f32 $2.000000000e+00, v25;
	(erf) = vrcp.f32 v60;
	v62 =	vpop (erf)  }
0x119: {  	v11 =	vsub.f32 $0.0e+00, v39;
	v26 =	vadd.f32 $2.000000000e+00, v41;
	(erf) = vrcp.f32 v15;
	v63 =	vpop (erf)  }
0x11a: {  	v48 =	vmul.f32 $1.442695020e+00, v13;
	v24 =	vadd.f32 $2.000000000e+00, v44;
	(erf) = vrcp.f32 v27;
	v50 =	vpop (erf)  }
0x11b: {  	v13 =	vadd.f32 $2.000000000e+00, v46;
	v12 =	vadd.f32 $2.000000000e+00, v62;
	(erf) = vrcp.f32 v26;
	v53 =	vpop (erf)  }
0x11c: {  	v14 =	vmax.f32 v9, $0.0e+00;
	v51 =	vmul.f32 $1.442695020e+00, v21;
	v55 =	vpop (erf);
	(erf) = vrcp.f32 v24  }
0x11d: {  	v54 =	vmul.f32 $1.442695020e+00, v11;
	v21 =	vadd.f32 $2.000000000e+00, v63;
	v57 =	vpop (erf);
	(erf) = vrcp.f32 v13  }
0x11e: {  	v15 =	vmax.f32 v10, $0.0e+00;
	v26 =	vadd.f32 $2.000000000e+00, v50;
	v58 =	vpop (erf);
	(erf) = vrcp.f32 v12  }
0x11f: {  	v11 =	vadd.f32 $2.000000000e+00, v53;
	v22 =	vadd.f32 $2.000000000e+00, v55;
	v12 =	vpop (erf);
	(erf) = vrcp.f32 v21  }
0x120: {  	v13 =	vmax.f32 v8, $0.0e+00;
	v30 =	vmul.f32 v12, v30;
	v9 =	vpop (erf);
	(erf) = vrcp.f32 v26  }
0x121: {  	v10 =	vadd.f32 $2.000000000e+00, v57;
	v29 =	vmul.f32 v9, v34;
	v9 =	vpop (erf);
	(erf) = vrcp.f32 v11  }
0x122: {  	v21 =	vadd.f32 $2.000000000e+00, v58;
	v24 =	vmul.f32 v9, v35;
	v8 =	vpop (erf);
	(erf) = vrcp.f32 v22  }
0x123: {  	v12 =	vmax.f32 v3, $0.0e+00;
	v26 =	vmul.f32 v8, v31;
	v3 =	vpop (erf);
	(erf) = vrcp.f32 v10  }
0x124: {  	v28 =	vmul.f32 v3, v25;
	v3 =	vpop (erf);
	(erf) = vrcp.f32 v21  }
0x125: {  	v25 =	vmul.f32 v3, v41;
	(erf) = vpow2.f32 v23;
	v3 =	vpop (erf)  }
0x126: {  	v59 =	vmax.f32 v2, $0.0e+00;
	v2 =	vmul.f32 v26, v26;
	v27 =	vmul.f32 v3, v44  }
0x127: {  	v11 =	vmax.f32 v5, $0.0e+00;
	(erf) = vpow2.f32 v38;
	v3 =	vpop (erf);
	v41 =	vmul.f32 v28, v28  }
0x128: {  	v10 =	vmax.f32 v6, $0.0e+00;
	v23 =	vmul.f32 v3, v46;
	(erf) = vpow2.f32 v61;
	v3 =	vpop (erf)  }
0x129: {  	v8 =	vmax.f32 v7, $0.0e+00;
	v22 =	vmul.f32 v3, v62;
	(erf) = vpow2.f32 v33;
	v3 =	vpop (erf)  }
0x12a: {  	v7 =	vmax.f32 v16, $0.0e+00;
	v21 =	vmul.f32 v3, v63;
	(erf) = vpow2.f32 v42;
	v3 =	vpop (erf)  }
0x12b: {  	v6 =	vmax.f32 v18, $0.0e+00;
	v61 =	vmul.f32 v30, v30;
	(erf) = vpow2.f32 v43;
	v0 =	vpop (erf)  }
0x12c: {  	v16 =	vmul.f32 v3, v50;
	v3 =	vmax.f32 v19, $0.0e+00;
	(erf) = vpow2.f32 v45;
	v19 =	vpop (erf)  }
0x12d: {  	v18 =	vmul.f32 v0, v53;
	v53 =	vmax.f32 v17, $0.0e+00;
	(erf) = vpow2.f32 v47;
	v17 =	vpop (erf)  }
0x12e: {  	v5 =	vmax.f32 v20, $0.0e+00;
	v20 =	vmul.f32 v17, v57;
	(erf) = vpow2.f32 v48;
	v17 =	vpop (erf)  }
0x12f: {  	v60 =	vmax.f32 v1, $0.0e+00;
	v62 =	vmul.f32 v29, v29;
	v31 =	vpop (erf);
	(erf) = vpow2.f32 v49  }
0x130: {  	v40 =	vmul.f32 v27, v27;
	v50 =	vadd.f32 $1.000000000e+00, v31;
	v31 =	vpop (erf);
	(erf) = vpow2.f32 v51  }
0x131: {  	v42 =	vmul.f32 v25, v25;
	v51 =	vadd.f32 $1.000000000e+00, v31;
	v31 =	vpop (erf);
	(erf) = vpow2.f32 v52  }
0x132: {  	v39 =	vmul.f32 v23, v23;
	v63 =	vadd.f32 $1.000000000e+00, v31;
	v31 =	vpop (erf);
	(erf) = vpow2.f32 v54  }
0x133: {  	v38 =	vmul.f32 v22, v22;
	v1 =	vadd.f32 $1.000000000e+00, v31;
	v31 =	vpop (erf);
	(erf) = vpow2.f32 v56  }
0x134: {  	v0 =	vmul.f32 v24, v24;
	v43 =	vadd.f32 $1.000000000e+00, v31;
	v31 =	vpop (erf);
	(erf) = vpow2.f32 v36  }
0x135: {  	v37 =	vmul.f32 v21, v21;
	v19 =	vmul.f32 v19, v55;
	v44 =	vadd.f32 $1.000000000e+00, v31;
	v31 =	vpop (erf)  }
0x136: {  	v55 =	vmul.f32 $6.666666860e-01, v2;
	v35 =	vmul.f32 v18, v18;
	v45 =	vadd.f32 $1.000000000e+00, v31;
	v31 =	vpop (erf)  }
0x137: {  	[tilespmem:$0x1FFD0] =	vst v53;
	v53 =	vmul.f32 $6.666666860e-01, v0;
	v17 =	vmul.f32 v17, v58;
	v46 =	vadd.f32 $1.000000000e+00, v31;
	v31 =	vpop (erf)  }
0x138: {  	v33 =	vmul.f32 v19, v19;
	v34 =	vmul.f32 v20, v20;
	v47 =	vadd.f32 $1.000000000e+00, v31;
	v31 =	vpop (erf)  }
0x139: {  	[tilespmem:$0x1FFF0] =	vst v60;
	v54 =	vmul.f32 $6.666666860e-01, v62;
	v56 =	vmul.f32 $6.666666860e-01, v61;
	v60 =	vpop (erf)  }
0x13a: {  	v4 =	vmax.f32 v4, $0.0e+00;
	v36 =	vmul.f32 v16, v16;
	(erf) = vrcp.f32 v50;
	v61 =	vpop (erf)  }
0x13b: {  	[tilespmem:s31+$0x7A00] =	vst v32;
	(erf) = vrcp.f32 v51;
	v48 =	vadd.f32 $1.000000000e+00, v31;
	v31 =	vmul.f32 v17, v17;
	v62 =	vpop (erf)  }
0x13c: {  	s0 =	simm.s32 $0x1F0;
	[tilespmem:$0x1FFE0] =	vst v59;
	(erf) = vrcp.f32 v63;
	v49 =	vadd.f32 $1.000000000e+00, v60;
	v50 =	vadd.f32 $1.000000000e+00, v61;
	v63 =	vpop (erf)  }
0x13d: {  	s17 =	simm.s32 $0xBC0;
	v32 =	vld [tilespmem:s0+$0x200];
	[tilespmem:$0x1FFC0] =	vst v3;
	v51 =	vadd.f32 $1.000000000e+00, v62;
	(erf) = vrcp.f32 v1;
	v52 =	vadd.f32 $1.000000000e+00, v63;
	v57 =	vpop (erf)  }
.LBB2_5:
0x13e: {  	v58 =	vld [tilespmem:s0+$0x1600]  }
0x13f: {  	(erf) = vrcp.f32 v43;
	v43 =	vld [tilespmem:s0+$0x110]  }
0x140: {  	v63 =	vld [tilespmem:s0+$0x2A00];
	v41 =	vmul.f32 $6.666666860e-01, v41  }
0x141: {  	v2 =	vld [tilespmem:s0+$0x1520];
	v42 =	vmul.f32 $6.666666860e-01, v42;
	(erf) = vrcp.f32 v44  }
0x142: {  	v0 =	vld [tilespmem:s0+$0x130];
	v40 =	vmul.f32 $6.666666860e-01, v40;
	v39 =	vmul.f32 $6.666666860e-01, v39  }
0x143: {  	v57 =	vadd.f32 $1.000000000e+00, v57;
	v1 =	vld [tilespmem:s0+$0x1530];
	v38 =	vmul.f32 $6.666666860e-01, v38;
	(erf) = vrcp.f32 v45  }
0x144: {  	v56 =	vadd.f32 $2.000000000e+00, v56;
	v37 =	vmul.f32 $6.666666860e-01, v37;
	v45 =	vld [tilespmem:s0+$0x1510];
	(erf) = vrcp.f32 v46  }
0x145: {  	v36 =	vmul.f32 $6.666666860e-01, v36;
	v46 =	vld [tilespmem:s0+$0x120];
	v42 =	vadd.f32 $2.000000000e+00, v42;
	(erf) = vrcp.f32 v47  }
0x146: {  	v39 =	vadd.f32 $2.000000000e+00, v39;
	v32 =	vadd.bf16 v58, v32;
	v58 =	vpop (erf);
	(erf) = vrcp.f32 v48;
	v48 =	vld [tilespmem:s0+$0x160]  }
0x147: {  	v34 =	vmul.f32 $6.666666860e-01, v34;
	v37 =	vadd.f32 $2.000000000e+00, v37;
	v25 =	vmul.f32 v42, v25;
	v42 =	vld [tilespmem:s0+$0x1590]  }
0x148: {  	v53 =	vadd.f32 $2.000000000e+00, v53;
	v44 =	vmul.f32 $6.666666860e-01, v35;
	v23 =	vmul.f32 v39, v23;
	v39 =	vld [tilespmem:s0+$0x1A0]  }
0x149: {  	v34 =	vadd.f32 $2.000000000e+00, v34;
	v21 =	vmul.f32 v37, v21;
	v37 =	vld [tilespmem:s0+$0x15A0];
	v59 =	vpop (erf);
	(erf) = vrcp.f32 v49  }
0x14a: {  	v32 =	vadd.bf16 v63, v32;
	v60 =	vpop (erf);
	(erf) = vrcp.f32 v50;
	v35 =	vadd.bf16 v45, v43;
	v43 =	vld [tilespmem:s0+$0x140]  }
0x14b: {  	v54 =	vadd.f32 $2.000000000e+00, v54;
	v56 =	vmul.f32 v56, v30;
	v50 =	vpop (erf);
	(erf) = vrcp.f32 v51;
	v51 =	vld [tilespmem:s0+$0x1540]  }
0x14c: {  	v20 =	vmul.f32 v34, v20;
	v34 =	vld [tilespmem:s0+$0x15B0];
	v45 =	vmul.f32 $6.666666860e-01, v33;
	v61 =	vand.u32 $0x7FFFFFFF, v32  }
0x14d: {  	v33 =	vadd.bf16 v2, v46;
	v46 =	vld [tilespmem:s0+$0x150];
	v62 =	vpop (erf);
	(erf) = vrcp.f32 v52;
	v2 =	vsub.f32 $0.0e+00, v61  }
0x14e: {  	v55 =	vadd.f32 $2.000000000e+00, v55;
	v53 =	vmul.f32 v53, v24;
	v52 =	vpop (erf);
	(erf) = vrcp.f32 v57;
	v57 =	vld [tilespmem:s0+$0x1550]  }
0x14f: {  	v61 =	vmul.f32 $6.666666860e-01, v31;
	v31 =	vadd.bf16 v1, v0;
	v0 =	vld [tilespmem:s0+$0x1560];
	v63 =	vpop (erf);
	v3 =	vmul.f32 $1.442695020e+00, v2  }
0x150: {  	v38 =	vadd.f32 $2.000000000e+00, v38;
	v54 =	vmul.f32 v54, v29;
	v49 =	vpop (erf);
	v30 =	vadd.bf16 v51, v43;
	v43 =	vld [tilespmem:s0+$0x170]  }
0x151: {  	v41 =	vadd.f32 $2.000000000e+00, v41;
	v40 =	vadd.f32 $2.000000000e+00, v40;
	v1 =	vpop (erf);
	v51 =	vld [tilespmem:s0+$0x1570];
	(erf) = vpow2.f32 v3  }
0x152: {  	v36 =	vadd.f32 $2.000000000e+00, v36;
	v22 =	vmul.f32 v38, v22;
	v14 =	vadd.f32 v54, v14;
	v3 =	vld [tilespmem:s0+$0x1580]  }
0x153: {  	v26 =	vmul.f32 v55, v26;
	v9 =	vadd.f32 v25, v4;
	v29 =	vadd.bf16 v57, v46;
	v46 =	vld [tilespmem:s0+$0x180]  }
0x154: {  	v28 =	vmul.f32 v41, v28;
	v54 =	vld [tilespmem:s0+$0x1C0];
	v7 =	vadd.f32 v22, v7;
	v41 =	vadd.f32 $2.000000000e+00, v61;
	v47 =	vpop (erf)  }
0x155: {  	v4 =	vld [tilespmem:$0x1FFC0];
	v61 =	vshll.u32 v32, $0x10;
	v2 =	vpop (erf);
	v24 =	vadd.bf16 v0, v48;
	v48 =	vadd.f32 v56, v15  }
0x156: {  	v1 =	vmul.f32 v7, v1;
	v7 =	vld [tilespmem:$0x1FFF0];
	v57 =	vpop (erf);
	v15 =	vadd.bf16 v51, v43;
	v43 =	vsub.f32 $0.0e+00, v61  }
0x157: {  	v27 =	vmul.f32 v40, v27;
	v36 =	vmul.f32 v36, v16;
	v0 =	vld [tilespmem:s0+$0x190];
	v55 =	vpop (erf)  }
0x158: {  	v58 =	vmul.f32 v48, v58;
	v40 =	vpop (erf);
	v16 =	vadd.bf16 v3, v46;
	v3 =	vld [tilespmem:s0+$0x1B0];
	v43 =	vmul.f32 $1.442695020e+00, v43  }
0x159: {  	v61 =	vld [tilespmem:s0+$0x15C0];
	v38 =	vpop (erf)  }
0x15a: {  	v13 =	vadd.f32 v53, v13;
	v51 =	vpop (erf);
	(erf) = vpow2.f32 v43;
	v43 =	vld [tilespmem:s0+$0x1D0];
	[tilespmem:s31+$0x7910] =	vst v58  }
0x15b: {  	v44 =	vadd.f32 $2.000000000e+00, v44;
	v11 =	vadd.f32 v28, v11;
	v14 =	vmul.f32 v14, v59;
	v28 =	vld [tilespmem:s0+$0x15D0]  }
0x15c: {  	v12 =	vadd.f32 v26, v12;
	v8 =	vadd.f32 v23, v8;
	v13 =	vmul.f32 v13, v60;
	v23 =	vld [tilespmem:s0+$0x15E0]  }
0x15d: {  	v56 =	vadd.f32 $2.000000000e+00, v51;
	v25 =	vadd.bf16 v34, v3;
	v3 =	vld [tilespmem:s0+$0x1E0];
	[tilespmem:s31+$0x7920] =	vst v14  }
0x15e: {  	v18 =	vmul.f32 v44, v18;
	v6 =	vadd.f32 v21, v6;
	v12 =	vmul.f32 v12, v50;
	v21 =	vld [tilespmem:s0+$0x1F0];
	[tilespmem:s31+$0x7930] =	vst v13  }
0x15f: {  	(erf) = vrcp.f32 v56;
	v13 =	vld [tilespmem:s0+$0x15F0]  }
0x160: {  	v45 =	vadd.f32 $2.000000000e+00, v45;
	v11 =	vmul.f32 v11, v62;
	[tilespmem:s31+$0x7940] =	vst v12;
	v12 =	vadd.f32 v18, v4;
	v4 =	vld [tilespmem:$0x1FFD0]  }
0x161: {  	v10 =	vadd.f32 v27, v10;
	v18 =	vld [tilespmem:s0+$0x2910]  }
0x162: {  	v5 =	vadd.f32 v36, v5;
	v19 =	vmul.f32 v45, v19;
	v17 =	vmul.f32 v41, v17;
	[tilespmem:s31+$0x7950] =	vst v11;
	v11 =	vld [tilespmem:$0x1FFE0]  }
0x163: {  	v26 =	vadd.bf16 v37, v39;
	v9 =	vmul.f32 v9, v52;
	v10 =	vmul.f32 v10, v63  }
0x164: {  	v8 =	vmul.f32 v8, v49;
	v7 =	vadd.f32 v17, v7;
	v0 =	vadd.bf16 v42, v0  }
0x165: {  	v6 =	vmul.f32 v6, v47;
	v14 =	vadd.bf16 v61, v54;
	v4 =	vadd.f32 v19, v4;
	v19 =	vld [tilespmem:s0+$0x2920];
	[tilespmem:s31+$0x7960] =	vst v9  }
0x166: {  	v5 =	vmul.f32 v5, v2;
	v22 =	vadd.bf16 v28, v43;
	v23 =	vadd.bf16 v23, v3;
	v3 =	vpop (erf);
	v9 =	vld [tilespmem:s0+$0x2930];
	[tilespmem:s31+$0x7970] =	vst v10  }
0x167: {  	v7 =	vmul.f32 v7, v38;
	v11 =	vadd.f32 v20, v11;
	v3 =	vadd.f32 $1.000000000e+00, v3;
	v10 =	vld [tilespmem:s0+$0x2940];
	[tilespmem:s31+$0x7980] =	vst v8  }
0x168: {  	v8 =	vmul.f32 v12, v57;
	v12 =	vmul.f32 v4, v55;
	v48 =	vpop (erf);
	v17 =	vld [tilespmem:s0+$0x2950];
	[tilespmem:s31+$0x7990] =	vst v1;
	v1 =	vadd.bf16 v18, v35  }
0x169: {  	v13 =	vadd.bf16 v13, v21;
	(erf) = vrcp.f32 v3;
	v20 =	vmul.f32 v48, v51;
	v18 =	vld [tilespmem:s0+$0x2960];
	[tilespmem:s31+$0x79A0] =	vst v6  }
0x16a: {  	v6 =	vmul.f32 v11, v40;
	v2 =	vadd.bf16 v19, v33;
	v11 =	vld [tilespmem:s0+$0x2970];
	[tilespmem:s31+$0x79B0] =	vst v5;
	v27 =	vshll.u32 v1, $0x10  }
0x16b: {  	v5 =	vand.u32 $0x7FFFFFFF, v1;
	v19 =	vmul.f32 v20, v20;
	v3 =	vadd.bf16 v9, v31;
	v9 =	vld [tilespmem:s0+$0x2980];
	[tilespmem:s31+$0x79C0] =	vst v8  }
0x16c: {  	v8 =	vand.u32 $0x7FFFFFFF, v2;
	v4 =	vadd.bf16 v10, v30;
	v10 =	vld [tilespmem:s0+$0x2990];
	[tilespmem:s31+$0x79D0] =	vst v12;
	v12 =	vsub.f32 $0.0e+00, v5  }
0x16d: {  	v19 =	vmul.f32 $6.666666860e-01, v19;
	v21 =	vand.u32 $0x7FFFFFFF, v3;
	v5 =	vadd.bf16 v17, v29  }
0x16e: {  	v17 =	vld [tilespmem:s0+$0x29A0];
	[tilespmem:s31+$0x79E0] =	vst v6;
	v53 =	vshll.u32 v3, $0x10;
	v28 =	vand.u32 $0x7FFFFFFF, v4;
	v6 =	vadd.bf16 v18, v24  }
0x16f: {  	v24 =	vsub.f32 $0.0e+00, v8;
	v50 =	vsub.f32 $0.0e+00, v21;
	v12 =	vmul.f32 $1.442695020e+00, v12  }
0x170: {  	v54 =	vshll.u32 v4, $0x10;
	v62 =	vsub.f32 $0.0e+00, v53;
	v19 =	vadd.f32 $2.000000000e+00, v19  }
0x171: {  	v18 =	vld [tilespmem:s0+$0x29B0];
	[tilespmem:s31+$0x79F0] =	vst v7;
	v29 =	vand.u32 $0x7FFFFFFF, v5;
	v7 =	vadd.bf16 v11, v15;
	v55 =	vshll.u32 v5, $0x10  }
0x172: {  	v15 =	vand.u32 $0x7FFFFFFF, v6;
	v8 =	vadd.bf16 v9, v16;
	v24 =	vmul.f32 $1.442695020e+00, v24  }
0x173: {  	v56 =	vshll.u32 v6, $0x10;
	v19 =	vmul.f32 v19, v20;
	v30 =	vand.u32 $0x7FFFFFFF, v7  }
0x174: {  	s31 =	smov.u32 s0;
	v16 =	vadd.bf16 v10, v0;
	v10 =	vmax.f32 v32, $0.0e+00;
	v52 =	vsub.f32 $0.0e+00, v15  }
0x175: {  	v11 =	vld [tilespmem:s31+$0x29C0];
	v20 =	vpop (erf);
	v57 =	vshll.u32 v7, $0x10;
	(erf) = vpow2.f32 v12;
	v63 =	vsub.f32 $0.0e+00, v56  }
0x176: {  	v49 =	vld [tilespmem:s31+$0x29E0];
	v31 =	vand.u32 $0x7FFFFFFF, v8;
	v17 =	vadd.bf16 v17, v26;
	v12 =	vshll.u32 v8, $0x10  }
0x177: {  	v9 =	vld [tilespmem:s31+$0x29D0];
	(erf) = vpow2.f32 v24;
	v10 =	vadd.f32 v19, v10;
	v51 =	vand.u32 $0x7FFFFFFF, v16  }
0x178: {  	v26 =	vld [tilespmem:s31+$0x29F0];
	v18 =	vadd.bf16 v18, v25;
	v15 =	vsub.f32 $0.0e+00, v31;
	v31 =	vshll.u32 v2, $0x10  }
0x179: {  	v0 =	vmul.f32 $1.442695020e+00, v52;
	v58 =	vshll.u32 v16, $0x10;
	v12 =	vsub.f32 $0.0e+00, v12  }
0x17a: {  	v32 =	vmul.f32 $1.442695020e+00, v63;
	v25 =	vand.u32 $0x7FFFFFFF, v17;
	v19 =	vadd.bf16 v11, v14  }
0x17b: {  	v11 =	vsub.f32 $0.0e+00, v28;
	v21 =	vadd.bf16 v49, v23;
	v24 =	vshll.u32 v17, $0x10  }
0x17c: {  	v10 =	vmul.f32 v10, v20;
	v20 =	vadd.bf16 v9, v22;
	v9 =	vsub.f32 $0.0e+00, v29  }
0x17d: {  	v22 =	vadd.bf16 v26, v13;
	v13 =	vsub.f32 $0.0e+00, v30;
	v30 =	vmul.f32 $1.442695020e+00, v50  }
0x17e: {  	v14 =	vand.u32 $0x7FFFFFFF, v18;
	v15 =	vmul.f32 $1.442695020e+00, v15;
	v11 =	vmul.f32 $1.442695020e+00, v11  }
0x17f: {  	v25 =	vsub.f32 $0.0e+00, v25;
	v9 =	vmul.f32 $1.442695020e+00, v9;
	(erf) = vpow2.f32 v30  }
0x180: {  	v28 =	vand.u32 $0x7FFFFFFF, v19;
	v23 =	vand.u32 $0x7FFFFFFF, v21;
	(erf) = vpow2.f32 v11  }
0x181: {  	v26 =	vsub.f32 $0.0e+00, v51;
	v13 =	vmul.f32 $1.442695020e+00, v13;
	(erf) = vpow2.f32 v9  }
0x182: {  	v14 =	vsub.f32 $0.0e+00, v14;
	[tilespmem:s31+$0x7A00] =	vst v10;
	v10 =	vand.u32 $0x7FFFFFFF, v20;
	(erf) = vpow2.f32 v0  }
0x183: {  	v28 =	vsub.f32 $0.0e+00, v28;
	v26 =	vmul.f32 $1.442695020e+00, v26;
	(erf) = vpow2.f32 v13  }
0x184: {  	v23 =	vsub.f32 $0.0e+00, v23;
	v25 =	vmul.f32 $1.442695020e+00, v25;
	(erf) = vpow2.f32 v15  }
0x185: {  	v10 =	vsub.f32 $0.0e+00, v10;
	v14 =	vmul.f32 $1.442695020e+00, v14;
	(erf) = vpow2.f32 v26  }
0x186: {  	v29 =	vand.u32 $0x7FFFFFFF, v22;
	v28 =	vmul.f32 $1.442695020e+00, v28;
	v33 =	vpop (erf);
	(erf) = vpow2.f32 v25  }
0x187: {  	v29 =	vsub.f32 $0.0e+00, v29;
	v10 =	vmul.f32 $1.442695020e+00, v10;
	v34 =	vpop (erf);
	(erf) = vpow2.f32 v14  }
0x188: {  	v59 =	vshll.u32 v18, $0x10;
	v23 =	vmul.f32 $1.442695020e+00, v23;
	v35 =	vpop (erf);
	(erf) = vpow2.f32 v28  }
0x189: {  	v24 =	vsub.f32 $0.0e+00, v24;
	v29 =	vmul.f32 $1.442695020e+00, v29;
	v37 =	vpop (erf);
	(erf) = vpow2.f32 v10  }
0x18a: {  	v60 =	vshll.u32 v20, $0x10;
	v30 =	vshll.u32 v19, $0x10;
	v39 =	vpop (erf);
	(erf) = vpow2.f32 v23  }
0x18b: {  	v61 =	vshll.u32 v22, $0x10;
	v30 =	vsub.f32 $0.0e+00, v30;
	v41 =	vpop (erf);
	(erf) = vpow2.f32 v29  }
0x18c: {  	v50 =	vmul.f32 $1.442695020e+00, v12;
	v36 =	vsub.f32 $0.0e+00, v61;
	v9 =	vsub.f32 $0.0e+00, v27;
	v44 =	vpop (erf)  }
0x18d: {  	v11 =	vshll.u32 v21, $0x10;
	v27 =	vsub.f32 $0.0e+00, v31;
	v31 =	vsub.f32 $0.0e+00, v54;
	v45 =	vpop (erf)  }
0x18e: {  	v11 =	vsub.f32 $0.0e+00, v11;
	v54 =	vmul.f32 $1.442695020e+00, v24;
	v0 =	vmul.f32 $1.442695020e+00, v62;
	v48 =	vpop (erf)  }
0x18f: {  	v36 =	vmul.f32 $1.442695020e+00, v36;
	v13 =	vsub.f32 $0.0e+00, v55;
	v42 =	vmul.f32 $1.442695020e+00, v9;
	v52 =	vpop (erf)  }
0x190: {  	v43 =	vmul.f32 $1.442695020e+00, v27;
	v15 =	vsub.f32 $0.0e+00, v57;
	v28 =	vadd.f32 $2.000000000e+00, v33;
	v55 =	vpop (erf)  }
0x191: {  	v31 =	vmul.f32 $1.442695020e+00, v31;
	v26 =	vsub.f32 $0.0e+00, v58;
	v10 =	vadd.f32 $2.000000000e+00, v34;
	v58 =	vpop (erf)  }
0x192: {  	v57 =	vmul.f32 $1.442695020e+00, v30;
	v38 =	vadd.f32 $2.000000000e+00, v35;
	v61 =	vpop (erf);
	(erf) = vrcp.f32 v28  }
0x193: {  	v46 =	vmul.f32 $1.442695020e+00, v13;
	v23 =	vadd.f32 $2.000000000e+00, v37;
	v63 =	vpop (erf);
	(erf) = vrcp.f32 v10  }
0x194: {  	v13 =	vmax.f32 v3, $0.0e+00;
	v40 =	vadd.f32 $2.000000000e+00, v39;
	v9 =	vpop (erf);
	(erf) = vrcp.f32 v38  }
0x195: {  	v25 =	vsub.f32 $0.0e+00, v59;
	v49 =	vmul.f32 $1.442695020e+00, v15;
	(erf) = vrcp.f32 v23  }
0x196: {  	v15 =	vmax.f32 v1, $0.0e+00;
	v27 =	vadd.f32 $2.000000000e+00, v41;
	(erf) = vrcp.f32 v40  }
0x197: {  	v14 =	vsub.f32 $0.0e+00, v60;
	v53 =	vmul.f32 $1.442695020e+00, v26;
	v29 =	vadd.f32 $2.000000000e+00, v44  }
0x198: {  	v60 =	vmul.f32 $1.442695020e+00, v11;
	v47 =	vadd.f32 $2.000000000e+00, v45;
	(erf) = vrcp.f32 v27  }
0x199: {  	v56 =	vmul.f32 $1.442695020e+00, v25;
	v51 =	vadd.f32 $2.000000000e+00, v48;
	(erf) = vrcp.f32 v29  }
0x19a: {  	v59 =	vmul.f32 $1.442695020e+00, v14;
	v24 =	vadd.f32 $2.000000000e+00, v52;
	(erf) = vrcp.f32 v47  }
0x19b: {  	v14 =	vmax.f32 v2, $0.0e+00;
	v25 =	vadd.f32 $2.000000000e+00, v55;
	(erf) = vrcp.f32 v51;
	v3 =	vpop (erf)  }
0x19c: {  	v26 =	vadd.f32 $2.000000000e+00, v58;
	(erf) = vrcp.f32 v24;
	v30 =	vmul.f32 v3, v33;
	v3 =	vpop (erf)  }
0x19d: {  	v62 =	vadd.f32 $2.000000000e+00, v61;
	(erf) = vrcp.f32 v25;
	v29 =	vmul.f32 v3, v34;
	v3 =	vpop (erf)  }
0x19e: {  	v1 =	vadd.f32 $2.000000000e+00, v63;
	(erf) = vrcp.f32 v26;
	v24 =	vmul.f32 v3, v35;
	v3 =	vpop (erf)  }
0x19f: {  	v2 =	vadd.f32 $2.000000000e+00, v9;
	(erf) = vrcp.f32 v62;
	v26 =	vmul.f32 v3, v37;
	v3 =	vpop (erf)  }
0x1a0: {  	(erf) = vrcp.f32 v1;
	v28 =	vmul.f32 v3, v39  }
0x1a1: {  	v40 =	vpop (erf);
	(erf) = vrcp.f32 v2;
	v3 =	vmul.f32 v29, v29  }
0x1a2: {  	v12 =	vmax.f32 v4, $0.0e+00;
	v25 =	vmul.f32 v40, v41;
	(erf) = vpow2.f32 v42;
	v42 =	vpop (erf)  }
0x1a3: {  	v4 =	vmax.f32 v6, $0.0e+00;
	v27 =	vmul.f32 v42, v44;
	(erf) = vpow2.f32 v43;
	v43 =	vpop (erf)  }
0x1a4: {  	v10 =	vmax.f32 v7, $0.0e+00;
	v41 =	vmul.f32 v28, v28;
	v23 =	vmul.f32 v43, v45  }
0x1a5: {  	v7 =	vmax.f32 v16, $0.0e+00;
	(erf) = vpow2.f32 v0;
	v44 =	vpop (erf);
	v42 =	vmul.f32 v25, v25  }
0x1a6: {  	v16 =	vmax.f32 v22, $0.0e+00;
	v22 =	vmul.f32 v44, v48;
	(erf) = vpow2.f32 v31;
	v45 =	vpop (erf)  }
0x1a7: {  	v6 =	vmax.f32 v17, $0.0e+00;
	v40 =	vmul.f32 v27, v27;
	(erf) = vpow2.f32 v46;
	v47 =	vpop (erf)  }
0x1a8: {  	v17 =	vmax.f32 v21, $0.0e+00;
	v21 =	vmul.f32 v45, v52;
	(erf) = vpow2.f32 v32;
	v48 =	vpop (erf)  }
0x1a9: {  	v11 =	vmax.f32 v5, $0.0e+00;
	v39 =	vmul.f32 v23, v23;
	(erf) = vpow2.f32 v49;
	v51 =	vpop (erf)  }
0x1aa: {  	v5 =	vmax.f32 v18, $0.0e+00;
	[tilespmem:$0x1FFF0] =	vst v16;
	v16 =	vmul.f32 v47, v55;
	(erf) = vpow2.f32 v50;
	v52 =	vpop (erf)  }
0x1ab: {  	v18 =	vmax.f32 v20, $0.0e+00;
	v38 =	vmul.f32 v22, v22;
	(erf) = vpow2.f32 v53;
	v55 =	vpop (erf)  }
0x1ac: {  	[tilespmem:$0x1FFD0] =	vst v18;
	v18 =	vmul.f32 v48, v58;
	v58 =	vpop (erf);
	(erf) = vpow2.f32 v54  }
0x1ad: {  	v37 =	vmul.f32 v21, v21;
	v62 =	vpop (erf);
	(erf) = vpow2.f32 v56  }
0x1ae: {  	[tilespmem:$0x1FFE0] =	vst v17;
	v19 =	vmax.f32 v19, $0.0e+00;
	v17 =	vmul.f32 v55, v9;
	v9 =	vpop (erf);
	(erf) = vpow2.f32 v57  }
0x1af: {  	v8 =	vmax.f32 v8, $0.0e+00;
	[tilespmem:$0x1FFC0] =	vst v19;
	v19 =	vmul.f32 v51, v61;
	v31 =	vpop (erf);
	(erf) = vpow2.f32 v59  }
0x1b0: {  	v61 =	vmul.f32 v30, v30;
	v57 =	vadd.f32 $1.000000000e+00, v31;
	v31 =	vpop (erf);
	(erf) = vpow2.f32 v60  }
0x1b1: {  	v20 =	vmul.f32 v52, v63;
	v43 =	vadd.f32 $1.000000000e+00, v31;
	v31 =	vpop (erf);
	(erf) = vpow2.f32 v36  }
0x1b2: {  	v63 =	vmul.f32 v24, v24;
	v52 =	vmul.f32 v26, v26;
	v44 =	vadd.f32 $1.000000000e+00, v31;
	v31 =	vpop (erf)  }
0x1b3: {  	v35 =	vmul.f32 v18, v18;
	v33 =	vmul.f32 v19, v19;
	v45 =	vadd.f32 $1.000000000e+00, v31;
	v31 =	vpop (erf)  }
0x1b4: {  	v54 =	vmul.f32 $6.666666860e-01, v3;
	v0 =	vadd.f32 $1.000000000e+00, v58;
	v46 =	vadd.f32 $1.000000000e+00, v31;
	v31 =	vpop (erf)  }
0x1b5: {  	p0 =	sne.s32 s17, $0x4FC0;
	v34 =	vmul.f32 v20, v20;
	v56 =	vmul.f32 $6.666666860e-01, v61;
	v47 =	vadd.f32 $1.000000000e+00, v31;
	v31 =	vpop (erf)  }
.Ltmp1:
0x1b6: {  	v53 =	vmul.f32 $6.666666860e-01, v63;
	v55 =	vmul.f32 $6.666666860e-01, v52;
	v2 =	vadd.f32 $1.000000000e+00, v62;
	v60 =	vpop (erf);
	(pc) =	sbr.rel @p0 .LBB2_5-.Ltmp1, $4  }
0x1b7: {  	v9 =	vadd.f32 $1.000000000e+00, v9;
	v36 =	vmul.f32 v16, v16;
	(erf) = vrcp.f32 v0;
	v61 =	vpop (erf)  }
0x1b8: {  	v48 =	vadd.f32 $1.000000000e+00, v31;
	v31 =	vmul.f32 v17, v17;
	(erf) = vrcp.f32 v2;
	v62 =	vpop (erf)  }
0x1b9: {  	s0 =	sshra.s32 s17, $0x2;
	v49 =	vadd.f32 $1.000000000e+00, v60;
	v50 =	vadd.f32 $1.000000000e+00, v61;
	(erf) = vrcp.f32 v9;
	v63 =	vpop (erf)  }
0x1ba: {  	s17 =	sadd.s32 $0x400, s17;
	v32 =	vld [tilespmem:s0+$0x200];
	v51 =	vadd.f32 $1.000000000e+00, v62;
	(erf) = vrcp.f32 v57;
	v52 =	vadd.f32 $1.000000000e+00, v63;
	v57 =	vpop (erf)  }
0x1bb: {  	v0 =	vld [tilespmem:s0+$0x1600]  }
0x1bc: {  	v1 =	vld [tilespmem:s0+$0x110]  }
0x1bd: {  	v2 =	vld [tilespmem:s0+$0x2A00]  }
0x1be: {  	v3 =	vld [tilespmem:s0+$0x1510]  }
0x1bf: {  	v9 =	vld [tilespmem:s0+$0x120]  }
0x1c0: {  	v58 =	vld [tilespmem:s0+$0x1520]  }
0x1c1: {  	v59 =	vld [tilespmem:s0+$0x130]  }
0x1c2: {  	v60 =	vld [tilespmem:s0+$0x1530]  }
0x1c3: {  	v61 =	vld [tilespmem:s0+$0x140]  }
0x1c4: {  	v62 =	vld [tilespmem:s0+$0x1540]  }
0x1c5: {  	v63 =	vld [tilespmem:s0+$0x150];
	(erf) = vrcp.f32 v43  }
0x1c6: {  	v43 =	vld [tilespmem:s0+$0x1550];
	(erf) = vrcp.f32 v44  }
0x1c7: {  	v54 =	vadd.f32 $2.000000000e+00, v54;
	v44 =	vld [tilespmem:s0+$0x160];
	(erf) = vrcp.f32 v45  }
0x1c8: {  	v55 =	vadd.f32 $2.000000000e+00, v55;
	v45 =	vld [tilespmem:s0+$0x1560];
	(erf) = vrcp.f32 v46  }
0x1c9: {  	v29 =	vmul.f32 v54, v29;
	v54 =	vld [tilespmem:s0+$0x15B0];
	(erf) = vrcp.f32 v47  }
0x1ca: {  	v26 =	vmul.f32 v55, v26;
	v55 =	vld [tilespmem:s0+$0x1D0];
	v0 =	vadd.bf16 v0, v32;
	(erf) = vrcp.f32 v48  }
0x1cb: {  	v56 =	vadd.f32 $2.000000000e+00, v56;
	v46 =	vld [tilespmem:s0+$0x170];
	(erf) = vrcp.f32 v49  }
0x1cc: {  	v41 =	vmul.f32 $6.666666860e-01, v41;
	v47 =	vld [tilespmem:s0+$0x180];
	v32 =	vadd.bf16 v2, v0;
	(erf) = vrcp.f32 v50  }
0x1cd: {  	v48 =	vld [tilespmem:s0+$0x1580];
	v9 =	vadd.bf16 v58, v9;
	v50 =	vpop (erf);
	(erf) = vrcp.f32 v51;
	v51 =	vadd.f32 $1.000000000e+00, v57  }
0x1ce: {  	v58 =	vadd.bf16 v60, v59;
	v59 =	vld [tilespmem:s0+$0x1B0];
	v57 =	vpop (erf);
	v0 =	vand.u32 $0x7FFFFFFF, v32;
	(erf) = vrcp.f32 v52  }
0x1cf: {  	v52 =	vpop (erf);
	v49 =	vsub.f32 $0.0e+00, v0;
	v0 =	vld [tilespmem:s0+$0x190];
	(erf) = vrcp.f32 v51;
	v51 =	vmul.f32 v56, v30  }
0x1d0: {  	v42 =	vmul.f32 $6.666666860e-01, v42;
	v53 =	vadd.f32 $2.000000000e+00, v53;
	v3 =	vadd.bf16 v3, v1;
	v1 =	vld [tilespmem:s0+$0x1C0]  }
0x1d1: {  	v40 =	vmul.f32 $6.666666860e-01, v40;
	[tilespmem:$0x1FF60] =	vst v44;
	v44 =	vld [tilespmem:s0+$0x1590];
	v49 =	vmul.f32 $1.442695020e+00, v49;
	v15 =	vadd.f32 v51, v15  }
0x1d2: {  	v39 =	vmul.f32 $6.666666860e-01, v39;
	v38 =	vmul.f32 $6.666666860e-01, v38;
	v41 =	vadd.f32 $2.000000000e+00, v41;
	v2 =	vld [tilespmem:s0+$0x1A0]  }
0x1d3: {  	v24 =	vmul.f32 v53, v24;
	v42 =	vadd.f32 $2.000000000e+00, v42;
	[tilespmem:$0x1FF70] =	vst v46;
	v46 =	vld [tilespmem:s0+$0x1570];
	v15 =	vmul.f32 v15, v50  }
0x1d4: {  	v37 =	vmul.f32 $6.666666860e-01, v37;
	v28 =	vmul.f32 v41, v28;
	v14 =	vadd.f32 v29, v14;
	v56 =	vpop (erf);
	v30 =	vld [tilespmem:s0+$0x15A0];
	[tilespmem:$0x1FF80] =	vst v0  }
0x1d5: {  	v25 =	vmul.f32 v42, v25;
	v13 =	vadd.f32 v24, v13;
	(erf) = vpow2.f32 v49;
	v0 =	vld [tilespmem:s0+$0x15C0];
	v49 =	vpop (erf);
	[tilespmem:s31+$0x7910] =	vst v15  }
0x1d6: {  	v12 =	vadd.f32 v26, v12;
	v14 =	vmul.f32 v14, v57;
	v15 =	vadd.f32 $2.000000000e+00, v40;
	v51 =	vpop (erf);
	v42 =	vld [tilespmem:s0+$0x15D0]  }
0x1d7: {  	v11 =	vadd.f32 v28, v11;
	v13 =	vmul.f32 v13, v52;
	v40 =	vadd.bf16 v62, v61;
	v62 =	vld [tilespmem:s0+$0x15E0];
	v60 =	vpop (erf)  }
0x1d8: {  	v28 =	vadd.f32 $2.000000000e+00, v37;
	v12 =	vmul.f32 v12, v56;
	v15 =	vmul.f32 v15, v27;
	v27 =	vld [tilespmem:s0+$0x1E0];
	[tilespmem:s31+$0x7920] =	vst v14;
	v50 =	vpop (erf)  }
0x1d9: {  	v39 =	vadd.f32 $2.000000000e+00, v39;
	v38 =	vadd.f32 $2.000000000e+00, v38;
	v61 =	vshll.u32 v32, $0x10;
	v52 =	vld [tilespmem:s0+$0x1F0];
	[tilespmem:s31+$0x7930] =	vst v13;
	v53 =	vpop (erf)  }
0x1da: {  	v14 =	vsub.f32 $0.0e+00, v61;
	v61 =	vld [tilespmem:s0+$0x15F0];
	[tilespmem:s31+$0x7940] =	vst v12;
	v12 =	vmul.f32 v28, v21;
	v21 =	vmul.f32 $6.666666860e-01, v35;
	v29 =	vpop (erf)  }
0x1db: {  	v23 =	vmul.f32 v39, v23;
	v4 =	vadd.f32 v25, v4;
	v41 =	vpop (erf)  }
0x1dc: {  	v22 =	vmul.f32 v38, v22;
	v11 =	vmul.f32 v11, v49;
	v21 =	vadd.f32 $2.000000000e+00, v21;
	v24 =	vpop (erf)  }
0x1dd: {  	v4 =	vmul.f32 v4, v51;
	v13 =	vmul.f32 $1.442695020e+00, v14;
	v0 =	vadd.bf16 v0, v1;
	v1 =	vld [tilespmem:$0x1FFD0];
	v57 =	vpop (erf)  }
0x1de: {  	v10 =	vadd.f32 v15, v10;
	v6 =	vadd.f32 v12, v6;
	v12 =	vmul.f32 v21, v18;
	v21 =	vld [tilespmem:$0x1FFC0];
	v26 =	vpop (erf)  }
0x1df: {  	v8 =	vadd.f32 v23, v8;
	v28 =	vmul.f32 $6.666666860e-01, v31;
	v39 =	vpop (erf);
	(erf) = vpow2.f32 v13;
	v13 =	vld [tilespmem:s0+$0x2910];
	[tilespmem:s31+$0x7950] =	vst v11  }
0x1e0: {  	v10 =	vmul.f32 v10, v60;
	v11 =	vmul.f32 $6.666666860e-01, v36;
	v23 =	vld [tilespmem:s0+$0x2920];
	[tilespmem:s31+$0x7960] =	vst v4  }
0x1e1: {  	v7 =	vadd.f32 v22, v7;
	v8 =	vmul.f32 v8, v50;
	v22 =	vld [tilespmem:s0+$0x2930]  }
0x1e2: {  	v4 =	vmul.f32 $6.666666860e-01, v33;
	v11 =	vadd.f32 $2.000000000e+00, v11;
	[tilespmem:s31+$0x7970] =	vst v10;
	v10 =	vadd.f32 $2.000000000e+00, v28;
	v28 =	vld [tilespmem:$0x1FF60]  }
0x1e3: {  	v25 =	vmul.f32 $6.666666860e-01, v34;
	v7 =	vmul.f32 v7, v53;
	v14 =	vpop (erf);
	v31 =	vld [tilespmem:s0+$0x2940]  }
0x1e4: {  	v56 =	vadd.f32 $2.000000000e+00, v14;
	v4 =	vadd.f32 $2.000000000e+00, v4;
	[tilespmem:s31+$0x7980] =	vst v8;
	v8 =	vld [tilespmem:$0x1FF70];
	v11 =	vmul.f32 v11, v16  }
0x1e5: {  	v25 =	vadd.f32 $2.000000000e+00, v25;
	v2 =	vadd.bf16 v30, v2;
	v6 =	vmul.f32 v6, v29;
	v18 =	vld [tilespmem:s0+$0x2950];
	[tilespmem:s31+$0x7990] =	vst v7  }
0x1e6: {  	(erf) = vrcp.f32 v56;
	v4 =	vmul.f32 v4, v19;
	v19 =	vld [tilespmem:s0+$0x2960];
	v5 =	vadd.f32 v11, v5  }
0x1e7: {  	v15 =	vadd.bf16 v43, v63;
	v12 =	vadd.f32 v12, v21;
	[tilespmem:s31+$0x79A0] =	vst v6;
	v11 =	vld [tilespmem:$0x1FF80]  }
0x1e8: {  	v21 =	vadd.bf16 v62, v27;
	v6 =	vmul.f32 v10, v17;
	v10 =	vld [tilespmem:s0+$0x2970];
	v5 =	vmul.f32 v5, v41  }
0x1e9: {  	v16 =	vadd.bf16 v48, v47;
	v1 =	vadd.f32 v4, v1;
	v4 =	vld [tilespmem:$0x1FFE0]  }
0x1ea: {  	v7 =	vmul.f32 v25, v20;
	v20 =	vadd.bf16 v54, v59;
	v12 =	vmul.f32 v12, v24;
	[tilespmem:s31+$0x79B0] =	vst v5;
	v5 =	vld [tilespmem:$0x1FFF0]  }
0x1eb: {  	v25 =	vadd.bf16 v61, v52;
	v3 =	vadd.bf16 v13, v3;
	v1 =	vmul.f32 v1, v57  }
0x1ec: {  	v17 =	vadd.bf16 v42, v55;
	v28 =	vadd.bf16 v45, v28;
	v24 =	vld [tilespmem:s0+$0x2980];
	[tilespmem:s31+$0x79C0] =	vst v12  }
0x1ed: {  	v8 =	vadd.bf16 v46, v8;
	v11 =	vadd.bf16 v44, v11;
	v12 =	vld [tilespmem:s0+$0x2990];
	[tilespmem:s31+$0x79D0] =	vst v1;
	v1 =	vand.u32 $0x7FFFFFFF, v3  }
0x1ee: {  	v4 =	vadd.f32 v7, v4;
	v7 =	vpop (erf);
	v29 =	vsub.f32 $0.0e+00, v1  }
0x1ef: {  	v8 =	vadd.bf16 v10, v8;
	v5 =	vadd.f32 v6, v5;
	v6 =	vpop (erf)  }
0x1f0: {  	v29 =	vmul.f32 $1.442695020e+00, v29;
	v27 =	vmul.f32 v6, v14;
	v6 =	vadd.f32 $1.000000000e+00, v7  }
0x1f1: {  	v7 =	vmul.f32 v4, v26;
	v4 =	vadd.bf16 v23, v9;
	v23 =	vshll.u32 v3, $0x10  }
0x1f2: {  	v14 =	vadd.bf16 v22, v58;
	v13 =	vmul.f32 v5, v39;
	v5 =	vadd.bf16 v31, v40  }
0x1f3: {  	v10 =	vadd.bf16 v12, v11;
	v9 =	vmul.f32 v27, v27;
	(erf) = vrcp.f32 v6  }
0x1f4: {  	v26 =	vld [tilespmem:s0+$0x29A0];
	[tilespmem:s31+$0x79E0] =	vst v7;
	v22 =	vand.u32 $0x7FFFFFFF, v4;
	v7 =	vadd.bf16 v18, v15;
	v15 =	vand.u32 $0x7FFFFFFF, v14  }
0x1f5: {  	v6 =	vadd.bf16 v19, v28;
	v51 =	vshll.u32 v4, $0x10;
	v52 =	vshll.u32 v14, $0x10  }
0x1f6: {  	v1 =	vld [tilespmem:s0+$0x29B0];
	[tilespmem:s31+$0x79F0] =	vst v13;
	v13 =	vand.u32 $0x7FFFFFFF, v5;
	v19 =	vsub.f32 $0.0e+00, v22;
	v50 =	vand.u32 $0x7FFFFFFF, v10  }
0x1f7: {  	v53 =	vshll.u32 v5, $0x10;
	(erf) = vpow2.f32 v29;
	v55 =	vshll.u32 v10, $0x10  }
0x1f8: {  	v9 =	vmul.f32 $6.666666860e-01, v9;
	v28 =	vand.u32 $0x7FFFFFFF, v7;
	v30 =	vand.u32 $0x7FFFFFFF, v6  }
0x1f9: {  	v12 =	vld [tilespmem:s0+$0x29E0];
	v54 =	vshll.u32 v7, $0x10;
	v29 =	vshll.u32 v6, $0x10;
	v59 =	vsub.f32 $0.0e+00, v53  }
0x1fa: {  	v11 =	vadd.bf16 v26, v2;
	v19 =	vmul.f32 $1.442695020e+00, v19;
	v29 =	vsub.f32 $0.0e+00, v29  }
0x1fb: {  	v22 =	vld [tilespmem:s0+$0x29C0];
	v18 =	vadd.f32 $2.000000000e+00, v9;
	v9 =	vadd.bf16 v24, v16;
	v39 =	vmul.f32 $1.442695020e+00, v59  }
0x1fc: {  	(erf) = vpow2.f32 v19;
	v19 =	vshll.u32 v8, $0x10;
	v29 =	vmul.f32 $1.442695020e+00, v29  }
0x1fd: {  	v24 =	vld [tilespmem:s0+$0x29D0];
	v16 =	vmul.f32 v18, v27;
	v18 =	vand.u32 $0x7FFFFFFF, v8;
	v19 =	vsub.f32 $0.0e+00, v19  }
0x1fe: {  	v27 =	vmax.f32 v32, $0.0e+00;
	v12 =	vadd.bf16 v12, v21;
	v18 =	vsub.f32 $0.0e+00, v18  }
0x1ff: {  	v31 =	vand.u32 $0x7FFFFFFF, v9;
	v2 =	vadd.f32 v16, v27;
	v27 =	vsub.f32 $0.0e+00, v15  }
0x200: {  	v26 =	vld [tilespmem:s0+$0x29F0];
	v15 =	vadd.bf16 v1, v20;
	v20 =	vand.u32 $0x7FFFFFFF, v11;
	v16 =	vadd.bf16 v22, v0  }
0x201: {  	v0 =	vsub.f32 $0.0e+00, v13;
	v22 =	vsub.f32 $0.0e+00, v28;
	v42 =	vmul.f32 $1.442695020e+00, v19  }
0x202: {  	v13 =	vadd.bf16 v24, v17;
	v24 =	vsub.f32 $0.0e+00, v30;
	v28 =	vand.u32 $0x7FFFFFFF, v12  }
0x203: {  	v1 =	vpop (erf);
	v30 =	vsub.f32 $0.0e+00, v50;
	v20 =	vsub.f32 $0.0e+00, v20;
	v18 =	vmul.f32 $1.442695020e+00, v18  }
0x204: {  	v2 =	vmul.f32 v2, v1;
	v17 =	vand.u32 $0x7FFFFFFF, v15;
	v21 =	vand.u32 $0x7FFFFFFF, v16  }
0x205: {  	v1 =	vadd.bf16 v26, v25;
	v26 =	vsub.f32 $0.0e+00, v31;
	v27 =	vmul.f32 $1.442695020e+00, v27  }
0x206: {  	v28 =	vsub.f32 $0.0e+00, v28;
	v0 =	vmul.f32 $1.442695020e+00, v0;
	v22 =	vmul.f32 $1.442695020e+00, v22  }
0x207: {  	v56 =	vshll.u32 v15, $0x10;
	v25 =	vand.u32 $0x7FFFFFFF, v13;
	v17 =	vsub.f32 $0.0e+00, v17  }
0x208: {  	v21 =	vsub.f32 $0.0e+00, v21;
	v24 =	vmul.f32 $1.442695020e+00, v24;
	v30 =	vmul.f32 $1.442695020e+00, v30  }
0x209: {  	v20 =	vmul.f32 $1.442695020e+00, v20;
	v57 =	vshll.u32 v13, $0x10;
	v31 =	vand.u32 $0x7FFFFFFF, v1  }
0x20a: {  	v25 =	vsub.f32 $0.0e+00, v25;
	v26 =	vmul.f32 $1.442695020e+00, v26;
	v28 =	vmul.f32 $1.442695020e+00, v28  }
0x20b: {  	(erf) = vpow2.f32 v27;
	v27 =	vshll.u32 v9, $0x10;
	v58 =	vshll.u32 v1, $0x10  }
0x20c: {  	v31 =	vsub.f32 $0.0e+00, v31;
	v17 =	vmul.f32 $1.442695020e+00, v17;
	(erf) = vpow2.f32 v0  }
0x20d: {  	v21 =	vmul.f32 $1.442695020e+00, v21;
	v0 =	vshll.u32 v11, $0x10;
	(erf) = vpow2.f32 v22  }
0x20e: {  	v25 =	vmul.f32 $1.442695020e+00, v25;
	v22 =	vshll.u32 v16, $0x10;
	(erf) = vpow2.f32 v24  }
0x20f: {  	v0 =	vsub.f32 $0.0e+00, v0;
	v31 =	vmul.f32 $1.442695020e+00, v31;
	(erf) = vpow2.f32 v18  }
0x210: {  	v24 =	vshll.u32 v12, $0x10;
	v22 =	vsub.f32 $0.0e+00, v22;
	(erf) = vpow2.f32 v26  }
0x211: {  	v18 =	vsub.f32 $0.0e+00, v23;
	v23 =	vsub.f32 $0.0e+00, v51;
	(erf) = vpow2.f32 v30  }
0x212: {  	v0 =	vmul.f32 $1.442695020e+00, v0;
	(erf) = vpow2.f32 v20;
	v20 =	vsub.f32 $0.0e+00, v27;
	v27 =	vpop (erf)  }
0x213: {  	v24 =	vsub.f32 $0.0e+00, v24;
	v50 =	vmul.f32 $1.442695020e+00, v22;
	(erf) = vpow2.f32 v17;
	v33 =	vpop (erf)  }
0x214: {  	v26 =	vsub.f32 $0.0e+00, v52;
	v18 =	vmul.f32 $1.442695020e+00, v18;
	(erf) = vpow2.f32 v21;
	v34 =	vpop (erf)  }
0x215: {  	v30 =	vsub.f32 $0.0e+00, v54;
	v37 =	vmul.f32 $1.442695020e+00, v23;
	(erf) = vpow2.f32 v25;
	v35 =	vpop (erf)  }
0x216: {  	v61 =	vmul.f32 $1.442695020e+00, v24;
	(erf) = vpow2.f32 v28;
	v28 =	vadd.f32 $2.000000000e+00, v27;
	v36 =	vpop (erf)  }
0x217: {  	v26 =	vmul.f32 $1.442695020e+00, v26;
	v23 =	vadd.f32 $2.000000000e+00, v33;
	(erf) = vpow2.f32 v31;
	v38 =	vpop (erf)  }
0x218: {  	v40 =	vmul.f32 $1.442695020e+00, v30;
	v30 =	vadd.f32 $2.000000000e+00, v34;
	v32 =	vpop (erf);
	(erf) = vrcp.f32 v28  }
0x219: {  	v17 =	vsub.f32 $0.0e+00, v55;
	v28 =	vadd.f32 $2.000000000e+00, v35;
	v41 =	vpop (erf);
	(erf) = vrcp.f32 v23  }
0x21a: {  	v21 =	vsub.f32 $0.0e+00, v56;
	v19 =	vadd.f32 $2.000000000e+00, v36;
	v43 =	vpop (erf);
	(erf) = vrcp.f32 v30  }
0x21b: {  	v44 =	vmul.f32 $1.442695020e+00, v20;
	v20 =	vadd.f32 $2.000000000e+00, v38;
	v45 =	vpop (erf);
	(erf) = vrcp.f32 v28  }
0x21c: {  	v46 =	vmul.f32 $1.442695020e+00, v17;
	v17 =	vadd.f32 $2.000000000e+00, v32;
	v47 =	vpop (erf);
	(erf) = vrcp.f32 v19  }
0x21d: {  	v25 =	vsub.f32 $0.0e+00, v57;
	v19 =	vadd.f32 $2.000000000e+00, v41;
	v49 =	vpop (erf);
	(erf) = vrcp.f32 v20  }
0x21e: {  	v48 =	vmul.f32 $1.442695020e+00, v21;
	v20 =	vadd.f32 $2.000000000e+00, v43;
	v51 =	vpop (erf);
	(erf) = vrcp.f32 v17  }
0x21f: {  	v31 =	vsub.f32 $0.0e+00, v58;
	v17 =	vadd.f32 $2.000000000e+00, v45;
	v60 =	vpop (erf);
	(erf) = vrcp.f32 v19  }
0x220: {  	v52 =	vmul.f32 $1.442695020e+00, v25;
	v19 =	vadd.f32 $2.000000000e+00, v47;
	v62 =	vpop (erf);
	(erf) = vrcp.f32 v20  }
0x221: {  	v63 =	vmul.f32 $1.442695020e+00, v31;
	v20 =	vadd.f32 $2.000000000e+00, v49;
	v21 =	vpop (erf);
	(erf) = vrcp.f32 v17  }
0x222: {  	v22 =	vadd.f32 $2.000000000e+00, v51;
	v17 =	vmul.f32 v21, v27;
	v21 =	vpop (erf);
	(erf) = vrcp.f32 v19  }
0x223: {  	v23 =	vadd.f32 $2.000000000e+00, v60;
	v19 =	vmul.f32 v21, v33;
	v21 =	vpop (erf);
	(erf) = vrcp.f32 v20  }
0x224: {  	v27 =	vmax.f32 v10, $0.0e+00;
	v21 =	vmul.f32 v21, v34;
	v24 =	vpop (erf);
	(erf) = vrcp.f32 v22  }
0x225: {  	v20 =	vadd.f32 $2.000000000e+00, v62;
	v22 =	vmul.f32 v24, v35;
	v24 =	vpop (erf);
	(erf) = vrcp.f32 v23  }
0x226: {  	v10 =	vmax.f32 v16, $0.0e+00;
	v16 =	vmul.f32 v19, v19;
	v25 =	vmul.f32 v24, v36  }
0x227: {  	v23 =	vpop (erf);
	(erf) = vrcp.f32 v20;
	v57 =	vmul.f32 v21, v21  }
0x228: {  	v28 =	vmax.f32 v3, $0.0e+00;
	v23 =	vmul.f32 v23, v38;
	(erf) = vpow2.f32 v18;
	v3 =	vpop (erf)  }
0x229: {  	v16 =	vmul.f32 $6.666666860e-01, v16;
	v24 =	vmul.f32 v3, v32  }
0x22a: {  	(erf) = vpow2.f32 v37;
	v37 =	vmul.f32 v22, v22  }
0x22b: {  	v3 =	vpop (erf);
	v38 =	vmul.f32 v25, v25;
	v36 =	vmul.f32 $6.666666860e-01, v57  }
0x22c: {  	v20 =	vmul.f32 v3, v41;
	(erf) = vpow2.f32 v26;
	v3 =	vpop (erf)  }
0x22d: {  	v31 =	vmax.f32 v8, $0.0e+00;
	v18 =	vmul.f32 v3, v43;
	(erf) = vpow2.f32 v39  }
0x22e: {  	v30 =	vmax.f32 v4, $0.0e+00;
	v3 =	vpop (erf);
	v39 =	vmul.f32 v23, v23;
	v37 =	vmul.f32 $6.666666860e-01, v37  }
0x22f: {  	v32 =	vmax.f32 v14, $0.0e+00;
	v38 =	vmul.f32 $6.666666860e-01, v38;
	v14 =	vmul.f32 v3, v45  }
0x230: {  	v33 =	vmax.f32 v7, $0.0e+00;
	(erf) = vpow2.f32 v40;
	v3 =	vpop (erf);
	v40 =	vmul.f32 v24, v24  }
0x231: {  	v36 =	vadd.f32 $2.000000000e+00, v36;
	v7 =	vmul.f32 v3, v47;
	(erf) = vpow2.f32 v29  }
0x232: {  	v34 =	vmax.f32 v6, $0.0e+00;
	v3 =	vpop (erf);
	v43 =	vmul.f32 v18, v18;
	v39 =	vmul.f32 $6.666666860e-01, v39  }
0x233: {  	v35 =	vmax.f32 v5, $0.0e+00;
	v21 =	vmul.f32 v36, v21;
	v6 =	vmul.f32 v3, v49  }
0x234: {  	v26 =	vmax.f32 v11, $0.0e+00;
	(erf) = vpow2.f32 v42;
	v42 =	vmul.f32 v20, v20  }
0x235: {  	v11 =	vmax.f32 v15, $0.0e+00;
	v3 =	vpop (erf);
	v45 =	vmul.f32 v14, v14;
	v40 =	vmul.f32 $6.666666860e-01, v40  }
0x236: {  	v29 =	vmax.f32 v9, $0.0e+00;
	v5 =	vmul.f32 v3, v51;
	(erf) = vpow2.f32 v44;
	v3 =	vpop (erf)  }
0x237: {  	v37 =	vadd.f32 $2.000000000e+00, v37;
	v4 =	vmul.f32 v3, v60;
	(erf) = vpow2.f32 v46;
	v3 =	vpop (erf)  }
0x238: {  	v38 =	vadd.f32 $2.000000000e+00, v38;
	v43 =	vmul.f32 $6.666666860e-01, v43;
	(erf) = vpow2.f32 v0;
	v15 =	vpop (erf)  }
0x239: {  	v9 =	vmax.f32 v13, $0.0e+00;
	v22 =	vmul.f32 v37, v22;
	(erf) = vpow2.f32 v48;
	v13 =	vpop (erf)  }
0x23a: {  	v8 =	vmax.f32 v12, $0.0e+00;
	v25 =	vmul.f32 v38, v25;
	v46 =	vmul.f32 v7, v7;
	v12 =	vpop (erf)  }
0x23b: {  	v42 =	vmul.f32 $6.666666860e-01, v42;
	(erf) = vpow2.f32 v50;
	v58 =	vpop (erf)  }
0x23c: {  	v21 =	vadd.f32 v21, v32;
	v3 =	vmul.f32 v3, v62;
	(erf) = vpow2.f32 v52;
	v59 =	vpop (erf)  }
0x23d: {  	v0 =	vmul.f32 v17, v17;
	v15 =	vadd.f32 $1.000000000e+00, v15;
	(erf) = vpow2.f32 v61;
	v60 =	vpop (erf)  }
0x23e: {  	v49 =	vmul.f32 v5, v5;
	v13 =	vadd.f32 $1.000000000e+00, v13;
	(erf) = vpow2.f32 v63;
	v61 =	vpop (erf)  }
0x23f: {  	v43 =	vadd.f32 $2.000000000e+00, v43;
	v12 =	vadd.f32 $1.000000000e+00, v12;
	(erf) = vrcp.f32 v15;
	v62 =	vpop (erf)  }
0x240: {  	v48 =	vmul.f32 v6, v6;
	v41 =	vadd.f32 $1.000000000e+00, v58;
	v63 =	vpop (erf);
	(erf) = vrcp.f32 v13  }
0x241: {  	v51 =	vmul.f32 v4, v4;
	v44 =	vadd.f32 $1.000000000e+00, v59;
	v56 =	vpop (erf);
	(erf) = vrcp.f32 v12  }
0x242: {  	v42 =	vadd.f32 $2.000000000e+00, v42;
	v47 =	vadd.f32 $1.000000000e+00, v60;
	v57 =	vpop (erf);
	(erf) = vrcp.f32 v41  }
0x243: {  	v0 =	vmul.f32 $6.666666860e-01, v0;
	v50 =	vadd.f32 $1.000000000e+00, v61;
	(erf) = vrcp.f32 v44  }
0x244: {  	v18 =	vmul.f32 v43, v18;
	v15 =	vadd.f32 $1.000000000e+00, v62;
	v59 =	vpop (erf);
	(erf) = vrcp.f32 v47  }
0x245: {  	v52 =	vmul.f32 v3, v3;
	v13 =	vadd.f32 $1.000000000e+00, v63;
	(erf) = vrcp.f32 v50  }
0x246: {  	v12 =	vadd.f32 $1.000000000e+00, v56;
	v58 =	vadd.f32 $1.000000000e+00, v57;
	(erf) = vrcp.f32 v15  }
0x247: {  	v20 =	vmul.f32 v42, v20;
	v0 =	vadd.f32 $2.000000000e+00, v0;
	v61 =	vpop (erf);
	(erf) = vrcp.f32 v13  }
0x248: {  	v52 =	vmul.f32 $6.666666860e-01, v52;
	v60 =	vadd.f32 $1.000000000e+00, v59;
	v63 =	vpop (erf);
	(erf) = vrcp.f32 v12  }
0x249: {  	v0 =	vmul.f32 v0, v17;
	v62 =	vadd.f32 $1.000000000e+00, v61;
	v57 =	vpop (erf);
	(erf) = vrcp.f32 v58  }
0x24a: {  	v56 =	vadd.f32 $1.000000000e+00, v63;
	v12 =	vadd.f32 $2.000000000e+00, v16;
	v58 =	vpop (erf);
	(erf) = vrcp.f32 v60  }
0x24b: {  	v63 =	vmul.f32 $6.666666860e-01, v51;
	v15 =	vadd.f32 $1.000000000e+00, v57;
	(erf) = vrcp.f32 v62  }
0x24c: {  	v0 =	vadd.f32 v0, v28;
	v60 =	vpop (erf);
	v12 =	vmul.f32 v12, v19;
	(erf) = vrcp.f32 v56  }
0x24d: {  	v51 =	vadd.f32 $2.000000000e+00, v40;
	v62 =	vpop (erf);
	(erf) = vrcp.f32 v15;
	v15 =	vadd.f32 $2.000000000e+00, v39  }
0x24e: {  	v13 =	vmul.f32 $6.666666860e-01, v45;
	v16 =	vmul.f32 $6.666666860e-01, v46;
	v12 =	vadd.f32 v12, v30  }
0x24f: {  	[tilespmem:s0+$0x7A00] =	vst v2;
	v0 =	vmul.f32 v0, v58;
	v2 =	vmul.f32 v15, v23;
	v15 =	vadd.f32 v22, v35  }
0x250: {  	v28 =	vadd.f32 $2.000000000e+00, v52;
	v21 =	vmul.f32 v21, v62;
	v12 =	vmul.f32 v12, v60  }
0x251: {  	v59 =	vmul.f32 $6.666666860e-01, v48;
	[tilespmem:s0+$0x7910] =	vst v0;
	v0 =	vadd.f32 v25, v33;
	v22 =	vpop (erf);
	v23 =	vmul.f32 v51, v24  }
0x252: {  	v13 =	vadd.f32 $2.000000000e+00, v13;
	v16 =	vadd.f32 $2.000000000e+00, v16;
	v24 =	vpop (erf);
	[tilespmem:s0+$0x7920] =	vst v12;
	v12 =	vmul.f32 v15, v22  }
0x253: {  	v2 =	vadd.f32 v2, v34;
	v22 =	vadd.f32 v23, v31;
	v0 =	vmul.f32 v0, v24;
	v15 =	vpop (erf)  }
0x254: {  	v61 =	vmul.f32 $6.666666860e-01, v49;
	v17 =	vadd.f32 $2.000000000e+00, v59;
	v13 =	vmul.f32 v13, v14;
	[tilespmem:s0+$0x7930] =	vst v21;
	v21 =	vpop (erf)  }
0x255: {  	v14 =	vadd.f32 v20, v29;
	[tilespmem:s0+$0x7950] =	vst v0;
	v2 =	vmul.f32 v2, v15;
	v0 =	vmul.f32 v22, v21  }
0x256: {  	v53 =	vadd.f32 $2.000000000e+00, v63;
	v6 =	vmul.f32 v17, v6;
	v7 =	vmul.f32 v16, v7;
	[tilespmem:s0+$0x7940] =	vst v12;
	v12 =	vpop (erf)  }
0x257: {  	v19 =	vadd.f32 $2.000000000e+00, v61;
	v15 =	vadd.f32 v18, v27;
	v16 =	vpop (erf);
	[tilespmem:s0+$0x7960] =	vst v2;
	v2 =	vmul.f32 v14, v12  }
0x258: {  	v4 =	vmul.f32 v53, v4;
	v13 =	vadd.f32 v13, v26;
	v7 =	vadd.f32 v7, v11;
	v12 =	vpop (erf)  }
0x259: {  	v6 =	vadd.f32 v6, v10;
	v5 =	vmul.f32 v19, v5;
	v11 =	vmul.f32 v15, v16;
	[tilespmem:s0+$0x7970] =	vst v0;
	v0 =	vpop (erf)  }
0x25a: {  	v10 =	vmul.f32 v13, v12;
	[tilespmem:s0+$0x7980] =	vst v2;
	v0 =	vmul.f32 v7, v0  }
0x25b: {  	v3 =	vmul.f32 v28, v3;
	v5 =	vadd.f32 v5, v9;
	[tilespmem:s0+$0x7990] =	vst v11;
	v2 =	vpop (erf)  }
0x25c: {  	v1 =	vmax.f32 v1, $0.0e+00;
	v4 =	vadd.f32 v4, v8;
	[tilespmem:s0+$0x79A0] =	vst v10;
	v7 =	vpop (erf);
	v2 =	vmul.f32 v6, v2  }
0x25d: {  	s31 =	sshll.u32 s30, $0x1;
	v1 =	vadd.f32 v3, v1;
	v6 =	vpop (erf);
	v3 =	vmul.f32 v5, v7;
	[tilespmem:s0+$0x79B0] =	vst v0  }
0x25e: {  	s17 =	smin.u32 s31, $0xF7;
	v4 =	vmul.f32 v4, v6;
	[tilespmem:s0+$0x79C0] =	vst v2;
	v0 =	vpop (erf)  }
0x25f: {  	s17 =	smul.u32 $0x28, s17;
	[tilespmem:s0+$0x79D0] =	vst v3;
	v0 =	vmul.f32 v1, v0  }
0x260: {  	[tilespmem:s0+$0x79E0] =	vst v4  }
0x261: {  	[tilespmem:s0+$0x79F0] =	vst v0;
	s0 =	sadd.s32 s17, s22  }
0x262: {  	[spmem:s2] =	stream.indirect.scatter.add.f32 [tilespmem:s12], [sflag:$0x5], $0x80, s24, s16, $0xb8;
	[tilespmem:$0x1E300] =	vst v63  }
0x263: {  	s17 =	sshrl.u32 s0, $0x3  }
0x264: {  	s18 =	sadd.s32 s7, s17  }
0x265: {  	[tilespmem:s4], [sflag:$0x3] =	stream.linear.gather [hbm4b:s18+s4], $0x28, $0x38;
	[tilespmem:$0x1E300] =	vst v63  }
0x266: {  	s17 =	sadd.s32 s8, s17  }
0x267: {  	[tilespmem:s14], [sflag:$0x3] =	stream.linear.gather [hbm4b:s17+s4], $0x28, $0x38;
	[tilespmem:$0x1E300] =	vst v63  }
0x268: {  	_ =	swait.ge [sflag:s10], $0x1400  }
0x269: {  	[sflag:s10] =	ssyncset.done $0x0  }
0x26a: {  	[sflag:s10] =	ssyncadd.s32 $0xFFFFEC00  }
0x26b: {  	_ =	swait.ge [sflag:s10], $0x1400  }
0x26c: {  	[sflag:s10] =	ssyncset.done $0x0  }
0x26d: {  	[sflag:s10] =	ssyncadd.s32 $0xFFFFEC00  }
0x26e: {  	_ =	swait.ge [sflag:s10], $0x1400  }
0x26f: {  	[sflag:s10] =	ssyncset.done $0x0  }
0x270: {  	[sflag:s10] =	ssyncadd.s32 $0xFFFFEC00  }
0x271: {  	_ =	swait.ge [sflag:s11], $0x28  }
0x272: {  	[sflag:s11] =	ssyncset.done $0x0  }
0x273: {  	[sflag:s11] =	ssyncadd.s32 $0xFFFFFFD8  }
0x274: {  	_ =	swait.ge [sflag:s11], $0x28  }
0x275: {  	[sflag:s11] =	ssyncset.done $0x0  }
0x276: {  	s18 =	simm.s32 $0x200;
	[sflag:s11] =	ssyncadd.s32 $0xFFFFFFD8  }
0x277: {  	[tilespmem:s18], [sflag:$0x1] =	stream.indirect.gather [hbm4b:s1+s16], $0x80, s4, s16, $0xb8;
	[tilespmem:$0x1E300] =	vst v63  }
0x278: {  	s0 =	sshll.u32 s0, $0x4;
	s18 =	simm.s32 $0x1600  }
0x279: {  	[tilespmem:s18], [sflag:$0x1] =	stream.indirect.gather [hbm4b:s5+s16], $0x80, s14, s16, $0xb8;
	[tilespmem:$0x1E300] =	vst v63  }
0x27a: {  	s0 =	sadd.s32 s6, s0  }
0x27b: {  	[tilespmem:s19], [sflag:$0x1] =	stream.linear.gather [hbm4b:s0+s4], $0x1400, $0x38;
	[tilespmem:$0x1E300] =	vst v63  }
0x27c: {  	_ =	swait.ge [sflag:s9], $0x1400  }
0x27d: {  	[sflag:s9] =	ssyncset.done $0x0  }
0x27e: {  	[sflag:s9] =	ssyncadd.s32 $0xFFFFEC00  }
0x27f: {  	v0 =	vld [tilespmem:$0x80]  }
0x280: {  	v1 =	vld [tilespmem:$0x90]  }
0x281: {  	v2 =	vld [tilespmem:$0x98];
	_ =	sdelay $0x2  }
0x282: {  	[tilespmem:$0xA280] =	vst v0  }
0x283: {  	[tilespmem:$0xA290] =	vst v1  }
0x284: {  	s0 =	simm.s32 $0xF0;
	[tilespmem:$0xA298] =	vst v2  }
0x285: {  	v0 =	vld [tilespmem:s0+$0x3E00]  }
0x286: {  	v1 =	vld [tilespmem:s0+$0x5200]  }
0x287: {  	v2 =	vld [tilespmem:s0+$0x3D10]  }
0x288: {  	v3 =	vld [tilespmem:s0+$0x6600]  }
0x289: {  	v4 =	vld [tilespmem:s0+$0x5110]  }
0x28a: {  	v5 =	vld [tilespmem:s0+$0x3D20]  }
0x28b: {  	v6 =	vld [tilespmem:s0+$0x5120]  }
0x28c: {  	v7 =	vld [tilespmem:s0+$0x5130]  }
0x28d: {  	v8 =	vld [tilespmem:s0+$0x5140]  }
0x28e: {  	v10 =	vld [tilespmem:s0+$0x3D50];
	v0 =	vadd.bf16 v1, v0  }
0x28f: {  	v11 =	vld [tilespmem:s0+$0x5150]  }
0x290: {  	v12 =	vld [tilespmem:s0+$0x3D60];
	v0 =	vadd.bf16 v3, v0  }
0x291: {  	v13 =	vld [tilespmem:s0+$0x5160]  }
0x292: {  	v14 =	vld [tilespmem:s0+$0x3D70];
	v9 =	vand.u32 $0x7FFFFFFF, v0  }
0x293: {  	v15 =	vld [tilespmem:s0+$0x3D80];
	v9 =	vsub.f32 $0.0e+00, v9  }
0x294: {  	v16 =	vld [tilespmem:s0+$0x5180]  }
0x295: {  	v17 =	vld [tilespmem:s0+$0x3D90];
	v9 =	vmul.f32 $1.442695020e+00, v9  }
0x296: {  	v18 =	vld [tilespmem:s0+$0x5190]  }
0x297: {  	v19 =	vld [tilespmem:s0+$0x3DA0];
	(erf) = vpow2.f32 v9  }
0x298: {  	v21 =	vld [tilespmem:s0+$0x51A0]  }
0x299: {  	v22 =	vld [tilespmem:s0+$0x3DB0]  }
0x29a: {  	v23 =	vld [tilespmem:s0+$0x51B0]  }
0x29b: {  	v25 =	vld [tilespmem:s0+$0x3DC0]  }
0x29c: {  	v27 =	vld [tilespmem:s0+$0x51C0]  }
0x29d: {  	v28 =	vld [tilespmem:s0+$0x3DE0];
	v20 =	vshll.u32 v0, $0x10  }
0x29e: {  	v29 =	vld [tilespmem:s0+$0x51E0];
	v20 =	vsub.f32 $0.0e+00, v20  }
0x29f: {  	v1 =	vld [tilespmem:s0+$0x3D30]  }
0x2a0: {  	v2 =	vadd.bf16 v4, v2;
	v20 =	vmul.f32 $1.442695020e+00, v20;
	v9 =	vld [tilespmem:s0+$0x5170];
	v24 =	vpop (erf)  }
0x2a1: {  	v4 =	vadd.bf16 v6, v5;
	v5 =	vld [tilespmem:s0+$0x3DF0];
	v26 =	vadd.f32 $2.000000000e+00, v24  }
0x2a2: {  	v6 =	vld [tilespmem:s0+$0x51F0];
	(erf) = vpow2.f32 v20  }
0x2a3: {  	v3 =	vld [tilespmem:s0+$0x3D40];
	(erf) = vrcp.f32 v26  }
0x2a4: {  	v1 =	vadd.bf16 v7, v1;
	v7 =	vadd.bf16 v11, v10;
	v20 =	vld [tilespmem:s0+$0x3DD0]  }
0x2a5: {  	v11 =	vadd.bf16 v13, v12;
	v12 =	vadd.bf16 v9, v14;
	v9 =	vld [tilespmem:s0+$0x6520]  }
0x2a6: {  	v14 =	vadd.bf16 v18, v17;
	v17 =	vld [tilespmem:s0+$0x6540]  }
0x2a7: {  	v13 =	vadd.bf16 v16, v15;
	v15 =	vadd.bf16 v21, v19;
	v26 =	vld [tilespmem:s0+$0x51D0]  }
0x2a8: {  	v21 =	vadd.bf16 v27, v25;
	v25 =	vadd.bf16 v6, v5;
	v6 =	vld [tilespmem:s0+$0x6570]  }
0x2a9: {  	v3 =	vadd.bf16 v8, v3;
	v8 =	vld [tilespmem:s0+$0x6510]  }
0x2aa: {  	v16 =	vld [tilespmem:s0+$0x6530];
	v9 =	vadd.bf16 v9, v4  }
0x2ab: {  	v0 =	vmax.f32 v0, $0.0e+00;
	v19 =	vadd.bf16 v23, v22;
	v23 =	vadd.bf16 v29, v28;
	v10 =	vpop (erf)  }
0x2ac: {  	v3 =	vadd.bf16 v17, v3;
	v17 =	vand.u32 $0x7FFFFFFF, v9;
	v22 =	vadd.bf16 v26, v20;
	v20 =	vld [tilespmem:s0+$0x6550];
	v18 =	vpop (erf)  }
0x2ad: {  	v6 =	vadd.bf16 v6, v12;
	v29 =	vsub.f32 $0.0e+00, v17;
	v26 =	vld [tilespmem:s0+$0x6580];
	v18 =	vmul.f32 v18, v24  }
0x2ae: {  	v56 =	vshll.u32 v3, $0x10;
	v24 =	vadd.f32 $1.000000000e+00, v10;
	v10 =	vadd.bf16 v8, v2;
	v2 =	vld [tilespmem:s0+$0x6560]  }
0x2af: {  	v29 =	vmul.f32 $1.442695020e+00, v29;
	v8 =	vadd.bf16 v16, v1;
	v1 =	vld [tilespmem:s0+$0x6590];
	v4 =	vmul.f32 v18, v18  }
0x2b0: {  	(erf) = vrcp.f32 v24;
	v24 =	vshll.u32 v10, $0x10;
	v5 =	vand.u32 $0x7FFFFFFF, v10  }
0x2b1: {  	v28 =	vand.u32 $0x7FFFFFFF, v8;
	v27 =	vsub.f32 $0.0e+00, v5;
	v5 =	vadd.bf16 v20, v7  }
0x2b2: {  	v55 =	vshll.u32 v8, $0x10;
	v7 =	vadd.bf16 v26, v13;
	v26 =	vand.u32 $0x7FFFFFFF, v6  }
0x2b3: {  	v20 =	vld [tilespmem:s0+$0x65A0];
	v16 =	vmul.f32 $6.666666860e-01, v4;
	v4 =	vadd.bf16 v2, v11;
	v30 =	vand.u32 $0x7FFFFFFF, v5  }
0x2b4: {  	v17 =	vadd.bf16 v1, v14;
	v14 =	vand.u32 $0x7FFFFFFF, v7;
	v27 =	vmul.f32 $1.442695020e+00, v27  }
0x2b5: {  	v2 =	vld [tilespmem:s0+$0x65B0];
	v57 =	vshll.u32 v5, $0x10;
	v11 =	vadd.f32 $2.000000000e+00, v16;
	v16 =	vand.u32 $0x7FFFFFFF, v3  }
0x2b6: {  	v12 =	vld [tilespmem:s0+$0x65C0];
	v14 =	vsub.f32 $0.0e+00, v14;
	v31 =	vand.u32 $0x7FFFFFFF, v4;
	(erf) = vpow2.f32 v27  }
0x2b7: {  	v13 =	vld [tilespmem:s0+$0x65D0];
	v27 =	vshll.u32 v4, $0x10;
	v58 =	vshll.u32 v17, $0x10;
	v11 =	vmul.f32 v11, v18  }
0x2b8: {  	v1 =	vld [tilespmem:s0+$0x65E0];
	v18 =	vadd.bf16 v20, v15;
	v14 =	vmul.f32 $1.442695020e+00, v14;
	(erf) = vpow2.f32 v29  }
0x2b9: {  	v29 =	vshll.u32 v6, $0x10;
	v27 =	vsub.f32 $0.0e+00, v27;
	v0 =	vadd.f32 v11, v0  }
0x2ba: {  	v11 =	vsub.f32 $0.0e+00, v28;
	v28 =	vand.u32 $0x7FFFFFFF, v17;
	v20 =	vadd.bf16 v2, v19  }
0x2bb: {  	v15 =	vld [tilespmem:s0+$0x65F0];
	v54 =	vand.u32 $0x7FFFFFFF, v18;
	v19 =	vadd.bf16 v12, v21;
	v42 =	vmul.f32 $1.442695020e+00, v27;
	v2 =	vpop (erf)  }
0x2bc: {  	v32 =	vmul.f32 v0, v2;
	v0 =	vsub.f32 $0.0e+00, v16;
	v16 =	vadd.bf16 v13, v22  }
0x2bd: {  	v12 =	vand.u32 $0x7FFFFFFF, v20;
	v13 =	vsub.f32 $0.0e+00, v30;
	v2 =	vadd.bf16 v1, v23  }
0x2be: {  	v21 =	vand.u32 $0x7FFFFFFF, v19;
	v22 =	vsub.f32 $0.0e+00, v31;
	v23 =	vsub.f32 $0.0e+00, v26  }
0x2bf: {  	v26 =	vsub.f32 $0.0e+00, v28;
	v28 =	vsub.f32 $0.0e+00, v54;
	v11 =	vmul.f32 $1.442695020e+00, v11  }
0x2c0: {  	v31 =	vshll.u32 v9, $0x10;
	v59 =	vshll.u32 v20, $0x10;
	v1 =	vadd.bf16 v15, v25  }
0x2c1: {  	v12 =	vsub.f32 $0.0e+00, v12;
	v21 =	vsub.f32 $0.0e+00, v21;
	v0 =	vmul.f32 $1.442695020e+00, v0  }
0x2c2: {  	v15 =	vand.u32 $0x7FFFFFFF, v16;
	v13 =	vmul.f32 $1.442695020e+00, v13;
	v22 =	vmul.f32 $1.442695020e+00, v22  }
0x2c3: {  	v25 =	vand.u32 $0x7FFFFFFF, v2;
	v23 =	vmul.f32 $1.442695020e+00, v23;
	v26 =	vmul.f32 $1.442695020e+00, v26  }
0x2c4: {  	v28 =	vmul.f32 $1.442695020e+00, v28;
	(erf) = vpow2.f32 v11;
	v11 =	vshll.u32 v7, $0x10  }
0x2c5: {  	v60 =	vshll.u32 v16, $0x10;
	v30 =	vand.u32 $0x7FFFFFFF, v1;
	v15 =	vsub.f32 $0.0e+00, v15  }
0x2c6: {  	v25 =	vsub.f32 $0.0e+00, v25;
	v12 =	vmul.f32 $1.442695020e+00, v12;
	v21 =	vmul.f32 $1.442695020e+00, v21  }
0x2c7: {  	v61 =	vshll.u32 v1, $0x10;
	v11 =	vsub.f32 $0.0e+00, v11;
	v30 =	vsub.f32 $0.0e+00, v30  }
0x2c8: {  	(erf) = vpow2.f32 v0;
	v0 =	vshll.u32 v18, $0x10;
	v15 =	vmul.f32 $1.442695020e+00, v15  }
0x2c9: {  	v35 =	vsub.f32 $0.0e+00, v61;
	v25 =	vmul.f32 $1.442695020e+00, v25;
	(erf) = vpow2.f32 v13  }
0x2ca: {  	v13 =	vshll.u32 v19, $0x10;
	v0 =	vsub.f32 $0.0e+00, v0;
	v46 =	vmul.f32 $1.442695020e+00, v11  }
0x2cb: {  	v30 =	vmul.f32 $1.442695020e+00, v30;
	(erf) = vpow2.f32 v22;
	v22 =	vshll.u32 v2, $0x10  }
0x2cc: {  	v13 =	vsub.f32 $0.0e+00, v13;
	v35 =	vmul.f32 $1.442695020e+00, v35;
	(erf) = vpow2.f32 v23  }
0x2cd: {  	v23 =	vsub.f32 $0.0e+00, v24;
	v24 =	vsub.f32 $0.0e+00, v31;
	(erf) = vpow2.f32 v14  }
0x2ce: {  	v31 =	vsub.f32 $0.0e+00, v56;
	v0 =	vmul.f32 $1.442695020e+00, v0;
	(erf) = vpow2.f32 v26  }
0x2cf: {  	v51 =	vmul.f32 $1.442695020e+00, v13;
	(erf) = vpow2.f32 v28;
	v28 =	vsub.f32 $0.0e+00, v29;
	v29 =	vpop (erf)  }
0x2d0: {  	v22 =	vsub.f32 $0.0e+00, v22;
	v23 =	vmul.f32 $1.442695020e+00, v23;
	(erf) = vpow2.f32 v12;
	v33 =	vpop (erf)  }
0x2d1: {  	v14 =	vsub.f32 $0.0e+00, v55;
	v24 =	vmul.f32 $1.442695020e+00, v24;
	(erf) = vpow2.f32 v21;
	v34 =	vpop (erf)  }
0x2d2: {  	v26 =	vsub.f32 $0.0e+00, v57;
	v31 =	vmul.f32 $1.442695020e+00, v31;
	(erf) = vpow2.f32 v15;
	v36 =	vpop (erf)  }
0x2d3: {  	v55 =	vmul.f32 $1.442695020e+00, v22;
	(erf) = vpow2.f32 v25;
	v25 =	vadd.f32 $2.000000000e+00, v29;
	v37 =	vpop (erf)  }
0x2d4: {  	v39 =	vmul.f32 $1.442695020e+00, v14;
	(erf) = vpow2.f32 v30;
	v30 =	vadd.f32 $2.000000000e+00, v33;
	v40 =	vpop (erf)  }
0x2d5: {  	v12 =	vsub.f32 $0.0e+00, v58;
	v62 =	vadd.f32 $2.000000000e+00, v34;
	v43 =	vpop (erf);
	(erf) = vrcp.f32 v25  }
0x2d6: {  	v41 =	vmul.f32 $1.442695020e+00, v26;
	v14 =	vadd.f32 $2.000000000e+00, v36;
	v45 =	vpop (erf);
	(erf) = vrcp.f32 v30  }
0x2d7: {  	v21 =	vsub.f32 $0.0e+00, v59;
	v26 =	vadd.f32 $2.000000000e+00, v37;
	v47 =	vpop (erf);
	(erf) = vrcp.f32 v62  }
0x2d8: {  	v44 =	vmul.f32 $1.442695020e+00, v28;
	v15 =	vsub.f32 $0.0e+00, v60;
	v38 =	vpop (erf);
	(erf) = vrcp.f32 v14  }
0x2d9: {  	v48 =	vmul.f32 $1.442695020e+00, v12;
	v25 =	vadd.f32 $2.000000000e+00, v40;
	v49 =	vpop (erf);
	(erf) = vrcp.f32 v26  }
0x2da: {  	v50 =	vmul.f32 $1.442695020e+00, v21;
	v63 =	vmul.f32 $1.442695020e+00, v15;
	v11 =	vadd.f32 $2.000000000e+00, v43;
	v52 =	vpop (erf)  }
0x2db: {  	v15 =	vmax.f32 v10, $0.0e+00;
	v12 =	vadd.f32 $2.000000000e+00, v45;
	(erf) = vrcp.f32 v25;
	v60 =	vpop (erf)  }
0x2dc: {  	v14 =	vadd.f32 $2.000000000e+00, v47;
	v21 =	vadd.f32 $2.000000000e+00, v38;
	(erf) = vrcp.f32 v11;
	v61 =	vpop (erf)  }
0x2dd: {  	v13 =	vadd.f32 $2.000000000e+00, v49;
	v11 =	vadd.f32 $2.000000000e+00, v52;
	(erf) = vrcp.f32 v12;
	v62 =	vpop (erf)  }
0x2de: {  	v12 =	vadd.f32 $2.000000000e+00, v60;
	(erf) = vrcp.f32 v14;
	v10 =	vadd.f32 $2.000000000e+00, v61;
	v22 =	vpop (erf)  }
0x2df: {  	v14 =	vmax.f32 v9, $0.0e+00;
	(erf) = vrcp.f32 v21;
	v30 =	vmul.f32 v22, v29;
	v9 =	vpop (erf)  }
0x2e0: {  	v21 =	vadd.f32 $2.000000000e+00, v62;
	(erf) = vrcp.f32 v13;
	v29 =	vmul.f32 v9, v33;
	v9 =	vpop (erf)  }
0x2e1: {  	v13 =	vmax.f32 v8, $0.0e+00;
	(erf) = vrcp.f32 v11;
	v28 =	vmul.f32 v9, v34;
	v8 =	vpop (erf)  }
0x2e2: {  	(erf) = vrcp.f32 v12;
	v12 =	vmax.f32 v3, $0.0e+00;
	v27 =	vmul.f32 v8, v36;
	v3 =	vpop (erf)  }
0x2e3: {  	(erf) = vrcp.f32 v10;
	v26 =	vmul.f32 v3, v37  }
0x2e4: {  	v3 =	vpop (erf);
	(erf) = vrcp.f32 v21;
	v58 =	vmul.f32 v28, v28  }
0x2e5: {  	v10 =	vmax.f32 v4, $0.0e+00;
	v22 =	vmul.f32 v3, v40;
	(erf) = vpow2.f32 v23;
	v4 =	vpop (erf)  }
0x2e6: {  	v11 =	vmax.f32 v5, $0.0e+00;
	v23 =	vmul.f32 v4, v43;
	(erf) = vpow2.f32 v24;
	v4 =	vpop (erf)  }
0x2e7: {  	v5 =	vmax.f32 v20, $0.0e+00;
	v25 =	vmul.f32 v4, v45;
	(erf) = vpow2.f32 v39;
	v4 =	vpop (erf)  }
0x2e8: {  	v8 =	vmax.f32 v7, $0.0e+00;
	v24 =	vmul.f32 v4, v47;
	(erf) = vpow2.f32 v31;
	v4 =	vpop (erf)  }
0x2e9: {  	v7 =	vmax.f32 v17, $0.0e+00;
	v21 =	vmul.f32 v4, v38;
	(erf) = vpow2.f32 v41;
	v4 =	vpop (erf)  }
0x2ea: {  	v3 =	vmax.f32 v6, $0.0e+00;
	v40 =	vmul.f32 v23, v23;
	(erf) = vpow2.f32 v42;
	v9 =	vpop (erf)  }
0x2eb: {  	v20 =	vmul.f32 v4, v49;
	v4 =	vmax.f32 v19, $0.0e+00;
	(erf) = vpow2.f32 v44;
	v17 =	vpop (erf)  }
0x2ec: {  	v19 =	vmul.f32 v9, v52;
	v9 =	vmax.f32 v16, $0.0e+00;
	(erf) = vpow2.f32 v46;
	v16 =	vpop (erf)  }
0x2ed: {  	v6 =	vmax.f32 v18, $0.0e+00;
	v18 =	vmul.f32 v16, v61;
	(erf) = vpow2.f32 v48;
	v16 =	vpop (erf)  }
0x2ee: {  	v1 =	vmax.f32 v1, $0.0e+00;
	v41 =	vmul.f32 v22, v22;
	v31 =	vpop (erf);
	(erf) = vpow2.f32 v0  }
0x2ef: {  	v39 =	vmul.f32 v25, v25;
	v0 =	vadd.f32 $1.000000000e+00, v31;
	v31 =	vpop (erf);
	(erf) = vpow2.f32 v50  }
0x2f0: {  	v42 =	vmul.f32 v26, v26;
	v54 =	vadd.f32 $1.000000000e+00, v31;
	v31 =	vpop (erf);
	(erf) = vpow2.f32 v51  }
0x2f1: {  	v38 =	vmul.f32 v24, v24;
	v51 =	vadd.f32 $1.000000000e+00, v31;
	v31 =	vpop (erf);
	(erf) = vpow2.f32 v63  }
0x2f2: {  	v37 =	vmul.f32 v21, v21;
	v59 =	vadd.f32 $1.000000000e+00, v31;
	v31 =	vpop (erf);
	(erf) = vpow2.f32 v55  }
0x2f3: {  	v17 =	vmul.f32 v17, v60;
	v43 =	vadd.f32 $1.000000000e+00, v31;
	v31 =	vpop (erf);
	(erf) = vpow2.f32 v35  }
0x2f4: {  	v60 =	vmul.f32 v27, v27;
	v36 =	vmul.f32 v20, v20;
	v44 =	vadd.f32 $1.000000000e+00, v31;
	v31 =	vpop (erf)  }
0x2f5: {  	v48 =	vmul.f32 v30, v30;
	v16 =	vmul.f32 v16, v62;
	v45 =	vadd.f32 $1.000000000e+00, v31;
	v31 =	vpop (erf)  }
0x2f6: {  	v34 =	vmul.f32 v17, v17;
	v50 =	vmul.f32 v29, v29;
	v46 =	vadd.f32 $1.000000000e+00, v31;
	v31 =	vpop (erf)  }
0x2f7: {  	v33 =	vmul.f32 v18, v18;
	v57 =	vmul.f32 $6.666666860e-01, v48;
	v47 =	vadd.f32 $1.000000000e+00, v31;
	v31 =	vpop (erf)  }
0x2f8: {  	v2 =	vmax.f32 v2, $0.0e+00;
	v56 =	vmul.f32 $6.666666860e-01, v50;
	v55 =	vmul.f32 $6.666666860e-01, v60;
	v63 =	vpop (erf)  }
0x2f9: {  	[tilespmem:s0+$0x8E00] =	vst v32;
	v35 =	vmul.f32 v19, v19;
	(erf) = vrcp.f32 v0;
	v49 =	vadd.f32 $1.000000000e+00, v31;
	v0 =	vpop (erf)  }
0x2fa: {  	[tilespmem:$0x1FFB0] =	vst v1;
	v31 =	vmul.f32 v16, v16;
	(erf) = vrcp.f32 v54;
	v50 =	vadd.f32 $1.000000000e+00, v0;
	v0 =	vpop (erf)  }
0x2fb: {  	s17 =	simm.s32 $0x1F0;
	[tilespmem:$0x1FFA0] =	vst v2;
	v54 =	vmul.f32 $6.666666860e-01, v58;
	(erf) = vrcp.f32 v51;
	v53 =	vadd.f32 $1.000000000e+00, v0;
	v0 =	vpop (erf)  }
0x2fc: {  	s18 =	simm.s32 $0xBC0;
	v32 =	vld [tilespmem:s17+$0x3E00];
	[tilespmem:$0x1FF90] =	vst v9;
	v52 =	vadd.f32 $1.000000000e+00, v63;
	(erf) = vrcp.f32 v59;
	v51 =	vadd.f32 $1.000000000e+00, v0;
	v58 =	vpop (erf)  }
.LBB2_7:
0x2fd: {  	v0 =	vld [tilespmem:s17+$0x5200]  }
0x2fe: {  	v60 =	vld [tilespmem:s17+$0x3D10]  }
0x2ff: {  	v61 =	vld [tilespmem:s17+$0x6600]  }
0x300: {  	(erf) = vrcp.f32 v43;
	v62 =	vld [tilespmem:s17+$0x5110];
	v42 =	vmul.f32 $6.666666860e-01, v42  }
0x301: {  	v48 =	vadd.f32 $1.000000000e+00, v58;
	v43 =	vld [tilespmem:s17+$0x3D40];
	v41 =	vmul.f32 $6.666666860e-01, v41;
	(erf) = vrcp.f32 v44  }
0x302: {  	v63 =	vld [tilespmem:s17+$0x5160];
	v57 =	vadd.f32 $2.000000000e+00, v57;
	v39 =	vmul.f32 $6.666666860e-01, v39;
	(erf) = vrcp.f32 v45  }
0x303: {  	v56 =	vadd.f32 $2.000000000e+00, v56;
	v37 =	vmul.f32 $6.666666860e-01, v37;
	(erf) = vrcp.f32 v46;
	v46 =	vld [tilespmem:s17+$0x3D20]  }
0x304: {  	v36 =	vmul.f32 $6.666666860e-01, v36;
	v39 =	vadd.f32 $2.000000000e+00, v39;
	(erf) = vrcp.f32 v47;
	v47 =	vld [tilespmem:s17+$0x5120]  }
0x305: {  	v40 =	vmul.f32 $6.666666860e-01, v40;
	v37 =	vadd.f32 $2.000000000e+00, v37;
	v58 =	vpop (erf);
	(erf) = vrcp.f32 v49;
	v49 =	vld [tilespmem:s17+$0x3D30]  }
0x306: {  	v54 =	vadd.f32 $2.000000000e+00, v54;
	v36 =	vadd.f32 $2.000000000e+00, v36;
	v25 =	vmul.f32 v39, v25;
	v39 =	vld [tilespmem:s17+$0x3DA0]  }
0x307: {  	v34 =	vmul.f32 $6.666666860e-01, v34;
	v0 =	vadd.bf16 v0, v32;
	v21 =	vmul.f32 v37, v21;
	v37 =	vld [tilespmem:s17+$0x51A0]  }
0x308: {  	v55 =	vadd.f32 $2.000000000e+00, v55;
	v20 =	vmul.f32 v36, v20;
	v36 =	vld [tilespmem:s17+$0x3DB0];
	v59 =	vpop (erf);
	(erf) = vrcp.f32 v52  }
0x309: {  	v34 =	vadd.f32 $2.000000000e+00, v34;
	v52 =	vld [tilespmem:s17+$0x5130];
	v32 =	vadd.bf16 v61, v0;
	v44 =	vpop (erf);
	(erf) = vrcp.f32 v50  }
0x30a: {  	v0 =	vmul.f32 $6.666666860e-01, v35;
	v35 =	vadd.bf16 v62, v60;
	v50 =	vld [tilespmem:s17+$0x5140];
	v45 =	vpop (erf);
	(erf) = vrcp.f32 v53  }
0x30b: {  	v60 =	vmul.f32 $6.666666860e-01, v33;
	v61 =	vpop (erf);
	(erf) = vrcp.f32 v51;
	v33 =	vadd.bf16 v47, v46;
	v46 =	vld [tilespmem:s17+$0x3D50]  }
0x30c: {  	v38 =	vmul.f32 $6.666666860e-01, v38;
	v53 =	vand.u32 $0x7FFFFFFF, v32;
	v51 =	vpop (erf);
	(erf) = vrcp.f32 v48;
	v48 =	vld [tilespmem:s17+$0x5150]  }
0x30d: {  	v42 =	vadd.f32 $2.000000000e+00, v42;
	v17 =	vmul.f32 v34, v17;
	v34 =	vld [tilespmem:s17+$0x51B0];
	v47 =	vsub.f32 $0.0e+00, v53  }
0x30e: {  	v41 =	vadd.f32 $2.000000000e+00, v41;
	v53 =	vmul.f32 $6.666666860e-01, v31;
	v31 =	vadd.bf16 v52, v49;
	v49 =	vld [tilespmem:s17+$0x3D60]  }
0x30f: {  	v57 =	vmul.f32 v57, v30;
	v62 =	vpop (erf);
	v9 =	vmul.f32 $1.442695020e+00, v47;
	v30 =	vadd.bf16 v50, v43;
	v43 =	vld [tilespmem:s17+$0x3D70]  }
0x310: {  	v40 =	vadd.f32 $2.000000000e+00, v40;
	v38 =	vadd.f32 $2.000000000e+00, v38;
	v56 =	vmul.f32 v56, v29;
	v52 =	vpop (erf);
	v50 =	vld [tilespmem:s17+$0x5170]  }
0x311: {  	v28 =	vmul.f32 v54, v28;
	v1 =	vpop (erf);
	(erf) = vpow2.f32 v9;
	v29 =	vadd.bf16 v48, v46;
	v46 =	vld [tilespmem:s17+$0x3D80]  }
0x312: {  	v27 =	vmul.f32 v55, v27;
	v42 =	vmul.f32 v42, v26;
	v48 =	vadd.f32 $2.000000000e+00, v60;
	v60 =	vld [tilespmem:s17+$0x5180]  }
0x313: {  	v57 =	vadd.f32 v57, v15;
	v24 =	vmul.f32 v38, v24;
	v26 =	vadd.bf16 v63, v49;
	v49 =	vld [tilespmem:s17+$0x3D90]  }
0x314: {  	v23 =	vmul.f32 v40, v23;
	v13 =	vadd.f32 v28, v13;
	v0 =	vadd.f32 $2.000000000e+00, v0;
	v47 =	vpop (erf);
	v63 =	vld [tilespmem:s17+$0x5190]  }
0x315: {  	v28 =	vld [tilespmem:s17+$0x3DD0];
	v7 =	vadd.f32 v24, v7;
	v2 =	vpop (erf);
	v15 =	vadd.bf16 v50, v43;
	v50 =	vshll.u32 v32, $0x10  }
0x316: {  	v0 =	vmul.f32 v0, v19;
	v9 =	vadd.f32 v23, v3;
	v3 =	vld [tilespmem:$0x1FF90];
	v54 =	vpop (erf);
	v43 =	vsub.f32 $0.0e+00, v50  }
0x317: {  	v1 =	vmul.f32 v7, v1;
	v7 =	vld [tilespmem:$0x1FFB0];
	v55 =	vpop (erf);
	v19 =	vadd.bf16 v60, v46;
	v60 =	vmul.f32 v57, v58  }
0x318: {  	v14 =	vadd.f32 v56, v14;
	v18 =	vmul.f32 v48, v18;
	v48 =	vld [tilespmem:s17+$0x3DC0];
	v40 =	vpop (erf);
	v43 =	vmul.f32 $1.442695020e+00, v43  }
0x319: {  	v22 =	vmul.f32 v41, v22;
	v38 =	vpop (erf);
	v41 =	vadd.bf16 v63, v49;
	v63 =	vld [tilespmem:s17+$0x51C0];
	[tilespmem:s0+$0x8D10] =	vst v60  }
0x31a: {  	v12 =	vadd.f32 v27, v12;
	v14 =	vmul.f32 v14, v59;
	v46 =	vpop (erf);
	(erf) = vpow2.f32 v43;
	v43 =	vld [tilespmem:s17+$0x51D0]  }
0x31b: {  	v13 =	vmul.f32 v13, v44;
	v23 =	vld [tilespmem:s17+$0x3DE0]  }
0x31c: {  	v11 =	vadd.f32 v42, v11;
	v8 =	vadd.f32 v25, v8;
	v12 =	vmul.f32 v12, v45;
	v25 =	vld [tilespmem:s17+$0x51E0];
	[tilespmem:s0+$0x8D20] =	vst v14  }
0x31d: {  	v10 =	vadd.f32 v22, v10;
	v6 =	vadd.f32 v21, v6;
	v21 =	vld [tilespmem:s17+$0x3DF0];
	[tilespmem:s0+$0x8D30] =	vst v13  }
0x31e: {  	v11 =	vmul.f32 v11, v61;
	v56 =	vadd.f32 $2.000000000e+00, v46;
	v13 =	vld [tilespmem:s17+$0x51F0];
	[tilespmem:s0+$0x8D40] =	vst v12  }
0x31f: {  	v10 =	vmul.f32 v10, v51;
	v53 =	vadd.f32 $2.000000000e+00, v53;
	v0 =	vadd.f32 v0, v4;
	v4 =	vld [tilespmem:s17+$0x6510]  }
0x320: {  	v9 =	vmul.f32 v9, v62;
	(erf) = vrcp.f32 v56;
	[tilespmem:s0+$0x8D50] =	vst v11;
	v11 =	vld [tilespmem:$0x1FFA0]  }
0x321: {  	v5 =	vadd.f32 v20, v5;
	v16 =	vmul.f32 v53, v16;
	v3 =	vadd.f32 v17, v3;
	v17 =	vld [tilespmem:s17+$0x6520];
	[tilespmem:s0+$0x8D60] =	vst v10  }
0x322: {  	v27 =	vadd.bf16 v37, v39;
	v22 =	vadd.bf16 v34, v36;
	v10 =	vld [tilespmem:s17+$0x6530];
	[tilespmem:s0+$0x8D70] =	vst v9  }
0x323: {  	v8 =	vmul.f32 v8, v52;
	v6 =	vmul.f32 v6, v47;
	v7 =	vadd.f32 v16, v7;
	v9 =	vld [tilespmem:s17+$0x6540]  }
0x324: {  	v5 =	vmul.f32 v5, v2;
	v0 =	vmul.f32 v0, v54;
	v14 =	vadd.bf16 v63, v48  }
0x325: {  	v7 =	vmul.f32 v7, v38;
	v12 =	vadd.bf16 v43, v28;
	[tilespmem:s0+$0x8D80] =	vst v8;
	v11 =	vadd.f32 v18, v11  }
0x326: {  	v23 =	vadd.bf16 v25, v23;
	v8 =	vmul.f32 v3, v55;
	v18 =	vld [tilespmem:s17+$0x6550];
	[tilespmem:s0+$0x8D90] =	vst v1;
	v1 =	vadd.bf16 v4, v35;
	v16 =	vpop (erf)  }
0x327: {  	v13 =	vadd.bf16 v13, v21;
	v20 =	vld [tilespmem:s17+$0x6560];
	[tilespmem:s0+$0x8DA0] =	vst v6;
	v3 =	vadd.f32 $1.000000000e+00, v16;
	v6 =	vmul.f32 v11, v40  }
0x328: {  	v11 =	vld [tilespmem:s17+$0x6570];
	[tilespmem:s0+$0x8DB0] =	vst v5;
	v24 =	vshll.u32 v1, $0x10;
	v5 =	vand.u32 $0x7FFFFFFF, v1;
	v4 =	vadd.bf16 v9, v30  }
0x329: {  	v25 =	vsub.f32 $0.0e+00, v5;
	v30 =	vmax.f32 v32, $0.0e+00;
	v2 =	vpop (erf);
	(erf) = vrcp.f32 v3  }
0x32a: {  	v3 =	vadd.bf16 v10, v31;
	v10 =	vld [tilespmem:s17+$0x6580];
	[tilespmem:s0+$0x8DC0] =	vst v0;
	v16 =	vmul.f32 v2, v46;
	v2 =	vadd.bf16 v17, v33  }
0x32b: {  	v9 =	vld [tilespmem:s17+$0x6590];
	[tilespmem:s0+$0x8DD0] =	vst v8;
	v5 =	vadd.bf16 v18, v29;
	v28 =	vand.u32 $0x7FFFFFFF, v4;
	v25 =	vmul.f32 $1.442695020e+00, v25  }
0x32c: {  	v52 =	vshll.u32 v4, $0x10;
	v21 =	vand.u32 $0x7FFFFFFF, v3;
	v18 =	vld [tilespmem:s17+$0x65A0];
	[tilespmem:s0+$0x8DE0] =	vst v6;
	v6 =	vadd.bf16 v20, v26  }
0x32d: {  	v51 =	vshll.u32 v3, $0x10;
	v17 =	vmul.f32 v16, v16;
	v0 =	vand.u32 $0x7FFFFFFF, v2  }
0x32e: {  	v20 =	vld [tilespmem:s17+$0x65B0];
	[tilespmem:s0+$0x8DF0] =	vst v7;
	v26 =	vand.u32 $0x7FFFFFFF, v5;
	v7 =	vadd.bf16 v11, v15;
	v48 =	vsub.f32 $0.0e+00, v21  }
0x32f: {  	v53 =	vshll.u32 v5, $0x10;
	v0 =	vsub.f32 $0.0e+00, v0;
	v17 =	vmul.f32 $6.666666860e-01, v17  }
0x330: {  	v15 =	vand.u32 $0x7FFFFFFF, v6;
	v54 =	vshll.u32 v6, $0x10;
	v8 =	vadd.bf16 v10, v19  }
0x331: {  	s0 =	smov.u32 s17;
	v29 =	vand.u32 $0x7FFFFFFF, v7;
	v55 =	vshll.u32 v7, $0x10;
	v17 =	vadd.f32 $2.000000000e+00, v17  }
0x332: {  	v11 =	vld [tilespmem:s0+$0x65C0];
	v60 =	vsub.f32 $0.0e+00, v54;
	v0 =	vmul.f32 $1.442695020e+00, v0;
	v31 =	vand.u32 $0x7FFFFFFF, v8  }
0x333: {  	v19 =	vmul.f32 v17, v16;
	v16 =	vadd.bf16 v9, v41;
	v17 =	vadd.bf16 v18, v27  }
0x334: {  	v18 =	vadd.bf16 v20, v22;
	v20 =	vpop (erf);
	(erf) = vpow2.f32 v25;
	v25 =	vshll.u32 v8, $0x10  }
0x335: {  	v10 =	vld [tilespmem:s0+$0x65D0];
	v32 =	vmul.f32 $1.442695020e+00, v60;
	(erf) = vpow2.f32 v0;
	v25 =	vsub.f32 $0.0e+00, v25  }
0x336: {  	v9 =	vld [tilespmem:s0+$0x65E0];
	v30 =	vadd.f32 v19, v30;
	v49 =	vand.u32 $0x7FFFFFFF, v16;
	v50 =	vand.u32 $0x7FFFFFFF, v17  }
0x337: {  	v27 =	vld [tilespmem:s0+$0x65F0];
	v19 =	vadd.bf16 v11, v14;
	v14 =	vsub.f32 $0.0e+00, v28;
	v28 =	vand.u32 $0x7FFFFFFF, v18  }
0x338: {  	v56 =	vshll.u32 v16, $0x10;
	v0 =	vshll.u32 v17, $0x10;
	v57 =	vshll.u32 v18, $0x10  }
0x339: {  	v28 =	vsub.f32 $0.0e+00, v28;
	v0 =	vsub.f32 $0.0e+00, v0;
	v11 =	vmul.f32 v30, v20  }
0x33a: {  	v20 =	vadd.bf16 v10, v12;
	v10 =	vsub.f32 $0.0e+00, v26;
	v12 =	vand.u32 $0x7FFFFFFF, v19  }
0x33b: {  	v26 =	vsub.f32 $0.0e+00, v49;
	v30 =	vmul.f32 $1.442695020e+00, v48;
	v21 =	vadd.bf16 v9, v23  }
0x33c: {  	v14 =	vmul.f32 $1.442695020e+00, v14;
	v9 =	vsub.f32 $0.0e+00, v15;
	v22 =	vadd.bf16 v27, v13  }
0x33d: {  	v13 =	vsub.f32 $0.0e+00, v29;
	v28 =	vmul.f32 $1.442695020e+00, v28;
	v0 =	vmul.f32 $1.442695020e+00, v0  }
0x33e: {  	v15 =	vsub.f32 $0.0e+00, v31;
	v10 =	vmul.f32 $1.442695020e+00, v10;
	(erf) = vpow2.f32 v30  }
0x33f: {  	v27 =	vsub.f32 $0.0e+00, v50;
	v9 =	vmul.f32 $1.442695020e+00, v9;
	(erf) = vpow2.f32 v14  }
0x340: {  	v12 =	vsub.f32 $0.0e+00, v12;
	v13 =	vmul.f32 $1.442695020e+00, v13;
	(erf) = vpow2.f32 v10  }
0x341: {  	v31 =	vshll.u32 v2, $0x10;
	v15 =	vmul.f32 $1.442695020e+00, v15;
	(erf) = vpow2.f32 v9  }
0x342: {  	[tilespmem:s0+$0x8E00] =	vst v11;
	v11 =	vand.u32 $0x7FFFFFFF, v20;
	v26 =	vmul.f32 $1.442695020e+00, v26;
	(erf) = vpow2.f32 v13  }
0x343: {  	v23 =	vand.u32 $0x7FFFFFFF, v21;
	v27 =	vmul.f32 $1.442695020e+00, v27;
	(erf) = vpow2.f32 v15  }
0x344: {  	v29 =	vand.u32 $0x7FFFFFFF, v22;
	v11 =	vsub.f32 $0.0e+00, v11;
	(erf) = vpow2.f32 v26  }
0x345: {  	v12 =	vmul.f32 $1.442695020e+00, v12;
	v23 =	vsub.f32 $0.0e+00, v23;
	v33 =	vpop (erf);
	(erf) = vpow2.f32 v27  }
0x346: {  	v29 =	vsub.f32 $0.0e+00, v29;
	v11 =	vmul.f32 $1.442695020e+00, v11;
	v34 =	vpop (erf);
	(erf) = vpow2.f32 v28  }
0x347: {  	v30 =	vshll.u32 v19, $0x10;
	v23 =	vmul.f32 $1.442695020e+00, v23;
	v35 =	vpop (erf);
	(erf) = vpow2.f32 v12  }
0x348: {  	v58 =	vshll.u32 v20, $0x10;
	v29 =	vmul.f32 $1.442695020e+00, v29;
	v37 =	vpop (erf);
	(erf) = vpow2.f32 v11  }
0x349: {  	v14 =	vshll.u32 v21, $0x10;
	v30 =	vsub.f32 $0.0e+00, v30;
	v39 =	vpop (erf);
	(erf) = vpow2.f32 v23  }
0x34a: {  	v10 =	vsub.f32 $0.0e+00, v24;
	v24 =	vsub.f32 $0.0e+00, v31;
	v41 =	vpop (erf);
	(erf) = vpow2.f32 v29  }
0x34b: {  	v59 =	vshll.u32 v22, $0x10;
	v31 =	vsub.f32 $0.0e+00, v52;
	v14 =	vsub.f32 $0.0e+00, v14;
	v43 =	vpop (erf)  }
0x34c: {  	v36 =	vsub.f32 $0.0e+00, v59;
	v9 =	vsub.f32 $0.0e+00, v51;
	v51 =	vmul.f32 $1.442695020e+00, v25;
	v46 =	vpop (erf)  }
0x34d: {  	v13 =	vsub.f32 $0.0e+00, v53;
	v42 =	vmul.f32 $1.442695020e+00, v10;
	v24 =	vmul.f32 $1.442695020e+00, v24;
	v49 =	vpop (erf)  }
0x34e: {  	v31 =	vmul.f32 $1.442695020e+00, v31;
	v60 =	vmul.f32 $1.442695020e+00, v14;
	v15 =	vsub.f32 $0.0e+00, v55;
	v52 =	vpop (erf)  }
0x34f: {  	v36 =	vmul.f32 $1.442695020e+00, v36;
	v26 =	vsub.f32 $0.0e+00, v56;
	v12 =	vadd.f32 $2.000000000e+00, v33;
	v54 =	vpop (erf)  }
0x350: {  	v44 =	vmul.f32 $1.442695020e+00, v9;
	v27 =	vsub.f32 $0.0e+00, v57;
	v11 =	vadd.f32 $2.000000000e+00, v34;
	v57 =	vpop (erf)  }
0x351: {  	v47 =	vmul.f32 $1.442695020e+00, v13;
	v38 =	vadd.f32 $2.000000000e+00, v35;
	v61 =	vpop (erf);
	(erf) = vrcp.f32 v12  }
0x352: {  	v56 =	vmul.f32 $1.442695020e+00, v30;
	v23 =	vadd.f32 $2.000000000e+00, v37;
	v63 =	vpop (erf);
	(erf) = vrcp.f32 v11  }
0x353: {  	v13 =	vmax.f32 v3, $0.0e+00;
	v40 =	vadd.f32 $2.000000000e+00, v39;
	v9 =	vpop (erf);
	(erf) = vrcp.f32 v38  }
0x354: {  	v3 =	vmax.f32 v7, $0.0e+00;
	v7 =	vmax.f32 v16, $0.0e+00;
	(erf) = vrcp.f32 v23  }
0x355: {  	v50 =	vmul.f32 $1.442695020e+00, v15;
	v29 =	vadd.f32 $2.000000000e+00, v41;
	(erf) = vrcp.f32 v40  }
0x356: {  	v15 =	vmax.f32 v1, $0.0e+00;
	v28 =	vsub.f32 $0.0e+00, v58;
	v45 =	vadd.f32 $2.000000000e+00, v43  }
0x357: {  	v53 =	vmul.f32 $1.442695020e+00, v26;
	v48 =	vadd.f32 $2.000000000e+00, v46;
	(erf) = vrcp.f32 v29  }
0x358: {  	v55 =	vmul.f32 $1.442695020e+00, v27;
	v25 =	vadd.f32 $2.000000000e+00, v49;
	(erf) = vrcp.f32 v45  }
0x359: {  	v59 =	vmul.f32 $1.442695020e+00, v28;
	v26 =	vadd.f32 $2.000000000e+00, v52;
	(erf) = vrcp.f32 v48  }
0x35a: {  	v27 =	vadd.f32 $2.000000000e+00, v54;
	v58 =	vadd.f32 $2.000000000e+00, v57;
	(erf) = vrcp.f32 v25;
	v16 =	vpop (erf)  }
0x35b: {  	v62 =	vadd.f32 $2.000000000e+00, v61;
	(erf) = vrcp.f32 v26;
	v30 =	vmul.f32 v16, v33;
	v16 =	vpop (erf)  }
0x35c: {  	v1 =	vadd.f32 $2.000000000e+00, v63;
	(erf) = vrcp.f32 v27;
	v29 =	vmul.f32 v16, v34;
	v16 =	vpop (erf)  }
0x35d: {  	v14 =	vmax.f32 v2, $0.0e+00;
	(erf) = vrcp.f32 v58;
	v28 =	vmul.f32 v16, v35;
	v16 =	vpop (erf)  }
0x35e: {  	v2 =	vadd.f32 $2.000000000e+00, v9;
	(erf) = vrcp.f32 v62;
	v27 =	vmul.f32 v16, v37;
	v16 =	vpop (erf)  }
0x35f: {  	v10 =	vmax.f32 v6, $0.0e+00;
	(erf) = vrcp.f32 v1;
	v26 =	vmul.f32 v16, v39  }
0x360: {  	v6 =	vmax.f32 v17, $0.0e+00;
	v1 =	vpop (erf);
	(erf) = vrcp.f32 v2;
	v48 =	vmul.f32 v28, v28  }
0x361: {  	v17 =	vmax.f32 v22, $0.0e+00;
	v22 =	vmul.f32 v1, v41;
	(erf) = vpow2.f32 v42;
	v1 =	vpop (erf)  }
0x362: {  	v12 =	vmax.f32 v4, $0.0e+00;
	v62 =	vmul.f32 v27, v27;
	v23 =	vmul.f32 v1, v43  }
0x363: {  	v4 =	vmax.f32 v19, $0.0e+00;
	(erf) = vpow2.f32 v24;
	v1 =	vpop (erf);
	v42 =	vmul.f32 v26, v26  }
0x364: {  	v11 =	vmax.f32 v5, $0.0e+00;
	v25 =	vmul.f32 v1, v46;
	(erf) = vpow2.f32 v44;
	v1 =	vpop (erf)  }
0x365: {  	v5 =	vmax.f32 v18, $0.0e+00;
	v24 =	vmul.f32 v1, v49;
	(erf) = vpow2.f32 v31;
	v1 =	vpop (erf)  }
0x366: {  	v18 =	vmax.f32 v21, $0.0e+00;
	v21 =	vmul.f32 v1, v52;
	(erf) = vpow2.f32 v47;
	v1 =	vpop (erf)  }
0x367: {  	v19 =	vmax.f32 v20, $0.0e+00;
	v20 =	vmul.f32 v1, v54;
	(erf) = vpow2.f32 v32;
	v1 =	vpop (erf)  }
0x368: {  	[tilespmem:$0x1FF90] =	vst v19;
	v19 =	vmul.f32 v1, v57;
	(erf) = vpow2.f32 v50;
	v1 =	vpop (erf)  }
0x369: {  	[tilespmem:$0x1FFB0] =	vst v17;
	v17 =	vmul.f32 v1, v61;
	(erf) = vpow2.f32 v51;
	v1 =	vpop (erf)  }
0x36a: {  	[tilespmem:$0x1FFA0] =	vst v18;
	v18 =	vmul.f32 v1, v63;
	(erf) = vpow2.f32 v53;
	v1 =	vpop (erf)  }
0x36b: {  	v16 =	vmul.f32 v1, v9;
	v1 =	vpop (erf);
	(erf) = vpow2.f32 v0  }
0x36c: {  	v41 =	vmul.f32 v22, v22;
	v2 =	vpop (erf);
	(erf) = vpow2.f32 v55  }
0x36d: {  	v40 =	vmul.f32 v23, v23;
	v31 =	vpop (erf);
	(erf) = vpow2.f32 v56  }
0x36e: {  	v39 =	vmul.f32 v25, v25;
	v32 =	vadd.f32 $1.000000000e+00, v31;
	v31 =	vpop (erf);
	(erf) = vpow2.f32 v59  }
0x36f: {  	v38 =	vmul.f32 v24, v24;
	v61 =	vadd.f32 $1.000000000e+00, v31;
	v31 =	vpop (erf);
	(erf) = vpow2.f32 v60  }
0x370: {  	v54 =	vmul.f32 $6.666666860e-01, v48;
	v43 =	vadd.f32 $1.000000000e+00, v31;
	v31 =	vpop (erf);
	(erf) = vpow2.f32 v36  }
0x371: {  	v37 =	vmul.f32 v21, v21;
	v35 =	vmul.f32 v19, v19;
	v44 =	vadd.f32 $1.000000000e+00, v31;
	v31 =	vpop (erf)  }
0x372: {  	v9 =	vmul.f32 v29, v29;
	v0 =	vadd.f32 $1.000000000e+00, v1;
	v45 =	vadd.f32 $1.000000000e+00, v31;
	v31 =	vpop (erf)  }
0x373: {  	v34 =	vmul.f32 v17, v17;
	v1 =	vmul.f32 v30, v30;
	v46 =	vadd.f32 $1.000000000e+00, v31;
	v31 =	vpop (erf)  }
0x374: {  	p0 =	sne.s32 s18, $0x4FC0;
	v33 =	vmul.f32 v18, v18;
	v55 =	vmul.f32 $6.666666860e-01, v62;
	v47 =	vadd.f32 $1.000000000e+00, v31;
	v31 =	vpop (erf)  }
.Ltmp2:
0x375: {  	v2 =	vadd.f32 $1.000000000e+00, v2;
	v56 =	vmul.f32 $6.666666860e-01, v9;
	v57 =	vmul.f32 $6.666666860e-01, v1;
	v63 =	vpop (erf);
	(pc) =	sbr.rel @p0 .LBB2_7-.Ltmp2, $4  }
0x376: {  	v8 =	vmax.f32 v8, $0.0e+00;
	v36 =	vmul.f32 v20, v20;
	(erf) = vrcp.f32 v0;
	v0 =	vpop (erf)  }
0x377: {  	v49 =	vadd.f32 $1.000000000e+00, v31;
	(erf) = vrcp.f32 v2;
	v50 =	vadd.f32 $1.000000000e+00, v0;
	v0 =	vpop (erf)  }
0x378: {  	s17 =	sshra.s32 s18, $0x2;
	v31 =	vmul.f32 v16, v16;
	(erf) = vrcp.f32 v32;
	v53 =	vadd.f32 $1.000000000e+00, v0;
	v0 =	vpop (erf)  }
0x379: {  	s18 =	sadd.s32 $0x400, s18;
	v52 =	vadd.f32 $1.000000000e+00, v63;
	v32 =	vld [tilespmem:s17+$0x3E00];
	(erf) = vrcp.f32 v61;
	v51 =	vadd.f32 $1.000000000e+00, v0;
	v58 =	vpop (erf)  }
0x37a: {  	v0 =	vld [tilespmem:s17+$0x5200]  }
0x37b: {  	v1 =	vld [tilespmem:s17+$0x3D10]  }
0x37c: {  	v2 =	vld [tilespmem:s17+$0x6600]  }
0x37d: {  	v9 =	vld [tilespmem:s17+$0x5110]  }
0x37e: {  	v63 =	vld [tilespmem:s17+$0x3D50]  }
0x37f: {  	v59 =	vld [tilespmem:s17+$0x3D20]  }
0x380: {  	v60 =	vld [tilespmem:s17+$0x5120]  }
0x381: {  	v61 =	vld [tilespmem:s17+$0x3D30]  }
0x382: {  	v62 =	vld [tilespmem:s17+$0x5130]  }
0x383: {  	[tilespmem:$0x1FF20] =	vst v63;
	v63 =	vld [tilespmem:s17+$0x5150]  }
0x384: {  	v48 =	vld [tilespmem:s17+$0x3D40];
	(erf) = vrcp.f32 v43;
	v42 =	vmul.f32 $6.666666860e-01, v42  }
0x385: {  	v43 =	vld [tilespmem:s17+$0x5160];
	v57 =	vadd.f32 $2.000000000e+00, v57;
	v38 =	vmul.f32 $6.666666860e-01, v38;
	(erf) = vrcp.f32 v44  }
0x386: {  	v36 =	vmul.f32 $6.666666860e-01, v36;
	v44 =	vld [tilespmem:s17+$0x5170];
	(erf) = vrcp.f32 v45  }
0x387: {  	v45 =	vld [tilespmem:s17+$0x5180];
	v30 =	vmul.f32 v57, v30;
	(erf) = vrcp.f32 v46  }
0x388: {  	v35 =	vmul.f32 $6.666666860e-01, v35;
	(erf) = vrcp.f32 v47;
	[tilespmem:$0x1FF30] =	vst v63;
	v63 =	vld [tilespmem:s17+$0x3D60]  }
0x389: {  	v36 =	vadd.f32 $2.000000000e+00, v36;
	v15 =	vadd.f32 v30, v15;
	[tilespmem:$0x1FF10] =	vst v48;
	v48 =	vld [tilespmem:s17+$0x5140];
	(erf) = vrcp.f32 v49  }
0x38a: {  	v0 =	vadd.bf16 v0, v32;
	v30 =	vadd.bf16 v62, v61;
	(erf) = vrcp.f32 v52;
	v61 =	vld [tilespmem:$0x1FF10]  }
0x38b: {  	v46 =	vld [tilespmem:s17+$0x3D80];
	v62 =	vmul.f32 $6.666666860e-01, v41;
	v52 =	vadd.f32 $1.000000000e+00, v58;
	(erf) = vrcp.f32 v50  }
0x38c: {  	v47 =	vld [tilespmem:s17+$0x5190];
	v32 =	vadd.bf16 v2, v0;
	v2 =	vpop (erf);
	(erf) = vrcp.f32 v53;
	v53 =	vadd.f32 $2.000000000e+00, v56  }
0x38d: {  	v56 =	vpop (erf);
	v2 =	vmul.f32 v15, v2;
	v15 =	vadd.f32 $2.000000000e+00, v54;
	(erf) = vrcp.f32 v51;
	[tilespmem:$0x1FF40] =	vst v63;
	v63 =	vld [tilespmem:s17+$0x3D70]  }
0x38e: {  	v49 =	vld [tilespmem:s17+$0x3D90];
	v0 =	vadd.bf16 v9, v1;
	v57 =	vpop (erf);
	(erf) = vrcp.f32 v52;
	v52 =	vmul.f32 v53, v29  }
0x38f: {  	v58 =	vld [tilespmem:s17+$0x3DB0];
	v15 =	vmul.f32 v15, v28;
	v29 =	vadd.bf16 v48, v61;
	v48 =	vadd.f32 $2.000000000e+00, v55  }
0x390: {  	v9 =	vld [tilespmem:s17+$0x3DA0];
	v1 =	vadd.bf16 v60, v59;
	v61 =	vmul.f32 $6.666666860e-01, v39;
	v14 =	vadd.f32 v52, v14  }
0x391: {  	v50 =	vld [tilespmem:s17+$0x51A0];
	v13 =	vadd.f32 v15, v13;
	v52 =	vmul.f32 $6.666666860e-01, v40;
	v27 =	vmul.f32 v48, v27  }
0x392: {  	v59 =	vld [tilespmem:s17+$0x51B0];
	v28 =	vadd.f32 $2.000000000e+00, v61;
	v61 =	vshll.u32 v32, $0x10;
	[tilespmem:$0x1FF50] =	vst v63;
	v63 =	vand.u32 $0x7FFFFFFF, v32  }
0x393: {  	v54 =	vld [tilespmem:s17+$0x51C0];
	v14 =	vmul.f32 v14, v56;
	v13 =	vmul.f32 v13, v57;
	v60 =	vsub.f32 $0.0e+00, v63  }
0x394: {  	v53 =	vld [tilespmem:s17+$0x3DC0];
	v15 =	vadd.f32 $2.000000000e+00, v52;
	v57 =	vmul.f32 $6.666666860e-01, v37;
	v63 =	vadd.f32 $2.000000000e+00, v42  }
0x395: {  	v12 =	vadd.f32 v27, v12;
	v25 =	vmul.f32 v28, v25;
	v51 =	vmul.f32 $1.442695020e+00, v60;
	v60 =	vld [tilespmem:s17+$0x3DD0]  }
0x396: {  	v55 =	vpop (erf);
	v15 =	vmul.f32 v15, v23;
	[tilespmem:s0+$0x8D10] =	vst v2;
	v26 =	vmul.f32 v63, v26;
	v2 =	vadd.f32 $2.000000000e+00, v62;
	v62 =	vld [tilespmem:$0x1FF20]  }
0x397: {  	v12 =	vmul.f32 v12, v55;
	v55 =	vadd.f32 $2.000000000e+00, v38;
	v8 =	vadd.f32 v25, v8;
	v63 =	vld [tilespmem:$0x1FF30]  }
0x398: {  	v3 =	vadd.f32 v15, v3;
	v42 =	vld [tilespmem:s17+$0x51D0];
	v2 =	vmul.f32 v2, v22;
	v11 =	vadd.f32 v26, v11  }
0x399: {  	v41 =	vpop (erf);
	v48 =	vld [tilespmem:s17+$0x3DE0];
	(erf) = vpow2.f32 v51;
	v22 =	vmul.f32 v55, v24;
	v24 =	vsub.f32 $0.0e+00, v61  }
0x39a: {  	v39 =	vld [tilespmem:s17+$0x51E0];
	[tilespmem:s0+$0x8D20] =	vst v14;
	v55 =	vmul.f32 $6.666666860e-01, v31;
	v2 =	vadd.f32 v2, v10;
	v11 =	vmul.f32 v11, v41  }
0x39b: {  	v40 =	vpop (erf);
	v56 =	vld [tilespmem:s17+$0x3DF0];
	[tilespmem:s0+$0x8D30] =	vst v13;
	v10 =	vadd.f32 $2.000000000e+00, v57;
	v24 =	vmul.f32 $1.442695020e+00, v24;
	v7 =	vadd.f32 v22, v7  }
0x39c: {  	v27 =	vpop (erf);
	v26 =	vld [tilespmem:s17+$0x51F0];
	v22 =	vadd.bf16 v45, v46;
	v61 =	vadd.f32 $2.000000000e+00, v55;
	v2 =	vmul.f32 v2, v40  }
0x39d: {  	v14 =	vpop (erf);
	[tilespmem:s0+$0x8D40] =	vst v12;
	v41 =	vld [tilespmem:$0x1FF50];
	v51 =	vadd.bf16 v63, v62;
	v10 =	vmul.f32 v10, v21;
	(erf) = vpow2.f32 v24  }
0x39e: {  	v52 =	vpop (erf);
	v15 =	vld [tilespmem:s17+$0x6510];
	v24 =	vmul.f32 v36, v20;
	v36 =	vadd.f32 $2.000000000e+00, v35;
	v40 =	vmul.f32 $6.666666860e-01, v34  }
0x39f: {  	v3 =	vmul.f32 v3, v27;
	v13 =	vpop (erf);
	v62 =	vld [tilespmem:$0x1FF40];
	v42 =	vadd.bf16 v42, v60;
	v46 =	vadd.bf16 v39, v48  }
0x3a0: {  	v23 =	vpop (erf);
	[tilespmem:s0+$0x8D50] =	vst v11;
	v7 =	vmul.f32 v7, v52;
	v35 =	vld [tilespmem:$0x1FF90];
	v6 =	vadd.f32 v10, v6;
	v52 =	vadd.f32 $2.000000000e+00, v40  }
0x3a1: {  	v8 =	vmul.f32 v8, v14;
	v28 =	vpop (erf);
	v27 =	vld [tilespmem:s17+$0x6520];
	[tilespmem:s0+$0x8D60] =	vst v2;
	v40 =	vadd.bf16 v54, v53;
	v26 =	vadd.bf16 v26, v56  }
0x3a2: {  	v12 =	vpop (erf);
	v14 =	vmul.f32 v36, v19;
	v38 =	vld [tilespmem:s17+$0x6530];
	[tilespmem:s0+$0x8D70] =	vst v3;
	v21 =	vadd.bf16 v44, v41;
	v3 =	vadd.f32 v24, v5  }
0x3a3: {  	v11 =	vpop (erf);
	v36 =	vmul.f32 v61, v16;
	v5 =	vadd.bf16 v59, v58;
	v15 =	vadd.bf16 v15, v0  }
0x3a4: {  	v25 =	vpop (erf);
	v37 =	vadd.bf16 v43, v62;
	v43 =	vmul.f32 $6.666666860e-01, v33;
	v44 =	vmul.f32 v6, v13  }
0x3a5: {  	v45 =	vld [tilespmem:$0x1FFB0];
	v6 =	vmul.f32 v52, v17;
	v4 =	vadd.f32 v14, v4;
	v17 =	vadd.bf16 v47, v49;
	v2 =	vpop (erf)  }
0x3a6: {  	v20 =	vld [tilespmem:s17+$0x6540];
	[tilespmem:s0+$0x8D80] =	vst v8;
	v3 =	vmul.f32 v3, v23;
	v54 =	vand.u32 $0x7FFFFFFF, v15;
	v63 =	vadd.f32 $2.000000000e+00, v2  }
0x3a7: {  	v19 =	vld [tilespmem:s17+$0x6550];
	[tilespmem:s0+$0x8D90] =	vst v7;
	v57 =	vadd.f32 $2.000000000e+00, v43;
	v6 =	vadd.f32 v6, v35;
	v4 =	vmul.f32 v4, v28  }
0x3a8: {  	v24 =	vld [tilespmem:s17+$0x6560];
	v10 =	vadd.bf16 v27, v1;
	v28 =	vshll.u32 v15, $0x10;
	v15 =	vmax.f32 v15, $0.0e+00  }
0x3a9: {  	[tilespmem:s0+$0x8DA0] =	vst v44;
	v43 =	vld [tilespmem:$0x1FFA0];
	(erf) = vrcp.f32 v63;
	v62 =	vmul.f32 v57, v18;
	v18 =	vadd.bf16 v50, v9  }
0x3aa: {  	v63 =	vld [tilespmem:s17+$0x6570];
	[tilespmem:s0+$0x8DB0] =	vst v3;
	v6 =	vmul.f32 v6, v12;
	v3 =	vadd.f32 v36, v45;
	v12 =	vadd.bf16 v38, v30  }
0x3ab: {  	v56 =	vand.u32 $0x7FFFFFFF, v10;
	v57 =	vsub.f32 $0.0e+00, v54;
	v44 =	vpop (erf);
	v13 =	vadd.bf16 v20, v29  }
0x3ac: {  	v41 =	vld [tilespmem:s17+$0x6580];
	[tilespmem:s0+$0x8DC0] =	vst v4;
	v60 =	vsub.f32 $0.0e+00, v56;
	v50 =	vadd.f32 $1.000000000e+00, v44;
	v3 =	vmul.f32 v3, v25  }
0x3ad: {  	v48 =	vld [tilespmem:s17+$0x6590];
	[tilespmem:s0+$0x8DD0] =	vst v6;
	v58 =	vand.u32 $0x7FFFFFFF, v12;
	v14 =	vadd.bf16 v19, v51;
	v45 =	vmul.f32 $1.442695020e+00, v57  }
0x3ae: {  	v31 =	vshll.u32 v12, $0x10;
	v12 =	vmax.f32 v12, $0.0e+00;
	v7 =	vadd.f32 v62, v43;
	v52 =	vld [tilespmem:s17+$0x65A0]  }
0x3af: {  	v59 =	vand.u32 $0x7FFFFFFF, v13;
	v38 =	vsub.f32 $0.0e+00, v58;
	(erf) = vrcp.f32 v50  }
0x3b0: {  	v19 =	vsub.f32 $0.0e+00, v59;
	v49 =	vmul.f32 v7, v11;
	v11 =	vadd.bf16 v24, v37  }
0x3b1: {  	v61 =	vand.u32 $0x7FFFFFFF, v14;
	v8 =	vadd.bf16 v63, v21;
	(erf) = vpow2.f32 v45  }
0x3b2: {  	v9 =	vadd.bf16 v41, v22;
	v19 =	vmul.f32 $1.442695020e+00, v19;
	v63 =	vand.u32 $0x7FFFFFFF, v11  }
0x3b3: {  	[tilespmem:s0+$0x8DE0] =	vst v49;
	v34 =	vand.u32 $0x7FFFFFFF, v8;
	v7 =	vadd.bf16 v48, v17;
	v6 =	vadd.bf16 v52, v18  }
0x3b4: {  	v55 =	vld [tilespmem:s17+$0x65B0];
	[tilespmem:s0+$0x8DF0] =	vst v3;
	v36 =	vand.u32 $0x7FFFFFFF, v9;
	v44 =	vsub.f32 $0.0e+00, v63;
	v48 =	vsub.f32 $0.0e+00, v34  }
0x3b5: {  	v18 =	vmul.f32 $1.442695020e+00, v38;
	v34 =	vshll.u32 v14, $0x10;
	v38 =	vshll.u32 v8, $0x10;
	v47 =	vpop (erf);
	v3 =	vld [tilespmem:s17+$0x65C0]  }
0x3b6: {  	v62 =	vld [tilespmem:s17+$0x65D0];
	v39 =	vand.u32 $0x7FFFFFFF, v7;
	v49 =	vsub.f32 $0.0e+00, v36;
	v33 =	vmul.f32 v47, v2  }
0x3b7: {  	v35 =	vld [tilespmem:s17+$0x65E0];
	v36 =	vshll.u32 v11, $0x10;
	v47 =	vmul.f32 $1.442695020e+00, v60;
	v17 =	vmul.f32 $1.442695020e+00, v44  }
0x3b8: {  	v37 =	vld [tilespmem:s17+$0x65F0];
	v51 =	vsub.f32 $0.0e+00, v39;
	v52 =	vmul.f32 $1.442695020e+00, v48;
	v54 =	vmul.f32 $1.442695020e+00, v49  }
0x3b9: {  	v44 =	vshll.u32 v6, $0x10;
	v53 =	vmul.f32 v33, v33;
	(erf) = vpow2.f32 v47  }
0x3ba: {  	v47 =	vmax.f32 v32, $0.0e+00;
	v5 =	vadd.bf16 v55, v5;
	(erf) = vpow2.f32 v18  }
0x3bb: {  	v18 =	vmul.f32 $1.442695020e+00, v51;
	v20 =	vmul.f32 $6.666666860e-01, v53;
	v4 =	vadd.bf16 v3, v40  }
0x3bc: {  	v40 =	vand.u32 $0x7FFFFFFF, v6;
	v3 =	vadd.bf16 v62, v42;
	v42 =	vsub.f32 $0.0e+00, v61  }
0x3bd: {  	v2 =	vadd.bf16 v35, v46;
	v1 =	vadd.bf16 v37, v26;
	(erf) = vpow2.f32 v19  }
0x3be: {  	v41 =	vand.u32 $0x7FFFFFFF, v5;
	v16 =	vsub.f32 $0.0e+00, v40;
	v22 =	vmul.f32 $1.442695020e+00, v42  }
0x3bf: {  	v40 =	vshll.u32 v9, $0x10;
	v43 =	vand.u32 $0x7FFFFFFF, v4;
	v46 =	vand.u32 $0x7FFFFFFF, v3  }
0x3c0: {  	v50 =	vand.u32 $0x7FFFFFFF, v2;
	v53 =	vand.u32 $0x7FFFFFFF, v1;
	(erf) = vpow2.f32 v22  }
0x3c1: {  	v55 =	vsub.f32 $0.0e+00, v41;
	v45 =	vadd.f32 $2.000000000e+00, v20;
	(erf) = vpow2.f32 v17  }
0x3c2: {  	v56 =	vsub.f32 $0.0e+00, v43;
	v16 =	vmul.f32 $1.442695020e+00, v16;
	(erf) = vpow2.f32 v52  }
0x3c3: {  	v58 =	vsub.f32 $0.0e+00, v46;
	v17 =	vmul.f32 $1.442695020e+00, v55;
	(erf) = vpow2.f32 v54  }
0x3c4: {  	v57 =	vpop (erf);
	v0 =	vsub.f32 $0.0e+00, v50;
	v59 =	vmul.f32 $1.442695020e+00, v56;
	(erf) = vpow2.f32 v18  }
0x3c5: {  	v60 =	vpop (erf);
	v61 =	vsub.f32 $0.0e+00, v53;
	v62 =	vmul.f32 $1.442695020e+00, v58;
	(erf) = vpow2.f32 v16  }
0x3c6: {  	v42 =	vshll.u32 v7, $0x10;
	v0 =	vmul.f32 $1.442695020e+00, v0;
	v63 =	vpop (erf);
	(erf) = vpow2.f32 v17  }
0x3c7: {  	v46 =	vadd.f32 $2.000000000e+00, v60;
	v24 =	vpop (erf);
	v16 =	vmul.f32 $1.442695020e+00, v61;
	(erf) = vpow2.f32 v59  }
0x3c8: {  	v48 =	vadd.f32 $2.000000000e+00, v63;
	v18 =	vpop (erf);
	v17 =	vmul.f32 v45, v33;
	(erf) = vpow2.f32 v62  }
0x3c9: {  	v49 =	vadd.f32 $2.000000000e+00, v24;
	v50 =	vadd.f32 $2.000000000e+00, v18;
	v25 =	vpop (erf);
	(erf) = vpow2.f32 v0  }
0x3ca: {  	v33 =	vshll.u32 v13, $0x10;
	v0 =	vadd.f32 v17, v47;
	v26 =	vpop (erf);
	(erf) = vpow2.f32 v16  }
0x3cb: {  	v45 =	vshll.u32 v5, $0x10;
	v47 =	vsub.f32 $0.0e+00, v42;
	v27 =	vpop (erf);
	(erf) = vrcp.f32 v46  }
0x3cc: {  	v51 =	vadd.f32 $2.000000000e+00, v25;
	v16 =	vmul.f32 v0, v57;
	v29 =	vpop (erf);
	(erf) = vrcp.f32 v48  }
0x3cd: {  	v0 =	vshll.u32 v10, $0x10;
	v52 =	vadd.f32 $2.000000000e+00, v26;
	v30 =	vpop (erf);
	(erf) = vrcp.f32 v49  }
0x3ce: {  	v53 =	vadd.f32 $2.000000000e+00, v27;
	v0 =	vsub.f32 $0.0e+00, v0;
	v32 =	vpop (erf);
	(erf) = vrcp.f32 v50  }
0x3cf: {  	v54 =	vadd.f32 $2.000000000e+00, v29;
	v55 =	vadd.f32 $2.000000000e+00, v30;
	v35 =	vpop (erf);
	(erf) = vrcp.f32 v51  }
0x3d0: {  	v50 =	vsub.f32 $0.0e+00, v28;
	v0 =	vmul.f32 $1.442695020e+00, v0;
	v37 =	vpop (erf);
	(erf) = vrcp.f32 v52  }
0x3d1: {  	v56 =	vadd.f32 $2.000000000e+00, v32;
	v57 =	vadd.f32 $2.000000000e+00, v35;
	v39 =	vpop (erf);
	(erf) = vrcp.f32 v53  }
0x3d2: {  	v59 =	vadd.f32 $2.000000000e+00, v37;
	v53 =	vmul.f32 $1.442695020e+00, v50;
	v41 =	vpop (erf);
	(erf) = vrcp.f32 v54  }
0x3d3: {  	v61 =	vadd.f32 $2.000000000e+00, v39;
	v54 =	vshll.u32 v3, $0x10;
	v43 =	vpop (erf);
	(erf) = vrcp.f32 v55  }
0x3d4: {  	v55 =	vsub.f32 $0.0e+00, v31;
	v23 =	vsub.f32 $0.0e+00, v54;
	v58 =	vpop (erf);
	(erf) = vrcp.f32 v56  }
0x3d5: {  	v49 =	vadd.f32 $2.000000000e+00, v43;
	v56 =	vshll.u32 v2, $0x10;
	v19 =	vmul.f32 v58, v60  }
0x3d6: {  	v60 =	vpop (erf);
	(erf) = vrcp.f32 v57;
	v57 =	vsub.f32 $0.0e+00, v33;
	v23 =	vmul.f32 $1.442695020e+00, v23  }
0x3d7: {  	v58 =	vsub.f32 $0.0e+00, v34;
	v20 =	vmul.f32 v60, v63;
	v62 =	vpop (erf);
	(erf) = vrcp.f32 v59  }
0x3d8: {  	v63 =	vadd.f32 $2.000000000e+00, v41;
	v21 =	vmul.f32 v62, v24;
	(erf) = vrcp.f32 v61  }
0x3d9: {  	v60 =	vsub.f32 $0.0e+00, v36;
	v48 =	vpop (erf);
	v28 =	vmul.f32 $1.442695020e+00, v57;
	v31 =	vmul.f32 $1.442695020e+00, v58  }
0x3da: {  	v61 =	vsub.f32 $0.0e+00, v38;
	v38 =	vmul.f32 $1.442695020e+00, v47;
	v17 =	vmul.f32 v48, v18  }
0x3db: {  	v24 =	vshll.u32 v4, $0x10;
	(erf) = vrcp.f32 v63;
	v51 =	vpop (erf);
	v33 =	vmul.f32 $1.442695020e+00, v60  }
0x3dc: {  	v63 =	vsub.f32 $0.0e+00, v40;
	v18 =	vmul.f32 v51, v25;
	(erf) = vrcp.f32 v49  }
0x3dd: {  	v52 =	vpop (erf);
	v34 =	vmul.f32 $1.442695020e+00, v61;
	v49 =	vsub.f32 $0.0e+00, v44;
	v44 =	vmul.f32 v19, v19  }
0x3de: {  	v24 =	vsub.f32 $0.0e+00, v24;
	v22 =	vmul.f32 v52, v26;
	(erf) = vpow2.f32 v53  }
0x3df: {  	v51 =	vsub.f32 $0.0e+00, v45;
	v26 =	vmul.f32 $1.442695020e+00, v55;
	v36 =	vmul.f32 $1.442695020e+00, v63  }
0x3e0: {  	v25 =	vsub.f32 $0.0e+00, v56;
	v24 =	vmul.f32 $1.442695020e+00, v24;
	(erf) = vpow2.f32 v0  }
0x3e1: {  	v14 =	vmax.f32 v14, $0.0e+00;
	v40 =	vmul.f32 $1.442695020e+00, v49;
	v42 =	vmul.f32 $1.442695020e+00, v51  }
0x3e2: {  	v8 =	vmax.f32 v8, $0.0e+00;
	v62 =	vpop (erf);
	v25 =	vmul.f32 $1.442695020e+00, v25;
	(erf) = vpow2.f32 v26  }
0x3e3: {  	v59 =	vshll.u32 v1, $0x10;
	v46 =	vpop (erf);
	v26 =	vmul.f32 v62, v27;
	(erf) = vpow2.f32 v28  }
0x3e4: {  	v0 =	vsub.f32 $0.0e+00, v59;
	v48 =	vpop (erf);
	v27 =	vmul.f32 v46, v29;
	(erf) = vpow2.f32 v31  }
0x3e5: {  	v11 =	vmax.f32 v11, $0.0e+00;
	v46 =	vmul.f32 v20, v20;
	v50 =	vpop (erf);
	(erf) = vpow2.f32 v33  }
0x3e6: {  	v6 =	vmax.f32 v6, $0.0e+00;
	v0 =	vmul.f32 $1.442695020e+00, v0;
	v52 =	vpop (erf);
	(erf) = vpow2.f32 v34  }
0x3e7: {  	v9 =	vmax.f32 v9, $0.0e+00;
	v28 =	vmul.f32 v48, v30;
	v53 =	vpop (erf);
	(erf) = vpow2.f32 v36  }
0x3e8: {  	v7 =	vmax.f32 v7, $0.0e+00;
	v48 =	vmul.f32 v21, v21;
	v54 =	vpop (erf);
	(erf) = vpow2.f32 v38  }
0x3e9: {  	v13 =	vmax.f32 v13, $0.0e+00;
	v29 =	vmul.f32 v50, v32;
	v55 =	vpop (erf);
	(erf) = vpow2.f32 v40  }
0x3ea: {  	v5 =	vmax.f32 v5, $0.0e+00;
	v50 =	vmul.f32 v17, v17;
	v56 =	vpop (erf);
	(erf) = vpow2.f32 v42  }
0x3eb: {  	v10 =	vmax.f32 v10, $0.0e+00;
	v30 =	vmul.f32 v52, v35;
	v57 =	vpop (erf);
	(erf) = vpow2.f32 v24  }
0x3ec: {  	v58 =	vpop (erf);
	v24 =	vadd.f32 $1.000000000e+00, v57;
	v57 =	vmul.f32 v22, v22;
	(erf) = vpow2.f32 v23  }
0x3ed: {  	v59 =	vpop (erf);
	v23 =	vadd.f32 $1.000000000e+00, v58;
	v58 =	vmul.f32 v26, v26;
	(erf) = vpow2.f32 v25  }
0x3ee: {  	v60 =	vpop (erf);
	v25 =	vadd.f32 $1.000000000e+00, v59;
	v59 =	vmul.f32 v27, v27;
	(erf) = vpow2.f32 v0  }
0x3ef: {  	v61 =	vpop (erf);
	v0 =	vadd.f32 $1.000000000e+00, v60;
	v60 =	vmul.f32 v28, v28;
	(erf) = vrcp.f32 v24  }
0x3f0: {  	v62 =	vpop (erf);
	v24 =	vadd.f32 $1.000000000e+00, v61;
	v61 =	vmul.f32 v29, v29;
	(erf) = vrcp.f32 v23  }
0x3f1: {  	v63 =	vpop (erf);
	v23 =	vadd.f32 $1.000000000e+00, v62;
	v62 =	vmul.f32 v30, v30;
	(erf) = vrcp.f32 v25  }
0x3f2: {  	v3 =	vmax.f32 v3, $0.0e+00;
	v25 =	vmul.f32 v53, v37;
	(erf) = vrcp.f32 v0  }
0x3f3: {  	v2 =	vmax.f32 v2, $0.0e+00;
	v37 =	vpop (erf);
	v0 =	vmul.f32 v54, v39;
	v54 =	vmul.f32 v18, v18  }
0x3f4: {  	v4 =	vmax.f32 v4, $0.0e+00;
	v39 =	vpop (erf);
	(erf) = vrcp.f32 v24;
	v24 =	vmul.f32 v55, v41  }
0x3f5: {  	v31 =	vadd.f32 $1.000000000e+00, v63;
	v41 =	vpop (erf);
	v63 =	vmul.f32 v25, v25;
	(erf) = vrcp.f32 v23  }
0x3f6: {  	v23 =	vmul.f32 v56, v43;
	v34 =	vadd.f32 $1.000000000e+00, v41;
	v41 =	vmul.f32 v0, v0  }
0x3f7: {  	v32 =	vadd.f32 $1.000000000e+00, v37;
	(erf) = vrcp.f32 v31;
	v31 =	vmul.f32 $6.666666860e-01, v44  }
0x3f8: {  	v33 =	vadd.f32 $1.000000000e+00, v39;
	v43 =	vpop (erf);
	v42 =	vmul.f32 v24, v24;
	v44 =	vmul.f32 $6.666666860e-01, v62  }
0x3f9: {  	v45 =	vpop (erf);
	v35 =	vadd.f32 $1.000000000e+00, v43;
	(erf) = vrcp.f32 v32;
	v32 =	vmul.f32 $6.666666860e-01, v46  }
0x3fa: {  	v47 =	vpop (erf);
	v36 =	vadd.f32 $1.000000000e+00, v45;
	v43 =	vmul.f32 v23, v23;
	v45 =	vmul.f32 $6.666666860e-01, v63  }
0x3fb: {  	(erf) = vrcp.f32 v33;
	v49 =	vpop (erf);
	v37 =	vadd.f32 $1.000000000e+00, v47;
	v31 =	vadd.f32 $2.000000000e+00, v31  }
0x3fc: {  	v33 =	vmul.f32 $6.666666860e-01, v48;
	(erf) = vrcp.f32 v34;
	v52 =	vadd.f32 $1.000000000e+00, v49  }
0x3fd: {  	v51 =	vpop (erf);
	v32 =	vadd.f32 $2.000000000e+00, v32;
	v34 =	vmul.f32 $6.666666860e-01, v50;
	(erf) = vrcp.f32 v35  }
0x3fe: {  	v39 =	vadd.f32 $1.000000000e+00, v51;
	v19 =	vmul.f32 v31, v19;
	v31 =	vmul.f32 $6.666666860e-01, v58  }
0x3ff: {  	v33 =	vadd.f32 $2.000000000e+00, v33;
	(erf) = vrcp.f32 v36;
	v20 =	vmul.f32 v32, v20  }
0x400: {  	v36 =	vmul.f32 $6.666666860e-01, v54;
	v34 =	vadd.f32 $2.000000000e+00, v34;
	v32 =	vmul.f32 $6.666666860e-01, v59  }
0x401: {  	v53 =	vpop (erf);
	(erf) = vrcp.f32 v37;
	v21 =	vmul.f32 v33, v21;
	v31 =	vadd.f32 $2.000000000e+00, v31  }
0x402: {  	v33 =	vmul.f32 $6.666666860e-01, v60;
	v15 =	vadd.f32 v19, v15;
	v19 =	vadd.f32 $2.000000000e+00, v44  }
0x403: {  	v55 =	vpop (erf);
	(erf) = vrcp.f32 v52;
	v36 =	vadd.f32 $2.000000000e+00, v36;
	v17 =	vmul.f32 v34, v17  }
0x404: {  	v56 =	vpop (erf);
	v32 =	vadd.f32 $2.000000000e+00, v32;
	v34 =	vmul.f32 $6.666666860e-01, v61;
	(erf) = vrcp.f32 v39  }
0x405: {  	v10 =	vadd.f32 v20, v10;
	v39 =	vmul.f32 $6.666666860e-01, v57;
	v26 =	vmul.f32 v31, v26  }
0x406: {  	v33 =	vadd.f32 $2.000000000e+00, v33;
	v31 =	vmul.f32 $6.666666860e-01, v41;
	v19 =	vmul.f32 v19, v30  }
0x407: {  	v15 =	vmul.f32 v15, v53;
	v12 =	vadd.f32 v21, v12;
	v18 =	vmul.f32 v36, v18  }
0x408: {  	v27 =	vmul.f32 v32, v27;
	v32 =	vmul.f32 $6.666666860e-01, v42;
	v34 =	vadd.f32 $2.000000000e+00, v34  }
0x409: {  	v48 =	vpop (erf);
	v36 =	vadd.f32 $2.000000000e+00, v45;
	v13 =	vadd.f32 v17, v13;
	v10 =	vmul.f32 v10, v55  }
0x40a: {  	[tilespmem:s17+$0x8E00] =	vst v16;
	v50 =	vpop (erf);
	v39 =	vadd.f32 $2.000000000e+00, v39;
	v28 =	vmul.f32 v33, v28;
	v33 =	vmul.f32 $6.666666860e-01, v43  }
0x40b: {  	v52 =	vpop (erf);
	v31 =	vadd.f32 $2.000000000e+00, v31;
	[tilespmem:s17+$0x8D10] =	vst v15;
	v12 =	vmul.f32 v12, v56;
	v8 =	vadd.f32 v26, v8  }
0x40c: {  	v54 =	vpop (erf);
	v5 =	vadd.f32 v19, v5;
	v14 =	vadd.f32 v18, v14;
	[tilespmem:s17+$0x8D20] =	vst v10;
	v49 =	vmul.f32 v13, v48  }
0x40d: {  	v29 =	vmul.f32 v34, v29;
	v9 =	vadd.f32 v27, v9;
	[tilespmem:s17+$0x8D30] =	vst v12;
	v8 =	vmul.f32 v8, v54  }
0x40e: {  	v32 =	vadd.f32 $2.000000000e+00, v32;
	v55 =	vpop (erf);
	v7 =	vadd.f32 v28, v7;
	v51 =	vmul.f32 v14, v50;
	[tilespmem:s17+$0x8D40] =	vst v49  }
0x40f: {  	v22 =	vmul.f32 v39, v22;
	v56 =	vpop (erf);
	v6 =	vadd.f32 v29, v6;
	v9 =	vmul.f32 v9, v55;
	[tilespmem:s17+$0x8D70] =	vst v8  }
0x410: {  	v25 =	vmul.f32 v36, v25;
	v46 =	vadd.f32 $2.000000000e+00, v33;
	v57 =	vpop (erf);
	v7 =	vmul.f32 v7, v56;
	[tilespmem:s17+$0x8D50] =	vst v51  }
0x411: {  	v0 =	vmul.f32 v31, v0;
	v11 =	vadd.f32 v22, v11;
	v58 =	vpop (erf);
	v6 =	vmul.f32 v6, v57;
	[tilespmem:s17+$0x8D80] =	vst v9  }
0x412: {  	v24 =	vmul.f32 v32, v24;
	v4 =	vadd.f32 v25, v4;
	v59 =	vmul.f32 v5, v58;
	[tilespmem:s17+$0x8D90] =	vst v7  }
0x413: {  	v47 =	vmul.f32 v46, v23;
	v0 =	vadd.f32 v0, v3;
	v60 =	vpop (erf);
	v53 =	vmul.f32 v11, v52;
	[tilespmem:s17+$0x8DA0] =	vst v6  }
0x414: {  	v1 =	vmax.f32 v1, $0.0e+00;
	v2 =	vadd.f32 v24, v2;
	v4 =	vmul.f32 v4, v60;
	v61 =	vpop (erf);
	[tilespmem:s17+$0x8DB0] =	vst v59  }
0x415: {  	v1 =	vadd.f32 v47, v1;
	v0 =	vmul.f32 v0, v61;
	v62 =	vpop (erf);
	[tilespmem:s17+$0x8D60] =	vst v53  }
0x416: {  	s18 =	smin.u32 s31, $0xF6;
	v2 =	vmul.f32 v2, v62;
	[tilespmem:s17+$0x8DC0] =	vst v4;
	v63 =	vpop (erf)  }
0x417: {  	s0 =	smul.u32 $0x28, s18;
	v1 =	vmul.f32 v1, v63;
	[tilespmem:s17+$0x8DD0] =	vst v0  }
0x418: {  	s30 =	sadd.s32 $0x1, s30;
	[tilespmem:s17+$0x8DE0] =	vst v2  }
0x419: {  	p0 =	sne.s32 s30, $0x7D;
	s0 =	sadd.s32 s0, s23;
	[tilespmem:s17+$0x8DF0] =	vst v1  }
0x41a: {  	[spmem:s2] =	stream.indirect.scatter.add.f32 [tilespmem:s26], [sflag:$0x6], $0x80, s25, s16, $0xb8;
	[tilespmem:$0x1E300] =	vst v63  }
.Ltmp3:
0x41b: {  	s0 =	sshrl.u32 s0, $0x3;
	(pc) =	sbr.rel @p0 .LBB2_4-.Ltmp3, $4  }
0x41c: {  	s31 =	sadd.s32 s7, s0  }
0x41d: {  	[tilespmem:s20], [sflag:$0x4] =	stream.linear.gather [hbm4b:s31+s4], $0x28, $0x38;
	[tilespmem:$0x1E300] =	vst v63  }
0x41e: {  	s0 =	sadd.s32 s8, s0  }
0x41f: {  	[tilespmem:s21], [sflag:$0x4] =	stream.linear.gather [hbm4b:s0+s4], $0x28, $0x38;
	[tilespmem:$0x1E300] =	vst v63  }
0x420: {  	_ =	swait.ge [sflag:s28], $0x1400  }
0x421: {  	[sflag:s28] =	ssyncset.done $0x0  }
0x422: {  	[sflag:s28] =	ssyncadd.s32 $0xFFFFEC00  }
0x423: {  	_ =	swait.ge [sflag:s28], $0x1400  }
0x424: {  	[sflag:s28] =	ssyncset.done $0x0  }
0x425: {  	[sflag:s28] =	ssyncadd.s32 $0xFFFFEC00  }
0x426: {  	_ =	swait.ge [sflag:s28], $0x1400  }
0x427: {  	[sflag:s28] =	ssyncset.done $0x0  }
0x428: {  	[sflag:s28] =	ssyncadd.s32 $0xFFFFEC00  }
0x429: {  	_ =	swait.ge [sflag:s29], $0x28  }
0x42a: {  	[sflag:s29] =	ssyncset.done $0x0  }
0x42b: {  	[sflag:s29] =	ssyncadd.s32 $0xFFFFFFD8  }
0x42c: {  	_ =	swait.ge [sflag:s29], $0x28  }
0x42d: {  	[sflag:s29] =	ssyncset.done $0x0  }
0x42e: {  	[sflag:s29] =	ssyncadd.s32 $0xFFFFFFD8  }
0x42f: {  	_ =	swait.ge [sflag:s3], $0x1400  }
0x430: {  	[sflag:s3] =	ssyncset.done $0x0  }
0x431: {  	[sflag:s3] =	ssyncadd.s32 $0xFFFFEC00  }
0x432: {  	_ =	swait.ge [sflag:s9], $0x1400  }
0x433: {  	[sflag:s9] =	ssyncset.done $0x0  }
0x434: {  	[sflag:s9] =	ssyncadd.s32 $0xFFFFEC00  }
0x435: {  	s0 =	stileid.u32;
	[bflag:$0x0] =	sbarrier.arrive $0xFFFF  }
0x436: {  	s0 =	sshll.u32 s0, $0x6;
	s18 =	rddreg [dreg:$0x4]  }
0x437: {  	s0 =	sor.u32 $0x1C07, s0;
	s30 =	rddreg [dreg:$0x10];
	s17 =	sshrl.u32 s18, $0x3  }
0x438: {  	[hbm:s30], [sflag:s0] =	dma.local [spmem:s17], $0x2800  }
0x439: {  	_ =	swait.ge [sflag:s13], $0x2800  }
0x43a: {  	s30 =	rddreg [dreg:$0x1b]  }
0x43b: {  	s31 =	rddreg [dreg:$0x11];
	s17 =	sadd.s32 $0x1, s30  }
0x43c: {  	p0 =	sne.s32 s17, s31  }
.Ltmp4:
0x43d: {  	_ = 	snop;
	(pc) =	sbr.rel @p0 .LBB2_1-.Ltmp4, $3  }
0x43e: {  	_ =	sdelay $0x1  }
0x43f: {  	[sflag:s13] =	ssyncset.done $0x0  }
0x440: {  	v0 =	vimm.f32 $0.0e+00;
	[sflag:s13] =	ssyncadd.s32 $0xFFFFD800  }
0x441: {  	_ =	sfence.sel $0x180000  }
0x442: {  	[bflag:$0x0] =	sbarrier.arrive $0xFFFF  }
0x443: {  	_ =	strace $0x90000047  }
0x444: {  	s0 =	stileid.u32;
	[bflag:$0x2] =	sbarrier.arrive $0xFFFF  }
0x445: {  	p0 =	sne.s32 s0, $0x0;
	s0 =	rddreg [dreg:$0x3]  }
0x446: {  	s0 =	sadd.s32 @!p0 $0x100000, s0  }
0x447: {  	[sflag:s0] =	ssyncadd.tile.s32 @!p0 $0x1;
	_ =	shalt  }
.Lfunc_end2:
_tile_overlayer_lowered:
.L_overlay_start_2:
0x448: {  	(tag) =	ssettag $0x2  }
0x449: {  	s0 =	rddreg [dreg:$0x0];
	s2 =	stileid.u32  }
0x44a: {  	s1 =	rddreg [dreg:$0x1];
	p0 =	sne.s32 s2, $0x0  }
0x44b: {  	s3 =	rddreg [dreg:$0x2];
	[bflag:$0x3] =	sbarrier.arrive $0xFFFF;
	s2 =	simm.s32 @!p0 $0x1C07  }
0x44c: {  	[timem:s3], [sflag:s2] =	dma.local @!p0 [hbm:s0], s1  }
0x44d: {  	s0 =	simm.s32 @!p0 $0x7  }
0x44e: {  	_ =	swait.ge @!p0 [sflag:s0], s1  }
0x44f: {  	s1 =	ssub.s32 @!p0 $0x0, s1;
	[sflag:s0] =	ssyncset.done @!p0 $0x0  }
0x450: {  	[sflag:s0] =	ssyncadd.s32 @!p0 s1  }
0x451: {  	[bflag:$0x3] =	sbarrier.arrive $0xFFFF  }
0x452: {  	_ =	shalt  }

</sc_bundles>
